<compile_context>
chip_gen: v7x
topology: tpu7x:2x2x1
jax: 0.10.2.dev20260603
libtpu: 0.0.44.dev20260713+nightly
codegen_flags: <defaults>
</compile_context>

<pallas_src>
import functools

import jax
import jax.numpy as jnp
from jax import lax
from jax.experimental import pallas as pl
from jax.experimental.pallas import tpu as pltpu
from jax.experimental.pallas import tpu_sc as plsc

_B = 16384
_FIELD0 = 1000000
_D = 16
_ROWS = 2 * _FIELD0
_NC, _NS = 2, 16
_NW = _NC * _NS
_SPW = _B // _NW
_CW = 128
_NCH = _SPW // _CW
_LANE_TILES = _ROWS // 128
_PLANE = 8 * 128 * _LANE_TILES


def _gather_body(flat_hbm, xv_hbm, out_hbm, x_v, idx_v, emb_v, sem):
    wid = lax.axis_index("s") * _NC + lax.axis_index("c")
    base = wid * _SPW
    pltpu.sync_copy(xv_hbm.at[pl.ds(8 * wid, 8)], x_v)

    def build_idx(c, carry):
        for f in range(2):
            for k in range(8):
                g = x_v[2 * c + f, pl.ds(k * 16, 16)] + (f * _FIELD0)
                bvec = lax.shift_right_logical(g, 7) * 1024 + \
                    lax.bitwise_and(g, 127)
                for d in range(_D):
                    dd = f * _D + d
                    idx_v[dd, pl.ds(c * _CW + k * 16, 16)] = (
                        bvec + ((d // 8) * _PLANE + (d % 8) * 128))
        return carry

    lax.fori_loop(0, _NCH, build_idx, 0)

    def per_dim(dd, carry):
        for c in range(_NCH):
            pltpu.make_async_copy(
                flat_hbm.at[idx_v.at[dd, pl.ds(c * _CW, _CW)]],
                emb_v.at[dd // 8, c, dd % 8, :], sem).start()
        return carry

    lax.fori_loop(0, 2 * _D, per_dim, 0)
    dst = out_hbm.at[:, pl.ds(_NCH * wid, _NCH), :, :]
    pltpu.make_async_copy(dst, emb_v, sem).wait()
    pltpu.sync_copy(emb_v, dst)


@functools.cache
def _make_gather():
    return pl.kernel(
        _gather_body,
        out_type=jax.ShapeDtypeStruct((4, _B // _CW, 8, _CW), jnp.float32),
        mesh=plsc.VectorSubcoreMesh(core_axis_name="c", subcore_axis_name="s",
                                    num_cores=_NC, num_subcores=_NS),
        scratch_types=[
            pltpu.VMEM((8, _CW), jnp.int32),
            pltpu.VMEM((2 * _D, _SPW), jnp.int32),
            pltpu.VMEM((4, _NCH, 8, _CW), jnp.float32),
            pltpu.SemaphoreType.DMA,
        ],
        compiler_params=pltpu.CompilerParams(use_tc_tiling_on_sc=False),
    )


def _bn_relu_t(h, g, bt):
    m = jnp.mean(h, axis=1, keepdims=True)
    v = jnp.mean((h - m) ** 2, axis=1, keepdims=True)
    return jnp.maximum((h - m) * lax.rsqrt(v + 1e-5) * g[:, None] + bt[:, None],
                       0.0)


def _mlp_body(embt_ref, w1_ref, b1_ref, g1_ref, bt1_ref, w2_ref, b2_ref, g2_ref,
              bt2_ref, w3_ref, b3_ref, g3_ref, bt3_ref, wfc_ref, bfc_ref,
              out_ref):
    e = embt_ref[...]
    h = jnp.dot(w1_ref[...], e, preferred_element_type=jnp.float32)
    h = _bn_relu_t(h + b1_ref[...][:, None], g1_ref[...], bt1_ref[...])
    h = jnp.dot(w2_ref[...], h, preferred_element_type=jnp.float32)
    h = _bn_relu_t(h + b2_ref[...][:, None], g2_ref[...], bt2_ref[...])
    h = jnp.dot(w3_ref[...], h, preferred_element_type=jnp.float32)
    h = _bn_relu_t(h + b3_ref[...][:, None], g3_ref[...], bt3_ref[...])
    gmf = e[:_D] * e[_D:]
    z = jnp.concatenate([gmf, h], axis=0)
    out_ref[...] = jnp.sum(z * wfc_ref[...][:, None], axis=0) + bfc_ref[0]


_mlp = pl.pallas_call(
    _mlp_body,
    out_shape=jax.ShapeDtypeStruct((_B,), jnp.float32),
)


def kernel(x, table, W1, b1, g1, bt1, W2, b2, g2, bt2, W3, b3, g3, bt3, Wfc, bfc):
    xv = (x.astype(jnp.int32).reshape(128, 128, 2)
          .transpose(0, 2, 1).reshape(256, 128))
    flat = (table.T.reshape(2, 8, _LANE_TILES, 128)
            .transpose(0, 2, 1, 3).reshape(-1))
    embt4 = _make_gather()(flat, xv)
    embt = embt4.transpose(0, 2, 1, 3).reshape(2 * _D, _B)
    return _mlp(embt, W1, b1, g1, bt1, W2, b2, g2, bt2, W3, b3, g3, bt3,
                Wfc[0], bfc)

# --- scband reference (transcript-rebuilt; emitter-appended) ---
"""Pipeline reference for scband-neural-collaborative-filtering-40106404610338 (READ-ONLY COPY).

The authoritative reference and input builder live on the scoring server;
editing this copy changes nothing except your own understanding.
"""

import jax, jax.numpy as jnp
import numpy as np

B = 16384
FIELD_DIMS = (1000000, 1000000)
EMBED_DIM = 16
MLP_DIMS = (64, 32, 16)
TOTAL_ROWS = sum(FIELD_DIMS)


def setup_inputs(seed: int = 0):
    key = jax.random.key(seed)
    ks = jax.random.split(key, 20)
    x = jax.random.randint(ks[0], (B, 2), 0, FIELD_DIMS[0])
    table = jax.random.normal(ks[1], (TOTAL_ROWS, EMBED_DIM), dtype=jnp.float32) * 0.01
    d_in = 2 * EMBED_DIM
    dims = [d_in] + list(MLP_DIMS)
    params = {}
    for i in range(3):
        fan_in = dims[i]
        params['W%d' % (i + 1)] = jax.random.normal(ks[2 + 2 * i], (dims[i + 1], fan_in), dtype=jnp.float32) / np.sqrt(fan_in)
        params['b%d' % (i + 1)] = jnp.zeros((dims[i + 1],), dtype=jnp.float32)
        params['g%d' % (i + 1)] = jnp.ones((dims[i + 1],), dtype=jnp.float32)
        params['bt%d' % (i + 1)] = jnp.zeros((dims[i + 1],), dtype=jnp.float32)
    fc_in = MLP_DIMS[-1] + EMBED_DIM
    params['Wfc'] = jax.random.normal(ks[10], (1, fc_in), dtype=jnp.float32) / np.sqrt(fc_in)
    params['bfc'] = jnp.zeros((1,), dtype=jnp.float32)
    out = {'x': x, 'table': table}
    out.update(params)
    return out


def _bn(h, g, b):
    m = h.mean(axis=0)
    v = h.var(axis=0)
    return (h - m) / jnp.sqrt(v + 1e-5) * g + b


def reference(x, table, W1, b1, g1, bt1, W2, b2, g2, bt2, W3, b3, g3, bt3, Wfc, bfc):
    offsets = jnp.array([0, FIELD_DIMS[0]], dtype=x.dtype)
    idx = x + offsets[None, :]
    emb = jnp.take(table, idx, axis=0)  # [B, 2, EMBED_DIM]
    user_x = emb[:, 0]
    item_x = emb[:, 1]
    gmf = user_x * item_x
    h = emb.reshape(emb.shape[0], -1)
    h = jnp.maximum(_bn(h @ W1.T + b1, g1, bt1), 0.0)
    h = jnp.maximum(_bn(h @ W2.T + b2, g2, bt2), 0.0)
    h = jnp.maximum(_bn(h @ W3.T + b3, g3, bt3), 0.0)
    z = jnp.concatenate([gmf, h], axis=1)
    out = (z @ Wfc.T + bfc).squeeze(1)
    return out

if __name__ == "__main__":
    import jax
    _d = setup_inputs()
    print(jax.jit(kernel)(*tuple(_d.values())))

</pallas_src>

<mosaic_0001>
#map = affine_map<(d0, d1) -> (0)>
#map1 = affine_map<(d0, d1) -> (0, 0)>
#map2 = affine_map<(d0, d1) -> (0, 0, 0, 0)>
module attributes {stable_mosaic.version = 14 : i64} {
  func.func @_gather_body(%arg0: i32, %arg1: i32, %arg2: memref<32000000xf32, #tpu.memory_space<hbm>>, %arg3: memref<256x128xi32, #tpu.memory_space<hbm>>, %arg4: memref<4x128x8x128xf32, #tpu.memory_space<hbm>>, %arg5: memref<8x128xi32, #tpu.memory_space<vmem>>, %arg6: memref<32x512xi32, #tpu.memory_space<vmem>>, %arg7: memref<4x4x8x128xf32, #tpu.memory_space<vmem>>, %arg8: memref<!tpu.dma_semaphore, #tpu.memory_space<semaphore_mem>>) attributes {dimension_semantics = [#tpu.dimension_semantics<core_parallel>, #tpu.dimension_semantics<subcore_parallel>], iteration_bounds = array<i64: 2, 16>, scalar_prefetch = 0 : i64, scratch_operands = 4 : i64, tpu.core_type = #tpu.core_type<sc_vector_subcore>, window_params = [{transform_indices = #map}, {transform_indices = #map1}, {transform_indices = #map2}]} {
    %mul3A = arith.constant 2 : i32
    %mul3A_0 = arith.muli %arg1, %mul3A : i32
    %add3A = arith.addi %mul3A_0, %arg0 : i32
    %mul3A_1 = arith.constant 512 : i32
    %mul3A_2 = arith.muli %add3A, %mul3A_1 : i32
    %mul3A_3 = arith.constant 8 : i32
    %mul3A_4 = arith.muli %mul3A_3, %add3A : i32
    "tpu.region"() ({
      %run_scoped3A = tpu.sem_alloc : memref<!tpu.dma_semaphore, #tpu.memory_space<semaphore_mem>>
      %dma_start3A = arith.constant 0 : i32
      %dma_start3A_25 = tpu.memref_slice %arg3[%mul3A_4, %dma_start3A] : memref<256x128xi32, #tpu.memory_space<hbm>> -> memref<8x128xi32, #tpu.memory_space<hbm>>
      %dma_start3A_26 = arith.constant 0 : i32
      %dma_start3A_27 = tpu.memref_slice %arg3[%mul3A_4, %dma_start3A_26] : memref<256x128xi32, #tpu.memory_space<hbm>> -> memref<8x128xi32, #tpu.memory_space<hbm>>
      tpu.enqueue_dma source(%dma_start3A_27 : memref<8x128xi32, #tpu.memory_space<hbm>>) target(%arg5 : memref<8x128xi32, #tpu.memory_space<vmem>>) target_semaphore(%run_scoped3A : memref<!tpu.dma_semaphore, #tpu.memory_space<semaphore_mem>>)
      %dma_wait3A_28 = arith.constant 0 : i32
      %dma_wait3A_29 = tpu.memref_slice %arg3[%mul3A_4, %dma_wait3A_28] : memref<256x128xi32, #tpu.memory_space<hbm>> -> memref<8x128xi32, #tpu.memory_space<hbm>>
      %dma_wait3A_30 = arith.constant 0 : i32
      %dma_wait3A_31 = tpu.memref_slice %arg3[%mul3A_4, %dma_wait3A_30] : memref<256x128xi32, #tpu.memory_space<hbm>> -> memref<8x128xi32, #tpu.memory_space<hbm>>
      tpu.wait_dma2 semaphore(%run_scoped3A : memref<!tpu.dma_semaphore, #tpu.memory_space<semaphore_mem>>) src(%dma_wait3A_31 : memref<8x128xi32, #tpu.memory_space<hbm>>) dst(%arg5 : memref<8x128xi32, #tpu.memory_space<vmem>>)
      tpu.yield
    }) : () -> ()
    %scan3A = arith.constant 0 : i32
    %scan3A_5 = arith.constant 0 : i32
    %scan3A_6 = arith.constant 4 : i32
    %scan3A_7 = arith.addi %scan3A_5, %scan3A_6 : i32
    %scan3A_8 = arith.constant 1 : i32
    scf.for %scan3A_25 = %scan3A_5 to %scan3A_7 step %scan3A_8  : i32 {
      %mul3A_26 = arith.constant 2 : i32
      %mul3A_27 = arith.muli %mul3A_26, %scan3A_25 : i32
      %add3A_28 = arith.constant 0 : i32
      %add3A_29 = arith.addi %mul3A_27, %add3A_28 : i32
      %get3A = arith.index_cast %add3A_29 : i32 to index
      %get3A_30 = arith.constant 0 : index
      %get3A_31 = tpu.vector_load %arg5[%get3A, %get3A_30] {strides = array<i32>} : memref<8x128xi32, #tpu.memory_space<vmem>>, vector<1x16xi32>,
      %get3A_32 = vector.shape_cast %get3A_31 : vector<1x16xi32> to vector<16xi32>
      %add3A_33 = arith.constant 0 : i32
      %add3A_34 = vector.broadcast %add3A_33 : i32 to vector<16xi32>
      %add3A_35 = arith.addi %get3A_32, %add3A_34 : vector<16xi32>
      %shift_right_logical3A = arith.constant 7 : i32
      %shift_right_logical3A_36 = vector.broadcast %shift_right_logical3A : i32 to vector<16xi32>
      %shift_right_logical3A_37 = arith.shrui %add3A_35, %shift_right_logical3A_36 : vector<16xi32>
      %mul3A_38 = arith.constant 1024 : i32
      %mul3A_39 = vector.broadcast %mul3A_38 : i32 to vector<16xi32>
      %mul3A_40 = arith.muli %shift_right_logical3A_37, %mul3A_39 : vector<16xi32>
      %and3A = arith.constant 127 : i32
      %and3A_41 = vector.broadcast %and3A : i32 to vector<16xi32>
      %and3A_42 = arith.andi %add3A_35, %and3A_41 : vector<16xi32>
      %add3A_43 = arith.addi %mul3A_40, %and3A_42 : vector<16xi32>
      %add3A_44 = arith.constant 0 : i32
      %add3A_45 = vector.broadcast %add3A_44 : i32 to vector<16xi32>
      %add3A_46 = arith.addi %add3A_43, %add3A_45 : vector<16xi32>
      %mul3A_47 = arith.constant 128 : i32
      %mul3A_48 = arith.muli %scan3A_25, %mul3A_47 : i32
      %add3A_49 = arith.constant 0 : i32
      %add3A_50 = arith.addi %mul3A_48, %add3A_49 : i32
      %swap3A = arith.constant 0 : i32
      %swap3A_51 = arith.index_cast %swap3A : i32 to index
      %swap3A_52 = arith.index_cast %add3A_50 : i32 to index
      %swap3A_53 = tpu.vector_load %arg6[%swap3A_51, %swap3A_52] {strides = array<i32>} : memref<32x512xi32, #tpu.memory_space<vmem>>, vector<1x16xi32>,
      %swap3A_54 = vector.shape_cast %swap3A_53 : vector<1x16xi32> to vector<16xi32>
      %swap3A_55 = vector.shape_cast %add3A_46 : vector<16xi32> to vector<1x16xi32>
      tpu.vector_store %arg6[%swap3A_51, %swap3A_52], %swap3A_55 {strides = array<i32>} : memref<32x512xi32, #tpu.memory_space<vmem>>, vector<1x16xi32>,
      %add3A_56 = arith.constant 128 : i32
      %add3A_57 = vector.broadcast %add3A_56 : i32 to vector<16xi32>
      %add3A_58 = arith.addi %add3A_43, %add3A_57 : vector<16xi32>
      %mul3A_59 = arith.constant 128 : i32
      %mul3A_60 = arith.muli %scan3A_25, %mul3A_59 : i32
      %add3A_61 = arith.constant 0 : i32
      %add3A_62 = arith.addi %mul3A_60, %add3A_61 : i32
      %swap3A_63 = arith.constant 1 : i32
      %swap3A_64 = arith.index_cast %swap3A_63 : i32 to index
      %swap3A_65 = arith.index_cast %add3A_62 : i32 to index
      %swap3A_66 = tpu.vector_load %arg6[%swap3A_64, %swap3A_65] {strides = array<i32>} : memref<32x512xi32, #tpu.memory_space<vmem>>, vector<1x16xi32>,
      %swap3A_67 = vector.shape_cast %swap3A_66 : vector<1x16xi32> to vector<16xi32>
      %swap3A_68 = vector.shape_cast %add3A_58 : vector<16xi32> to vector<1x16xi32>
      tpu.vector_store %arg6[%swap3A_64, %swap3A_65], %swap3A_68 {strides = array<i32>} : memref<32x512xi32, #tpu.memory_space<vmem>>, vector<1x16xi32>,
      %add3A_69 = arith.constant 256 : i32
      %add3A_70 = vector.broadcast %add3A_69 : i32 to vector<16xi32>
      %add3A_71 = arith.addi %add3A_43, %add3A_70 : vector<16xi32>
      %mul3A_72 = arith.constant 128 : i32
      %mul3A_73 = arith.muli %scan3A_25, %mul3A_72 : i32
      %add3A_74 = arith.constant 0 : i32
      %add3A_75 = arith.addi %mul3A_73, %add3A_74 : i32
      %swap3A_76 = arith.constant 2 : i32
      %swap3A_77 = arith.index_cast %swap3A_76 : i32 to index
      %swap3A_78 = arith.index_cast %add3A_75 : i32 to index
      %swap3A_79 = tpu.vector_load %arg6[%swap3A_77, %swap3A_78] {strides = array<i32>} : memref<32x512xi32, #tpu.memory_space<vmem>>, vector<1x16xi32>,
      %swap3A_80 = vector.shape_cast %swap3A_79 : vector<1x16xi32> to vector<16xi32>
      %swap3A_81 = vector.shape_cast %add3A_71 : vector<16xi32> to vector<1x16xi32>
      tpu.vector_store %arg6[%swap3A_77, %swap3A_78], %swap3A_81 {strides = array<i32>} : memref<32x512xi32, #tpu.memory_space<vmem>>, vector<1x16xi32>,
      %add3A_82 = arith.constant 384 : i32
      %add3A_83 = vector.broadcast %add3A_82 : i32 to vector<16xi32>
      %add3A_84 = arith.addi %add3A_43, %add3A_83 : vector<16xi32>
      %mul3A_85 = arith.constant 128 : i32
      %mul3A_86 = arith.muli %scan3A_25, %mul3A_85 : i32
      %add3A_87 = arith.constant 0 : i32
      %add3A_88 = arith.addi %mul3A_86, %add3A_87 : i32
      %swap3A_89 = arith.constant 3 : i32
      %swap3A_90 = arith.index_cast %swap3A_89 : i32 to index
      %swap3A_91 = arith.index_cast %add3A_88 : i32 to index
      %swap3A_92 = tpu.vector_load %arg6[%swap3A_90, %swap3A_91] {strides = array<i32>} : memref<32x512xi32, #tpu.memory_space<vmem>>, vector<1x16xi32>,
      %swap3A_93 = vector.shape_cast %swap3A_92 : vector<1x16xi32> to vector<16xi32>
      %swap3A_94 = vector.shape_cast %add3A_84 : vector<16xi32> to vector<1x16xi32>
      tpu.vector_store %arg6[%swap3A_90, %swap3A_91], %swap3A_94 {strides = array<i32>} : memref<32x512xi32, #tpu.memory_space<vmem>>, vector<1x16xi32>,
      %add3A_95 = arith.constant 512 : i32
      %add3A_96 = vector.broadcast %add3A_95 : i32 to vector<16xi32>
      %add3A_97 = arith.addi %add3A_43, %add3A_96 : vector<16xi32>
      %mul3A_98 = arith.constant 128 : i32
      %mul3A_99 = arith.muli %scan3A_25, %mul3A_98 : i32
      %add3A_100 = arith.constant 0 : i32
      %add3A_101 = arith.addi %mul3A_99, %add3A_100 : i32
      %swap3A_102 = arith.constant 4 : i32
      %swap3A_103 = arith.index_cast %swap3A_102 : i32 to index
      %swap3A_104 = arith.index_cast %add3A_101 : i32 to index
      %swap3A_105 = tpu.vector_load %arg6[%swap3A_103, %swap3A_104] {strides = array<i32>} : memref<32x512xi32, #tpu.memory_space<vmem>>, vector<1x16xi32>,
      %swap3A_106 = vector.shape_cast %swap3A_105 : vector<1x16xi32> to vector<16xi32>
      %swap3A_107 = vector.shape_cast %add3A_97 : vector<16xi32> to vector<1x16xi32>
      tpu.vector_store %arg6[%swap3A_103, %swap3A_104], %swap3A_107 {strides = array<i32>} : memref<32x512xi32, #tpu.memory_space<vmem>>, vector<1x16xi32>,
      %add3A_108 = arith.constant 640 : i32
      %add3A_109 = vector.broadcast %add3A_108 : i32 to vector<16xi32>
      %add3A_110 = arith.addi %add3A_43, %add3A_109 : vector<16xi32>
      %mul3A_111 = arith.constant 128 : i32
      %mul3A_112 = arith.muli %scan3A_25, %mul3A_111 : i32
      %add3A_113 = arith.constant 0 : i32
      %add3A_114 = arith.addi %mul3A_112, %add3A_113 : i32
      %swap3A_115 = arith.constant 5 : i32
      %swap3A_116 = arith.index_cast %swap3A_115 : i32 to index
      %swap3A_117 = arith.index_cast %add3A_114 : i32 to index
      %swap3A_118 = tpu.vector_load %arg6[%swap3A_116, %swap3A_117] {strides = array<i32>} : memref<32x512xi32, #tpu.memory_space<vmem>>, vector<1x16xi32>,
      %swap3A_119 = vector.shape_cast %swap3A_118 : vector<1x16xi32> to vector<16xi32>
      %swap3A_120 = vector.shape_cast %add3A_110 : vector<16xi32> to vector<1x16xi32>
      tpu.vector_store %arg6[%swap3A_116, %swap3A_117], %swap3A_120 {strides = array<i32>} : memref<32x512xi32, #tpu.memory_space<vmem>>, vector<1x16xi32>,
      %add3A_121 = arith.constant 768 : i32
      %add3A_122 = vector.broadcast %add3A_121 : i32 to vector<16xi32>
      %add3A_123 = arith.addi %add3A_43, %add3A_122 : vector<16xi32>
      %mul3A_124 = arith.constant 128 : i32
      %mul3A_125 = arith.muli %scan3A_25, %mul3A_124 : i32
      %add3A_126 = arith.constant 0 : i32
      %add3A_127 = arith.addi %mul3A_125, %add3A_126 : i32
      %swap3A_128 = arith.constant 6 : i32
      %swap3A_129 = arith.index_cast %swap3A_128 : i32 to index
      %swap3A_130 = arith.index_cast %add3A_127 : i32 to index
      %swap3A_131 = tpu.vector_load %arg6[%swap3A_129, %swap3A_130] {strides = array<i32>} : memref<32x512xi32, #tpu.memory_space<vmem>>, vector<1x16xi32>,
      %swap3A_132 = vector.shape_cast %swap3A_131 : vector<1x16xi32> to vector<16xi32>
      %swap3A_133 = vector.shape_cast %add3A_123 : vector<16xi32> to vector<1x16xi32>
      tpu.vector_store %arg6[%swap3A_129, %swap3A_130], %swap3A_133 {strides = array<i32>} : memref<32x512xi32, #tpu.memory_space<vmem>>, vector<1x16xi32>,
      %add3A_134 = arith.constant 896 : i32
      %add3A_135 = vector.broadcast %add3A_134 : i32 to vector<16xi32>
      %add3A_136 = arith.addi %add3A_43, %add3A_135 : vector<16xi32>
      %mul3A_137 = arith.constant 128 : i32
      %mul3A_138 = arith.muli %scan3A_25, %mul3A_137 : i32
      %add3A_139 = arith.constant 0 : i32
      %add3A_140 = arith.addi %mul3A_138, %add3A_139 : i32
      %swap3A_141 = arith.constant 7 : i32
      %swap3A_142 = arith.index_cast %swap3A_141 : i32 to index
      %swap3A_143 = arith.index_cast %add3A_140 : i32 to index
      %swap3A_144 = tpu.vector_load %arg6[%swap3A_142, %swap3A_143] {strides = array<i32>} : memref<32x512xi32, #tpu.memory_space<vmem>>, vector<1x16xi32>,
      %swap3A_145 = vector.shape_cast %swap3A_144 : vector<1x16xi32> to vector<16xi32>
      %swap3A_146 = vector.shape_cast %add3A_136 : vector<16xi32> to vector<1x16xi32>
      tpu.vector_store %arg6[%swap3A_142, %swap3A_143], %swap3A_146 {strides = array<i32>} : memref<32x512xi32, #tpu.memory_space<vmem>>, vector<1x16xi32>,
      %add3A_147 = arith.constant 16000000 : i32
      %add3A_148 = vector.broadcast %add3A_147 : i32 to vector<16xi32>
      %add3A_149 = arith.addi %add3A_43, %add3A_148 : vector<16xi32>
      %mul3A_150 = arith.constant 128 : i32
      %mul3A_151 = arith.muli %scan3A_25, %mul3A_150 : i32
      %add3A_152 = arith.constant 0 : i32
      %add3A_153 = arith.addi %mul3A_151, %add3A_152 : i32
      %swap3A_154 = arith.constant 8 : i32
      %swap3A_155 = arith.index_cast %swap3A_154 : i32 to index
      %swap3A_156 = arith.index_cast %add3A_153 : i32 to index
      %swap3A_157 = tpu.vector_load %arg6[%swap3A_155, %swap3A_156] {strides = array<i32>} : memref<32x512xi32, #tpu.memory_space<vmem>>, vector<1x16xi32>,
      %swap3A_158 = vector.shape_cast %swap3A_157 : vector<1x16xi32> to vector<16xi32>
      %swap3A_159 = vector.shape_cast %add3A_149 : vector<16xi32> to vector<1x16xi32>
      tpu.vector_store %arg6[%swap3A_155, %swap3A_156], %swap3A_159 {strides = array<i32>} : memref<32x512xi32, #tpu.memory_space<vmem>>, vector<1x16xi32>,
      %add3A_160 = arith.constant 16000128 : i32
      %add3A_161 = vector.broadcast %add3A_160 : i32 to vector<16xi32>
      %add3A_162 = arith.addi %add3A_43, %add3A_161 : vector<16xi32>
      %mul3A_163 = arith.constant 128 : i32
      %mul3A_164 = arith.muli %scan3A_25, %mul3A_163 : i32
      %add3A_165 = arith.constant 0 : i32
      %add3A_166 = arith.addi %mul3A_164, %add3A_165 : i32
      %swap3A_167 = arith.constant 9 : i32
      %swap3A_168 = arith.index_cast %swap3A_167 : i32 to index
      %swap3A_169 = arith.index_cast %add3A_166 : i32 to index
      %swap3A_170 = tpu.vector_load %arg6[%swap3A_168, %swap3A_169] {strides = array<i32>} : memref<32x512xi32, #tpu.memory_space<vmem>>, vector<1x16xi32>,
      %swap3A_171 = vector.shape_cast %swap3A_170 : vector<1x16xi32> to vector<16xi32>
      %swap3A_172 = vector.shape_cast %add3A_162 : vector<16xi32> to vector<1x16xi32>
      tpu.vector_store %arg6[%swap3A_168, %swap3A_169], %swap3A_172 {strides = array<i32>} : memref<32x512xi32, #tpu.memory_space<vmem>>, vector<1x16xi32>,
      %add3A_173 = arith.constant 16000256 : i32
      %add3A_174 = vector.broadcast %add3A_173 : i32 to vector<16xi32>
      %add3A_175 = arith.addi %add3A_43, %add3A_174 : vector<16xi32>
      %mul3A_176 = arith.constant 128 : i32
      %mul3A_177 = arith.muli %scan3A_25, %mul3A_176 : i32
      %add3A_178 = arith.constant 0 : i32
      %add3A_179 = arith.addi %mul3A_177, %add3A_178 : i32
      %swap3A_180 = arith.constant 10 : i32
      %swap3A_181 = arith.index_cast %swap3A_180 : i32 to index
      %swap3A_182 = arith.index_cast %add3A_179 : i32 to index
      %swap3A_183 = tpu.vector_load %arg6[%swap3A_181, %swap3A_182] {strides = array<i32>} : memref<32x512xi32, #tpu.memory_space<vmem>>, vector<1x16xi32>,
      %swap3A_184 = vector.shape_cast %swap3A_183 : vector<1x16xi32> to vector<16xi32>
      %swap3A_185 = vector.shape_cast %add3A_175 : vector<16xi32> to vector<1x16xi32>
      tpu.vector_store %arg6[%swap3A_181, %swap3A_182], %swap3A_185 {strides = array<i32>} : memref<32x512xi32, #tpu.memory_space<vmem>>, vector<1x16xi32>,
      %add3A_186 = arith.constant 16000384 : i32
      %add3A_187 = vector.broadcast %add3A_186 : i32 to vector<16xi32>
      %add3A_188 = arith.addi %add3A_43, %add3A_187 : vector<16xi32>
      %mul3A_189 = arith.constant 128 : i32
      %mul3A_190 = arith.muli %scan3A_25, %mul3A_189 : i32
      %add3A_191 = arith.constant 0 : i32
      %add3A_192 = arith.addi %mul3A_190, %add3A_191 : i32
      %swap3A_193 = arith.constant 11 : i32
      %swap3A_194 = arith.index_cast %swap3A_193 : i32 to index
      %swap3A_195 = arith.index_cast %add3A_192 : i32 to index
      %swap3A_196 = tpu.vector_load %arg6[%swap3A_194, %swap3A_195] {strides = array<i32>} : memref<32x512xi32, #tpu.memory_space<vmem>>, vector<1x16xi32>,
      %swap3A_197 = vector.shape_cast %swap3A_196 : vector<1x16xi32> to vector<16xi32>
      %swap3A_198 = vector.shape_cast %add3A_188 : vector<16xi32> to vector<1x16xi32>
      tpu.vector_store %arg6[%swap3A_194, %swap3A_195], %swap3A_198 {strides = array<i32>} : memref<32x512xi32, #tpu.memory_space<vmem>>, vector<1x16xi32>,
      %add3A_199 = arith.constant 16000512 : i32
      %add3A_200 = vector.broadcast %add3A_199 : i32 to vector<16xi32>
      %add3A_201 = arith.addi %add3A_43, %add3A_200 : vector<16xi32>
      %mul3A_202 = arith.constant 128 : i32
      %mul3A_203 = arith.muli %scan3A_25, %mul3A_202 : i32
      %add3A_204 = arith.constant 0 : i32
      %add3A_205 = arith.addi %mul3A_203, %add3A_204 : i32
      %swap3A_206 = arith.constant 12 : i32
      %swap3A_207 = arith.index_cast %swap3A_206 : i32 to index
      %swap3A_208 = arith.index_cast %add3A_205 : i32 to index
      %swap3A_209 = tpu.vector_load %arg6[%swap3A_207, %swap3A_208] {strides = array<i32>} : memref<32x512xi32, #tpu.memory_space<vmem>>, vector<1x16xi32>,
      %swap3A_210 = vector.shape_cast %swap3A_209 : vector<1x16xi32> to vector<16xi32>
      %swap3A_211 = vector.shape_cast %add3A_201 : vector<16xi32> to vector<1x16xi32>
      tpu.vector_store %arg6[%swap3A_207, %swap3A_208], %swap3A_211 {strides = array<i32>} : memref<32x512xi32, #tpu.memory_space<vmem>>, vector<1x16xi32>,
      %add3A_212 = arith.constant 16000640 : i32
      %add3A_213 = vector.broadcast %add3A_212 : i32 to vector<16xi32>
      %add3A_214 = arith.addi %add3A_43, %add3A_213 : vector<16xi32>
      %mul3A_215 = arith.constant 128 : i32
      %mul3A_216 = arith.muli %scan3A_25, %mul3A_215 : i32
      %add3A_217 = arith.constant 0 : i32
      %add3A_218 = arith.addi %mul3A_216, %add3A_217 : i32
      %swap3A_219 = arith.constant 13 : i32
      %swap3A_220 = arith.index_cast %swap3A_219 : i32 to index
      %swap3A_221 = arith.index_cast %add3A_218 : i32 to index
      %swap3A_222 = tpu.vector_load %arg6[%swap3A_220, %swap3A_221] {strides = array<i32>} : memref<32x512xi32, #tpu.memory_space<vmem>>, vector<1x16xi32>,
      %swap3A_223 = vector.shape_cast %swap3A_222 : vector<1x16xi32> to vector<16xi32>
      %swap3A_224 = vector.shape_cast %add3A_214 : vector<16xi32> to vector<1x16xi32>
      tpu.vector_store %arg6[%swap3A_220, %swap3A_221], %swap3A_224 {strides = array<i32>} : memref<32x512xi32, #tpu.memory_space<vmem>>, vector<1x16xi32>,
      %add3A_225 = arith.constant 16000768 : i32
      %add3A_226 = vector.broadcast %add3A_225 : i32 to vector<16xi32>
      %add3A_227 = arith.addi %add3A_43, %add3A_226 : vector<16xi32>
      %mul3A_228 = arith.constant 128 : i32
      %mul3A_229 = arith.muli %scan3A_25, %mul3A_228 : i32
      %add3A_230 = arith.constant 0 : i32
      %add3A_231 = arith.addi %mul3A_229, %add3A_230 : i32
      %swap3A_232 = arith.constant 14 : i32
      %swap3A_233 = arith.index_cast %swap3A_232 : i32 to index
      %swap3A_234 = arith.index_cast %add3A_231 : i32 to index
      %swap3A_235 = tpu.vector_load %arg6[%swap3A_233, %swap3A_234] {strides = array<i32>} : memref<32x512xi32, #tpu.memory_space<vmem>>, vector<1x16xi32>,
      %swap3A_236 = vector.shape_cast %swap3A_235 : vector<1x16xi32> to vector<16xi32>
      %swap3A_237 = vector.shape_cast %add3A_227 : vector<16xi32> to vector<1x16xi32>
      tpu.vector_store %arg6[%swap3A_233, %swap3A_234], %swap3A_237 {strides = array<i32>} : memref<32x512xi32, #tpu.memory_space<vmem>>, vector<1x16xi32>,
      %add3A_238 = arith.constant 16000896 : i32
      %add3A_239 = vector.broadcast %add3A_238 : i32 to vector<16xi32>
      %add3A_240 = arith.addi %add3A_43, %add3A_239 : vector<16xi32>
      %mul3A_241 = arith.constant 128 : i32
      %mul3A_242 = arith.muli %scan3A_25, %mul3A_241 : i32
      %add3A_243 = arith.constant 0 : i32
      %add3A_244 = arith.addi %mul3A_242, %add3A_243 : i32
      %swap3A_245 = arith.constant 15 : i32
      %swap3A_246 = arith.index_cast %swap3A_245 : i32 to index
      %swap3A_247 = arith.index_cast %add3A_244 : i32 to index
      %swap3A_248 = tpu.vector_load %arg6[%swap3A_246, %swap3A_247] {strides = array<i32>} : memref<32x512xi32, #tpu.memory_space<vmem>>, vector<1x16xi32>,
      %swap3A_249 = vector.shape_cast %swap3A_248 : vector<1x16xi32> to vector<16xi32>
      %swap3A_250 = vector.shape_cast %add3A_240 : vector<16xi32> to vector<1x16xi32>
      tpu.vector_store %arg6[%swap3A_246, %swap3A_247], %swap3A_250 {strides = array<i32>} : memref<32x512xi32, #tpu.memory_space<vmem>>, vector<1x16xi32>,
      %mul3A_251 = arith.constant 2 : i32
      %mul3A_252 = arith.muli %mul3A_251, %scan3A_25 : i32
      %add3A_253 = arith.constant 0 : i32
      %add3A_254 = arith.addi %mul3A_252, %add3A_253 : i32
      %get3A_255 = arith.index_cast %add3A_254 : i32 to index
      %get3A_256 = arith.constant 16 : index
      %get3A_257 = tpu.vector_load %arg5[%get3A_255, %get3A_256] {strides = array<i32>} : memref<8x128xi32, #tpu.memory_space<vmem>>, vector<1x16xi32>,
      %get3A_258 = vector.shape_cast %get3A_257 : vector<1x16xi32> to vector<16xi32>
      %add3A_259 = arith.constant 0 : i32
      %add3A_260 = vector.broadcast %add3A_259 : i32 to vector<16xi32>
      %add3A_261 = arith.addi %get3A_258, %add3A_260 : vector<16xi32>
      %shift_right_logical3A_262 = arith.constant 7 : i32
      %shift_right_logical3A_263 = vector.broadcast %shift_right_logical3A_262 : i32 to vector<16xi32>
      %shift_right_logical3A_264 = arith.shrui %add3A_261, %shift_right_logical3A_263 : vector<16xi32>
      %mul3A_265 = arith.constant 1024 : i32
      %mul3A_266 = vector.broadcast %mul3A_265 : i32 to vector<16xi32>
      %mul3A_267 = arith.muli %shift_right_logical3A_264, %mul3A_266 : vector<16xi32>
      %and3A_268 = arith.constant 127 : i32
      %and3A_269 = vector.broadcast %and3A_268 : i32 to vector<16xi32>
      %and3A_270 = arith.andi %add3A_261, %and3A_269 : vector<16xi32>
      %add3A_271 = arith.addi %mul3A_267, %and3A_270 : vector<16xi32>
      %add3A_272 = arith.constant 0 : i32
      %add3A_273 = vector.broadcast %add3A_272 : i32 to vector<16xi32>
      %add3A_274 = arith.addi %add3A_271, %add3A_273 : vector<16xi32>
      %mul3A_275 = arith.constant 128 : i32
      %mul3A_276 = arith.muli %scan3A_25, %mul3A_275 : i32
      %add3A_277 = arith.constant 16 : i32
      %add3A_278 = arith.addi %mul3A_276, %add3A_277 : i32
      %swap3A_279 = arith.constant 0 : i32
      %swap3A_280 = arith.index_cast %swap3A_279 : i32 to index
      %swap3A_281 = arith.index_cast %add3A_278 : i32 to index
      %swap3A_282 = tpu.vector_load %arg6[%swap3A_280, %swap3A_281] {strides = array<i32>} : memref<32x512xi32, #tpu.memory_space<vmem>>, vector<1x16xi32>,
      %swap3A_283 = vector.shape_cast %swap3A_282 : vector<1x16xi32> to vector<16xi32>
      %swap3A_284 = vector.shape_cast %add3A_274 : vector<16xi32> to vector<1x16xi32>
      tpu.vector_store %arg6[%swap3A_280, %swap3A_281], %swap3A_284 {strides = array<i32>} : memref<32x512xi32, #tpu.memory_space<vmem>>, vector<1x16xi32>,
      %add3A_285 = arith.constant 128 : i32
      %add3A_286 = vector.broadcast %add3A_285 : i32 to vector<16xi32>
      %add3A_287 = arith.addi %add3A_271, %add3A_286 : vector<16xi32>
      %mul3A_288 = arith.constant 128 : i32
      %mul3A_289 = arith.muli %scan3A_25, %mul3A_288 : i32
      %add3A_290 = arith.constant 16 : i32
      %add3A_291 = arith.addi %mul3A_289, %add3A_290 : i32
      %swap3A_292 = arith.constant 1 : i32
      %swap3A_293 = arith.index_cast %swap3A_292 : i32 to index
      %swap3A_294 = arith.index_cast %add3A_291 : i32 to index
      %swap3A_295 = tpu.vector_load %arg6[%swap3A_293, %swap3A_294] {strides = array<i32>} : memref<32x512xi32, #tpu.memory_space<vmem>>, vector<1x16xi32>,
      %swap3A_296 = vector.shape_cast %swap3A_295 : vector<1x16xi32> to vector<16xi32>
      %swap3A_297 = vector.shape_cast %add3A_287 : vector<16xi32> to vector<1x16xi32>
      tpu.vector_store %arg6[%swap3A_293, %swap3A_294], %swap3A_297 {strides = array<i32>} : memref<32x512xi32, #tpu.memory_space<vmem>>, vector<1x16xi32>,
      %add3A_298 = arith.constant 256 : i32
      %add3A_299 = vector.broadcast %add3A_298 : i32 to vector<16xi32>
      %add3A_300 = arith.addi %add3A_271, %add3A_299 : vector<16xi32>
      %mul3A_301 = arith.constant 128 : i32
      %mul3A_302 = arith.muli %scan3A_25, %mul3A_301 : i32
      %add3A_303 = arith.constant 16 : i32
      %add3A_304 = arith.addi %mul3A_302, %add3A_303 : i32
      %swap3A_305 = arith.constant 2 : i32
      %swap3A_306 = arith.index_cast %swap3A_305 : i32 to index
      %swap3A_307 = arith.index_cast %add3A_304 : i32 to index
      %swap3A_308 = tpu.vector_load %arg6[%swap3A_306, %swap3A_307] {strides = array<i32>} : memref<32x512xi32, #tpu.memory_space<vmem>>, vector<1x16xi32>,
      %swap3A_309 = vector.shape_cast %swap3A_308 : vector<1x16xi32> to vector<16xi32>
      %swap3A_310 = vector.shape_cast %add3A_300 : vector<16xi32> to vector<1x16xi32>
      tpu.vector_store %arg6[%swap3A_306, %swap3A_307], %swap3A_310 {strides = array<i32>} : memref<32x512xi32, #tpu.memory_space<vmem>>, vector<1x16xi32>,
      %add3A_311 = arith.constant 384 : i32
      %add3A_312 = vector.broadcast %add3A_311 : i32 to vector<16xi32>
      %add3A_313 = arith.addi %add3A_271, %add3A_312 : vector<16xi32>
      %mul3A_314 = arith.constant 128 : i32
      %mul3A_315 = arith.muli %scan3A_25, %mul3A_314 : i32
      %add3A_316 = arith.constant 16 : i32
      %add3A_317 = arith.addi %mul3A_315, %add3A_316 : i32
      %swap3A_318 = arith.constant 3 : i32
      %swap3A_319 = arith.index_cast %swap3A_318 : i32 to index
      %swap3A_320 = arith.index_cast %add3A_317 : i32 to index
      %swap3A_321 = tpu.vector_load %arg6[%swap3A_319, %swap3A_320] {strides = array<i32>} : memref<32x512xi32, #tpu.memory_space<vmem>>, vector<1x16xi32>,
      %swap3A_322 = vector.shape_cast %swap3A_321 : vector<1x16xi32> to vector<16xi32>
      %swap3A_323 = vector.shape_cast %add3A_313 : vector<16xi32> to vector<1x16xi32>
      tpu.vector_store %arg6[%swap3A_319, %swap3A_320], %swap3A_323 {strides = array<i32>} : memref<32x512xi32, #tpu.memory_space<vmem>>, vector<1x16xi32>,
      %add3A_324 = arith.constant 512 : i32
      %add3A_325 = vector.broadcast %add3A_324 : i32 to vector<16xi32>
      %add3A_326 = arith.addi %add3A_271, %add3A_325 : vector<16xi32>
      %mul3A_327 = arith.constant 128 : i32
      %mul3A_328 = arith.muli %scan3A_25, %mul3A_327 : i32
      %add3A_329 = arith.constant 16 : i32
      %add3A_330 = arith.addi %mul3A_328, %add3A_329 : i32
      %swap3A_331 = arith.constant 4 : i32
      %swap3A_332 = arith.index_cast %swap3A_331 : i32 to index
      %swap3A_333 = arith.index_cast %add3A_330 : i32 to index
      %swap3A_334 = tpu.vector_load %arg6[%swap3A_332, %swap3A_333] {strides = array<i32>} : memref<32x512xi32, #tpu.memory_space<vmem>>, vector<1x16xi32>,
      %swap3A_335 = vector.shape_cast %swap3A_334 : vector<1x16xi32> to vector<16xi32>
      %swap3A_336 = vector.shape_cast %add3A_326 : vector<16xi32> to vector<1x16xi32>
      tpu.vector_store %arg6[%swap3A_332, %swap3A_333], %swap3A_336 {strides = array<i32>} : memref<32x512xi32, #tpu.memory_space<vmem>>, vector<1x16xi32>,
      %add3A_337 = arith.constant 640 : i32
      %add3A_338 = vector.broadcast %add3A_337 : i32 to vector<16xi32>
      %add3A_339 = arith.addi %add3A_271, %add3A_338 : vector<16xi32>
      %mul3A_340 = arith.constant 128 : i32
      %mul3A_341 = arith.muli %scan3A_25, %mul3A_340 : i32
      %add3A_342 = arith.constant 16 : i32
      %add3A_343 = arith.addi %mul3A_341, %add3A_342 : i32
      %swap3A_344 = arith.constant 5 : i32
      %swap3A_345 = arith.index_cast %swap3A_344 : i32 to index
      %swap3A_346 = arith.index_cast %add3A_343 : i32 to index
      %swap3A_347 = tpu.vector_load %arg6[%swap3A_345, %swap3A_346] {strides = array<i32>} : memref<32x512xi32, #tpu.memory_space<vmem>>, vector<1x16xi32>,
      %swap3A_348 = vector.shape_cast %swap3A_347 : vector<1x16xi32> to vector<16xi32>
      %swap3A_349 = vector.shape_cast %add3A_339 : vector<16xi32> to vector<1x16xi32>
      tpu.vector_store %arg6[%swap3A_345, %swap3A_346], %swap3A_349 {strides = array<i32>} : memref<32x512xi32, #tpu.memory_space<vmem>>, vector<1x16xi32>,
      %add3A_350 = arith.constant 768 : i32
      %add3A_351 = vector.broadcast %add3A_350 : i32 to vector<16xi32>
      %add3A_352 = arith.addi %add3A_271, %add3A_351 : vector<16xi32>
      %mul3A_353 = arith.constant 128 : i32
      %mul3A_354 = arith.muli %scan3A_25, %mul3A_353 : i32
      %add3A_355 = arith.constant 16 : i32
      %add3A_356 = arith.addi %mul3A_354, %add3A_355 : i32
      %swap3A_357 = arith.constant 6 : i32
      %swap3A_358 = arith.index_cast %swap3A_357 : i32 to index
      %swap3A_359 = arith.index_cast %add3A_356 : i32 to index
      %swap3A_360 = tpu.vector_load %arg6[%swap3A_358, %swap3A_359] {strides = array<i32>} : memref<32x512xi32, #tpu.memory_space<vmem>>, vector<1x16xi32>,
      %swap3A_361 = vector.shape_cast %swap3A_360 : vector<1x16xi32> to vector<16xi32>
      %swap3A_362 = vector.shape_cast %add3A_352 : vector<16xi32> to vector<1x16xi32>
      tpu.vector_store %arg6[%swap3A_358, %swap3A_359], %swap3A_362 {strides = array<i32>} : memref<32x512xi32, #tpu.memory_space<vmem>>, vector<1x16xi32>,
      %add3A_363 = arith.constant 896 : i32
      %add3A_364 = vector.broadcast %add3A_363 : i32 to vector<16xi32>
      %add3A_365 = arith.addi %add3A_271, %add3A_364 : vector<16xi32>
      %mul3A_366 = arith.constant 128 : i32
      %mul3A_367 = arith.muli %scan3A_25, %mul3A_366 : i32
      %add3A_368 = arith.constant 16 : i32
      %add3A_369 = arith.addi %mul3A_367, %add3A_368 : i32
      %swap3A_370 = arith.constant 7 : i32
      %swap3A_371 = arith.index_cast %swap3A_370 : i32 to index
      %swap3A_372 = arith.index_cast %add3A_369 : i32 to index
      %swap3A_373 = tpu.vector_load %arg6[%swap3A_371, %swap3A_372] {strides = array<i32>} : memref<32x512xi32, #tpu.memory_space<vmem>>, vector<1x16xi32>,
      %swap3A_374 = vector.shape_cast %swap3A_373 : vector<1x16xi32> to vector<16xi32>
      %swap3A_375 = vector.shape_cast %add3A_365 : vector<16xi32> to vector<1x16xi32>
      tpu.vector_store %arg6[%swap3A_371, %swap3A_372], %swap3A_375 {strides = array<i32>} : memref<32x512xi32, #tpu.memory_space<vmem>>, vector<1x16xi32>,
      %add3A_376 = arith.constant 16000000 : i32
      %add3A_377 = vector.broadcast %add3A_376 : i32 to vector<16xi32>
      %add3A_378 = arith.addi %add3A_271, %add3A_377 : vector<16xi32>
      %mul3A_379 = arith.constant 128 : i32
      %mul3A_380 = arith.muli %scan3A_25, %mul3A_379 : i32
      %add3A_381 = arith.constant 16 : i32
      %add3A_382 = arith.addi %mul3A_380, %add3A_381 : i32
      %swap3A_383 = arith.constant 8 : i32
      %swap3A_384 = arith.index_cast %swap3A_383 : i32 to index
      %swap3A_385 = arith.index_cast %add3A_382 : i32 to index
      %swap3A_386 = tpu.vector_load %arg6[%swap3A_384, %swap3A_385] {strides = array<i32>} : memref<32x512xi32, #tpu.memory_space<vmem>>, vector<1x16xi32>,
      %swap3A_387 = vector.shape_cast %swap3A_386 : vector<1x16xi32> to vector<16xi32>
      %swap3A_388 = vector.shape_cast %add3A_378 : vector<16xi32> to vector<1x16xi32>
      tpu.vector_store %arg6[%swap3A_384, %swap3A_385], %swap3A_388 {strides = array<i32>} : memref<32x512xi32, #tpu.memory_space<vmem>>, vector<1x16xi32>,
      %add3A_389 = arith.constant 16000128 : i32
      %add3A_390 = vector.broadcast %add3A_389 : i32 to vector<16xi32>
      %add3A_391 = arith.addi %add3A_271, %add3A_390 : vector<16xi32>
      %mul3A_392 = arith.constant 128 : i32
      %mul3A_393 = arith.muli %scan3A_25, %mul3A_392 : i32
      %add3A_394 = arith.constant 16 : i32
      %add3A_395 = arith.addi %mul3A_393, %add3A_394 : i32
      %swap3A_396 = arith.constant 9 : i32
      %swap3A_397 = arith.index_cast %swap3A_396 : i32 to index
      %swap3A_398 = arith.index_cast %add3A_395 : i32 to index
      %swap3A_399 = tpu.vector_load %arg6[%swap3A_397, %swap3A_398] {strides = array<i32>} : memref<32x512xi32, #tpu.memory_space<vmem>>, vector<1x16xi32>,
      %swap3A_400 = vector.shape_cast %swap3A_399 : vector<1x16xi32> to vector<16xi32>
      %swap3A_401 = vector.shape_cast %add3A_391 : vector<16xi32> to vector<1x16xi32>
      tpu.vector_store %arg6[%swap3A_397, %swap3A_398], %swap3A_401 {strides = array<i32>} : memref<32x512xi32, #tpu.memory_space<vmem>>, vector<1x16xi32>,
      %add3A_402 = arith.constant 16000256 : i32
      %add3A_403 = vector.broadcast %add3A_402 : i32 to vector<16xi32>
      %add3A_404 = arith.addi %add3A_271, %add3A_403 : vector<16xi32>
      %mul3A_405 = arith.constant 128 : i32
      %mul3A_406 = arith.muli %scan3A_25, %mul3A_405 : i32
      %add3A_407 = arith.constant 16 : i32
      %add3A_408 = arith.addi %mul3A_406, %add3A_407 : i32
      %swap3A_409 = arith.constant 10 : i32
      %swap3A_410 = arith.index_cast %swap3A_409 : i32 to index
      %swap3A_411 = arith.index_cast %add3A_408 : i32 to index
      %swap3A_412 = tpu.vector_load %arg6[%swap3A_410, %swap3A_411] {strides = array<i32>} : memref<32x512xi32, #tpu.memory_space<vmem>>, vector<1x16xi32>,
      %swap3A_413 = vector.shape_cast %swap3A_412 : vector<1x16xi32> to vector<16xi32>
      %swap3A_414 = vector.shape_cast %add3A_404 : vector<16xi32> to vector<1x16xi32>
      tpu.vector_store %arg6[%swap3A_410, %swap3A_411], %swap3A_414 {strides = array<i32>} : memref<32x512xi32, #tpu.memory_space<vmem>>, vector<1x16xi32>,
      %add3A_415 = arith.constant 16000384 : i32
      %add3A_416 = vector.broadcast %add3A_415 : i32 to vector<16xi32>
      %add3A_417 = arith.addi %add3A_271, %add3A_416 : vector<16xi32>
      %mul3A_418 = arith.constant 128 : i32
      %mul3A_419 = arith.muli %scan3A_25, %mul3A_418 : i32
      %add3A_420 = arith.constant 16 : i32
      %add3A_421 = arith.addi %mul3A_419, %add3A_420 : i32
      %swap3A_422 = arith.constant 11 : i32
      %swap3A_423 = arith.index_cast %swap3A_422 : i32 to index
      %swap3A_424 = arith.index_cast %add3A_421 : i32 to index
      %swap3A_425 = tpu.vector_load %arg6[%swap3A_423, %swap3A_424] {strides = array<i32>} : memref<32x512xi32, #tpu.memory_space<vmem>>, vector<1x16xi32>,
      %swap3A_426 = vector.shape_cast %swap3A_425 : vector<1x16xi32> to vector<16xi32>
      %swap3A_427 = vector.shape_cast %add3A_417 : vector<16xi32> to vector<1x16xi32>
      tpu.vector_store %arg6[%swap3A_423, %swap3A_424], %swap3A_427 {strides = array<i32>} : memref<32x512xi32, #tpu.memory_space<vmem>>, vector<1x16xi32>,
      %add3A_428 = arith.constant 16000512 : i32
      %add3A_429 = vector.broadcast %add3A_428 : i32 to vector<16xi32>
      %add3A_430 = arith.addi %add3A_271, %add3A_429 : vector<16xi32>
      %mul3A_431 = arith.constant 128 : i32
      %mul3A_432 = arith.muli %scan3A_25, %mul3A_431 : i32
      %add3A_433 = arith.constant 16 : i32
      %add3A_434 = arith.addi %mul3A_432, %add3A_433 : i32
      %swap3A_435 = arith.constant 12 : i32
      %swap3A_436 = arith.index_cast %swap3A_435 : i32 to index
      %swap3A_437 = arith.index_cast %add3A_434 : i32 to index
      %swap3A_438 = tpu.vector_load %arg6[%swap3A_436, %swap3A_437] {strides = array<i32>} : memref<32x512xi32, #tpu.memory_space<vmem>>, vector<1x16xi32>,
      %swap3A_439 = vector.shape_cast %swap3A_438 : vector<1x16xi32> to vector<16xi32>
      %swap3A_440 = vector.shape_cast %add3A_430 : vector<16xi32> to vector<1x16xi32>
      tpu.vector_store %arg6[%swap3A_436, %swap3A_437], %swap3A_440 {strides = array<i32>} : memref<32x512xi32, #tpu.memory_space<vmem>>, vector<1x16xi32>,
      %add3A_441 = arith.constant 16000640 : i32
      %add3A_442 = vector.broadcast %add3A_441 : i32 to vector<16xi32>
      %add3A_443 = arith.addi %add3A_271, %add3A_442 : vector<16xi32>
      %mul3A_444 = arith.constant 128 : i32
      %mul3A_445 = arith.muli %scan3A_25, %mul3A_444 : i32
      %add3A_446 = arith.constant 16 : i32
      %add3A_447 = arith.addi %mul3A_445, %add3A_446 : i32
      %swap3A_448 = arith.constant 13 : i32
      %swap3A_449 = arith.index_cast %swap3A_448 : i32 to index
      %swap3A_450 = arith.index_cast %add3A_447 : i32 to index
      %swap3A_451 = tpu.vector_load %arg6[%swap3A_449, %swap3A_450] {strides = array<i32>} : memref<32x512xi32, #tpu.memory_space<vmem>>, vector<1x16xi32>,
      %swap3A_452 = vector.shape_cast %swap3A_451 : vector<1x16xi32> to vector<16xi32>
      %swap3A_453 = vector.shape_cast %add3A_443 : vector<16xi32> to vector<1x16xi32>
      tpu.vector_store %arg6[%swap3A_449, %swap3A_450], %swap3A_453 {strides = array<i32>} : memref<32x512xi32, #tpu.memory_space<vmem>>, vector<1x16xi32>,
      %add3A_454 = arith.constant 16000768 : i32
      %add3A_455 = vector.broadcast %add3A_454 : i32 to vector<16xi32>
      %add3A_456 = arith.addi %add3A_271, %add3A_455 : vector<16xi32>
      %mul3A_457 = arith.constant 128 : i32
      %mul3A_458 = arith.muli %scan3A_25, %mul3A_457 : i32
      %add3A_459 = arith.constant 16 : i32
      %add3A_460 = arith.addi %mul3A_458, %add3A_459 : i32
      %swap3A_461 = arith.constant 14 : i32
      %swap3A_462 = arith.index_cast %swap3A_461 : i32 to index
      %swap3A_463 = arith.index_cast %add3A_460 : i32 to index
      %swap3A_464 = tpu.vector_load %arg6[%swap3A_462, %swap3A_463] {strides = array<i32>} : memref<32x512xi32, #tpu.memory_space<vmem>>, vector<1x16xi32>,
      %swap3A_465 = vector.shape_cast %swap3A_464 : vector<1x16xi32> to vector<16xi32>
      %swap3A_466 = vector.shape_cast %add3A_456 : vector<16xi32> to vector<1x16xi32>
      tpu.vector_store %arg6[%swap3A_462, %swap3A_463], %swap3A_466 {strides = array<i32>} : memref<32x512xi32, #tpu.memory_space<vmem>>, vector<1x16xi32>,
      %add3A_467 = arith.constant 16000896 : i32
      %add3A_468 = vector.broadcast %add3A_467 : i32 to vector<16xi32>
      %add3A_469 = arith.addi %add3A_271, %add3A_468 : vector<16xi32>
      %mul3A_470 = arith.constant 128 : i32
      %mul3A_471 = arith.muli %scan3A_25, %mul3A_470 : i32
      %add3A_472 = arith.constant 16 : i32
      %add3A_473 = arith.addi %mul3A_471, %add3A_472 : i32
      %swap3A_474 = arith.constant 15 : i32
      %swap3A_475 = arith.index_cast %swap3A_474 : i32 to index
      %swap3A_476 = arith.index_cast %add3A_473 : i32 to index
      %swap3A_477 = tpu.vector_load %arg6[%swap3A_475, %swap3A_476] {strides = array<i32>} : memref<32x512xi32, #tpu.memory_space<vmem>>, vector<1x16xi32>,
      %swap3A_478 = vector.shape_cast %swap3A_477 : vector<1x16xi32> to vector<16xi32>
      %swap3A_479 = vector.shape_cast %add3A_469 : vector<16xi32> to vector<1x16xi32>
      tpu.vector_store %arg6[%swap3A_475, %swap3A_476], %swap3A_479 {strides = array<i32>} : memref<32x512xi32, #tpu.memory_space<vmem>>, vector<1x16xi32>,
      %mul3A_480 = arith.constant 2 : i32
      %mul3A_481 = arith.muli %mul3A_480, %scan3A_25 : i32
      %add3A_482 = arith.constant 0 : i32
      %add3A_483 = arith.addi %mul3A_481, %add3A_482 : i32
      %get3A_484 = arith.index_cast %add3A_483 : i32 to index
      %get3A_485 = arith.constant 32 : index
      %get3A_486 = tpu.vector_load %arg5[%get3A_484, %get3A_485] {strides = array<i32>} : memref<8x128xi32, #tpu.memory_space<vmem>>, vector<1x16xi32>,
      %get3A_487 = vector.shape_cast %get3A_486 : vector<1x16xi32> to vector<16xi32>
      %add3A_488 = arith.constant 0 : i32
      %add3A_489 = vector.broadcast %add3A_488 : i32 to vector<16xi32>
      %add3A_490 = arith.addi %get3A_487, %add3A_489 : vector<16xi32>
      %shift_right_logical3A_491 = arith.constant 7 : i32
      %shift_right_logical3A_492 = vector.broadcast %shift_right_logical3A_491 : i32 to vector<16xi32>
      %shift_right_logical3A_493 = arith.shrui %add3A_490, %shift_right_logical3A_492 : vector<16xi32>
      %mul3A_494 = arith.constant 1024 : i32
      %mul3A_495 = vector.broadcast %mul3A_494 : i32 to vector<16xi32>
      %mul3A_496 = arith.muli %shift_right_logical3A_493, %mul3A_495 : vector<16xi32>
      %and3A_497 = arith.constant 127 : i32
      %and3A_498 = vector.broadcast %and3A_497 : i32 to vector<16xi32>
      %and3A_499 = arith.andi %add3A_490, %and3A_498 : vector<16xi32>
      %add3A_500 = arith.addi %mul3A_496, %and3A_499 : vector<16xi32>
      %add3A_501 = arith.constant 0 : i32
      %add3A_502 = vector.broadcast %add3A_501 : i32 to vector<16xi32>
      %add3A_503 = arith.addi %add3A_500, %add3A_502 : vector<16xi32>
      %mul3A_504 = arith.constant 128 : i32
      %mul3A_505 = arith.muli %scan3A_25, %mul3A_504 : i32
      %add3A_506 = arith.constant 32 : i32
      %add3A_507 = arith.addi %mul3A_505, %add3A_506 : i32
      %swap3A_508 = arith.constant 0 : i32
      %swap3A_509 = arith.index_cast %swap3A_508 : i32 to index
      %swap3A_510 = arith.index_cast %add3A_507 : i32 to index
      %swap3A_511 = tpu.vector_load %arg6[%swap3A_509, %swap3A_510] {strides = array<i32>} : memref<32x512xi32, #tpu.memory_space<vmem>>, vector<1x16xi32>,
      %swap3A_512 = vector.shape_cast %swap3A_511 : vector<1x16xi32> to vector<16xi32>
      %swap3A_513 = vector.shape_cast %add3A_503 : vector<16xi32> to vector<1x16xi32>
      tpu.vector_store %arg6[%swap3A_509, %swap3A_510], %swap3A_513 {strides = array<i32>} : memref<32x512xi32, #tpu.memory_space<vmem>>, vector<1x16xi32>,
      %add3A_514 = arith.constant 128 : i32
      %add3A_515 = vector.broadcast %add3A_514 : i32 to vector<16xi32>
      %add3A_516 = arith.addi %add3A_500, %add3A_515 : vector<16xi32>
      %mul3A_517 = arith.constant 128 : i32
      %mul3A_518 = arith.muli %scan3A_25, %mul3A_517 : i32
      %add3A_519 = arith.constant 32 : i32
      %add3A_520 = arith.addi %mul3A_518, %add3A_519 : i32
      %swap3A_521 = arith.constant 1 : i32
      %swap3A_522 = arith.index_cast %swap3A_521 : i32 to index
      %swap3A_523 = arith.index_cast %add3A_520 : i32 to index
      %swap3A_524 = tpu.vector_load %arg6[%swap3A_522, %swap3A_523] {strides = array<i32>} : memref<32x512xi32, #tpu.memory_space<vmem>>, vector<1x16xi32>,
      %swap3A_525 = vector.shape_cast %swap3A_524 : vector<1x16xi32> to vector<16xi32>
      %swap3A_526 = vector.shape_cast %add3A_516 : vector<16xi32> to vector<1x16xi32>
      tpu.vector_store %arg6[%swap3A_522, %swap3A_523], %swap3A_526 {strides = array<i32>} : memref<32x512xi32, #tpu.memory_space<vmem>>, vector<1x16xi32>,
      %add3A_527 = arith.constant 256 : i32
      %add3A_528 = vector.broadcast %add3A_527 : i32 to vector<16xi32>
      %add3A_529 = arith.addi %add3A_500, %add3A_528 : vector<16xi32>
      %mul3A_530 = arith.constant 128 : i32
      %mul3A_531 = arith.muli %scan3A_25, %mul3A_530 : i32
      %add3A_532 = arith.constant 32 : i32
      %add3A_533 = arith.addi %mul3A_531, %add3A_532 : i32
      %swap3A_534 = arith.constant 2 : i32
      %swap3A_535 = arith.index_cast %swap3A_534 : i32 to index
      %swap3A_536 = arith.index_cast %add3A_533 : i32 to index
      %swap3A_537 = tpu.vector_load %arg6[%swap3A_535, %swap3A_536] {strides = array<i32>} : memref<32x512xi32, #tpu.memory_space<vmem>>, vector<1x16xi32>,
      %swap3A_538 = vector.shape_cast %swap3A_537 : vector<1x16xi32> to vector<16xi32>
      %swap3A_539 = vector.shape_cast %add3A_529 : vector<16xi32> to vector<1x16xi32>
      tpu.vector_store %arg6[%swap3A_535, %swap3A_536], %swap3A_539 {strides = array<i32>} : memref<32x512xi32, #tpu.memory_space<vmem>>, vector<1x16xi32>,
      %add3A_540 = arith.constant 384 : i32
      %add3A_541 = vector.broadcast %add3A_540 : i32 to vector<16xi32>
      %add3A_542 = arith.addi %add3A_500, %add3A_541 : vector<16xi32>
      %mul3A_543 = arith.constant 128 : i32
      %mul3A_544 = arith.muli %scan3A_25, %mul3A_543 : i32
      %add3A_545 = arith.constant 32 : i32
      %add3A_546 = arith.addi %mul3A_544, %add3A_545 : i32
      %swap3A_547 = arith.constant 3 : i32
      %swap3A_548 = arith.index_cast %swap3A_547 : i32 to index
      %swap3A_549 = arith.index_cast %add3A_546 : i32 to index
      %swap3A_550 = tpu.vector_load %arg6[%swap3A_548, %swap3A_549] {strides = array<i32>} : memref<32x512xi32, #tpu.memory_space<vmem>>, vector<1x16xi32>,
      %swap3A_551 = vector.shape_cast %swap3A_550 : vector<1x16xi32> to vector<16xi32>
      %swap3A_552 = vector.shape_cast %add3A_542 : vector<16xi32> to vector<1x16xi32>
      tpu.vector_store %arg6[%swap3A_548, %swap3A_549], %swap3A_552 {strides = array<i32>} : memref<32x512xi32, #tpu.memory_space<vmem>>, vector<1x16xi32>,
      %add3A_553 = arith.constant 512 : i32
      %add3A_554 = vector.broadcast %add3A_553 : i32 to vector<16xi32>
      %add3A_555 = arith.addi %add3A_500, %add3A_554 : vector<16xi32>
      %mul3A_556 = arith.constant 128 : i32
      %mul3A_557 = arith.muli %scan3A_25, %mul3A_556 : i32
      %add3A_558 = arith.constant 32 : i32
      %add3A_559 = arith.addi %mul3A_557, %add3A_558 : i32
      %swap3A_560 = arith.constant 4 : i32
      %swap3A_561 = arith.index_cast %swap3A_560 : i32 to index
      %swap3A_562 = arith.index_cast %add3A_559 : i32 to index
      %swap3A_563 = tpu.vector_load %arg6[%swap3A_561, %swap3A_562] {strides = array<i32>} : memref<32x512xi32, #tpu.memory_space<vmem>>, vector<1x16xi32>,
      %swap3A_564 = vector.shape_cast %swap3A_563 : vector<1x16xi32> to vector<16xi32>
      %swap3A_565 = vector.shape_cast %add3A_555 : vector<16xi32> to vector<1x16xi32>
      tpu.vector_store %arg6[%swap3A_561, %swap3A_562], %swap3A_565 {strides = array<i32>} : memref<32x512xi32, #tpu.memory_space<vmem>>, vector<1x16xi32>,
      %add3A_566 = arith.constant 640 : i32
      %add3A_567 = vector.broadcast %add3A_566 : i32 to vector<16xi32>
      %add3A_568 = arith.addi %add3A_500, %add3A_567 : vector<16xi32>
      %mul3A_569 = arith.constant 128 : i32
      %mul3A_570 = arith.muli %scan3A_25, %mul3A_569 : i32
      %add3A_571 = arith.constant 32 : i32
      %add3A_572 = arith.addi %mul3A_570, %add3A_571 : i32
      %swap3A_573 = arith.constant 5 : i32
      %swap3A_574 = arith.index_cast %swap3A_573 : i32 to index
      %swap3A_575 = arith.index_cast %add3A_572 : i32 to index
      %swap3A_576 = tpu.vector_load %arg6[%swap3A_574, %swap3A_575] {strides = array<i32>} : memref<32x512xi32, #tpu.memory_space<vmem>>, vector<1x16xi32>,
      %swap3A_577 = vector.shape_cast %swap3A_576 : vector<1x16xi32> to vector<16xi32>
      %swap3A_578 = vector.shape_cast %add3A_568 : vector<16xi32> to vector<1x16xi32>
      tpu.vector_store %arg6[%swap3A_574, %swap3A_575], %swap3A_578 {strides = array<i32>} : memref<32x512xi32, #tpu.memory_space<vmem>>, vector<1x16xi32>,
      %add3A_579 = arith.constant 768 : i32
      %add3A_580 = vector.broadcast %add3A_579 : i32 to vector<16xi32>
      %add3A_581 = arith.addi %add3A_500, %add3A_580 : vector<16xi32>
      %mul3A_582 = arith.constant 128 : i32
      %mul3A_583 = arith.muli %scan3A_25, %mul3A_582 : i32
      %add3A_584 = arith.constant 32 : i32
      %add3A_585 = arith.addi %mul3A_583, %add3A_584 : i32
      %swap3A_586 = arith.constant 6 : i32
      %swap3A_587 = arith.index_cast %swap3A_586 : i32 to index
      %swap3A_588 = arith.index_cast %add3A_585 : i32 to index
      %swap3A_589 = tpu.vector_load %arg6[%swap3A_587, %swap3A_588] {strides = array<i32>} : memref<32x512xi32, #tpu.memory_space<vmem>>, vector<1x16xi32>,
      %swap3A_590 = vector.shape_cast %swap3A_589 : vector<1x16xi32> to vector<16xi32>
      %swap3A_591 = vector.shape_cast %add3A_581 : vector<16xi32> to vector<1x16xi32>
      tpu.vector_store %arg6[%swap3A_587, %swap3A_588], %swap3A_591 {strides = array<i32>} : memref<32x512xi32, #tpu.memory_space<vmem>>, vector<1x16xi32>,
      %add3A_592 = arith.constant 896 : i32
      %add3A_593 = vector.broadcast %add3A_592 : i32 to vector<16xi32>
      %add3A_594 = arith.addi %add3A_500, %add3A_593 : vector<16xi32>
      %mul3A_595 = arith.constant 128 : i32
      %mul3A_596 = arith.muli %scan3A_25, %mul3A_595 : i32
      %add3A_597 = arith.constant 32 : i32
      %add3A_598 = arith.addi %mul3A_596, %add3A_597 : i32
      %swap3A_599 = arith.constant 7 : i32
      %swap3A_600 = arith.index_cast %swap3A_599 : i32 to index
      %swap3A_601 = arith.index_cast %add3A_598 : i32 to index
      %swap3A_602 = tpu.vector_load %arg6[%swap3A_600, %swap3A_601] {strides = array<i32>} : memref<32x512xi32, #tpu.memory_space<vmem>>, vector<1x16xi32>,
      %swap3A_603 = vector.shape_cast %swap3A_602 : vector<1x16xi32> to vector<16xi32>
      %swap3A_604 = vector.shape_cast %add3A_594 : vector<16xi32> to vector<1x16xi32>
      tpu.vector_store %arg6[%swap3A_600, %swap3A_601], %swap3A_604 {strides = array<i32>} : memref<32x512xi32, #tpu.memory_space<vmem>>, vector<1x16xi32>,
      %add3A_605 = arith.constant 16000000 : i32
      %add3A_606 = vector.broadcast %add3A_605 : i32 to vector<16xi32>
      %add3A_607 = arith.addi %add3A_500, %add3A_606 : vector<16xi32>
      %mul3A_608 = arith.constant 128 : i32
      %mul3A_609 = arith.muli %scan3A_25, %mul3A_608 : i32
      %add3A_610 = arith.constant 32 : i32
      %add3A_611 = arith.addi %mul3A_609, %add3A_610 : i32
      %swap3A_612 = arith.constant 8 : i32
      %swap3A_613 = arith.index_cast %swap3A_612 : i32 to index
      %swap3A_614 = arith.index_cast %add3A_611 : i32 to index
      %swap3A_615 = tpu.vector_load %arg6[%swap3A_613, %swap3A_614] {strides = array<i32>} : memref<32x512xi32, #tpu.memory_space<vmem>>, vector<1x16xi32>,
      %swap3A_616 = vector.shape_cast %swap3A_615 : vector<1x16xi32> to vector<16xi32>
      %swap3A_617 = vector.shape_cast %add3A_607 : vector<16xi32> to vector<1x16xi32>
      tpu.vector_store %arg6[%swap3A_613, %swap3A_614], %swap3A_617 {strides = array<i32>} : memref<32x512xi32, #tpu.memory_space<vmem>>, vector<1x16xi32>,
      %add3A_618 = arith.constant 16000128 : i32
      %add3A_619 = vector.broadcast %add3A_618 : i32 to vector<16xi32>
      %add3A_620 = arith.addi %add3A_500, %add3A_619 : vector<16xi32>
      %mul3A_621 = arith.constant 128 : i32
      %mul3A_622 = arith.muli %scan3A_25, %mul3A_621 : i32
      %add3A_623 = arith.constant 32 : i32
      %add3A_624 = arith.addi %mul3A_622, %add3A_623 : i32
      %swap3A_625 = arith.constant 9 : i32
      %swap3A_626 = arith.index_cast %swap3A_625 : i32 to index
      %swap3A_627 = arith.index_cast %add3A_624 : i32 to index
      %swap3A_628 = tpu.vector_load %arg6[%swap3A_626, %swap3A_627] {strides = array<i32>} : memref<32x512xi32, #tpu.memory_space<vmem>>, vector<1x16xi32>,
      %swap3A_629 = vector.shape_cast %swap3A_628 : vector<1x16xi32> to vector<16xi32>
      %swap3A_630 = vector.shape_cast %add3A_620 : vector<16xi32> to vector<1x16xi32>
      tpu.vector_store %arg6[%swap3A_626, %swap3A_627], %swap3A_630 {strides = array<i32>} : memref<32x512xi32, #tpu.memory_space<vmem>>, vector<1x16xi32>,
      %add3A_631 = arith.constant 16000256 : i32
      %add3A_632 = vector.broadcast %add3A_631 : i32 to vector<16xi32>
      %add3A_633 = arith.addi %add3A_500, %add3A_632 : vector<16xi32>
      %mul3A_634 = arith.constant 128 : i32
      %mul3A_635 = arith.muli %scan3A_25, %mul3A_634 : i32
      %add3A_636 = arith.constant 32 : i32
      %add3A_637 = arith.addi %mul3A_635, %add3A_636 : i32
      %swap3A_638 = arith.constant 10 : i32
      %swap3A_639 = arith.index_cast %swap3A_638 : i32 to index
      %swap3A_640 = arith.index_cast %add3A_637 : i32 to index
      %swap3A_641 = tpu.vector_load %arg6[%swap3A_639, %swap3A_640] {strides = array<i32>} : memref<32x512xi32, #tpu.memory_space<vmem>>, vector<1x16xi32>,
      %swap3A_642 = vector.shape_cast %swap3A_641 : vector<1x16xi32> to vector<16xi32>
      %swap3A_643 = vector.shape_cast %add3A_633 : vector<16xi32> to vector<1x16xi32>
      tpu.vector_store %arg6[%swap3A_639, %swap3A_640], %swap3A_643 {strides = array<i32>} : memref<32x512xi32, #tpu.memory_space<vmem>>, vector<1x16xi32>,
      %add3A_644 = arith.constant 16000384 : i32
      %add3A_645 = vector.broadcast %add3A_644 : i32 to vector<16xi32>
      %add3A_646 = arith.addi %add3A_500, %add3A_645 : vector<16xi32>
      %mul3A_647 = arith.constant 128 : i32
      %mul3A_648 = arith.muli %scan3A_25, %mul3A_647 : i32
      %add3A_649 = arith.constant 32 : i32
      %add3A_650 = arith.addi %mul3A_648, %add3A_649 : i32
      %swap3A_651 = arith.constant 11 : i32
      %swap3A_652 = arith.index_cast %swap3A_651 : i32 to index
      %swap3A_653 = arith.index_cast %add3A_650 : i32 to index
      %swap3A_654 = tpu.vector_load %arg6[%swap3A_652, %swap3A_653] {strides = array<i32>} : memref<32x512xi32, #tpu.memory_space<vmem>>, vector<1x16xi32>,
      %swap3A_655 = vector.shape_cast %swap3A_654 : vector<1x16xi32> to vector<16xi32>
      %swap3A_656 = vector.shape_cast %add3A_646 : vector<16xi32> to vector<1x16xi32>
      tpu.vector_store %arg6[%swap3A_652, %swap3A_653], %swap3A_656 {strides = array<i32>} : memref<32x512xi32, #tpu.memory_space<vmem>>, vector<1x16xi32>,
      %add3A_657 = arith.constant 16000512 : i32
      %add3A_658 = vector.broadcast %add3A_657 : i32 to vector<16xi32>
      %add3A_659 = arith.addi %add3A_500, %add3A_658 : vector<16xi32>
      %mul3A_660 = arith.constant 128 : i32
      %mul3A_661 = arith.muli %scan3A_25, %mul3A_660 : i32
      %add3A_662 = arith.constant 32 : i32
      %add3A_663 = arith.addi %mul3A_661, %add3A_662 : i32
      %swap3A_664 = arith.constant 12 : i32
      %swap3A_665 = arith.index_cast %swap3A_664 : i32 to index
      %swap3A_666 = arith.index_cast %add3A_663 : i32 to index
      %swap3A_667 = tpu.vector_load %arg6[%swap3A_665, %swap3A_666] {strides = array<i32>} : memref<32x512xi32, #tpu.memory_space<vmem>>, vector<1x16xi32>,
      %swap3A_668 = vector.shape_cast %swap3A_667 : vector<1x16xi32> to vector<16xi32>
      %swap3A_669 = vector.shape_cast %add3A_659 : vector<16xi32> to vector<1x16xi32>
      tpu.vector_store %arg6[%swap3A_665, %swap3A_666], %swap3A_669 {strides = array<i32>} : memref<32x512xi32, #tpu.memory_space<vmem>>, vector<1x16xi32>,
      %add3A_670 = arith.constant 16000640 : i32
      %add3A_671 = vector.broadcast %add3A_670 : i32 to vector<16xi32>
      %add3A_672 = arith.addi %add3A_500, %add3A_671 : vector<16xi32>
      %mul3A_673 = arith.constant 128 : i32
      %mul3A_674 = arith.muli %scan3A_25, %mul3A_673 : i32
      %add3A_675 = arith.constant 32 : i32
      %add3A_676 = arith.addi %mul3A_674, %add3A_675 : i32
      %swap3A_677 = arith.constant 13 : i32
      %swap3A_678 = arith.index_cast %swap3A_677 : i32 to index
      %swap3A_679 = arith.index_cast %add3A_676 : i32 to index
      %swap3A_680 = tpu.vector_load %arg6[%swap3A_678, %swap3A_679] {strides = array<i32>} : memref<32x512xi32, #tpu.memory_space<vmem>>, vector<1x16xi32>,
      %swap3A_681 = vector.shape_cast %swap3A_680 : vector<1x16xi32> to vector<16xi32>
      %swap3A_682 = vector.shape_cast %add3A_672 : vector<16xi32> to vector<1x16xi32>
      tpu.vector_store %arg6[%swap3A_678, %swap3A_679], %swap3A_682 {strides = array<i32>} : memref<32x512xi32, #tpu.memory_space<vmem>>, vector<1x16xi32>,
      %add3A_683 = arith.constant 16000768 : i32
      %add3A_684 = vector.broadcast %add3A_683 : i32 to vector<16xi32>
      %add3A_685 = arith.addi %add3A_500, %add3A_684 : vector<16xi32>
      %mul3A_686 = arith.constant 128 : i32
      %mul3A_687 = arith.muli %scan3A_25, %mul3A_686 : i32
      %add3A_688 = arith.constant 32 : i32
      %add3A_689 = arith.addi %mul3A_687, %add3A_688 : i32
      %swap3A_690 = arith.constant 14 : i32
      %swap3A_691 = arith.index_cast %swap3A_690 : i32 to index
      %swap3A_692 = arith.index_cast %add3A_689 : i32 to index
      %swap3A_693 = tpu.vector_load %arg6[%swap3A_691, %swap3A_692] {strides = array<i32>} : memref<32x512xi32, #tpu.memory_space<vmem>>, vector<1x16xi32>,
      %swap3A_694 = vector.shape_cast %swap3A_693 : vector<1x16xi32> to vector<16xi32>
      %swap3A_695 = vector.shape_cast %add3A_685 : vector<16xi32> to vector<1x16xi32>
      tpu.vector_store %arg6[%swap3A_691, %swap3A_692], %swap3A_695 {strides = array<i32>} : memref<32x512xi32, #tpu.memory_space<vmem>>, vector<1x16xi32>,
      %add3A_696 = arith.constant 16000896 : i32
      %add3A_697 = vector.broadcast %add3A_696 : i32 to vector<16xi32>
      %add3A_698 = arith.addi %add3A_500, %add3A_697 : vector<16xi32>
      %mul3A_699 = arith.constant 128 : i32
      %mul3A_700 = arith.muli %scan3A_25, %mul3A_699 : i32
      %add3A_701 = arith.constant 32 : i32
      %add3A_702 = arith.addi %mul3A_700, %add3A_701 : i32
      %swap3A_703 = arith.constant 15 : i32
      %swap3A_704 = arith.index_cast %swap3A_703 : i32 to index
      %swap3A_705 = arith.index_cast %add3A_702 : i32 to index
      %swap3A_706 = tpu.vector_load %arg6[%swap3A_704, %swap3A_705] {strides = array<i32>} : memref<32x512xi32, #tpu.memory_space<vmem>>, vector<1x16xi32>,
      %swap3A_707 = vector.shape_cast %swap3A_706 : vector<1x16xi32> to vector<16xi32>
      %swap3A_708 = vector.shape_cast %add3A_698 : vector<16xi32> to vector<1x16xi32>
      tpu.vector_store %arg6[%swap3A_704, %swap3A_705], %swap3A_708 {strides = array<i32>} : memref<32x512xi32, #tpu.memory_space<vmem>>, vector<1x16xi32>,
      %mul3A_709 = arith.constant 2 : i32
      %mul3A_710 = arith.muli %mul3A_709, %scan3A_25 : i32
      %add3A_711 = arith.constant 0 : i32
      %add3A_712 = arith.addi %mul3A_710, %add3A_711 : i32
      %get3A_713 = arith.index_cast %add3A_712 : i32 to index
      %get3A_714 = arith.constant 48 : index
      %get3A_715 = tpu.vector_load %arg5[%get3A_713, %get3A_714] {strides = array<i32>} : memref<8x128xi32, #tpu.memory_space<vmem>>, vector<1x16xi32>,
      %get3A_716 = vector.shape_cast %get3A_715 : vector<1x16xi32> to vector<16xi32>
      %add3A_717 = arith.constant 0 : i32
      %add3A_718 = vector.broadcast %add3A_717 : i32 to vector<16xi32>
      %add3A_719 = arith.addi %get3A_716, %add3A_718 : vector<16xi32>
      %shift_right_logical3A_720 = arith.constant 7 : i32
      %shift_right_logical3A_721 = vector.broadcast %shift_right_logical3A_720 : i32 to vector<16xi32>
      %shift_right_logical3A_722 = arith.shrui %add3A_719, %shift_right_logical3A_721 : vector<16xi32>
      %mul3A_723 = arith.constant 1024 : i32
      %mul3A_724 = vector.broadcast %mul3A_723 : i32 to vector<16xi32>
      %mul3A_725 = arith.muli %shift_right_logical3A_722, %mul3A_724 : vector<16xi32>
      %and3A_726 = arith.constant 127 : i32
      %and3A_727 = vector.broadcast %and3A_726 : i32 to vector<16xi32>
      %and3A_728 = arith.andi %add3A_719, %and3A_727 : vector<16xi32>
      %add3A_729 = arith.addi %mul3A_725, %and3A_728 : vector<16xi32>
      %add3A_730 = arith.constant 0 : i32
      %add3A_731 = vector.broadcast %add3A_730 : i32 to vector<16xi32>
      %add3A_732 = arith.addi %add3A_729, %add3A_731 : vector<16xi32>
      %mul3A_733 = arith.constant 128 : i32
      %mul3A_734 = arith.muli %scan3A_25, %mul3A_733 : i32
      %add3A_735 = arith.constant 48 : i32
      %add3A_736 = arith.addi %mul3A_734, %add3A_735 : i32
      %swap3A_737 = arith.constant 0 : i32
      %swap3A_738 = arith.index_cast %swap3A_737 : i32 to index
      %swap3A_739 = arith.index_cast %add3A_736 : i32 to index
      %swap3A_740 = tpu.vector_load %arg6[%swap3A_738, %swap3A_739] {strides = array<i32>} : memref<32x512xi32, #tpu.memory_space<vmem>>, vector<1x16xi32>,
      %swap3A_741 = vector.shape_cast %swap3A_740 : vector<1x16xi32> to vector<16xi32>
      %swap3A_742 = vector.shape_cast %add3A_732 : vector<16xi32> to vector<1x16xi32>
      tpu.vector_store %arg6[%swap3A_738, %swap3A_739], %swap3A_742 {strides = array<i32>} : memref<32x512xi32, #tpu.memory_space<vmem>>, vector<1x16xi32>,
      %add3A_743 = arith.constant 128 : i32
      %add3A_744 = vector.broadcast %add3A_743 : i32 to vector<16xi32>
      %add3A_745 = arith.addi %add3A_729, %add3A_744 : vector<16xi32>
      %mul3A_746 = arith.constant 128 : i32
      %mul3A_747 = arith.muli %scan3A_25, %mul3A_746 : i32
      %add3A_748 = arith.constant 48 : i32
      %add3A_749 = arith.addi %mul3A_747, %add3A_748 : i32
      %swap3A_750 = arith.constant 1 : i32
      %swap3A_751 = arith.index_cast %swap3A_750 : i32 to index
      %swap3A_752 = arith.index_cast %add3A_749 : i32 to index
      %swap3A_753 = tpu.vector_load %arg6[%swap3A_751, %swap3A_752] {strides = array<i32>} : memref<32x512xi32, #tpu.memory_space<vmem>>, vector<1x16xi32>,
      %swap3A_754 = vector.shape_cast %swap3A_753 : vector<1x16xi32> to vector<16xi32>
      %swap3A_755 = vector.shape_cast %add3A_745 : vector<16xi32> to vector<1x16xi32>
      tpu.vector_store %arg6[%swap3A_751, %swap3A_752], %swap3A_755 {strides = array<i32>} : memref<32x512xi32, #tpu.memory_space<vmem>>, vector<1x16xi32>,
      %add3A_756 = arith.constant 256 : i32
      %add3A_757 = vector.broadcast %add3A_756 : i32 to vector<16xi32>
      %add3A_758 = arith.addi %add3A_729, %add3A_757 : vector<16xi32>
      %mul3A_759 = arith.constant 128 : i32
      %mul3A_760 = arith.muli %scan3A_25, %mul3A_759 : i32
      %add3A_761 = arith.constant 48 : i32
      %add3A_762 = arith.addi %mul3A_760, %add3A_761 : i32
      %swap3A_763 = arith.constant 2 : i32
      %swap3A_764 = arith.index_cast %swap3A_763 : i32 to index
      %swap3A_765 = arith.index_cast %add3A_762 : i32 to index
      %swap3A_766 = tpu.vector_load %arg6[%swap3A_764, %swap3A_765] {strides = array<i32>} : memref<32x512xi32, #tpu.memory_space<vmem>>, vector<1x16xi32>,
      %swap3A_767 = vector.shape_cast %swap3A_766 : vector<1x16xi32> to vector<16xi32>
      %swap3A_768 = vector.shape_cast %add3A_758 : vector<16xi32> to vector<1x16xi32>
      tpu.vector_store %arg6[%swap3A_764, %swap3A_765], %swap3A_768 {strides = array<i32>} : memref<32x512xi32, #tpu.memory_space<vmem>>, vector<1x16xi32>,
      %add3A_769 = arith.constant 384 : i32
      %add3A_770 = vector.broadcast %add3A_769 : i32 to vector<16xi32>
      %add3A_771 = arith.addi %add3A_729, %add3A_770 : vector<16xi32>
      %mul3A_772 = arith.constant 128 : i32
      %mul3A_773 = arith.muli %scan3A_25, %mul3A_772 : i32
      %add3A_774 = arith.constant 48 : i32
      %add3A_775 = arith.addi %mul3A_773, %add3A_774 : i32
      %swap3A_776 = arith.constant 3 : i32
      %swap3A_777 = arith.index_cast %swap3A_776 : i32 to index
      %swap3A_778 = arith.index_cast %add3A_775 : i32 to index
      %swap3A_779 = tpu.vector_load %arg6[%swap3A_777, %swap3A_778] {strides = array<i32>} : memref<32x512xi32, #tpu.memory_space<vmem>>, vector<1x16xi32>,
      %swap3A_780 = vector.shape_cast %swap3A_779 : vector<1x16xi32> to vector<16xi32>
      %swap3A_781 = vector.shape_cast %add3A_771 : vector<16xi32> to vector<1x16xi32>
      tpu.vector_store %arg6[%swap3A_777, %swap3A_778], %swap3A_781 {strides = array<i32>} : memref<32x512xi32, #tpu.memory_space<vmem>>, vector<1x16xi32>,
      %add3A_782 = arith.constant 512 : i32
      %add3A_783 = vector.broadcast %add3A_782 : i32 to vector<16xi32>
      %add3A_784 = arith.addi %add3A_729, %add3A_783 : vector<16xi32>
      %mul3A_785 = arith.constant 128 : i32
      %mul3A_786 = arith.muli %scan3A_25, %mul3A_785 : i32
      %add3A_787 = arith.constant 48 : i32
      %add3A_788 = arith.addi %mul3A_786, %add3A_787 : i32
      %swap3A_789 = arith.constant 4 : i32
      %swap3A_790 = arith.index_cast %swap3A_789 : i32 to index
      %swap3A_791 = arith.index_cast %add3A_788 : i32 to index
      %swap3A_792 = tpu.vector_load %arg6[%swap3A_790, %swap3A_791] {strides = array<i32>} : memref<32x512xi32, #tpu.memory_space<vmem>>, vector<1x16xi32>,
      %swap3A_793 = vector.shape_cast %swap3A_792 : vector<1x16xi32> to vector<16xi32>
      %swap3A_794 = vector.shape_cast %add3A_784 : vector<16xi32> to vector<1x16xi32>
      tpu.vector_store %arg6[%swap3A_790, %swap3A_791], %swap3A_794 {strides = array<i32>} : memref<32x512xi32, #tpu.memory_space<vmem>>, vector<1x16xi32>,
      %add3A_795 = arith.constant 640 : i32
      %add3A_796 = vector.broadcast %add3A_795 : i32 to vector<16xi32>
      %add3A_797 = arith.addi %add3A_729, %add3A_796 : vector<16xi32>
      %mul3A_798 = arith.constant 128 : i32
      %mul3A_799 = arith.muli %scan3A_25, %mul3A_798 : i32
      %add3A_800 = arith.constant 48 : i32
      %add3A_801 = arith.addi %mul3A_799, %add3A_800 : i32
      %swap3A_802 = arith.constant 5 : i32
      %swap3A_803 = arith.index_cast %swap3A_802 : i32 to index
      %swap3A_804 = arith.index_cast %add3A_801 : i32 to index
      %swap3A_805 = tpu.vector_load %arg6[%swap3A_803, %swap3A_804] {strides = array<i32>} : memref<32x512xi32, #tpu.memory_space<vmem>>, vector<1x16xi32>,
      %swap3A_806 = vector.shape_cast %swap3A_805 : vector<1x16xi32> to vector<16xi32>
      %swap3A_807 = vector.shape_cast %add3A_797 : vector<16xi32> to vector<1x16xi32>
      tpu.vector_store %arg6[%swap3A_803, %swap3A_804], %swap3A_807 {strides = array<i32>} : memref<32x512xi32, #tpu.memory_space<vmem>>, vector<1x16xi32>,
      %add3A_808 = arith.constant 768 : i32
      %add3A_809 = vector.broadcast %add3A_808 : i32 to vector<16xi32>
      %add3A_810 = arith.addi %add3A_729, %add3A_809 : vector<16xi32>
      %mul3A_811 = arith.constant 128 : i32
      %mul3A_812 = arith.muli %scan3A_25, %mul3A_811 : i32
      %add3A_813 = arith.constant 48 : i32
      %add3A_814 = arith.addi %mul3A_812, %add3A_813 : i32
      %swap3A_815 = arith.constant 6 : i32
      %swap3A_816 = arith.index_cast %swap3A_815 : i32 to index
      %swap3A_817 = arith.index_cast %add3A_814 : i32 to index
      %swap3A_818 = tpu.vector_load %arg6[%swap3A_816, %swap3A_817] {strides = array<i32>} : memref<32x512xi32, #tpu.memory_space<vmem>>, vector<1x16xi32>,
      %swap3A_819 = vector.shape_cast %swap3A_818 : vector<1x16xi32> to vector<16xi32>
      %swap3A_820 = vector.shape_cast %add3A_810 : vector<16xi32> to vector<1x16xi32>
      tpu.vector_store %arg6[%swap3A_816, %swap3A_817], %swap3A_820 {strides = array<i32>} : memref<32x512xi32, #tpu.memory_space<vmem>>, vector<1x16xi32>,
      %add3A_821 = arith.constant 896 : i32
      %add3A_822 = vector.broadcast %add3A_821 : i32 to vector<16xi32>
      %add3A_823 = arith.addi %add3A_729, %add3A_822 : vector<16xi32>
      %mul3A_824 = arith.constant 128 : i32
      %mul3A_825 = arith.muli %scan3A_25, %mul3A_824 : i32
      %add3A_826 = arith.constant 48 : i32
      %add3A_827 = arith.addi %mul3A_825, %add3A_826 : i32
      %swap3A_828 = arith.constant 7 : i32
      %swap3A_829 = arith.index_cast %swap3A_828 : i32 to index
      %swap3A_830 = arith.index_cast %add3A_827 : i32 to index
      %swap3A_831 = tpu.vector_load %arg6[%swap3A_829, %swap3A_830] {strides = array<i32>} : memref<32x512xi32, #tpu.memory_space<vmem>>, vector<1x16xi32>,
      %swap3A_832 = vector.shape_cast %swap3A_831 : vector<1x16xi32> to vector<16xi32>
      %swap3A_833 = vector.shape_cast %add3A_823 : vector<16xi32> to vector<1x16xi32>
      tpu.vector_store %arg6[%swap3A_829, %swap3A_830], %swap3A_833 {strides = array<i32>} : memref<32x512xi32, #tpu.memory_space<vmem>>, vector<1x16xi32>,
      %add3A_834 = arith.constant 16000000 : i32
      %add3A_835 = vector.broadcast %add3A_834 : i32 to vector<16xi32>
      %add3A_836 = arith.addi %add3A_729, %add3A_835 : vector<16xi32>
      %mul3A_837 = arith.constant 128 : i32
      %mul3A_838 = arith.muli %scan3A_25, %mul3A_837 : i32
      %add3A_839 = arith.constant 48 : i32
      %add3A_840 = arith.addi %mul3A_838, %add3A_839 : i32
      %swap3A_841 = arith.constant 8 : i32
      %swap3A_842 = arith.index_cast %swap3A_841 : i32 to index
      %swap3A_843 = arith.index_cast %add3A_840 : i32 to index
      %swap3A_844 = tpu.vector_load %arg6[%swap3A_842, %swap3A_843] {strides = array<i32>} : memref<32x512xi32, #tpu.memory_space<vmem>>, vector<1x16xi32>,
      %swap3A_845 = vector.shape_cast %swap3A_844 : vector<1x16xi32> to vector<16xi32>
      %swap3A_846 = vector.shape_cast %add3A_836 : vector<16xi32> to vector<1x16xi32>
      tpu.vector_store %arg6[%swap3A_842, %swap3A_843], %swap3A_846 {strides = array<i32>} : memref<32x512xi32, #tpu.memory_space<vmem>>, vector<1x16xi32>,
      %add3A_847 = arith.constant 16000128 : i32
      %add3A_848 = vector.broadcast %add3A_847 : i32 to vector<16xi32>
      %add3A_849 = arith.addi %add3A_729, %add3A_848 : vector<16xi32>
      %mul3A_850 = arith.constant 128 : i32
      %mul3A_851 = arith.muli %scan3A_25, %mul3A_850 : i32
      %add3A_852 = arith.constant 48 : i32
      %add3A_853 = arith.addi %mul3A_851, %add3A_852 : i32
      %swap3A_854 = arith.constant 9 : i32
      %swap3A_855 = arith.index_cast %swap3A_854 : i32 to index
      %swap3A_856 = arith.index_cast %add3A_853 : i32 to index
      %swap3A_857 = tpu.vector_load %arg6[%swap3A_855, %swap3A_856] {strides = array<i32>} : memref<32x512xi32, #tpu.memory_space<vmem>>, vector<1x16xi32>,
      %swap3A_858 = vector.shape_cast %swap3A_857 : vector<1x16xi32> to vector<16xi32>
      %swap3A_859 = vector.shape_cast %add3A_849 : vector<16xi32> to vector<1x16xi32>
      tpu.vector_store %arg6[%swap3A_855, %swap3A_856], %swap3A_859 {strides = array<i32>} : memref<32x512xi32, #tpu.memory_space<vmem>>, vector<1x16xi32>,
      %add3A_860 = arith.constant 16000256 : i32
      %add3A_861 = vector.broadcast %add3A_860 : i32 to vector<16xi32>
      %add3A_862 = arith.addi %add3A_729, %add3A_861 : vector<16xi32>
      %mul3A_863 = arith.constant 128 : i32
      %mul3A_864 = arith.muli %scan3A_25, %mul3A_863 : i32
      %add3A_865 = arith.constant 48 : i32
      %add3A_866 = arith.addi %mul3A_864, %add3A_865 : i32
      %swap3A_867 = arith.constant 10 : i32
      %swap3A_868 = arith.index_cast %swap3A_867 : i32 to index
      %swap3A_869 = arith.index_cast %add3A_866 : i32 to index
      %swap3A_870 = tpu.vector_load %arg6[%swap3A_868, %swap3A_869] {strides = array<i32>} : memref<32x512xi32, #tpu.memory_space<vmem>>, vector<1x16xi32>,
      %swap3A_871 = vector.shape_cast %swap3A_870 : vector<1x16xi32> to vector<16xi32>
      %swap3A_872 = vector.shape_cast %add3A_862 : vector<16xi32> to vector<1x16xi32>
      tpu.vector_store %arg6[%swap3A_868, %swap3A_869], %swap3A_872 {strides = array<i32>} : memref<32x512xi32, #tpu.memory_space<vmem>>, vector<1x16xi32>,
      %add3A_873 = arith.constant 16000384 : i32
      %add3A_874 = vector.broadcast %add3A_873 : i32 to vector<16xi32>
      %add3A_875 = arith.addi %add3A_729, %add3A_874 : vector<16xi32>
      %mul3A_876 = arith.constant 128 : i32
      %mul3A_877 = arith.muli %scan3A_25, %mul3A_876 : i32
      %add3A_878 = arith.constant 48 : i32
      %add3A_879 = arith.addi %mul3A_877, %add3A_878 : i32
      %swap3A_880 = arith.constant 11 : i32
      %swap3A_881 = arith.index_cast %swap3A_880 : i32 to index
      %swap3A_882 = arith.index_cast %add3A_879 : i32 to index
      %swap3A_883 = tpu.vector_load %arg6[%swap3A_881, %swap3A_882] {strides = array<i32>} : memref<32x512xi32, #tpu.memory_space<vmem>>, vector<1x16xi32>,
      %swap3A_884 = vector.shape_cast %swap3A_883 : vector<1x16xi32> to vector<16xi32>
      %swap3A_885 = vector.shape_cast %add3A_875 : vector<16xi32> to vector<1x16xi32>
      tpu.vector_store %arg6[%swap3A_881, %swap3A_882], %swap3A_885 {strides = array<i32>} : memref<32x512xi32, #tpu.memory_space<vmem>>, vector<1x16xi32>,
      %add3A_886 = arith.constant 16000512 : i32
      %add3A_887 = vector.broadcast %add3A_886 : i32 to vector<16xi32>
      %add3A_888 = arith.addi %add3A_729, %add3A_887 : vector<16xi32>
      %mul3A_889 = arith.constant 128 : i32
      %mul3A_890 = arith.muli %scan3A_25, %mul3A_889 : i32
      %add3A_891 = arith.constant 48 : i32
      %add3A_892 = arith.addi %mul3A_890, %add3A_891 : i32
      %swap3A_893 = arith.constant 12 : i32
      %swap3A_894 = arith.index_cast %swap3A_893 : i32 to index
      %swap3A_895 = arith.index_cast %add3A_892 : i32 to index
      %swap3A_896 = tpu.vector_load %arg6[%swap3A_894, %swap3A_895] {strides = array<i32>} : memref<32x512xi32, #tpu.memory_space<vmem>>, vector<1x16xi32>,
      %swap3A_897 = vector.shape_cast %swap3A_896 : vector<1x16xi32> to vector<16xi32>
      %swap3A_898 = vector.shape_cast %add3A_888 : vector<16xi32> to vector<1x16xi32>
      tpu.vector_store %arg6[%swap3A_894, %swap3A_895], %swap3A_898 {strides = array<i32>} : memref<32x512xi32, #tpu.memory_space<vmem>>, vector<1x16xi32>,
      %add3A_899 = arith.constant 16000640 : i32
      %add3A_900 = vector.broadcast %add3A_899 : i32 to vector<16xi32>
      %add3A_901 = arith.addi %add3A_729, %add3A_900 : vector<16xi32>
      %mul3A_902 = arith.constant 128 : i32
      %mul3A_903 = arith.muli %scan3A_25, %mul3A_902 : i32
      %add3A_904 = arith.constant 48 : i32
      %add3A_905 = arith.addi %mul3A_903, %add3A_904 : i32
      %swap3A_906 = arith.constant 13 : i32
      %swap3A_907 = arith.index_cast %swap3A_906 : i32 to index
      %swap3A_908 = arith.index_cast %add3A_905 : i32 to index
      %swap3A_909 = tpu.vector_load %arg6[%swap3A_907, %swap3A_908] {strides = array<i32>} : memref<32x512xi32, #tpu.memory_space<vmem>>, vector<1x16xi32>,
      %swap3A_910 = vector.shape_cast %swap3A_909 : vector<1x16xi32> to vector<16xi32>
      %swap3A_911 = vector.shape_cast %add3A_901 : vector<16xi32> to vector<1x16xi32>
      tpu.vector_store %arg6[%swap3A_907, %swap3A_908], %swap3A_911 {strides = array<i32>} : memref<32x512xi32, #tpu.memory_space<vmem>>, vector<1x16xi32>,
      %add3A_912 = arith.constant 16000768 : i32
      %add3A_913 = vector.broadcast %add3A_912 : i32 to vector<16xi32>
      %add3A_914 = arith.addi %add3A_729, %add3A_913 : vector<16xi32>
      %mul3A_915 = arith.constant 128 : i32
      %mul3A_916 = arith.muli %scan3A_25, %mul3A_915 : i32
      %add3A_917 = arith.constant 48 : i32
      %add3A_918 = arith.addi %mul3A_916, %add3A_917 : i32
      %swap3A_919 = arith.constant 14 : i32
      %swap3A_920 = arith.index_cast %swap3A_919 : i32 to index
      %swap3A_921 = arith.index_cast %add3A_918 : i32 to index
      %swap3A_922 = tpu.vector_load %arg6[%swap3A_920, %swap3A_921] {strides = array<i32>} : memref<32x512xi32, #tpu.memory_space<vmem>>, vector<1x16xi32>,
      %swap3A_923 = vector.shape_cast %swap3A_922 : vector<1x16xi32> to vector<16xi32>
      %swap3A_924 = vector.shape_cast %add3A_914 : vector<16xi32> to vector<1x16xi32>
      tpu.vector_store %arg6[%swap3A_920, %swap3A_921], %swap3A_924 {strides = array<i32>} : memref<32x512xi32, #tpu.memory_space<vmem>>, vector<1x16xi32>,
      %add3A_925 = arith.constant 16000896 : i32
      %add3A_926 = vector.broadcast %add3A_925 : i32 to vector<16xi32>
      %add3A_927 = arith.addi %add3A_729, %add3A_926 : vector<16xi32>
      %mul3A_928 = arith.constant 128 : i32
      %mul3A_929 = arith.muli %scan3A_25, %mul3A_928 : i32
      %add3A_930 = arith.constant 48 : i32
      %add3A_931 = arith.addi %mul3A_929, %add3A_930 : i32
      %swap3A_932 = arith.constant 15 : i32
      %swap3A_933 = arith.index_cast %swap3A_932 : i32 to index
      %swap3A_934 = arith.index_cast %add3A_931 : i32 to index
      %swap3A_935 = tpu.vector_load %arg6[%swap3A_933, %swap3A_934] {strides = array<i32>} : memref<32x512xi32, #tpu.memory_space<vmem>>, vector<1x16xi32>,
      %swap3A_936 = vector.shape_cast %swap3A_935 : vector<1x16xi32> to vector<16xi32>
      %swap3A_937 = vector.shape_cast %add3A_927 : vector<16xi32> to vector<1x16xi32>
      tpu.vector_store %arg6[%swap3A_933, %swap3A_934], %swap3A_937 {strides = array<i32>} : memref<32x512xi32, #tpu.memory_space<vmem>>, vector<1x16xi32>,
      %mul3A_938 = arith.constant 2 : i32
      %mul3A_939 = arith.muli %mul3A_938, %scan3A_25 : i32
      %add3A_940 = arith.constant 0 : i32
      %add3A_941 = arith.addi %mul3A_939, %add3A_940 : i32
      %get3A_942 = arith.index_cast %add3A_941 : i32 to index
      %get3A_943 = arith.constant 64 : index
      %get3A_944 = tpu.vector_load %arg5[%get3A_942, %get3A_943] {strides = array<i32>} : memref<8x128xi32, #tpu.memory_space<vmem>>, vector<1x16xi32>,
      %get3A_945 = vector.shape_cast %get3A_944 : vector<1x16xi32> to vector<16xi32>
      %add3A_946 = arith.constant 0 : i32
      %add3A_947 = vector.broadcast %add3A_946 : i32 to vector<16xi32>
      %add3A_948 = arith.addi %get3A_945, %add3A_947 : vector<16xi32>
      %shift_right_logical3A_949 = arith.constant 7 : i32
      %shift_right_logical3A_950 = vector.broadcast %shift_right_logical3A_949 : i32 to vector<16xi32>
      %shift_right_logical3A_951 = arith.shrui %add3A_948, %shift_right_logical3A_950 : vector<16xi32>
      %mul3A_952 = arith.constant 1024 : i32
      %mul3A_953 = vector.broadcast %mul3A_952 : i32 to vector<16xi32>
      %mul3A_954 = arith.muli %shift_right_logical3A_951, %mul3A_953 : vector<16xi32>
      %and3A_955 = arith.constant 127 : i32
      %and3A_956 = vector.broadcast %and3A_955 : i32 to vector<16xi32>
      %and3A_957 = arith.andi %add3A_948, %and3A_956 : vector<16xi32>
      %add3A_958 = arith.addi %mul3A_954, %and3A_957 : vector<16xi32>
      %add3A_959 = arith.constant 0 : i32
      %add3A_960 = vector.broadcast %add3A_959 : i32 to vector<16xi32>
      %add3A_961 = arith.addi %add3A_958, %add3A_960 : vector<16xi32>
      %mul3A_962 = arith.constant 128 : i32
      %mul3A_963 = arith.muli %scan3A_25, %mul3A_962 : i32
      %add3A_964 = arith.constant 64 : i32
      %add3A_965 = arith.addi %mul3A_963, %add3A_964 : i32
      %swap3A_966 = arith.constant 0 : i32
      %swap3A_967 = arith.index_cast %swap3A_966 : i32 to index
      %swap3A_968 = arith.index_cast %add3A_965 : i32 to index
      %swap3A_969 = tpu.vector_load %arg6[%swap3A_967, %swap3A_968] {strides = array<i32>} : memref<32x512xi32, #tpu.memory_space<vmem>>, vector<1x16xi32>,
      %swap3A_970 = vector.shape_cast %swap3A_969 : vector<1x16xi32> to vector<16xi32>
      %swap3A_971 = vector.shape_cast %add3A_961 : vector<16xi32> to vector<1x16xi32>
      tpu.vector_store %arg6[%swap3A_967, %swap3A_968], %swap3A_971 {strides = array<i32>} : memref<32x512xi32, #tpu.memory_space<vmem>>, vector<1x16xi32>,
      %add3A_972 = arith.constant 128 : i32
      %add3A_973 = vector.broadcast %add3A_972 : i32 to vector<16xi32>
      %add3A_974 = arith.addi %add3A_958, %add3A_973 : vector<16xi32>
      %mul3A_975 = arith.constant 128 : i32
      %mul3A_976 = arith.muli %scan3A_25, %mul3A_975 : i32
      %add3A_977 = arith.constant 64 : i32
      %add3A_978 = arith.addi %mul3A_976, %add3A_977 : i32
      %swap3A_979 = arith.constant 1 : i32
      %swap3A_980 = arith.index_cast %swap3A_979 : i32 to index
      %swap3A_981 = arith.index_cast %add3A_978 : i32 to index
      %swap3A_982 = tpu.vector_load %arg6[%swap3A_980, %swap3A_981] {strides = array<i32>} : memref<32x512xi32, #tpu.memory_space<vmem>>, vector<1x16xi32>,
      %swap3A_983 = vector.shape_cast %swap3A_982 : vector<1x16xi32> to vector<16xi32>
      %swap3A_984 = vector.shape_cast %add3A_974 : vector<16xi32> to vector<1x16xi32>
      tpu.vector_store %arg6[%swap3A_980, %swap3A_981], %swap3A_984 {strides = array<i32>} : memref<32x512xi32, #tpu.memory_space<vmem>>, vector<1x16xi32>,
      %add3A_985 = arith.constant 256 : i32
      %add3A_986 = vector.broadcast %add3A_985 : i32 to vector<16xi32>
      %add3A_987 = arith.addi %add3A_958, %add3A_986 : vector<16xi32>
      %mul3A_988 = arith.constant 128 : i32
      %mul3A_989 = arith.muli %scan3A_25, %mul3A_988 : i32
      %add3A_990 = arith.constant 64 : i32
      %add3A_991 = arith.addi %mul3A_989, %add3A_990 : i32
      %swap3A_992 = arith.constant 2 : i32
      %swap3A_993 = arith.index_cast %swap3A_992 : i32 to index
      %swap3A_994 = arith.index_cast %add3A_991 : i32 to index
      %swap3A_995 = tpu.vector_load %arg6[%swap3A_993, %swap3A_994] {strides = array<i32>} : memref<32x512xi32, #tpu.memory_space<vmem>>, vector<1x16xi32>,
      %swap3A_996 = vector.shape_cast %swap3A_995 : vector<1x16xi32> to vector<16xi32>
      %swap3A_997 = vector.shape_cast %add3A_987 : vector<16xi32> to vector<1x16xi32>
      tpu.vector_store %arg6[%swap3A_993, %swap3A_994], %swap3A_997 {strides = array<i32>} : memref<32x512xi32, #tpu.memory_space<vmem>>, vector<1x16xi32>,
      %add3A_998 = arith.constant 384 : i32
      %add3A_999 = vector.broadcast %add3A_998 : i32 to vector<16xi32>
      %add3A_1000 = arith.addi %add3A_958, %add3A_999 : vector<16xi32>
      %mul3A_1001 = arith.constant 128 : i32
      %mul3A_1002 = arith.muli %scan3A_25, %mul3A_1001 : i32
      %add3A_1003 = arith.constant 64 : i32
      %add3A_1004 = arith.addi %mul3A_1002, %add3A_1003 : i32
      %swap3A_1005 = arith.constant 3 : i32
      %swap3A_1006 = arith.index_cast %swap3A_1005 : i32 to index
      %swap3A_1007 = arith.index_cast %add3A_1004 : i32 to index
      %swap3A_1008 = tpu.vector_load %arg6[%swap3A_1006, %swap3A_1007] {strides = array<i32>} : memref<32x512xi32, #tpu.memory_space<vmem>>, vector<1x16xi32>,
      %swap3A_1009 = vector.shape_cast %swap3A_1008 : vector<1x16xi32> to vector<16xi32>
      %swap3A_1010 = vector.shape_cast %add3A_1000 : vector<16xi32> to vector<1x16xi32>
      tpu.vector_store %arg6[%swap3A_1006, %swap3A_1007], %swap3A_1010 {strides = array<i32>} : memref<32x512xi32, #tpu.memory_space<vmem>>, vector<1x16xi32>,
      %add3A_1011 = arith.constant 512 : i32
      %add3A_1012 = vector.broadcast %add3A_1011 : i32 to vector<16xi32>
      %add3A_1013 = arith.addi %add3A_958, %add3A_1012 : vector<16xi32>
      %mul3A_1014 = arith.constant 128 : i32
      %mul3A_1015 = arith.muli %scan3A_25, %mul3A_1014 : i32
      %add3A_1016 = arith.constant 64 : i32
      %add3A_1017 = arith.addi %mul3A_1015, %add3A_1016 : i32
      %swap3A_1018 = arith.constant 4 : i32
      %swap3A_1019 = arith.index_cast %swap3A_1018 : i32 to index
      %swap3A_1020 = arith.index_cast %add3A_1017 : i32 to index
      %swap3A_1021 = tpu.vector_load %arg6[%swap3A_1019, %swap3A_1020] {strides = array<i32>} : memref<32x512xi32, #tpu.memory_space<vmem>>, vector<1x16xi32>,
      %swap3A_1022 = vector.shape_cast %swap3A_1021 : vector<1x16xi32> to vector<16xi32>
      %swap3A_1023 = vector.shape_cast %add3A_1013 : vector<16xi32> to vector<1x16xi32>
      tpu.vector_store %arg6[%swap3A_1019, %swap3A_1020], %swap3A_1023 {strides = array<i32>} : memref<32x512xi32, #tpu.memory_space<vmem>>, vector<1x16xi32>,
      %add3A_1024 = arith.constant 640 : i32
      %add3A_1025 = vector.broadcast %add3A_1024 : i32 to vector<16xi32>
      %add3A_1026 = arith.addi %add3A_958, %add3A_1025 : vector<16xi32>
      %mul3A_1027 = arith.constant 128 : i32
      %mul3A_1028 = arith.muli %scan3A_25, %mul3A_1027 : i32
      %add3A_1029 = arith.constant 64 : i32
      %add3A_1030 = arith.addi %mul3A_1028, %add3A_1029 : i32
      %swap3A_1031 = arith.constant 5 : i32
      %swap3A_1032 = arith.index_cast %swap3A_1031 : i32 to index
      %swap3A_1033 = arith.index_cast %add3A_1030 : i32 to index
      %swap3A_1034 = tpu.vector_load %arg6[%swap3A_1032, %swap3A_1033] {strides = array<i32>} : memref<32x512xi32, #tpu.memory_space<vmem>>, vector<1x16xi32>,
      %swap3A_1035 = vector.shape_cast %swap3A_1034 : vector<1x16xi32> to vector<16xi32>
      %swap3A_1036 = vector.shape_cast %add3A_1026 : vector<16xi32> to vector<1x16xi32>
      tpu.vector_store %arg6[%swap3A_1032, %swap3A_1033], %swap3A_1036 {strides = array<i32>} : memref<32x512xi32, #tpu.memory_space<vmem>>, vector<1x16xi32>,
      %add3A_1037 = arith.constant 768 : i32
      %add3A_1038 = vector.broadcast %add3A_1037 : i32 to vector<16xi32>
      %add3A_1039 = arith.addi %add3A_958, %add3A_1038 : vector<16xi32>
      %mul3A_1040 = arith.constant 128 : i32
      %mul3A_1041 = arith.muli %scan3A_25, %mul3A_1040 : i32
      %add3A_1042 = arith.constant 64 : i32
      %add3A_1043 = arith.addi %mul3A_1041, %add3A_1042 : i32
      %swap3A_1044 = arith.constant 6 : i32
      %swap3A_1045 = arith.index_cast %swap3A_1044 : i32 to index
      %swap3A_1046 = arith.index_cast %add3A_1043 : i32 to index
      %swap3A_1047 = tpu.vector_load %arg6[%swap3A_1045, %swap3A_1046] {strides = array<i32>} : memref<32x512xi32, #tpu.memory_space<vmem>>, vector<1x16xi32>,
      %swap3A_1048 = vector.shape_cast %swap3A_1047 : vector<1x16xi32> to vector<16xi32>
      %swap3A_1049 = vector.shape_cast %add3A_1039 : vector<16xi32> to vector<1x16xi32>
      tpu.vector_store %arg6[%swap3A_1045, %swap3A_1046], %swap3A_1049 {strides = array<i32>} : memref<32x512xi32, #tpu.memory_space<vmem>>, vector<1x16xi32>,
      %add3A_1050 = arith.constant 896 : i32
      %add3A_1051 = vector.broadcast %add3A_1050 : i32 to vector<16xi32>
      %add3A_1052 = arith.addi %add3A_958, %add3A_1051 : vector<16xi32>
      %mul3A_1053 = arith.constant 128 : i32
      %mul3A_1054 = arith.muli %scan3A_25, %mul3A_1053 : i32
      %add3A_1055 = arith.constant 64 : i32
      %add3A_1056 = arith.addi %mul3A_1054, %add3A_1055 : i32
      %swap3A_1057 = arith.constant 7 : i32
      %swap3A_1058 = arith.index_cast %swap3A_1057 : i32 to index
      %swap3A_1059 = arith.index_cast %add3A_1056 : i32 to index
      %swap3A_1060 = tpu.vector_load %arg6[%swap3A_1058, %swap3A_1059] {strides = array<i32>} : memref<32x512xi32, #tpu.memory_space<vmem>>, vector<1x16xi32>,
      %swap3A_1061 = vector.shape_cast %swap3A_1060 : vector<1x16xi32> to vector<16xi32>
      %swap3A_1062 = vector.shape_cast %add3A_1052 : vector<16xi32> to vector<1x16xi32>
      tpu.vector_store %arg6[%swap3A_1058, %swap3A_1059], %swap3A_1062 {strides = array<i32>} : memref<32x512xi32, #tpu.memory_space<vmem>>, vector<1x16xi32>,
      %add3A_1063 = arith.constant 16000000 : i32
      %add3A_1064 = vector.broadcast %add3A_1063 : i32 to vector<16xi32>
      %add3A_1065 = arith.addi %add3A_958, %add3A_1064 : vector<16xi32>
      %mul3A_1066 = arith.constant 128 : i32
      %mul3A_1067 = arith.muli %scan3A_25, %mul3A_1066 : i32
      %add3A_1068 = arith.constant 64 : i32
      %add3A_1069 = arith.addi %mul3A_1067, %add3A_1068 : i32
      %swap3A_1070 = arith.constant 8 : i32
      %swap3A_1071 = arith.index_cast %swap3A_1070 : i32 to index
      %swap3A_1072 = arith.index_cast %add3A_1069 : i32 to index
      %swap3A_1073 = tpu.vector_load %arg6[%swap3A_1071, %swap3A_1072] {strides = array<i32>} : memref<32x512xi32, #tpu.memory_space<vmem>>, vector<1x16xi32>,
      %swap3A_1074 = vector.shape_cast %swap3A_1073 : vector<1x16xi32> to vector<16xi32>
      %swap3A_1075 = vector.shape_cast %add3A_1065 : vector<16xi32> to vector<1x16xi32>
      tpu.vector_store %arg6[%swap3A_1071, %swap3A_1072], %swap3A_1075 {strides = array<i32>} : memref<32x512xi32, #tpu.memory_space<vmem>>, vector<1x16xi32>,
      %add3A_1076 = arith.constant 16000128 : i32
      %add3A_1077 = vector.broadcast %add3A_1076 : i32 to vector<16xi32>
      %add3A_1078 = arith.addi %add3A_958, %add3A_1077 : vector<16xi32>
      %mul3A_1079 = arith.constant 128 : i32
      %mul3A_1080 = arith.muli %scan3A_25, %mul3A_1079 : i32
      %add3A_1081 = arith.constant 64 : i32
      %add3A_1082 = arith.addi %mul3A_1080, %add3A_1081 : i32
      %swap3A_1083 = arith.constant 9 : i32
      %swap3A_1084 = arith.index_cast %swap3A_1083 : i32 to index
      %swap3A_1085 = arith.index_cast %add3A_1082 : i32 to index
      %swap3A_1086 = tpu.vector_load %arg6[%swap3A_1084, %swap3A_1085] {strides = array<i32>} : memref<32x512xi32, #tpu.memory_space<vmem>>, vector<1x16xi32>,
      %swap3A_1087 = vector.shape_cast %swap3A_1086 : vector<1x16xi32> to vector<16xi32>
      %swap3A_1088 = vector.shape_cast %add3A_1078 : vector<16xi32> to vector<1x16xi32>
      tpu.vector_store %arg6[%swap3A_1084, %swap3A_1085], %swap3A_1088 {strides = array<i32>} : memref<32x512xi32, #tpu.memory_space<vmem>>, vector<1x16xi32>,
      %add3A_1089 = arith.constant 16000256 : i32
      %add3A_1090 = vector.broadcast %add3A_1089 : i32 to vector<16xi32>
      %add3A_1091 = arith.addi %add3A_958, %add3A_1090 : vector<16xi32>
      %mul3A_1092 = arith.constant 128 : i32
      %mul3A_1093 = arith.muli %scan3A_25, %mul3A_1092 : i32
      %add3A_1094 = arith.constant 64 : i32
      %add3A_1095 = arith.addi %mul3A_1093, %add3A_1094 : i32
      %swap3A_1096 = arith.constant 10 : i32
      %swap3A_1097 = arith.index_cast %swap3A_1096 : i32 to index
      %swap3A_1098 = arith.index_cast %add3A_1095 : i32 to index
      %swap3A_1099 = tpu.vector_load %arg6[%swap3A_1097, %swap3A_1098] {strides = array<i32>} : memref<32x512xi32, #tpu.memory_space<vmem>>, vector<1x16xi32>,
      %swap3A_1100 = vector.shape_cast %swap3A_1099 : vector<1x16xi32> to vector<16xi32>
      %swap3A_1101 = vector.shape_cast %add3A_1091 : vector<16xi32> to vector<1x16xi32>
      tpu.vector_store %arg6[%swap3A_1097, %swap3A_1098], %swap3A_1101 {strides = array<i32>} : memref<32x512xi32, #tpu.memory_space<vmem>>, vector<1x16xi32>,
      %add3A_1102 = arith.constant 16000384 : i32
      %add3A_1103 = vector.broadcast %add3A_1102 : i32 to vector<16xi32>
      %add3A_1104 = arith.addi %add3A_958, %add3A_1103 : vector<16xi32>
      %mul3A_1105 = arith.constant 128 : i32
      %mul3A_1106 = arith.muli %scan3A_25, %mul3A_1105 : i32
      %add3A_1107 = arith.constant 64 : i32
      %add3A_1108 = arith.addi %mul3A_1106, %add3A_1107 : i32
      %swap3A_1109 = arith.constant 11 : i32
      %swap3A_1110 = arith.index_cast %swap3A_1109 : i32 to index
      %swap3A_1111 = arith.index_cast %add3A_1108 : i32 to index
      %swap3A_1112 = tpu.vector_load %arg6[%swap3A_1110, %swap3A_1111] {strides = array<i32>} : memref<32x512xi32, #tpu.memory_space<vmem>>, vector<1x16xi32>,
      %swap3A_1113 = vector.shape_cast %swap3A_1112 : vector<1x16xi32> to vector<16xi32>
      %swap3A_1114 = vector.shape_cast %add3A_1104 : vector<16xi32> to vector<1x16xi32>
      tpu.vector_store %arg6[%swap3A_1110, %swap3A_1111], %swap3A_1114 {strides = array<i32>} : memref<32x512xi32, #tpu.memory_space<vmem>>, vector<1x16xi32>,
      %add3A_1115 = arith.constant 16000512 : i32
      %add3A_1116 = vector.broadcast %add3A_1115 : i32 to vector<16xi32>
      %add3A_1117 = arith.addi %add3A_958, %add3A_1116 : vector<16xi32>
      %mul3A_1118 = arith.constant 128 : i32
      %mul3A_1119 = arith.muli %scan3A_25, %mul3A_1118 : i32
      %add3A_1120 = arith.constant 64 : i32
      %add3A_1121 = arith.addi %mul3A_1119, %add3A_1120 : i32
      %swap3A_1122 = arith.constant 12 : i32
      %swap3A_1123 = arith.index_cast %swap3A_1122 : i32 to index
      %swap3A_1124 = arith.index_cast %add3A_1121 : i32 to index
      %swap3A_1125 = tpu.vector_load %arg6[%swap3A_1123, %swap3A_1124] {strides = array<i32>} : memref<32x512xi32, #tpu.memory_space<vmem>>, vector<1x16xi32>,
      %swap3A_1126 = vector.shape_cast %swap3A_1125 : vector<1x16xi32> to vector<16xi32>
      %swap3A_1127 = vector.shape_cast %add3A_1117 : vector<16xi32> to vector<1x16xi32>
      tpu.vector_store %arg6[%swap3A_1123, %swap3A_1124], %swap3A_1127 {strides = array<i32>} : memref<32x512xi32, #tpu.memory_space<vmem>>, vector<1x16xi32>,
      %add3A_1128 = arith.constant 16000640 : i32
      %add3A_1129 = vector.broadcast %add3A_1128 : i32 to vector<16xi32>
      %add3A_1130 = arith.addi %add3A_958, %add3A_1129 : vector<16xi32>
      %mul3A_1131 = arith.constant 128 : i32
      %mul3A_1132 = arith.muli %scan3A_25, %mul3A_1131 : i32
      %add3A_1133 = arith.constant 64 : i32
      %add3A_1134 = arith.addi %mul3A_1132, %add3A_1133 : i32
      %swap3A_1135 = arith.constant 13 : i32
      %swap3A_1136 = arith.index_cast %swap3A_1135 : i32 to index
      %swap3A_1137 = arith.index_cast %add3A_1134 : i32 to index
      %swap3A_1138 = tpu.vector_load %arg6[%swap3A_1136, %swap3A_1137] {strides = array<i32>} : memref<32x512xi32, #tpu.memory_space<vmem>>, vector<1x16xi32>,
      %swap3A_1139 = vector.shape_cast %swap3A_1138 : vector<1x16xi32> to vector<16xi32>
      %swap3A_1140 = vector.shape_cast %add3A_1130 : vector<16xi32> to vector<1x16xi32>
      tpu.vector_store %arg6[%swap3A_1136, %swap3A_1137], %swap3A_1140 {strides = array<i32>} : memref<32x512xi32, #tpu.memory_space<vmem>>, vector<1x16xi32>,
      %add3A_1141 = arith.constant 16000768 : i32
      %add3A_1142 = vector.broadcast %add3A_1141 : i32 to vector<16xi32>
      %add3A_1143 = arith.addi %add3A_958, %add3A_1142 : vector<16xi32>
      %mul3A_1144 = arith.constant 128 : i32
      %mul3A_1145 = arith.muli %scan3A_25, %mul3A_1144 : i32
      %add3A_1146 = arith.constant 64 : i32
      %add3A_1147 = arith.addi %mul3A_1145, %add3A_1146 : i32
      %swap3A_1148 = arith.constant 14 : i32
      %swap3A_1149 = arith.index_cast %swap3A_1148 : i32 to index
      %swap3A_1150 = arith.index_cast %add3A_1147 : i32 to index
      %swap3A_1151 = tpu.vector_load %arg6[%swap3A_1149, %swap3A_1150] {strides = array<i32>} : memref<32x512xi32, #tpu.memory_space<vmem>>, vector<1x16xi32>,
      %swap3A_1152 = vector.shape_cast %swap3A_1151 : vector<1x16xi32> to vector<16xi32>
      %swap3A_1153 = vector.shape_cast %add3A_1143 : vector<16xi32> to vector<1x16xi32>
      tpu.vector_store %arg6[%swap3A_1149, %swap3A_1150], %swap3A_1153 {strides = array<i32>} : memref<32x512xi32, #tpu.memory_space<vmem>>, vector<1x16xi32>,
      %add3A_1154 = arith.constant 16000896 : i32
      %add3A_1155 = vector.broadcast %add3A_1154 : i32 to vector<16xi32>
      %add3A_1156 = arith.addi %add3A_958, %add3A_1155 : vector<16xi32>
      %mul3A_1157 = arith.constant 128 : i32
      %mul3A_1158 = arith.muli %scan3A_25, %mul3A_1157 : i32
      %add3A_1159 = arith.constant 64 : i32
      %add3A_1160 = arith.addi %mul3A_1158, %add3A_1159 : i32
      %swap3A_1161 = arith.constant 15 : i32
      %swap3A_1162 = arith.index_cast %swap3A_1161 : i32 to index
      %swap3A_1163 = arith.index_cast %add3A_1160 : i32 to index
      %swap3A_1164 = tpu.vector_load %arg6[%swap3A_1162, %swap3A_1163] {strides = array<i32>} : memref<32x512xi32, #tpu.memory_space<vmem>>, vector<1x16xi32>,
      %swap3A_1165 = vector.shape_cast %swap3A_1164 : vector<1x16xi32> to vector<16xi32>
      %swap3A_1166 = vector.shape_cast %add3A_1156 : vector<16xi32> to vector<1x16xi32>
      tpu.vector_store %arg6[%swap3A_1162, %swap3A_1163], %swap3A_1166 {strides = array<i32>} : memref<32x512xi32, #tpu.memory_space<vmem>>, vector<1x16xi32>,
      %mul3A_1167 = arith.constant 2 : i32
      %mul3A_1168 = arith.muli %mul3A_1167, %scan3A_25 : i32
      %add3A_1169 = arith.constant 0 : i32
      %add3A_1170 = arith.addi %mul3A_1168, %add3A_1169 : i32
      %get3A_1171 = arith.index_cast %add3A_1170 : i32 to index
      %get3A_1172 = arith.constant 80 : index
      %get3A_1173 = tpu.vector_load %arg5[%get3A_1171, %get3A_1172] {strides = array<i32>} : memref<8x128xi32, #tpu.memory_space<vmem>>, vector<1x16xi32>,
      %get3A_1174 = vector.shape_cast %get3A_1173 : vector<1x16xi32> to vector<16xi32>
      %add3A_1175 = arith.constant 0 : i32
      %add3A_1176 = vector.broadcast %add3A_1175 : i32 to vector<16xi32>
      %add3A_1177 = arith.addi %get3A_1174, %add3A_1176 : vector<16xi32>
      %shift_right_logical3A_1178 = arith.constant 7 : i32
      %shift_right_logical3A_1179 = vector.broadcast %shift_right_logical3A_1178 : i32 to vector<16xi32>
      %shift_right_logical3A_1180 = arith.shrui %add3A_1177, %shift_right_logical3A_1179 : vector<16xi32>
      %mul3A_1181 = arith.constant 1024 : i32
      %mul3A_1182 = vector.broadcast %mul3A_1181 : i32 to vector<16xi32>
      %mul3A_1183 = arith.muli %shift_right_logical3A_1180, %mul3A_1182 : vector<16xi32>
      %and3A_1184 = arith.constant 127 : i32
      %and3A_1185 = vector.broadcast %and3A_1184 : i32 to vector<16xi32>
      %and3A_1186 = arith.andi %add3A_1177, %and3A_1185 : vector<16xi32>
      %add3A_1187 = arith.addi %mul3A_1183, %and3A_1186 : vector<16xi32>
      %add3A_1188 = arith.constant 0 : i32
      %add3A_1189 = vector.broadcast %add3A_1188 : i32 to vector<16xi32>
      %add3A_1190 = arith.addi %add3A_1187, %add3A_1189 : vector<16xi32>
      %mul3A_1191 = arith.constant 128 : i32
      %mul3A_1192 = arith.muli %scan3A_25, %mul3A_1191 : i32
      %add3A_1193 = arith.constant 80 : i32
      %add3A_1194 = arith.addi %mul3A_1192, %add3A_1193 : i32
      %swap3A_1195 = arith.constant 0 : i32
      %swap3A_1196 = arith.index_cast %swap3A_1195 : i32 to index
      %swap3A_1197 = arith.index_cast %add3A_1194 : i32 to index
      %swap3A_1198 = tpu.vector_load %arg6[%swap3A_1196, %swap3A_1197] {strides = array<i32>} : memref<32x512xi32, #tpu.memory_space<vmem>>, vector<1x16xi32>,
      %swap3A_1199 = vector.shape_cast %swap3A_1198 : vector<1x16xi32> to vector<16xi32>
      %swap3A_1200 = vector.shape_cast %add3A_1190 : vector<16xi32> to vector<1x16xi32>
      tpu.vector_store %arg6[%swap3A_1196, %swap3A_1197], %swap3A_1200 {strides = array<i32>} : memref<32x512xi32, #tpu.memory_space<vmem>>, vector<1x16xi32>,
      %add3A_1201 = arith.constant 128 : i32
      %add3A_1202 = vector.broadcast %add3A_1201 : i32 to vector<16xi32>
      %add3A_1203 = arith.addi %add3A_1187, %add3A_1202 : vector<16xi32>
      %mul3A_1204 = arith.constant 128 : i32
      %mul3A_1205 = arith.muli %scan3A_25, %mul3A_1204 : i32
      %add3A_1206 = arith.constant 80 : i32
      %add3A_1207 = arith.addi %mul3A_1205, %add3A_1206 : i32
      %swap3A_1208 = arith.constant 1 : i32
      %swap3A_1209 = arith.index_cast %swap3A_1208 : i32 to index
      %swap3A_1210 = arith.index_cast %add3A_1207 : i32 to index
      %swap3A_1211 = tpu.vector_load %arg6[%swap3A_1209, %swap3A_1210] {strides = array<i32>} : memref<32x512xi32, #tpu.memory_space<vmem>>, vector<1x16xi32>,
      %swap3A_1212 = vector.shape_cast %swap3A_1211 : vector<1x16xi32> to vector<16xi32>
      %swap3A_1213 = vector.shape_cast %add3A_1203 : vector<16xi32> to vector<1x16xi32>
      tpu.vector_store %arg6[%swap3A_1209, %swap3A_1210], %swap3A_1213 {strides = array<i32>} : memref<32x512xi32, #tpu.memory_space<vmem>>, vector<1x16xi32>,
      %add3A_1214 = arith.constant 256 : i32
      %add3A_1215 = vector.broadcast %add3A_1214 : i32 to vector<16xi32>
      %add3A_1216 = arith.addi %add3A_1187, %add3A_1215 : vector<16xi32>
      %mul3A_1217 = arith.constant 128 : i32
      %mul3A_1218 = arith.muli %scan3A_25, %mul3A_1217 : i32
      %add3A_1219 = arith.constant 80 : i32
      %add3A_1220 = arith.addi %mul3A_1218, %add3A_1219 : i32
      %swap3A_1221 = arith.constant 2 : i32
      %swap3A_1222 = arith.index_cast %swap3A_1221 : i32 to index
      %swap3A_1223 = arith.index_cast %add3A_1220 : i32 to index
      %swap3A_1224 = tpu.vector_load %arg6[%swap3A_1222, %swap3A_1223] {strides = array<i32>} : memref<32x512xi32, #tpu.memory_space<vmem>>, vector<1x16xi32>,
      %swap3A_1225 = vector.shape_cast %swap3A_1224 : vector<1x16xi32> to vector<16xi32>
      %swap3A_1226 = vector.shape_cast %add3A_1216 : vector<16xi32> to vector<1x16xi32>
      tpu.vector_store %arg6[%swap3A_1222, %swap3A_1223], %swap3A_1226 {strides = array<i32>} : memref<32x512xi32, #tpu.memory_space<vmem>>, vector<1x16xi32>,
      %add3A_1227 = arith.constant 384 : i32
      %add3A_1228 = vector.broadcast %add3A_1227 : i32 to vector<16xi32>
      %add3A_1229 = arith.addi %add3A_1187, %add3A_1228 : vector<16xi32>
      %mul3A_1230 = arith.constant 128 : i32
      %mul3A_1231 = arith.muli %scan3A_25, %mul3A_1230 : i32
      %add3A_1232 = arith.constant 80 : i32
      %add3A_1233 = arith.addi %mul3A_1231, %add3A_1232 : i32
      %swap3A_1234 = arith.constant 3 : i32
      %swap3A_1235 = arith.index_cast %swap3A_1234 : i32 to index
      %swap3A_1236 = arith.index_cast %add3A_1233 : i32 to index
      %swap3A_1237 = tpu.vector_load %arg6[%swap3A_1235, %swap3A_1236] {strides = array<i32>} : memref<32x512xi32, #tpu.memory_space<vmem>>, vector<1x16xi32>,
      %swap3A_1238 = vector.shape_cast %swap3A_1237 : vector<1x16xi32> to vector<16xi32>
      %swap3A_1239 = vector.shape_cast %add3A_1229 : vector<16xi32> to vector<1x16xi32>
      tpu.vector_store %arg6[%swap3A_1235, %swap3A_1236], %swap3A_1239 {strides = array<i32>} : memref<32x512xi32, #tpu.memory_space<vmem>>, vector<1x16xi32>,
      %add3A_1240 = arith.constant 512 : i32
      %add3A_1241 = vector.broadcast %add3A_1240 : i32 to vector<16xi32>
      %add3A_1242 = arith.addi %add3A_1187, %add3A_1241 : vector<16xi32>
      %mul3A_1243 = arith.constant 128 : i32
      %mul3A_1244 = arith.muli %scan3A_25, %mul3A_1243 : i32
      %add3A_1245 = arith.constant 80 : i32
      %add3A_1246 = arith.addi %mul3A_1244, %add3A_1245 : i32
      %swap3A_1247 = arith.constant 4 : i32
      %swap3A_1248 = arith.index_cast %swap3A_1247 : i32 to index
      %swap3A_1249 = arith.index_cast %add3A_1246 : i32 to index
      %swap3A_1250 = tpu.vector_load %arg6[%swap3A_1248, %swap3A_1249] {strides = array<i32>} : memref<32x512xi32, #tpu.memory_space<vmem>>, vector<1x16xi32>,
      %swap3A_1251 = vector.shape_cast %swap3A_1250 : vector<1x16xi32> to vector<16xi32>
      %swap3A_1252 = vector.shape_cast %add3A_1242 : vector<16xi32> to vector<1x16xi32>
      tpu.vector_store %arg6[%swap3A_1248, %swap3A_1249], %swap3A_1252 {strides = array<i32>} : memref<32x512xi32, #tpu.memory_space<vmem>>, vector<1x16xi32>,
      %add3A_1253 = arith.constant 640 : i32
      %add3A_1254 = vector.broadcast %add3A_1253 : i32 to vector<16xi32>
      %add3A_1255 = arith.addi %add3A_1187, %add3A_1254 : vector<16xi32>
      %mul3A_1256 = arith.constant 128 : i32
      %mul3A_1257 = arith.muli %scan3A_25, %mul3A_1256 : i32
      %add3A_1258 = arith.constant 80 : i32
      %add3A_1259 = arith.addi %mul3A_1257, %add3A_1258 : i32
      %swap3A_1260 = arith.constant 5 : i32
      %swap3A_1261 = arith.index_cast %swap3A_1260 : i32 to index
      %swap3A_1262 = arith.index_cast %add3A_1259 : i32 to index
      %swap3A_1263 = tpu.vector_load %arg6[%swap3A_1261, %swap3A_1262] {strides = array<i32>} : memref<32x512xi32, #tpu.memory_space<vmem>>, vector<1x16xi32>,
      %swap3A_1264 = vector.shape_cast %swap3A_1263 : vector<1x16xi32> to vector<16xi32>
      %swap3A_1265 = vector.shape_cast %add3A_1255 : vector<16xi32> to vector<1x16xi32>
      tpu.vector_store %arg6[%swap3A_1261, %swap3A_1262], %swap3A_1265 {strides = array<i32>} : memref<32x512xi32, #tpu.memory_space<vmem>>, vector<1x16xi32>,
      %add3A_1266 = arith.constant 768 : i32
      %add3A_1267 = vector.broadcast %add3A_1266 : i32 to vector<16xi32>
      %add3A_1268 = arith.addi %add3A_1187, %add3A_1267 : vector<16xi32>
      %mul3A_1269 = arith.constant 128 : i32
      %mul3A_1270 = arith.muli %scan3A_25, %mul3A_1269 : i32
      %add3A_1271 = arith.constant 80 : i32
      %add3A_1272 = arith.addi %mul3A_1270, %add3A_1271 : i32
      %swap3A_1273 = arith.constant 6 : i32
      %swap3A_1274 = arith.index_cast %swap3A_1273 : i32 to index
      %swap3A_1275 = arith.index_cast %add3A_1272 : i32 to index
      %swap3A_1276 = tpu.vector_load %arg6[%swap3A_1274, %swap3A_1275] {strides = array<i32>} : memref<32x512xi32, #tpu.memory_space<vmem>>, vector<1x16xi32>,
      %swap3A_1277 = vector.shape_cast %swap3A_1276 : vector<1x16xi32> to vector<16xi32>
      %swap3A_1278 = vector.shape_cast %add3A_1268 : vector<16xi32> to vector<1x16xi32>
      tpu.vector_store %arg6[%swap3A_1274, %swap3A_1275], %swap3A_1278 {strides = array<i32>} : memref<32x512xi32, #tpu.memory_space<vmem>>, vector<1x16xi32>,
      %add3A_1279 = arith.constant 896 : i32
      %add3A_1280 = vector.broadcast %add3A_1279 : i32 to vector<16xi32>
      %add3A_1281 = arith.addi %add3A_1187, %add3A_1280 : vector<16xi32>
      %mul3A_1282 = arith.constant 128 : i32
      %mul3A_1283 = arith.muli %scan3A_25, %mul3A_1282 : i32
      %add3A_1284 = arith.constant 80 : i32
      %add3A_1285 = arith.addi %mul3A_1283, %add3A_1284 : i32
      %swap3A_1286 = arith.constant 7 : i32
      %swap3A_1287 = arith.index_cast %swap3A_1286 : i32 to index
      %swap3A_1288 = arith.index_cast %add3A_1285 : i32 to index
      %swap3A_1289 = tpu.vector_load %arg6[%swap3A_1287, %swap3A_1288] {strides = array<i32>} : memref<32x512xi32, #tpu.memory_space<vmem>>, vector<1x16xi32>,
      %swap3A_1290 = vector.shape_cast %swap3A_1289 : vector<1x16xi32> to vector<16xi32>
      %swap3A_1291 = vector.shape_cast %add3A_1281 : vector<16xi32> to vector<1x16xi32>
      tpu.vector_store %arg6[%swap3A_1287, %swap3A_1288], %swap3A_1291 {strides = array<i32>} : memref<32x512xi32, #tpu.memory_space<vmem>>, vector<1x16xi32>,
      %add3A_1292 = arith.constant 16000000 : i32
      %add3A_1293 = vector.broadcast %add3A_1292 : i32 to vector<16xi32>
      %add3A_1294 = arith.addi %add3A_1187, %add3A_1293 : vector<16xi32>
      %mul3A_1295 = arith.constant 128 : i32
      %mul3A_1296 = arith.muli %scan3A_25, %mul3A_1295 : i32
      %add3A_1297 = arith.constant 80 : i32
      %add3A_1298 = arith.addi %mul3A_1296, %add3A_1297 : i32
      %swap3A_1299 = arith.constant 8 : i32
      %swap3A_1300 = arith.index_cast %swap3A_1299 : i32 to index
      %swap3A_1301 = arith.index_cast %add3A_1298 : i32 to index
      %swap3A_1302 = tpu.vector_load %arg6[%swap3A_1300, %swap3A_1301] {strides = array<i32>} : memref<32x512xi32, #tpu.memory_space<vmem>>, vector<1x16xi32>,
      %swap3A_1303 = vector.shape_cast %swap3A_1302 : vector<1x16xi32> to vector<16xi32>
      %swap3A_1304 = vector.shape_cast %add3A_1294 : vector<16xi32> to vector<1x16xi32>
      tpu.vector_store %arg6[%swap3A_1300, %swap3A_1301], %swap3A_1304 {strides = array<i32>} : memref<32x512xi32, #tpu.memory_space<vmem>>, vector<1x16xi32>,
      %add3A_1305 = arith.constant 16000128 : i32
      %add3A_1306 = vector.broadcast %add3A_1305 : i32 to vector<16xi32>
      %add3A_1307 = arith.addi %add3A_1187, %add3A_1306 : vector<16xi32>
      %mul3A_1308 = arith.constant 128 : i32
      %mul3A_1309 = arith.muli %scan3A_25, %mul3A_1308 : i32
      %add3A_1310 = arith.constant 80 : i32
      %add3A_1311 = arith.addi %mul3A_1309, %add3A_1310 : i32
      %swap3A_1312 = arith.constant 9 : i32
      %swap3A_1313 = arith.index_cast %swap3A_1312 : i32 to index
      %swap3A_1314 = arith.index_cast %add3A_1311 : i32 to index
      %swap3A_1315 = tpu.vector_load %arg6[%swap3A_1313, %swap3A_1314] {strides = array<i32>} : memref<32x512xi32, #tpu.memory_space<vmem>>, vector<1x16xi32>,
      %swap3A_1316 = vector.shape_cast %swap3A_1315 : vector<1x16xi32> to vector<16xi32>
      %swap3A_1317 = vector.shape_cast %add3A_1307 : vector<16xi32> to vector<1x16xi32>
      tpu.vector_store %arg6[%swap3A_1313, %swap3A_1314], %swap3A_1317 {strides = array<i32>} : memref<32x512xi32, #tpu.memory_space<vmem>>, vector<1x16xi32>,
      %add3A_1318 = arith.constant 16000256 : i32
      %add3A_1319 = vector.broadcast %add3A_1318 : i32 to vector<16xi32>
      %add3A_1320 = arith.addi %add3A_1187, %add3A_1319 : vector<16xi32>
      %mul3A_1321 = arith.constant 128 : i32
      %mul3A_1322 = arith.muli %scan3A_25, %mul3A_1321 : i32
      %add3A_1323 = arith.constant 80 : i32
      %add3A_1324 = arith.addi %mul3A_1322, %add3A_1323 : i32
      %swap3A_1325 = arith.constant 10 : i32
      %swap3A_1326 = arith.index_cast %swap3A_1325 : i32 to index
      %swap3A_1327 = arith.index_cast %add3A_1324 : i32 to index
      %swap3A_1328 = tpu.vector_load %arg6[%swap3A_1326, %swap3A_1327] {strides = array<i32>} : memref<32x512xi32, #tpu.memory_space<vmem>>, vector<1x16xi32>,
      %swap3A_1329 = vector.shape_cast %swap3A_1328 : vector<1x16xi32> to vector<16xi32>
      %swap3A_1330 = vector.shape_cast %add3A_1320 : vector<16xi32> to vector<1x16xi32>
      tpu.vector_store %arg6[%swap3A_1326, %swap3A_1327], %swap3A_1330 {strides = array<i32>} : memref<32x512xi32, #tpu.memory_space<vmem>>, vector<1x16xi32>,
      %add3A_1331 = arith.constant 16000384 : i32
      %add3A_1332 = vector.broadcast %add3A_1331 : i32 to vector<16xi32>
      %add3A_1333 = arith.addi %add3A_1187, %add3A_1332 : vector<16xi32>
      %mul3A_1334 = arith.constant 128 : i32
      %mul3A_1335 = arith.muli %scan3A_25, %mul3A_1334 : i32
      %add3A_1336 = arith.constant 80 : i32
      %add3A_1337 = arith.addi %mul3A_1335, %add3A_1336 : i32
      %swap3A_1338 = arith.constant 11 : i32
      %swap3A_1339 = arith.index_cast %swap3A_1338 : i32 to index
      %swap3A_1340 = arith.index_cast %add3A_1337 : i32 to index
      %swap3A_1341 = tpu.vector_load %arg6[%swap3A_1339, %swap3A_1340] {strides = array<i32>} : memref<32x512xi32, #tpu.memory_space<vmem>>, vector<1x16xi32>,
      %swap3A_1342 = vector.shape_cast %swap3A_1341 : vector<1x16xi32> to vector<16xi32>
      %swap3A_1343 = vector.shape_cast %add3A_1333 : vector<16xi32> to vector<1x16xi32>
      tpu.vector_store %arg6[%swap3A_1339, %swap3A_1340], %swap3A_1343 {strides = array<i32>} : memref<32x512xi32, #tpu.memory_space<vmem>>, vector<1x16xi32>,
      %add3A_1344 = arith.constant 16000512 : i32
      %add3A_1345 = vector.broadcast %add3A_1344 : i32 to vector<16xi32>
      %add3A_1346 = arith.addi %add3A_1187, %add3A_1345 : vector<16xi32>
      %mul3A_1347 = arith.constant 128 : i32
      %mul3A_1348 = arith.muli %scan3A_25, %mul3A_1347 : i32
      %add3A_1349 = arith.constant 80 : i32
      %add3A_1350 = arith.addi %mul3A_1348, %add3A_1349 : i32
      %swap3A_1351 = arith.constant 12 : i32
      %swap3A_1352 = arith.index_cast %swap3A_1351 : i32 to index
      %swap3A_1353 = arith.index_cast %add3A_1350 : i32 to index
      %swap3A_1354 = tpu.vector_load %arg6[%swap3A_1352, %swap3A_1353] {strides = array<i32>} : memref<32x512xi32, #tpu.memory_space<vmem>>, vector<1x16xi32>,
      %swap3A_1355 = vector.shape_cast %swap3A_1354 : vector<1x16xi32> to vector<16xi32>
      %swap3A_1356 = vector.shape_cast %add3A_1346 : vector<16xi32> to vector<1x16xi32>
      tpu.vector_store %arg6[%swap3A_1352, %swap3A_1353], %swap3A_1356 {strides = array<i32>} : memref<32x512xi32, #tpu.memory_space<vmem>>, vector<1x16xi32>,
      %add3A_1357 = arith.constant 16000640 : i32
      %add3A_1358 = vector.broadcast %add3A_1357 : i32 to vector<16xi32>
      %add3A_1359 = arith.addi %add3A_1187, %add3A_1358 : vector<16xi32>
      %mul3A_1360 = arith.constant 128 : i32
      %mul3A_1361 = arith.muli %scan3A_25, %mul3A_1360 : i32
      %add3A_1362 = arith.constant 80 : i32
      %add3A_1363 = arith.addi %mul3A_1361, %add3A_1362 : i32
      %swap3A_1364 = arith.constant 13 : i32
      %swap3A_1365 = arith.index_cast %swap3A_1364 : i32 to index
      %swap3A_1366 = arith.index_cast %add3A_1363 : i32 to index
      %swap3A_1367 = tpu.vector_load %arg6[%swap3A_1365, %swap3A_1366] {strides = array<i32>} : memref<32x512xi32, #tpu.memory_space<vmem>>, vector<1x16xi32>,
      %swap3A_1368 = vector.shape_cast %swap3A_1367 : vector<1x16xi32> to vector<16xi32>
      %swap3A_1369 = vector.shape_cast %add3A_1359 : vector<16xi32> to vector<1x16xi32>
      tpu.vector_store %arg6[%swap3A_1365, %swap3A_1366], %swap3A_1369 {strides = array<i32>} : memref<32x512xi32, #tpu.memory_space<vmem>>, vector<1x16xi32>,
      %add3A_1370 = arith.constant 16000768 : i32
      %add3A_1371 = vector.broadcast %add3A_1370 : i32 to vector<16xi32>
      %add3A_1372 = arith.addi %add3A_1187, %add3A_1371 : vector<16xi32>
      %mul3A_1373 = arith.constant 128 : i32
      %mul3A_1374 = arith.muli %scan3A_25, %mul3A_1373 : i32
      %add3A_1375 = arith.constant 80 : i32
      %add3A_1376 = arith.addi %mul3A_1374, %add3A_1375 : i32
      %swap3A_1377 = arith.constant 14 : i32
      %swap3A_1378 = arith.index_cast %swap3A_1377 : i32 to index
      %swap3A_1379 = arith.index_cast %add3A_1376 : i32 to index
      %swap3A_1380 = tpu.vector_load %arg6[%swap3A_1378, %swap3A_1379] {strides = array<i32>} : memref<32x512xi32, #tpu.memory_space<vmem>>, vector<1x16xi32>,
      %swap3A_1381 = vector.shape_cast %swap3A_1380 : vector<1x16xi32> to vector<16xi32>
      %swap3A_1382 = vector.shape_cast %add3A_1372 : vector<16xi32> to vector<1x16xi32>
      tpu.vector_store %arg6[%swap3A_1378, %swap3A_1379], %swap3A_1382 {strides = array<i32>} : memref<32x512xi32, #tpu.memory_space<vmem>>, vector<1x16xi32>,
      %add3A_1383 = arith.constant 16000896 : i32
      %add3A_1384 = vector.broadcast %add3A_1383 : i32 to vector<16xi32>
      %add3A_1385 = arith.addi %add3A_1187, %add3A_1384 : vector<16xi32>
      %mul3A_1386 = arith.constant 128 : i32
      %mul3A_1387 = arith.muli %scan3A_25, %mul3A_1386 : i32
      %add3A_1388 = arith.constant 80 : i32
      %add3A_1389 = arith.addi %mul3A_1387, %add3A_1388 : i32
      %swap3A_1390 = arith.constant 15 : i32
      %swap3A_1391 = arith.index_cast %swap3A_1390 : i32 to index
      %swap3A_1392 = arith.index_cast %add3A_1389 : i32 to index
      %swap3A_1393 = tpu.vector_load %arg6[%swap3A_1391, %swap3A_1392] {strides = array<i32>} : memref<32x512xi32, #tpu.memory_space<vmem>>, vector<1x16xi32>,
      %swap3A_1394 = vector.shape_cast %swap3A_1393 : vector<1x16xi32> to vector<16xi32>
      %swap3A_1395 = vector.shape_cast %add3A_1385 : vector<16xi32> to vector<1x16xi32>
      tpu.vector_store %arg6[%swap3A_1391, %swap3A_1392], %swap3A_1395 {strides = array<i32>} : memref<32x512xi32, #tpu.memory_space<vmem>>, vector<1x16xi32>,
      %mul3A_1396 = arith.constant 2 : i32
      %mul3A_1397 = arith.muli %mul3A_1396, %scan3A_25 : i32
      %add3A_1398 = arith.constant 0 : i32
      %add3A_1399 = arith.addi %mul3A_1397, %add3A_1398 : i32
      %get3A_1400 = arith.index_cast %add3A_1399 : i32 to index
      %get3A_1401 = arith.constant 96 : index
      %get3A_1402 = tpu.vector_load %arg5[%get3A_1400, %get3A_1401] {strides = array<i32>} : memref<8x128xi32, #tpu.memory_space<vmem>>, vector<1x16xi32>,
      %get3A_1403 = vector.shape_cast %get3A_1402 : vector<1x16xi32> to vector<16xi32>
      %add3A_1404 = arith.constant 0 : i32
      %add3A_1405 = vector.broadcast %add3A_1404 : i32 to vector<16xi32>
      %add3A_1406 = arith.addi %get3A_1403, %add3A_1405 : vector<16xi32>
      %shift_right_logical3A_1407 = arith.constant 7 : i32
      %shift_right_logical3A_1408 = vector.broadcast %shift_right_logical3A_1407 : i32 to vector<16xi32>
      %shift_right_logical3A_1409 = arith.shrui %add3A_1406, %shift_right_logical3A_1408 : vector<16xi32>
      %mul3A_1410 = arith.constant 1024 : i32
      %mul3A_1411 = vector.broadcast %mul3A_1410 : i32 to vector<16xi32>
      %mul3A_1412 = arith.muli %shift_right_logical3A_1409, %mul3A_1411 : vector<16xi32>
      %and3A_1413 = arith.constant 127 : i32
      %and3A_1414 = vector.broadcast %and3A_1413 : i32 to vector<16xi32>
      %and3A_1415 = arith.andi %add3A_1406, %and3A_1414 : vector<16xi32>
      %add3A_1416 = arith.addi %mul3A_1412, %and3A_1415 : vector<16xi32>
      %add3A_1417 = arith.constant 0 : i32
      %add3A_1418 = vector.broadcast %add3A_1417 : i32 to vector<16xi32>
      %add3A_1419 = arith.addi %add3A_1416, %add3A_1418 : vector<16xi32>
      %mul3A_1420 = arith.constant 128 : i32
      %mul3A_1421 = arith.muli %scan3A_25, %mul3A_1420 : i32
      %add3A_1422 = arith.constant 96 : i32
      %add3A_1423 = arith.addi %mul3A_1421, %add3A_1422 : i32
      %swap3A_1424 = arith.constant 0 : i32
      %swap3A_1425 = arith.index_cast %swap3A_1424 : i32 to index
      %swap3A_1426 = arith.index_cast %add3A_1423 : i32 to index
      %swap3A_1427 = tpu.vector_load %arg6[%swap3A_1425, %swap3A_1426] {strides = array<i32>} : memref<32x512xi32, #tpu.memory_space<vmem>>, vector<1x16xi32>,
      %swap3A_1428 = vector.shape_cast %swap3A_1427 : vector<1x16xi32> to vector<16xi32>
      %swap3A_1429 = vector.shape_cast %add3A_1419 : vector<16xi32> to vector<1x16xi32>
      tpu.vector_store %arg6[%swap3A_1425, %swap3A_1426], %swap3A_1429 {strides = array<i32>} : memref<32x512xi32, #tpu.memory_space<vmem>>, vector<1x16xi32>,
      %add3A_1430 = arith.constant 128 : i32
      %add3A_1431 = vector.broadcast %add3A_1430 : i32 to vector<16xi32>
      %add3A_1432 = arith.addi %add3A_1416, %add3A_1431 : vector<16xi32>
      %mul3A_1433 = arith.constant 128 : i32
      %mul3A_1434 = arith.muli %scan3A_25, %mul3A_1433 : i32
      %add3A_1435 = arith.constant 96 : i32
      %add3A_1436 = arith.addi %mul3A_1434, %add3A_1435 : i32
      %swap3A_1437 = arith.constant 1 : i32
      %swap3A_1438 = arith.index_cast %swap3A_1437 : i32 to index
      %swap3A_1439 = arith.index_cast %add3A_1436 : i32 to index
      %swap3A_1440 = tpu.vector_load %arg6[%swap3A_1438, %swap3A_1439] {strides = array<i32>} : memref<32x512xi32, #tpu.memory_space<vmem>>, vector<1x16xi32>,
      %swap3A_1441 = vector.shape_cast %swap3A_1440 : vector<1x16xi32> to vector<16xi32>
      %swap3A_1442 = vector.shape_cast %add3A_1432 : vector<16xi32> to vector<1x16xi32>
      tpu.vector_store %arg6[%swap3A_1438, %swap3A_1439], %swap3A_1442 {strides = array<i32>} : memref<32x512xi32, #tpu.memory_space<vmem>>, vector<1x16xi32>,
      %add3A_1443 = arith.constant 256 : i32
      %add3A_1444 = vector.broadcast %add3A_1443 : i32 to vector<16xi32>
      %add3A_1445 = arith.addi %add3A_1416, %add3A_1444 : vector<16xi32>
      %mul3A_1446 = arith.constant 128 : i32
      %mul3A_1447 = arith.muli %scan3A_25, %mul3A_1446 : i32
      %add3A_1448 = arith.constant 96 : i32
      %add3A_1449 = arith.addi %mul3A_1447, %add3A_1448 : i32
      %swap3A_1450 = arith.constant 2 : i32
      %swap3A_1451 = arith.index_cast %swap3A_1450 : i32 to index
      %swap3A_1452 = arith.index_cast %add3A_1449 : i32 to index
      %swap3A_1453 = tpu.vector_load %arg6[%swap3A_1451, %swap3A_1452] {strides = array<i32>} : memref<32x512xi32, #tpu.memory_space<vmem>>, vector<1x16xi32>,
      %swap3A_1454 = vector.shape_cast %swap3A_1453 : vector<1x16xi32> to vector<16xi32>
      %swap3A_1455 = vector.shape_cast %add3A_1445 : vector<16xi32> to vector<1x16xi32>
      tpu.vector_store %arg6[%swap3A_1451, %swap3A_1452], %swap3A_1455 {strides = array<i32>} : memref<32x512xi32, #tpu.memory_space<vmem>>, vector<1x16xi32>,
      %add3A_1456 = arith.constant 384 : i32
      %add3A_1457 = vector.broadcast %add3A_1456 : i32 to vector<16xi32>
      %add3A_1458 = arith.addi %add3A_1416, %add3A_1457 : vector<16xi32>
      %mul3A_1459 = arith.constant 128 : i32
      %mul3A_1460 = arith.muli %scan3A_25, %mul3A_1459 : i32
      %add3A_1461 = arith.constant 96 : i32
      %add3A_1462 = arith.addi %mul3A_1460, %add3A_1461 : i32
      %swap3A_1463 = arith.constant 3 : i32
      %swap3A_1464 = arith.index_cast %swap3A_1463 : i32 to index
      %swap3A_1465 = arith.index_cast %add3A_1462 : i32 to index
      %swap3A_1466 = tpu.vector_load %arg6[%swap3A_1464, %swap3A_1465] {strides = array<i32>} : memref<32x512xi32, #tpu.memory_space<vmem>>, vector<1x16xi32>,
      %swap3A_1467 = vector.shape_cast %swap3A_1466 : vector<1x16xi32> to vector<16xi32>
      %swap3A_1468 = vector.shape_cast %add3A_1458 : vector<16xi32> to vector<1x16xi32>
      tpu.vector_store %arg6[%swap3A_1464, %swap3A_1465], %swap3A_1468 {strides = array<i32>} : memref<32x512xi32, #tpu.memory_space<vmem>>, vector<1x16xi32>,
      %add3A_1469 = arith.constant 512 : i32
      %add3A_1470 = vector.broadcast %add3A_1469 : i32 to vector<16xi32>
      %add3A_1471 = arith.addi %add3A_1416, %add3A_1470 : vector<16xi32>
      %mul3A_1472 = arith.constant 128 : i32
      %mul3A_1473 = arith.muli %scan3A_25, %mul3A_1472 : i32
      %add3A_1474 = arith.constant 96 : i32
      %add3A_1475 = arith.addi %mul3A_1473, %add3A_1474 : i32
      %swap3A_1476 = arith.constant 4 : i32
      %swap3A_1477 = arith.index_cast %swap3A_1476 : i32 to index
      %swap3A_1478 = arith.index_cast %add3A_1475 : i32 to index
      %swap3A_1479 = tpu.vector_load %arg6[%swap3A_1477, %swap3A_1478] {strides = array<i32>} : memref<32x512xi32, #tpu.memory_space<vmem>>, vector<1x16xi32>,
      %swap3A_1480 = vector.shape_cast %swap3A_1479 : vector<1x16xi32> to vector<16xi32>
      %swap3A_1481 = vector.shape_cast %add3A_1471 : vector<16xi32> to vector<1x16xi32>
      tpu.vector_store %arg6[%swap3A_1477, %swap3A_1478], %swap3A_1481 {strides = array<i32>} : memref<32x512xi32, #tpu.memory_space<vmem>>, vector<1x16xi32>,
      %add3A_1482 = arith.constant 640 : i32
      %add3A_1483 = vector.broadcast %add3A_1482 : i32 to vector<16xi32>
      %add3A_1484 = arith.addi %add3A_1416, %add3A_1483 : vector<16xi32>
      %mul3A_1485 = arith.constant 128 : i32
      %mul3A_1486 = arith.muli %scan3A_25, %mul3A_1485 : i32
      %add3A_1487 = arith.constant 96 : i32
      %add3A_1488 = arith.addi %mul3A_1486, %add3A_1487 : i32
      %swap3A_1489 = arith.constant 5 : i32
      %swap3A_1490 = arith.index_cast %swap3A_1489 : i32 to index
      %swap3A_1491 = arith.index_cast %add3A_1488 : i32 to index
      %swap3A_1492 = tpu.vector_load %arg6[%swap3A_1490, %swap3A_1491] {strides = array<i32>} : memref<32x512xi32, #tpu.memory_space<vmem>>, vector<1x16xi32>,
      %swap3A_1493 = vector.shape_cast %swap3A_1492 : vector<1x16xi32> to vector<16xi32>
      %swap3A_1494 = vector.shape_cast %add3A_1484 : vector<16xi32> to vector<1x16xi32>
      tpu.vector_store %arg6[%swap3A_1490, %swap3A_1491], %swap3A_1494 {strides = array<i32>} : memref<32x512xi32, #tpu.memory_space<vmem>>, vector<1x16xi32>,
      %add3A_1495 = arith.constant 768 : i32
      %add3A_1496 = vector.broadcast %add3A_1495 : i32 to vector<16xi32>
      %add3A_1497 = arith.addi %add3A_1416, %add3A_1496 : vector<16xi32>
      %mul3A_1498 = arith.constant 128 : i32
      %mul3A_1499 = arith.muli %scan3A_25, %mul3A_1498 : i32
      %add3A_1500 = arith.constant 96 : i32
      %add3A_1501 = arith.addi %mul3A_1499, %add3A_1500 : i32
      %swap3A_1502 = arith.constant 6 : i32
      %swap3A_1503 = arith.index_cast %swap3A_1502 : i32 to index
      %swap3A_1504 = arith.index_cast %add3A_1501 : i32 to index
      %swap3A_1505 = tpu.vector_load %arg6[%swap3A_1503, %swap3A_1504] {strides = array<i32>} : memref<32x512xi32, #tpu.memory_space<vmem>>, vector<1x16xi32>,
      %swap3A_1506 = vector.shape_cast %swap3A_1505 : vector<1x16xi32> to vector<16xi32>
      %swap3A_1507 = vector.shape_cast %add3A_1497 : vector<16xi32> to vector<1x16xi32>
      tpu.vector_store %arg6[%swap3A_1503, %swap3A_1504], %swap3A_1507 {strides = array<i32>} : memref<32x512xi32, #tpu.memory_space<vmem>>, vector<1x16xi32>,
      %add3A_1508 = arith.constant 896 : i32
      %add3A_1509 = vector.broadcast %add3A_1508 : i32 to vector<16xi32>
      %add3A_1510 = arith.addi %add3A_1416, %add3A_1509 : vector<16xi32>
      %mul3A_1511 = arith.constant 128 : i32
      %mul3A_1512 = arith.muli %scan3A_25, %mul3A_1511 : i32
      %add3A_1513 = arith.constant 96 : i32
      %add3A_1514 = arith.addi %mul3A_1512, %add3A_1513 : i32
      %swap3A_1515 = arith.constant 7 : i32
      %swap3A_1516 = arith.index_cast %swap3A_1515 : i32 to index
      %swap3A_1517 = arith.index_cast %add3A_1514 : i32 to index
      %swap3A_1518 = tpu.vector_load %arg6[%swap3A_1516, %swap3A_1517] {strides = array<i32>} : memref<32x512xi32, #tpu.memory_space<vmem>>, vector<1x16xi32>,
      %swap3A_1519 = vector.shape_cast %swap3A_1518 : vector<1x16xi32> to vector<16xi32>
      %swap3A_1520 = vector.shape_cast %add3A_1510 : vector<16xi32> to vector<1x16xi32>
      tpu.vector_store %arg6[%swap3A_1516, %swap3A_1517], %swap3A_1520 {strides = array<i32>} : memref<32x512xi32, #tpu.memory_space<vmem>>, vector<1x16xi32>,
      %add3A_1521 = arith.constant 16000000 : i32
      %add3A_1522 = vector.broadcast %add3A_1521 : i32 to vector<16xi32>
      %add3A_1523 = arith.addi %add3A_1416, %add3A_1522 : vector<16xi32>
      %mul3A_1524 = arith.constant 128 : i32
      %mul3A_1525 = arith.muli %scan3A_25, %mul3A_1524 : i32
      %add3A_1526 = arith.constant 96 : i32
      %add3A_1527 = arith.addi %mul3A_1525, %add3A_1526 : i32
      %swap3A_1528 = arith.constant 8 : i32
      %swap3A_1529 = arith.index_cast %swap3A_1528 : i32 to index
      %swap3A_1530 = arith.index_cast %add3A_1527 : i32 to index
      %swap3A_1531 = tpu.vector_load %arg6[%swap3A_1529, %swap3A_1530] {strides = array<i32>} : memref<32x512xi32, #tpu.memory_space<vmem>>, vector<1x16xi32>,
      %swap3A_1532 = vector.shape_cast %swap3A_1531 : vector<1x16xi32> to vector<16xi32>
      %swap3A_1533 = vector.shape_cast %add3A_1523 : vector<16xi32> to vector<1x16xi32>
      tpu.vector_store %arg6[%swap3A_1529, %swap3A_1530], %swap3A_1533 {strides = array<i32>} : memref<32x512xi32, #tpu.memory_space<vmem>>, vector<1x16xi32>,
      %add3A_1534 = arith.constant 16000128 : i32
      %add3A_1535 = vector.broadcast %add3A_1534 : i32 to vector<16xi32>
      %add3A_1536 = arith.addi %add3A_1416, %add3A_1535 : vector<16xi32>
      %mul3A_1537 = arith.constant 128 : i32
      %mul3A_1538 = arith.muli %scan3A_25, %mul3A_1537 : i32
      %add3A_1539 = arith.constant 96 : i32
      %add3A_1540 = arith.addi %mul3A_1538, %add3A_1539 : i32
      %swap3A_1541 = arith.constant 9 : i32
      %swap3A_1542 = arith.index_cast %swap3A_1541 : i32 to index
      %swap3A_1543 = arith.index_cast %add3A_1540 : i32 to index
      %swap3A_1544 = tpu.vector_load %arg6[%swap3A_1542, %swap3A_1543] {strides = array<i32>} : memref<32x512xi32, #tpu.memory_space<vmem>>, vector<1x16xi32>,
      %swap3A_1545 = vector.shape_cast %swap3A_1544 : vector<1x16xi32> to vector<16xi32>
      %swap3A_1546 = vector.shape_cast %add3A_1536 : vector<16xi32> to vector<1x16xi32>
      tpu.vector_store %arg6[%swap3A_1542, %swap3A_1543], %swap3A_1546 {strides = array<i32>} : memref<32x512xi32, #tpu.memory_space<vmem>>, vector<1x16xi32>,
      %add3A_1547 = arith.constant 16000256 : i32
      %add3A_1548 = vector.broadcast %add3A_1547 : i32 to vector<16xi32>
      %add3A_1549 = arith.addi %add3A_1416, %add3A_1548 : vector<16xi32>
      %mul3A_1550 = arith.constant 128 : i32
      %mul3A_1551 = arith.muli %scan3A_25, %mul3A_1550 : i32
      %add3A_1552 = arith.constant 96 : i32
      %add3A_1553 = arith.addi %mul3A_1551, %add3A_1552 : i32
      %swap3A_1554 = arith.constant 10 : i32
      %swap3A_1555 = arith.index_cast %swap3A_1554 : i32 to index
      %swap3A_1556 = arith.index_cast %add3A_1553 : i32 to index
      %swap3A_1557 = tpu.vector_load %arg6[%swap3A_1555, %swap3A_1556] {strides = array<i32>} : memref<32x512xi32, #tpu.memory_space<vmem>>, vector<1x16xi32>,
      %swap3A_1558 = vector.shape_cast %swap3A_1557 : vector<1x16xi32> to vector<16xi32>
      %swap3A_1559 = vector.shape_cast %add3A_1549 : vector<16xi32> to vector<1x16xi32>
      tpu.vector_store %arg6[%swap3A_1555, %swap3A_1556], %swap3A_1559 {strides = array<i32>} : memref<32x512xi32, #tpu.memory_space<vmem>>, vector<1x16xi32>,
      %add3A_1560 = arith.constant 16000384 : i32
      %add3A_1561 = vector.broadcast %add3A_1560 : i32 to vector<16xi32>
      %add3A_1562 = arith.addi %add3A_1416, %add3A_1561 : vector<16xi32>
      %mul3A_1563 = arith.constant 128 : i32
      %mul3A_1564 = arith.muli %scan3A_25, %mul3A_1563 : i32
      %add3A_1565 = arith.constant 96 : i32
      %add3A_1566 = arith.addi %mul3A_1564, %add3A_1565 : i32
      %swap3A_1567 = arith.constant 11 : i32
      %swap3A_1568 = arith.index_cast %swap3A_1567 : i32 to index
      %swap3A_1569 = arith.index_cast %add3A_1566 : i32 to index
      %swap3A_1570 = tpu.vector_load %arg6[%swap3A_1568, %swap3A_1569] {strides = array<i32>} : memref<32x512xi32, #tpu.memory_space<vmem>>, vector<1x16xi32>,
      %swap3A_1571 = vector.shape_cast %swap3A_1570 : vector<1x16xi32> to vector<16xi32>
      %swap3A_1572 = vector.shape_cast %add3A_1562 : vector<16xi32> to vector<1x16xi32>
      tpu.vector_store %arg6[%swap3A_1568, %swap3A_1569], %swap3A_1572 {strides = array<i32>} : memref<32x512xi32, #tpu.memory_space<vmem>>, vector<1x16xi32>,
      %add3A_1573 = arith.constant 16000512 : i32
      %add3A_1574 = vector.broadcast %add3A_1573 : i32 to vector<16xi32>
      %add3A_1575 = arith.addi %add3A_1416, %add3A_1574 : vector<16xi32>
      %mul3A_1576 = arith.constant 128 : i32
      %mul3A_1577 = arith.muli %scan3A_25, %mul3A_1576 : i32
      %add3A_1578 = arith.constant 96 : i32
      %add3A_1579 = arith.addi %mul3A_1577, %add3A_1578 : i32
      %swap3A_1580 = arith.constant 12 : i32
      %swap3A_1581 = arith.index_cast %swap3A_1580 : i32 to index
      %swap3A_1582 = arith.index_cast %add3A_1579 : i32 to index
      %swap3A_1583 = tpu.vector_load %arg6[%swap3A_1581, %swap3A_1582] {strides = array<i32>} : memref<32x512xi32, #tpu.memory_space<vmem>>, vector<1x16xi32>,
      %swap3A_1584 = vector.shape_cast %swap3A_1583 : vector<1x16xi32> to vector<16xi32>
      %swap3A_1585 = vector.shape_cast %add3A_1575 : vector<16xi32> to vector<1x16xi32>
      tpu.vector_store %arg6[%swap3A_1581, %swap3A_1582], %swap3A_1585 {strides = array<i32>} : memref<32x512xi32, #tpu.memory_space<vmem>>, vector<1x16xi32>,
      %add3A_1586 = arith.constant 16000640 : i32
      %add3A_1587 = vector.broadcast %add3A_1586 : i32 to vector<16xi32>
      %add3A_1588 = arith.addi %add3A_1416, %add3A_1587 : vector<16xi32>
      %mul3A_1589 = arith.constant 128 : i32
      %mul3A_1590 = arith.muli %scan3A_25, %mul3A_1589 : i32
      %add3A_1591 = arith.constant 96 : i32
      %add3A_1592 = arith.addi %mul3A_1590, %add3A_1591 : i32
      %swap3A_1593 = arith.constant 13 : i32
      %swap3A_1594 = arith.index_cast %swap3A_1593 : i32 to index
      %swap3A_1595 = arith.index_cast %add3A_1592 : i32 to index
      %swap3A_1596 = tpu.vector_load %arg6[%swap3A_1594, %swap3A_1595] {strides = array<i32>} : memref<32x512xi32, #tpu.memory_space<vmem>>, vector<1x16xi32>,
      %swap3A_1597 = vector.shape_cast %swap3A_1596 : vector<1x16xi32> to vector<16xi32>
      %swap3A_1598 = vector.shape_cast %add3A_1588 : vector<16xi32> to vector<1x16xi32>
      tpu.vector_store %arg6[%swap3A_1594, %swap3A_1595], %swap3A_1598 {strides = array<i32>} : memref<32x512xi32, #tpu.memory_space<vmem>>, vector<1x16xi32>,
      %add3A_1599 = arith.constant 16000768 : i32
      %add3A_1600 = vector.broadcast %add3A_1599 : i32 to vector<16xi32>
      %add3A_1601 = arith.addi %add3A_1416, %add3A_1600 : vector<16xi32>
      %mul3A_1602 = arith.constant 128 : i32
      %mul3A_1603 = arith.muli %scan3A_25, %mul3A_1602 : i32
      %add3A_1604 = arith.constant 96 : i32
      %add3A_1605 = arith.addi %mul3A_1603, %add3A_1604 : i32
      %swap3A_1606 = arith.constant 14 : i32
      %swap3A_1607 = arith.index_cast %swap3A_1606 : i32 to index
      %swap3A_1608 = arith.index_cast %add3A_1605 : i32 to index
      %swap3A_1609 = tpu.vector_load %arg6[%swap3A_1607, %swap3A_1608] {strides = array<i32>} : memref<32x512xi32, #tpu.memory_space<vmem>>, vector<1x16xi32>,
      %swap3A_1610 = vector.shape_cast %swap3A_1609 : vector<1x16xi32> to vector<16xi32>
      %swap3A_1611 = vector.shape_cast %add3A_1601 : vector<16xi32> to vector<1x16xi32>
      tpu.vector_store %arg6[%swap3A_1607, %swap3A_1608], %swap3A_1611 {strides = array<i32>} : memref<32x512xi32, #tpu.memory_space<vmem>>, vector<1x16xi32>,
      %add3A_1612 = arith.constant 16000896 : i32
      %add3A_1613 = vector.broadcast %add3A_1612 : i32 to vector<16xi32>
      %add3A_1614 = arith.addi %add3A_1416, %add3A_1613 : vector<16xi32>
      %mul3A_1615 = arith.constant 128 : i32
      %mul3A_1616 = arith.muli %scan3A_25, %mul3A_1615 : i32
      %add3A_1617 = arith.constant 96 : i32
      %add3A_1618 = arith.addi %mul3A_1616, %add3A_1617 : i32
      %swap3A_1619 = arith.constant 15 : i32
      %swap3A_1620 = arith.index_cast %swap3A_1619 : i32 to index
      %swap3A_1621 = arith.index_cast %add3A_1618 : i32 to index
      %swap3A_1622 = tpu.vector_load %arg6[%swap3A_1620, %swap3A_1621] {strides = array<i32>} : memref<32x512xi32, #tpu.memory_space<vmem>>, vector<1x16xi32>,
      %swap3A_1623 = vector.shape_cast %swap3A_1622 : vector<1x16xi32> to vector<16xi32>
      %swap3A_1624 = vector.shape_cast %add3A_1614 : vector<16xi32> to vector<1x16xi32>
      tpu.vector_store %arg6[%swap3A_1620, %swap3A_1621], %swap3A_1624 {strides = array<i32>} : memref<32x512xi32, #tpu.memory_space<vmem>>, vector<1x16xi32>,
      %mul3A_1625 = arith.constant 2 : i32
      %mul3A_1626 = arith.muli %mul3A_1625, %scan3A_25 : i32
      %add3A_1627 = arith.constant 0 : i32
      %add3A_1628 = arith.addi %mul3A_1626, %add3A_1627 : i32
      %get3A_1629 = arith.index_cast %add3A_1628 : i32 to index
      %get3A_1630 = arith.constant 112 : index
      %get3A_1631 = tpu.vector_load %arg5[%get3A_1629, %get3A_1630] {strides = array<i32>} : memref<8x128xi32, #tpu.memory_space<vmem>>, vector<1x16xi32>,
      %get3A_1632 = vector.shape_cast %get3A_1631 : vector<1x16xi32> to vector<16xi32>
      %add3A_1633 = arith.constant 0 : i32
      %add3A_1634 = vector.broadcast %add3A_1633 : i32 to vector<16xi32>
      %add3A_1635 = arith.addi %get3A_1632, %add3A_1634 : vector<16xi32>
      %shift_right_logical3A_1636 = arith.constant 7 : i32
      %shift_right_logical3A_1637 = vector.broadcast %shift_right_logical3A_1636 : i32 to vector<16xi32>
      %shift_right_logical3A_1638 = arith.shrui %add3A_1635, %shift_right_logical3A_1637 : vector<16xi32>
      %mul3A_1639 = arith.constant 1024 : i32
      %mul3A_1640 = vector.broadcast %mul3A_1639 : i32 to vector<16xi32>
      %mul3A_1641 = arith.muli %shift_right_logical3A_1638, %mul3A_1640 : vector<16xi32>
      %and3A_1642 = arith.constant 127 : i32
      %and3A_1643 = vector.broadcast %and3A_1642 : i32 to vector<16xi32>
      %and3A_1644 = arith.andi %add3A_1635, %and3A_1643 : vector<16xi32>
      %add3A_1645 = arith.addi %mul3A_1641, %and3A_1644 : vector<16xi32>
      %add3A_1646 = arith.constant 0 : i32
      %add3A_1647 = vector.broadcast %add3A_1646 : i32 to vector<16xi32>
      %add3A_1648 = arith.addi %add3A_1645, %add3A_1647 : vector<16xi32>
      %mul3A_1649 = arith.constant 128 : i32
      %mul3A_1650 = arith.muli %scan3A_25, %mul3A_1649 : i32
      %add3A_1651 = arith.constant 112 : i32
      %add3A_1652 = arith.addi %mul3A_1650, %add3A_1651 : i32
      %swap3A_1653 = arith.constant 0 : i32
      %swap3A_1654 = arith.index_cast %swap3A_1653 : i32 to index
      %swap3A_1655 = arith.index_cast %add3A_1652 : i32 to index
      %swap3A_1656 = tpu.vector_load %arg6[%swap3A_1654, %swap3A_1655] {strides = array<i32>} : memref<32x512xi32, #tpu.memory_space<vmem>>, vector<1x16xi32>,
      %swap3A_1657 = vector.shape_cast %swap3A_1656 : vector<1x16xi32> to vector<16xi32>
      %swap3A_1658 = vector.shape_cast %add3A_1648 : vector<16xi32> to vector<1x16xi32>
      tpu.vector_store %arg6[%swap3A_1654, %swap3A_1655], %swap3A_1658 {strides = array<i32>} : memref<32x512xi32, #tpu.memory_space<vmem>>, vector<1x16xi32>,
      %add3A_1659 = arith.constant 128 : i32
      %add3A_1660 = vector.broadcast %add3A_1659 : i32 to vector<16xi32>
      %add3A_1661 = arith.addi %add3A_1645, %add3A_1660 : vector<16xi32>
      %mul3A_1662 = arith.constant 128 : i32
      %mul3A_1663 = arith.muli %scan3A_25, %mul3A_1662 : i32
      %add3A_1664 = arith.constant 112 : i32
      %add3A_1665 = arith.addi %mul3A_1663, %add3A_1664 : i32
      %swap3A_1666 = arith.constant 1 : i32
      %swap3A_1667 = arith.index_cast %swap3A_1666 : i32 to index
      %swap3A_1668 = arith.index_cast %add3A_1665 : i32 to index
      %swap3A_1669 = tpu.vector_load %arg6[%swap3A_1667, %swap3A_1668] {strides = array<i32>} : memref<32x512xi32, #tpu.memory_space<vmem>>, vector<1x16xi32>,
      %swap3A_1670 = vector.shape_cast %swap3A_1669 : vector<1x16xi32> to vector<16xi32>
      %swap3A_1671 = vector.shape_cast %add3A_1661 : vector<16xi32> to vector<1x16xi32>
      tpu.vector_store %arg6[%swap3A_1667, %swap3A_1668], %swap3A_1671 {strides = array<i32>} : memref<32x512xi32, #tpu.memory_space<vmem>>, vector<1x16xi32>,
      %add3A_1672 = arith.constant 256 : i32
      %add3A_1673 = vector.broadcast %add3A_1672 : i32 to vector<16xi32>
      %add3A_1674 = arith.addi %add3A_1645, %add3A_1673 : vector<16xi32>
      %mul3A_1675 = arith.constant 128 : i32
      %mul3A_1676 = arith.muli %scan3A_25, %mul3A_1675 : i32
      %add3A_1677 = arith.constant 112 : i32
      %add3A_1678 = arith.addi %mul3A_1676, %add3A_1677 : i32
      %swap3A_1679 = arith.constant 2 : i32
      %swap3A_1680 = arith.index_cast %swap3A_1679 : i32 to index
      %swap3A_1681 = arith.index_cast %add3A_1678 : i32 to index
      %swap3A_1682 = tpu.vector_load %arg6[%swap3A_1680, %swap3A_1681] {strides = array<i32>} : memref<32x512xi32, #tpu.memory_space<vmem>>, vector<1x16xi32>,
      %swap3A_1683 = vector.shape_cast %swap3A_1682 : vector<1x16xi32> to vector<16xi32>
      %swap3A_1684 = vector.shape_cast %add3A_1674 : vector<16xi32> to vector<1x16xi32>
      tpu.vector_store %arg6[%swap3A_1680, %swap3A_1681], %swap3A_1684 {strides = array<i32>} : memref<32x512xi32, #tpu.memory_space<vmem>>, vector<1x16xi32>,
      %add3A_1685 = arith.constant 384 : i32
      %add3A_1686 = vector.broadcast %add3A_1685 : i32 to vector<16xi32>
      %add3A_1687 = arith.addi %add3A_1645, %add3A_1686 : vector<16xi32>
      %mul3A_1688 = arith.constant 128 : i32
      %mul3A_1689 = arith.muli %scan3A_25, %mul3A_1688 : i32
      %add3A_1690 = arith.constant 112 : i32
      %add3A_1691 = arith.addi %mul3A_1689, %add3A_1690 : i32
      %swap3A_1692 = arith.constant 3 : i32
      %swap3A_1693 = arith.index_cast %swap3A_1692 : i32 to index
      %swap3A_1694 = arith.index_cast %add3A_1691 : i32 to index
      %swap3A_1695 = tpu.vector_load %arg6[%swap3A_1693, %swap3A_1694] {strides = array<i32>} : memref<32x512xi32, #tpu.memory_space<vmem>>, vector<1x16xi32>,
      %swap3A_1696 = vector.shape_cast %swap3A_1695 : vector<1x16xi32> to vector<16xi32>
      %swap3A_1697 = vector.shape_cast %add3A_1687 : vector<16xi32> to vector<1x16xi32>
      tpu.vector_store %arg6[%swap3A_1693, %swap3A_1694], %swap3A_1697 {strides = array<i32>} : memref<32x512xi32, #tpu.memory_space<vmem>>, vector<1x16xi32>,
      %add3A_1698 = arith.constant 512 : i32
      %add3A_1699 = vector.broadcast %add3A_1698 : i32 to vector<16xi32>
      %add3A_1700 = arith.addi %add3A_1645, %add3A_1699 : vector<16xi32>
      %mul3A_1701 = arith.constant 128 : i32
      %mul3A_1702 = arith.muli %scan3A_25, %mul3A_1701 : i32
      %add3A_1703 = arith.constant 112 : i32
      %add3A_1704 = arith.addi %mul3A_1702, %add3A_1703 : i32
      %swap3A_1705 = arith.constant 4 : i32
      %swap3A_1706 = arith.index_cast %swap3A_1705 : i32 to index
      %swap3A_1707 = arith.index_cast %add3A_1704 : i32 to index
      %swap3A_1708 = tpu.vector_load %arg6[%swap3A_1706, %swap3A_1707] {strides = array<i32>} : memref<32x512xi32, #tpu.memory_space<vmem>>, vector<1x16xi32>,
      %swap3A_1709 = vector.shape_cast %swap3A_1708 : vector<1x16xi32> to vector<16xi32>
      %swap3A_1710 = vector.shape_cast %add3A_1700 : vector<16xi32> to vector<1x16xi32>
      tpu.vector_store %arg6[%swap3A_1706, %swap3A_1707], %swap3A_1710 {strides = array<i32>} : memref<32x512xi32, #tpu.memory_space<vmem>>, vector<1x16xi32>,
      %add3A_1711 = arith.constant 640 : i32
      %add3A_1712 = vector.broadcast %add3A_1711 : i32 to vector<16xi32>
      %add3A_1713 = arith.addi %add3A_1645, %add3A_1712 : vector<16xi32>
      %mul3A_1714 = arith.constant 128 : i32
      %mul3A_1715 = arith.muli %scan3A_25, %mul3A_1714 : i32
      %add3A_1716 = arith.constant 112 : i32
      %add3A_1717 = arith.addi %mul3A_1715, %add3A_1716 : i32
      %swap3A_1718 = arith.constant 5 : i32
      %swap3A_1719 = arith.index_cast %swap3A_1718 : i32 to index
      %swap3A_1720 = arith.index_cast %add3A_1717 : i32 to index
      %swap3A_1721 = tpu.vector_load %arg6[%swap3A_1719, %swap3A_1720] {strides = array<i32>} : memref<32x512xi32, #tpu.memory_space<vmem>>, vector<1x16xi32>,
      %swap3A_1722 = vector.shape_cast %swap3A_1721 : vector<1x16xi32> to vector<16xi32>
      %swap3A_1723 = vector.shape_cast %add3A_1713 : vector<16xi32> to vector<1x16xi32>
      tpu.vector_store %arg6[%swap3A_1719, %swap3A_1720], %swap3A_1723 {strides = array<i32>} : memref<32x512xi32, #tpu.memory_space<vmem>>, vector<1x16xi32>,
      %add3A_1724 = arith.constant 768 : i32
      %add3A_1725 = vector.broadcast %add3A_1724 : i32 to vector<16xi32>
      %add3A_1726 = arith.addi %add3A_1645, %add3A_1725 : vector<16xi32>
      %mul3A_1727 = arith.constant 128 : i32
      %mul3A_1728 = arith.muli %scan3A_25, %mul3A_1727 : i32
      %add3A_1729 = arith.constant 112 : i32
      %add3A_1730 = arith.addi %mul3A_1728, %add3A_1729 : i32
      %swap3A_1731 = arith.constant 6 : i32
      %swap3A_1732 = arith.index_cast %swap3A_1731 : i32 to index
      %swap3A_1733 = arith.index_cast %add3A_1730 : i32 to index
      %swap3A_1734 = tpu.vector_load %arg6[%swap3A_1732, %swap3A_1733] {strides = array<i32>} : memref<32x512xi32, #tpu.memory_space<vmem>>, vector<1x16xi32>,
      %swap3A_1735 = vector.shape_cast %swap3A_1734 : vector<1x16xi32> to vector<16xi32>
      %swap3A_1736 = vector.shape_cast %add3A_1726 : vector<16xi32> to vector<1x16xi32>
      tpu.vector_store %arg6[%swap3A_1732, %swap3A_1733], %swap3A_1736 {strides = array<i32>} : memref<32x512xi32, #tpu.memory_space<vmem>>, vector<1x16xi32>,
      %add3A_1737 = arith.constant 896 : i32
      %add3A_1738 = vector.broadcast %add3A_1737 : i32 to vector<16xi32>
      %add3A_1739 = arith.addi %add3A_1645, %add3A_1738 : vector<16xi32>
      %mul3A_1740 = arith.constant 128 : i32
      %mul3A_1741 = arith.muli %scan3A_25, %mul3A_1740 : i32
      %add3A_1742 = arith.constant 112 : i32
      %add3A_1743 = arith.addi %mul3A_1741, %add3A_1742 : i32
      %swap3A_1744 = arith.constant 7 : i32
      %swap3A_1745 = arith.index_cast %swap3A_1744 : i32 to index
      %swap3A_1746 = arith.index_cast %add3A_1743 : i32 to index
      %swap3A_1747 = tpu.vector_load %arg6[%swap3A_1745, %swap3A_1746] {strides = array<i32>} : memref<32x512xi32, #tpu.memory_space<vmem>>, vector<1x16xi32>,
      %swap3A_1748 = vector.shape_cast %swap3A_1747 : vector<1x16xi32> to vector<16xi32>
      %swap3A_1749 = vector.shape_cast %add3A_1739 : vector<16xi32> to vector<1x16xi32>
      tpu.vector_store %arg6[%swap3A_1745, %swap3A_1746], %swap3A_1749 {strides = array<i32>} : memref<32x512xi32, #tpu.memory_space<vmem>>, vector<1x16xi32>,
      %add3A_1750 = arith.constant 16000000 : i32
      %add3A_1751 = vector.broadcast %add3A_1750 : i32 to vector<16xi32>
      %add3A_1752 = arith.addi %add3A_1645, %add3A_1751 : vector<16xi32>
      %mul3A_1753 = arith.constant 128 : i32
      %mul3A_1754 = arith.muli %scan3A_25, %mul3A_1753 : i32
      %add3A_1755 = arith.constant 112 : i32
      %add3A_1756 = arith.addi %mul3A_1754, %add3A_1755 : i32
      %swap3A_1757 = arith.constant 8 : i32
      %swap3A_1758 = arith.index_cast %swap3A_1757 : i32 to index
      %swap3A_1759 = arith.index_cast %add3A_1756 : i32 to index
      %swap3A_1760 = tpu.vector_load %arg6[%swap3A_1758, %swap3A_1759] {strides = array<i32>} : memref<32x512xi32, #tpu.memory_space<vmem>>, vector<1x16xi32>,
      %swap3A_1761 = vector.shape_cast %swap3A_1760 : vector<1x16xi32> to vector<16xi32>
      %swap3A_1762 = vector.shape_cast %add3A_1752 : vector<16xi32> to vector<1x16xi32>
      tpu.vector_store %arg6[%swap3A_1758, %swap3A_1759], %swap3A_1762 {strides = array<i32>} : memref<32x512xi32, #tpu.memory_space<vmem>>, vector<1x16xi32>,
      %add3A_1763 = arith.constant 16000128 : i32
      %add3A_1764 = vector.broadcast %add3A_1763 : i32 to vector<16xi32>
      %add3A_1765 = arith.addi %add3A_1645, %add3A_1764 : vector<16xi32>
      %mul3A_1766 = arith.constant 128 : i32
      %mul3A_1767 = arith.muli %scan3A_25, %mul3A_1766 : i32
      %add3A_1768 = arith.constant 112 : i32
      %add3A_1769 = arith.addi %mul3A_1767, %add3A_1768 : i32
      %swap3A_1770 = arith.constant 9 : i32
      %swap3A_1771 = arith.index_cast %swap3A_1770 : i32 to index
      %swap3A_1772 = arith.index_cast %add3A_1769 : i32 to index
      %swap3A_1773 = tpu.vector_load %arg6[%swap3A_1771, %swap3A_1772] {strides = array<i32>} : memref<32x512xi32, #tpu.memory_space<vmem>>, vector<1x16xi32>,
      %swap3A_1774 = vector.shape_cast %swap3A_1773 : vector<1x16xi32> to vector<16xi32>
      %swap3A_1775 = vector.shape_cast %add3A_1765 : vector<16xi32> to vector<1x16xi32>
      tpu.vector_store %arg6[%swap3A_1771, %swap3A_1772], %swap3A_1775 {strides = array<i32>} : memref<32x512xi32, #tpu.memory_space<vmem>>, vector<1x16xi32>,
      %add3A_1776 = arith.constant 16000256 : i32
      %add3A_1777 = vector.broadcast %add3A_1776 : i32 to vector<16xi32>
      %add3A_1778 = arith.addi %add3A_1645, %add3A_1777 : vector<16xi32>
      %mul3A_1779 = arith.constant 128 : i32
      %mul3A_1780 = arith.muli %scan3A_25, %mul3A_1779 : i32
      %add3A_1781 = arith.constant 112 : i32
      %add3A_1782 = arith.addi %mul3A_1780, %add3A_1781 : i32
      %swap3A_1783 = arith.constant 10 : i32
      %swap3A_1784 = arith.index_cast %swap3A_1783 : i32 to index
      %swap3A_1785 = arith.index_cast %add3A_1782 : i32 to index
      %swap3A_1786 = tpu.vector_load %arg6[%swap3A_1784, %swap3A_1785] {strides = array<i32>} : memref<32x512xi32, #tpu.memory_space<vmem>>, vector<1x16xi32>,
      %swap3A_1787 = vector.shape_cast %swap3A_1786 : vector<1x16xi32> to vector<16xi32>
      %swap3A_1788 = vector.shape_cast %add3A_1778 : vector<16xi32> to vector<1x16xi32>
      tpu.vector_store %arg6[%swap3A_1784, %swap3A_1785], %swap3A_1788 {strides = array<i32>} : memref<32x512xi32, #tpu.memory_space<vmem>>, vector<1x16xi32>,
      %add3A_1789 = arith.constant 16000384 : i32
      %add3A_1790 = vector.broadcast %add3A_1789 : i32 to vector<16xi32>
      %add3A_1791 = arith.addi %add3A_1645, %add3A_1790 : vector<16xi32>
      %mul3A_1792 = arith.constant 128 : i32
      %mul3A_1793 = arith.muli %scan3A_25, %mul3A_1792 : i32
      %add3A_1794 = arith.constant 112 : i32
      %add3A_1795 = arith.addi %mul3A_1793, %add3A_1794 : i32
      %swap3A_1796 = arith.constant 11 : i32
      %swap3A_1797 = arith.index_cast %swap3A_1796 : i32 to index
      %swap3A_1798 = arith.index_cast %add3A_1795 : i32 to index
      %swap3A_1799 = tpu.vector_load %arg6[%swap3A_1797, %swap3A_1798] {strides = array<i32>} : memref<32x512xi32, #tpu.memory_space<vmem>>, vector<1x16xi32>,
      %swap3A_1800 = vector.shape_cast %swap3A_1799 : vector<1x16xi32> to vector<16xi32>
      %swap3A_1801 = vector.shape_cast %add3A_1791 : vector<16xi32> to vector<1x16xi32>
      tpu.vector_store %arg6[%swap3A_1797, %swap3A_1798], %swap3A_1801 {strides = array<i32>} : memref<32x512xi32, #tpu.memory_space<vmem>>, vector<1x16xi32>,
      %add3A_1802 = arith.constant 16000512 : i32
      %add3A_1803 = vector.broadcast %add3A_1802 : i32 to vector<16xi32>
      %add3A_1804 = arith.addi %add3A_1645, %add3A_1803 : vector<16xi32>
      %mul3A_1805 = arith.constant 128 : i32
      %mul3A_1806 = arith.muli %scan3A_25, %mul3A_1805 : i32
      %add3A_1807 = arith.constant 112 : i32
      %add3A_1808 = arith.addi %mul3A_1806, %add3A_1807 : i32
      %swap3A_1809 = arith.constant 12 : i32
      %swap3A_1810 = arith.index_cast %swap3A_1809 : i32 to index
      %swap3A_1811 = arith.index_cast %add3A_1808 : i32 to index
      %swap3A_1812 = tpu.vector_load %arg6[%swap3A_1810, %swap3A_1811] {strides = array<i32>} : memref<32x512xi32, #tpu.memory_space<vmem>>, vector<1x16xi32>,
      %swap3A_1813 = vector.shape_cast %swap3A_1812 : vector<1x16xi32> to vector<16xi32>
      %swap3A_1814 = vector.shape_cast %add3A_1804 : vector<16xi32> to vector<1x16xi32>
      tpu.vector_store %arg6[%swap3A_1810, %swap3A_1811], %swap3A_1814 {strides = array<i32>} : memref<32x512xi32, #tpu.memory_space<vmem>>, vector<1x16xi32>,
      %add3A_1815 = arith.constant 16000640 : i32
      %add3A_1816 = vector.broadcast %add3A_1815 : i32 to vector<16xi32>
      %add3A_1817 = arith.addi %add3A_1645, %add3A_1816 : vector<16xi32>
      %mul3A_1818 = arith.constant 128 : i32
      %mul3A_1819 = arith.muli %scan3A_25, %mul3A_1818 : i32
      %add3A_1820 = arith.constant 112 : i32
      %add3A_1821 = arith.addi %mul3A_1819, %add3A_1820 : i32
      %swap3A_1822 = arith.constant 13 : i32
      %swap3A_1823 = arith.index_cast %swap3A_1822 : i32 to index
      %swap3A_1824 = arith.index_cast %add3A_1821 : i32 to index
      %swap3A_1825 = tpu.vector_load %arg6[%swap3A_1823, %swap3A_1824] {strides = array<i32>} : memref<32x512xi32, #tpu.memory_space<vmem>>, vector<1x16xi32>,
      %swap3A_1826 = vector.shape_cast %swap3A_1825 : vector<1x16xi32> to vector<16xi32>
      %swap3A_1827 = vector.shape_cast %add3A_1817 : vector<16xi32> to vector<1x16xi32>
      tpu.vector_store %arg6[%swap3A_1823, %swap3A_1824], %swap3A_1827 {strides = array<i32>} : memref<32x512xi32, #tpu.memory_space<vmem>>, vector<1x16xi32>,
      %add3A_1828 = arith.constant 16000768 : i32
      %add3A_1829 = vector.broadcast %add3A_1828 : i32 to vector<16xi32>
      %add3A_1830 = arith.addi %add3A_1645, %add3A_1829 : vector<16xi32>
      %mul3A_1831 = arith.constant 128 : i32
      %mul3A_1832 = arith.muli %scan3A_25, %mul3A_1831 : i32
      %add3A_1833 = arith.constant 112 : i32
      %add3A_1834 = arith.addi %mul3A_1832, %add3A_1833 : i32
      %swap3A_1835 = arith.constant 14 : i32
      %swap3A_1836 = arith.index_cast %swap3A_1835 : i32 to index
      %swap3A_1837 = arith.index_cast %add3A_1834 : i32 to index
      %swap3A_1838 = tpu.vector_load %arg6[%swap3A_1836, %swap3A_1837] {strides = array<i32>} : memref<32x512xi32, #tpu.memory_space<vmem>>, vector<1x16xi32>,
      %swap3A_1839 = vector.shape_cast %swap3A_1838 : vector<1x16xi32> to vector<16xi32>
      %swap3A_1840 = vector.shape_cast %add3A_1830 : vector<16xi32> to vector<1x16xi32>
      tpu.vector_store %arg6[%swap3A_1836, %swap3A_1837], %swap3A_1840 {strides = array<i32>} : memref<32x512xi32, #tpu.memory_space<vmem>>, vector<1x16xi32>,
      %add3A_1841 = arith.constant 16000896 : i32
      %add3A_1842 = vector.broadcast %add3A_1841 : i32 to vector<16xi32>
      %add3A_1843 = arith.addi %add3A_1645, %add3A_1842 : vector<16xi32>
      %mul3A_1844 = arith.constant 128 : i32
      %mul3A_1845 = arith.muli %scan3A_25, %mul3A_1844 : i32
      %add3A_1846 = arith.constant 112 : i32
      %add3A_1847 = arith.addi %mul3A_1845, %add3A_1846 : i32
      %swap3A_1848 = arith.constant 15 : i32
      %swap3A_1849 = arith.index_cast %swap3A_1848 : i32 to index
      %swap3A_1850 = arith.index_cast %add3A_1847 : i32 to index
      %swap3A_1851 = tpu.vector_load %arg6[%swap3A_1849, %swap3A_1850] {strides = array<i32>} : memref<32x512xi32, #tpu.memory_space<vmem>>, vector<1x16xi32>,
      %swap3A_1852 = vector.shape_cast %swap3A_1851 : vector<1x16xi32> to vector<16xi32>
      %swap3A_1853 = vector.shape_cast %add3A_1843 : vector<16xi32> to vector<1x16xi32>
      tpu.vector_store %arg6[%swap3A_1849, %swap3A_1850], %swap3A_1853 {strides = array<i32>} : memref<32x512xi32, #tpu.memory_space<vmem>>, vector<1x16xi32>,
      %mul3A_1854 = arith.constant 2 : i32
      %mul3A_1855 = arith.muli %mul3A_1854, %scan3A_25 : i32
      %add3A_1856 = arith.constant 1 : i32
      %add3A_1857 = arith.addi %mul3A_1855, %add3A_1856 : i32
      %get3A_1858 = arith.index_cast %add3A_1857 : i32 to index
      %get3A_1859 = arith.constant 0 : index
      %get3A_1860 = tpu.vector_load %arg5[%get3A_1858, %get3A_1859] {strides = array<i32>} : memref<8x128xi32, #tpu.memory_space<vmem>>, vector<1x16xi32>,
      %get3A_1861 = vector.shape_cast %get3A_1860 : vector<1x16xi32> to vector<16xi32>
      %add3A_1862 = arith.constant 1000000 : i32
      %add3A_1863 = vector.broadcast %add3A_1862 : i32 to vector<16xi32>
      %add3A_1864 = arith.addi %get3A_1861, %add3A_1863 : vector<16xi32>
      %shift_right_logical3A_1865 = arith.constant 7 : i32
      %shift_right_logical3A_1866 = vector.broadcast %shift_right_logical3A_1865 : i32 to vector<16xi32>
      %shift_right_logical3A_1867 = arith.shrui %add3A_1864, %shift_right_logical3A_1866 : vector<16xi32>
      %mul3A_1868 = arith.constant 1024 : i32
      %mul3A_1869 = vector.broadcast %mul3A_1868 : i32 to vector<16xi32>
      %mul3A_1870 = arith.muli %shift_right_logical3A_1867, %mul3A_1869 : vector<16xi32>
      %and3A_1871 = arith.constant 127 : i32
      %and3A_1872 = vector.broadcast %and3A_1871 : i32 to vector<16xi32>
      %and3A_1873 = arith.andi %add3A_1864, %and3A_1872 : vector<16xi32>
      %add3A_1874 = arith.addi %mul3A_1870, %and3A_1873 : vector<16xi32>
      %add3A_1875 = arith.constant 0 : i32
      %add3A_1876 = vector.broadcast %add3A_1875 : i32 to vector<16xi32>
      %add3A_1877 = arith.addi %add3A_1874, %add3A_1876 : vector<16xi32>
      %mul3A_1878 = arith.constant 128 : i32
      %mul3A_1879 = arith.muli %scan3A_25, %mul3A_1878 : i32
      %add3A_1880 = arith.constant 0 : i32
      %add3A_1881 = arith.addi %mul3A_1879, %add3A_1880 : i32
      %swap3A_1882 = arith.constant 16 : i32
      %swap3A_1883 = arith.index_cast %swap3A_1882 : i32 to index
      %swap3A_1884 = arith.index_cast %add3A_1881 : i32 to index
      %swap3A_1885 = tpu.vector_load %arg6[%swap3A_1883, %swap3A_1884] {strides = array<i32>} : memref<32x512xi32, #tpu.memory_space<vmem>>, vector<1x16xi32>,
      %swap3A_1886 = vector.shape_cast %swap3A_1885 : vector<1x16xi32> to vector<16xi32>
      %swap3A_1887 = vector.shape_cast %add3A_1877 : vector<16xi32> to vector<1x16xi32>
      tpu.vector_store %arg6[%swap3A_1883, %swap3A_1884], %swap3A_1887 {strides = array<i32>} : memref<32x512xi32, #tpu.memory_space<vmem>>, vector<1x16xi32>,
      %add3A_1888 = arith.constant 128 : i32
      %add3A_1889 = vector.broadcast %add3A_1888 : i32 to vector<16xi32>
      %add3A_1890 = arith.addi %add3A_1874, %add3A_1889 : vector<16xi32>
      %mul3A_1891 = arith.constant 128 : i32
      %mul3A_1892 = arith.muli %scan3A_25, %mul3A_1891 : i32
      %add3A_1893 = arith.constant 0 : i32
      %add3A_1894 = arith.addi %mul3A_1892, %add3A_1893 : i32
      %swap3A_1895 = arith.constant 17 : i32
      %swap3A_1896 = arith.index_cast %swap3A_1895 : i32 to index
      %swap3A_1897 = arith.index_cast %add3A_1894 : i32 to index
      %swap3A_1898 = tpu.vector_load %arg6[%swap3A_1896, %swap3A_1897] {strides = array<i32>} : memref<32x512xi32, #tpu.memory_space<vmem>>, vector<1x16xi32>,
      %swap3A_1899 = vector.shape_cast %swap3A_1898 : vector<1x16xi32> to vector<16xi32>
      %swap3A_1900 = vector.shape_cast %add3A_1890 : vector<16xi32> to vector<1x16xi32>
      tpu.vector_store %arg6[%swap3A_1896, %swap3A_1897], %swap3A_1900 {strides = array<i32>} : memref<32x512xi32, #tpu.memory_space<vmem>>, vector<1x16xi32>,
      %add3A_1901 = arith.constant 256 : i32
      %add3A_1902 = vector.broadcast %add3A_1901 : i32 to vector<16xi32>
      %add3A_1903 = arith.addi %add3A_1874, %add3A_1902 : vector<16xi32>
      %mul3A_1904 = arith.constant 128 : i32
      %mul3A_1905 = arith.muli %scan3A_25, %mul3A_1904 : i32
      %add3A_1906 = arith.constant 0 : i32
      %add3A_1907 = arith.addi %mul3A_1905, %add3A_1906 : i32
      %swap3A_1908 = arith.constant 18 : i32
      %swap3A_1909 = arith.index_cast %swap3A_1908 : i32 to index
      %swap3A_1910 = arith.index_cast %add3A_1907 : i32 to index
      %swap3A_1911 = tpu.vector_load %arg6[%swap3A_1909, %swap3A_1910] {strides = array<i32>} : memref<32x512xi32, #tpu.memory_space<vmem>>, vector<1x16xi32>,
      %swap3A_1912 = vector.shape_cast %swap3A_1911 : vector<1x16xi32> to vector<16xi32>
      %swap3A_1913 = vector.shape_cast %add3A_1903 : vector<16xi32> to vector<1x16xi32>
      tpu.vector_store %arg6[%swap3A_1909, %swap3A_1910], %swap3A_1913 {strides = array<i32>} : memref<32x512xi32, #tpu.memory_space<vmem>>, vector<1x16xi32>,
      %add3A_1914 = arith.constant 384 : i32
      %add3A_1915 = vector.broadcast %add3A_1914 : i32 to vector<16xi32>
      %add3A_1916 = arith.addi %add3A_1874, %add3A_1915 : vector<16xi32>
      %mul3A_1917 = arith.constant 128 : i32
      %mul3A_1918 = arith.muli %scan3A_25, %mul3A_1917 : i32
      %add3A_1919 = arith.constant 0 : i32
      %add3A_1920 = arith.addi %mul3A_1918, %add3A_1919 : i32
      %swap3A_1921 = arith.constant 19 : i32
      %swap3A_1922 = arith.index_cast %swap3A_1921 : i32 to index
      %swap3A_1923 = arith.index_cast %add3A_1920 : i32 to index
      %swap3A_1924 = tpu.vector_load %arg6[%swap3A_1922, %swap3A_1923] {strides = array<i32>} : memref<32x512xi32, #tpu.memory_space<vmem>>, vector<1x16xi32>,
      %swap3A_1925 = vector.shape_cast %swap3A_1924 : vector<1x16xi32> to vector<16xi32>
      %swap3A_1926 = vector.shape_cast %add3A_1916 : vector<16xi32> to vector<1x16xi32>
      tpu.vector_store %arg6[%swap3A_1922, %swap3A_1923], %swap3A_1926 {strides = array<i32>} : memref<32x512xi32, #tpu.memory_space<vmem>>, vector<1x16xi32>,
      %add3A_1927 = arith.constant 512 : i32
      %add3A_1928 = vector.broadcast %add3A_1927 : i32 to vector<16xi32>
      %add3A_1929 = arith.addi %add3A_1874, %add3A_1928 : vector<16xi32>
      %mul3A_1930 = arith.constant 128 : i32
      %mul3A_1931 = arith.muli %scan3A_25, %mul3A_1930 : i32
      %add3A_1932 = arith.constant 0 : i32
      %add3A_1933 = arith.addi %mul3A_1931, %add3A_1932 : i32
      %swap3A_1934 = arith.constant 20 : i32
      %swap3A_1935 = arith.index_cast %swap3A_1934 : i32 to index
      %swap3A_1936 = arith.index_cast %add3A_1933 : i32 to index
      %swap3A_1937 = tpu.vector_load %arg6[%swap3A_1935, %swap3A_1936] {strides = array<i32>} : memref<32x512xi32, #tpu.memory_space<vmem>>, vector<1x16xi32>,
      %swap3A_1938 = vector.shape_cast %swap3A_1937 : vector<1x16xi32> to vector<16xi32>
      %swap3A_1939 = vector.shape_cast %add3A_1929 : vector<16xi32> to vector<1x16xi32>
      tpu.vector_store %arg6[%swap3A_1935, %swap3A_1936], %swap3A_1939 {strides = array<i32>} : memref<32x512xi32, #tpu.memory_space<vmem>>, vector<1x16xi32>,
      %add3A_1940 = arith.constant 640 : i32
      %add3A_1941 = vector.broadcast %add3A_1940 : i32 to vector<16xi32>
      %add3A_1942 = arith.addi %add3A_1874, %add3A_1941 : vector<16xi32>
      %mul3A_1943 = arith.constant 128 : i32
      %mul3A_1944 = arith.muli %scan3A_25, %mul3A_1943 : i32
      %add3A_1945 = arith.constant 0 : i32
      %add3A_1946 = arith.addi %mul3A_1944, %add3A_1945 : i32
      %swap3A_1947 = arith.constant 21 : i32
      %swap3A_1948 = arith.index_cast %swap3A_1947 : i32 to index
      %swap3A_1949 = arith.index_cast %add3A_1946 : i32 to index
      %swap3A_1950 = tpu.vector_load %arg6[%swap3A_1948, %swap3A_1949] {strides = array<i32>} : memref<32x512xi32, #tpu.memory_space<vmem>>, vector<1x16xi32>,
      %swap3A_1951 = vector.shape_cast %swap3A_1950 : vector<1x16xi32> to vector<16xi32>
      %swap3A_1952 = vector.shape_cast %add3A_1942 : vector<16xi32> to vector<1x16xi32>
      tpu.vector_store %arg6[%swap3A_1948, %swap3A_1949], %swap3A_1952 {strides = array<i32>} : memref<32x512xi32, #tpu.memory_space<vmem>>, vector<1x16xi32>,
      %add3A_1953 = arith.constant 768 : i32
      %add3A_1954 = vector.broadcast %add3A_1953 : i32 to vector<16xi32>
      %add3A_1955 = arith.addi %add3A_1874, %add3A_1954 : vector<16xi32>
      %mul3A_1956 = arith.constant 128 : i32
      %mul3A_1957 = arith.muli %scan3A_25, %mul3A_1956 : i32
      %add3A_1958 = arith.constant 0 : i32
      %add3A_1959 = arith.addi %mul3A_1957, %add3A_1958 : i32
      %swap3A_1960 = arith.constant 22 : i32
      %swap3A_1961 = arith.index_cast %swap3A_1960 : i32 to index
      %swap3A_1962 = arith.index_cast %add3A_1959 : i32 to index
      %swap3A_1963 = tpu.vector_load %arg6[%swap3A_1961, %swap3A_1962] {strides = array<i32>} : memref<32x512xi32, #tpu.memory_space<vmem>>, vector<1x16xi32>,
      %swap3A_1964 = vector.shape_cast %swap3A_1963 : vector<1x16xi32> to vector<16xi32>
      %swap3A_1965 = vector.shape_cast %add3A_1955 : vector<16xi32> to vector<1x16xi32>
      tpu.vector_store %arg6[%swap3A_1961, %swap3A_1962], %swap3A_1965 {strides = array<i32>} : memref<32x512xi32, #tpu.memory_space<vmem>>, vector<1x16xi32>,
      %add3A_1966 = arith.constant 896 : i32
      %add3A_1967 = vector.broadcast %add3A_1966 : i32 to vector<16xi32>
      %add3A_1968 = arith.addi %add3A_1874, %add3A_1967 : vector<16xi32>
      %mul3A_1969 = arith.constant 128 : i32
      %mul3A_1970 = arith.muli %scan3A_25, %mul3A_1969 : i32
      %add3A_1971 = arith.constant 0 : i32
      %add3A_1972 = arith.addi %mul3A_1970, %add3A_1971 : i32
      %swap3A_1973 = arith.constant 23 : i32
      %swap3A_1974 = arith.index_cast %swap3A_1973 : i32 to index
      %swap3A_1975 = arith.index_cast %add3A_1972 : i32 to index
      %swap3A_1976 = tpu.vector_load %arg6[%swap3A_1974, %swap3A_1975] {strides = array<i32>} : memref<32x512xi32, #tpu.memory_space<vmem>>, vector<1x16xi32>,
      %swap3A_1977 = vector.shape_cast %swap3A_1976 : vector<1x16xi32> to vector<16xi32>
      %swap3A_1978 = vector.shape_cast %add3A_1968 : vector<16xi32> to vector<1x16xi32>
      tpu.vector_store %arg6[%swap3A_1974, %swap3A_1975], %swap3A_1978 {strides = array<i32>} : memref<32x512xi32, #tpu.memory_space<vmem>>, vector<1x16xi32>,
      %add3A_1979 = arith.constant 16000000 : i32
      %add3A_1980 = vector.broadcast %add3A_1979 : i32 to vector<16xi32>
      %add3A_1981 = arith.addi %add3A_1874, %add3A_1980 : vector<16xi32>
      %mul3A_1982 = arith.constant 128 : i32
      %mul3A_1983 = arith.muli %scan3A_25, %mul3A_1982 : i32
      %add3A_1984 = arith.constant 0 : i32
      %add3A_1985 = arith.addi %mul3A_1983, %add3A_1984 : i32
      %swap3A_1986 = arith.constant 24 : i32
      %swap3A_1987 = arith.index_cast %swap3A_1986 : i32 to index
      %swap3A_1988 = arith.index_cast %add3A_1985 : i32 to index
      %swap3A_1989 = tpu.vector_load %arg6[%swap3A_1987, %swap3A_1988] {strides = array<i32>} : memref<32x512xi32, #tpu.memory_space<vmem>>, vector<1x16xi32>,
      %swap3A_1990 = vector.shape_cast %swap3A_1989 : vector<1x16xi32> to vector<16xi32>
      %swap3A_1991 = vector.shape_cast %add3A_1981 : vector<16xi32> to vector<1x16xi32>
      tpu.vector_store %arg6[%swap3A_1987, %swap3A_1988], %swap3A_1991 {strides = array<i32>} : memref<32x512xi32, #tpu.memory_space<vmem>>, vector<1x16xi32>,
      %add3A_1992 = arith.constant 16000128 : i32
      %add3A_1993 = vector.broadcast %add3A_1992 : i32 to vector<16xi32>
      %add3A_1994 = arith.addi %add3A_1874, %add3A_1993 : vector<16xi32>
      %mul3A_1995 = arith.constant 128 : i32
      %mul3A_1996 = arith.muli %scan3A_25, %mul3A_1995 : i32
      %add3A_1997 = arith.constant 0 : i32
      %add3A_1998 = arith.addi %mul3A_1996, %add3A_1997 : i32
      %swap3A_1999 = arith.constant 25 : i32
      %swap3A_2000 = arith.index_cast %swap3A_1999 : i32 to index
      %swap3A_2001 = arith.index_cast %add3A_1998 : i32 to index
      %swap3A_2002 = tpu.vector_load %arg6[%swap3A_2000, %swap3A_2001] {strides = array<i32>} : memref<32x512xi32, #tpu.memory_space<vmem>>, vector<1x16xi32>,
      %swap3A_2003 = vector.shape_cast %swap3A_2002 : vector<1x16xi32> to vector<16xi32>
      %swap3A_2004 = vector.shape_cast %add3A_1994 : vector<16xi32> to vector<1x16xi32>
      tpu.vector_store %arg6[%swap3A_2000, %swap3A_2001], %swap3A_2004 {strides = array<i32>} : memref<32x512xi32, #tpu.memory_space<vmem>>, vector<1x16xi32>,
      %add3A_2005 = arith.constant 16000256 : i32
      %add3A_2006 = vector.broadcast %add3A_2005 : i32 to vector<16xi32>
      %add3A_2007 = arith.addi %add3A_1874, %add3A_2006 : vector<16xi32>
      %mul3A_2008 = arith.constant 128 : i32
      %mul3A_2009 = arith.muli %scan3A_25, %mul3A_2008 : i32
      %add3A_2010 = arith.constant 0 : i32
      %add3A_2011 = arith.addi %mul3A_2009, %add3A_2010 : i32
      %swap3A_2012 = arith.constant 26 : i32
      %swap3A_2013 = arith.index_cast %swap3A_2012 : i32 to index
      %swap3A_2014 = arith.index_cast %add3A_2011 : i32 to index
      %swap3A_2015 = tpu.vector_load %arg6[%swap3A_2013, %swap3A_2014] {strides = array<i32>} : memref<32x512xi32, #tpu.memory_space<vmem>>, vector<1x16xi32>,
      %swap3A_2016 = vector.shape_cast %swap3A_2015 : vector<1x16xi32> to vector<16xi32>
      %swap3A_2017 = vector.shape_cast %add3A_2007 : vector<16xi32> to vector<1x16xi32>
      tpu.vector_store %arg6[%swap3A_2013, %swap3A_2014], %swap3A_2017 {strides = array<i32>} : memref<32x512xi32, #tpu.memory_space<vmem>>, vector<1x16xi32>,
      %add3A_2018 = arith.constant 16000384 : i32
      %add3A_2019 = vector.broadcast %add3A_2018 : i32 to vector<16xi32>
      %add3A_2020 = arith.addi %add3A_1874, %add3A_2019 : vector<16xi32>
      %mul3A_2021 = arith.constant 128 : i32
      %mul3A_2022 = arith.muli %scan3A_25, %mul3A_2021 : i32
      %add3A_2023 = arith.constant 0 : i32
      %add3A_2024 = arith.addi %mul3A_2022, %add3A_2023 : i32
      %swap3A_2025 = arith.constant 27 : i32
      %swap3A_2026 = arith.index_cast %swap3A_2025 : i32 to index
      %swap3A_2027 = arith.index_cast %add3A_2024 : i32 to index
      %swap3A_2028 = tpu.vector_load %arg6[%swap3A_2026, %swap3A_2027] {strides = array<i32>} : memref<32x512xi32, #tpu.memory_space<vmem>>, vector<1x16xi32>,
      %swap3A_2029 = vector.shape_cast %swap3A_2028 : vector<1x16xi32> to vector<16xi32>
      %swap3A_2030 = vector.shape_cast %add3A_2020 : vector<16xi32> to vector<1x16xi32>
      tpu.vector_store %arg6[%swap3A_2026, %swap3A_2027], %swap3A_2030 {strides = array<i32>} : memref<32x512xi32, #tpu.memory_space<vmem>>, vector<1x16xi32>,
      %add3A_2031 = arith.constant 16000512 : i32
      %add3A_2032 = vector.broadcast %add3A_2031 : i32 to vector<16xi32>
      %add3A_2033 = arith.addi %add3A_1874, %add3A_2032 : vector<16xi32>
      %mul3A_2034 = arith.constant 128 : i32
      %mul3A_2035 = arith.muli %scan3A_25, %mul3A_2034 : i32
      %add3A_2036 = arith.constant 0 : i32
      %add3A_2037 = arith.addi %mul3A_2035, %add3A_2036 : i32
      %swap3A_2038 = arith.constant 28 : i32
      %swap3A_2039 = arith.index_cast %swap3A_2038 : i32 to index
      %swap3A_2040 = arith.index_cast %add3A_2037 : i32 to index
      %swap3A_2041 = tpu.vector_load %arg6[%swap3A_2039, %swap3A_2040] {strides = array<i32>} : memref<32x512xi32, #tpu.memory_space<vmem>>, vector<1x16xi32>,
      %swap3A_2042 = vector.shape_cast %swap3A_2041 : vector<1x16xi32> to vector<16xi32>
      %swap3A_2043 = vector.shape_cast %add3A_2033 : vector<16xi32> to vector<1x16xi32>
      tpu.vector_store %arg6[%swap3A_2039, %swap3A_2040], %swap3A_2043 {strides = array<i32>} : memref<32x512xi32, #tpu.memory_space<vmem>>, vector<1x16xi32>,
      %add3A_2044 = arith.constant 16000640 : i32
      %add3A_2045 = vector.broadcast %add3A_2044 : i32 to vector<16xi32>
      %add3A_2046 = arith.addi %add3A_1874, %add3A_2045 : vector<16xi32>
      %mul3A_2047 = arith.constant 128 : i32
      %mul3A_2048 = arith.muli %scan3A_25, %mul3A_2047 : i32
      %add3A_2049 = arith.constant 0 : i32
      %add3A_2050 = arith.addi %mul3A_2048, %add3A_2049 : i32
      %swap3A_2051 = arith.constant 29 : i32
      %swap3A_2052 = arith.index_cast %swap3A_2051 : i32 to index
      %swap3A_2053 = arith.index_cast %add3A_2050 : i32 to index
      %swap3A_2054 = tpu.vector_load %arg6[%swap3A_2052, %swap3A_2053] {strides = array<i32>} : memref<32x512xi32, #tpu.memory_space<vmem>>, vector<1x16xi32>,
      %swap3A_2055 = vector.shape_cast %swap3A_2054 : vector<1x16xi32> to vector<16xi32>
      %swap3A_2056 = vector.shape_cast %add3A_2046 : vector<16xi32> to vector<1x16xi32>
      tpu.vector_store %arg6[%swap3A_2052, %swap3A_2053], %swap3A_2056 {strides = array<i32>} : memref<32x512xi32, #tpu.memory_space<vmem>>, vector<1x16xi32>,
      %add3A_2057 = arith.constant 16000768 : i32
      %add3A_2058 = vector.broadcast %add3A_2057 : i32 to vector<16xi32>
      %add3A_2059 = arith.addi %add3A_1874, %add3A_2058 : vector<16xi32>
      %mul3A_2060 = arith.constant 128 : i32
      %mul3A_2061 = arith.muli %scan3A_25, %mul3A_2060 : i32
      %add3A_2062 = arith.constant 0 : i32
      %add3A_2063 = arith.addi %mul3A_2061, %add3A_2062 : i32
      %swap3A_2064 = arith.constant 30 : i32
      %swap3A_2065 = arith.index_cast %swap3A_2064 : i32 to index
      %swap3A_2066 = arith.index_cast %add3A_2063 : i32 to index
      %swap3A_2067 = tpu.vector_load %arg6[%swap3A_2065, %swap3A_2066] {strides = array<i32>} : memref<32x512xi32, #tpu.memory_space<vmem>>, vector<1x16xi32>,
      %swap3A_2068 = vector.shape_cast %swap3A_2067 : vector<1x16xi32> to vector<16xi32>
      %swap3A_2069 = vector.shape_cast %add3A_2059 : vector<16xi32> to vector<1x16xi32>
      tpu.vector_store %arg6[%swap3A_2065, %swap3A_2066], %swap3A_2069 {strides = array<i32>} : memref<32x512xi32, #tpu.memory_space<vmem>>, vector<1x16xi32>,
      %add3A_2070 = arith.constant 16000896 : i32
      %add3A_2071 = vector.broadcast %add3A_2070 : i32 to vector<16xi32>
      %add3A_2072 = arith.addi %add3A_1874, %add3A_2071 : vector<16xi32>
      %mul3A_2073 = arith.constant 128 : i32
      %mul3A_2074 = arith.muli %scan3A_25, %mul3A_2073 : i32
      %add3A_2075 = arith.constant 0 : i32
      %add3A_2076 = arith.addi %mul3A_2074, %add3A_2075 : i32
      %swap3A_2077 = arith.constant 31 : i32
      %swap3A_2078 = arith.index_cast %swap3A_2077 : i32 to index
      %swap3A_2079 = arith.index_cast %add3A_2076 : i32 to index
      %swap3A_2080 = tpu.vector_load %arg6[%swap3A_2078, %swap3A_2079] {strides = array<i32>} : memref<32x512xi32, #tpu.memory_space<vmem>>, vector<1x16xi32>,
      %swap3A_2081 = vector.shape_cast %swap3A_2080 : vector<1x16xi32> to vector<16xi32>
      %swap3A_2082 = vector.shape_cast %add3A_2072 : vector<16xi32> to vector<1x16xi32>
      tpu.vector_store %arg6[%swap3A_2078, %swap3A_2079], %swap3A_2082 {strides = array<i32>} : memref<32x512xi32, #tpu.memory_space<vmem>>, vector<1x16xi32>,
      %mul3A_2083 = arith.constant 2 : i32
      %mul3A_2084 = arith.muli %mul3A_2083, %scan3A_25 : i32
      %add3A_2085 = arith.constant 1 : i32
      %add3A_2086 = arith.addi %mul3A_2084, %add3A_2085 : i32
      %get3A_2087 = arith.index_cast %add3A_2086 : i32 to index
      %get3A_2088 = arith.constant 16 : index
      %get3A_2089 = tpu.vector_load %arg5[%get3A_2087, %get3A_2088] {strides = array<i32>} : memref<8x128xi32, #tpu.memory_space<vmem>>, vector<1x16xi32>,
      %get3A_2090 = vector.shape_cast %get3A_2089 : vector<1x16xi32> to vector<16xi32>
      %add3A_2091 = arith.constant 1000000 : i32
      %add3A_2092 = vector.broadcast %add3A_2091 : i32 to vector<16xi32>
      %add3A_2093 = arith.addi %get3A_2090, %add3A_2092 : vector<16xi32>
      %shift_right_logical3A_2094 = arith.constant 7 : i32
      %shift_right_logical3A_2095 = vector.broadcast %shift_right_logical3A_2094 : i32 to vector<16xi32>
      %shift_right_logical3A_2096 = arith.shrui %add3A_2093, %shift_right_logical3A_2095 : vector<16xi32>
      %mul3A_2097 = arith.constant 1024 : i32
      %mul3A_2098 = vector.broadcast %mul3A_2097 : i32 to vector<16xi32>
      %mul3A_2099 = arith.muli %shift_right_logical3A_2096, %mul3A_2098 : vector<16xi32>
      %and3A_2100 = arith.constant 127 : i32
      %and3A_2101 = vector.broadcast %and3A_2100 : i32 to vector<16xi32>
      %and3A_2102 = arith.andi %add3A_2093, %and3A_2101 : vector<16xi32>
      %add3A_2103 = arith.addi %mul3A_2099, %and3A_2102 : vector<16xi32>
      %add3A_2104 = arith.constant 0 : i32
      %add3A_2105 = vector.broadcast %add3A_2104 : i32 to vector<16xi32>
      %add3A_2106 = arith.addi %add3A_2103, %add3A_2105 : vector<16xi32>
      %mul3A_2107 = arith.constant 128 : i32
      %mul3A_2108 = arith.muli %scan3A_25, %mul3A_2107 : i32
      %add3A_2109 = arith.constant 16 : i32
      %add3A_2110 = arith.addi %mul3A_2108, %add3A_2109 : i32
      %swap3A_2111 = arith.constant 16 : i32
      %swap3A_2112 = arith.index_cast %swap3A_2111 : i32 to index
      %swap3A_2113 = arith.index_cast %add3A_2110 : i32 to index
      %swap3A_2114 = tpu.vector_load %arg6[%swap3A_2112, %swap3A_2113] {strides = array<i32>} : memref<32x512xi32, #tpu.memory_space<vmem>>, vector<1x16xi32>,
      %swap3A_2115 = vector.shape_cast %swap3A_2114 : vector<1x16xi32> to vector<16xi32>
      %swap3A_2116 = vector.shape_cast %add3A_2106 : vector<16xi32> to vector<1x16xi32>
      tpu.vector_store %arg6[%swap3A_2112, %swap3A_2113], %swap3A_2116 {strides = array<i32>} : memref<32x512xi32, #tpu.memory_space<vmem>>, vector<1x16xi32>,
      %add3A_2117 = arith.constant 128 : i32
      %add3A_2118 = vector.broadcast %add3A_2117 : i32 to vector<16xi32>
      %add3A_2119 = arith.addi %add3A_2103, %add3A_2118 : vector<16xi32>
      %mul3A_2120 = arith.constant 128 : i32
      %mul3A_2121 = arith.muli %scan3A_25, %mul3A_2120 : i32
      %add3A_2122 = arith.constant 16 : i32
      %add3A_2123 = arith.addi %mul3A_2121, %add3A_2122 : i32
      %swap3A_2124 = arith.constant 17 : i32
      %swap3A_2125 = arith.index_cast %swap3A_2124 : i32 to index
      %swap3A_2126 = arith.index_cast %add3A_2123 : i32 to index
      %swap3A_2127 = tpu.vector_load %arg6[%swap3A_2125, %swap3A_2126] {strides = array<i32>} : memref<32x512xi32, #tpu.memory_space<vmem>>, vector<1x16xi32>,
      %swap3A_2128 = vector.shape_cast %swap3A_2127 : vector<1x16xi32> to vector<16xi32>
      %swap3A_2129 = vector.shape_cast %add3A_2119 : vector<16xi32> to vector<1x16xi32>
      tpu.vector_store %arg6[%swap3A_2125, %swap3A_2126], %swap3A_2129 {strides = array<i32>} : memref<32x512xi32, #tpu.memory_space<vmem>>, vector<1x16xi32>,
      %add3A_2130 = arith.constant 256 : i32
      %add3A_2131 = vector.broadcast %add3A_2130 : i32 to vector<16xi32>
      %add3A_2132 = arith.addi %add3A_2103, %add3A_2131 : vector<16xi32>
      %mul3A_2133 = arith.constant 128 : i32
      %mul3A_2134 = arith.muli %scan3A_25, %mul3A_2133 : i32
      %add3A_2135 = arith.constant 16 : i32
      %add3A_2136 = arith.addi %mul3A_2134, %add3A_2135 : i32
      %swap3A_2137 = arith.constant 18 : i32
      %swap3A_2138 = arith.index_cast %swap3A_2137 : i32 to index
      %swap3A_2139 = arith.index_cast %add3A_2136 : i32 to index
      %swap3A_2140 = tpu.vector_load %arg6[%swap3A_2138, %swap3A_2139] {strides = array<i32>} : memref<32x512xi32, #tpu.memory_space<vmem>>, vector<1x16xi32>,
      %swap3A_2141 = vector.shape_cast %swap3A_2140 : vector<1x16xi32> to vector<16xi32>
      %swap3A_2142 = vector.shape_cast %add3A_2132 : vector<16xi32> to vector<1x16xi32>
      tpu.vector_store %arg6[%swap3A_2138, %swap3A_2139], %swap3A_2142 {strides = array<i32>} : memref<32x512xi32, #tpu.memory_space<vmem>>, vector<1x16xi32>,
      %add3A_2143 = arith.constant 384 : i32
      %add3A_2144 = vector.broadcast %add3A_2143 : i32 to vector<16xi32>
      %add3A_2145 = arith.addi %add3A_2103, %add3A_2144 : vector<16xi32>
      %mul3A_2146 = arith.constant 128 : i32
      %mul3A_2147 = arith.muli %scan3A_25, %mul3A_2146 : i32
      %add3A_2148 = arith.constant 16 : i32
      %add3A_2149 = arith.addi %mul3A_2147, %add3A_2148 : i32
      %swap3A_2150 = arith.constant 19 : i32
      %swap3A_2151 = arith.index_cast %swap3A_2150 : i32 to index
      %swap3A_2152 = arith.index_cast %add3A_2149 : i32 to index
      %swap3A_2153 = tpu.vector_load %arg6[%swap3A_2151, %swap3A_2152] {strides = array<i32>} : memref<32x512xi32, #tpu.memory_space<vmem>>, vector<1x16xi32>,
      %swap3A_2154 = vector.shape_cast %swap3A_2153 : vector<1x16xi32> to vector<16xi32>
      %swap3A_2155 = vector.shape_cast %add3A_2145 : vector<16xi32> to vector<1x16xi32>
      tpu.vector_store %arg6[%swap3A_2151, %swap3A_2152], %swap3A_2155 {strides = array<i32>} : memref<32x512xi32, #tpu.memory_space<vmem>>, vector<1x16xi32>,
      %add3A_2156 = arith.constant 512 : i32
      %add3A_2157 = vector.broadcast %add3A_2156 : i32 to vector<16xi32>
      %add3A_2158 = arith.addi %add3A_2103, %add3A_2157 : vector<16xi32>
      %mul3A_2159 = arith.constant 128 : i32
      %mul3A_2160 = arith.muli %scan3A_25, %mul3A_2159 : i32
      %add3A_2161 = arith.constant 16 : i32
      %add3A_2162 = arith.addi %mul3A_2160, %add3A_2161 : i32
      %swap3A_2163 = arith.constant 20 : i32
      %swap3A_2164 = arith.index_cast %swap3A_2163 : i32 to index
      %swap3A_2165 = arith.index_cast %add3A_2162 : i32 to index
      %swap3A_2166 = tpu.vector_load %arg6[%swap3A_2164, %swap3A_2165] {strides = array<i32>} : memref<32x512xi32, #tpu.memory_space<vmem>>, vector<1x16xi32>,
      %swap3A_2167 = vector.shape_cast %swap3A_2166 : vector<1x16xi32> to vector<16xi32>
      %swap3A_2168 = vector.shape_cast %add3A_2158 : vector<16xi32> to vector<1x16xi32>
      tpu.vector_store %arg6[%swap3A_2164, %swap3A_2165], %swap3A_2168 {strides = array<i32>} : memref<32x512xi32, #tpu.memory_space<vmem>>, vector<1x16xi32>,
      %add3A_2169 = arith.constant 640 : i32
      %add3A_2170 = vector.broadcast %add3A_2169 : i32 to vector<16xi32>
      %add3A_2171 = arith.addi %add3A_2103, %add3A_2170 : vector<16xi32>
      %mul3A_2172 = arith.constant 128 : i32
      %mul3A_2173 = arith.muli %scan3A_25, %mul3A_2172 : i32
      %add3A_2174 = arith.constant 16 : i32
      %add3A_2175 = arith.addi %mul3A_2173, %add3A_2174 : i32
      %swap3A_2176 = arith.constant 21 : i32
      %swap3A_2177 = arith.index_cast %swap3A_2176 : i32 to index
      %swap3A_2178 = arith.index_cast %add3A_2175 : i32 to index
      %swap3A_2179 = tpu.vector_load %arg6[%swap3A_2177, %swap3A_2178] {strides = array<i32>} : memref<32x512xi32, #tpu.memory_space<vmem>>, vector<1x16xi32>,
      %swap3A_2180 = vector.shape_cast %swap3A_2179 : vector<1x16xi32> to vector<16xi32>
      %swap3A_2181 = vector.shape_cast %add3A_2171 : vector<16xi32> to vector<1x16xi32>
      tpu.vector_store %arg6[%swap3A_2177, %swap3A_2178], %swap3A_2181 {strides = array<i32>} : memref<32x512xi32, #tpu.memory_space<vmem>>, vector<1x16xi32>,
      %add3A_2182 = arith.constant 768 : i32
      %add3A_2183 = vector.broadcast %add3A_2182 : i32 to vector<16xi32>
      %add3A_2184 = arith.addi %add3A_2103, %add3A_2183 : vector<16xi32>
      %mul3A_2185 = arith.constant 128 : i32
      %mul3A_2186 = arith.muli %scan3A_25, %mul3A_2185 : i32
      %add3A_2187 = arith.constant 16 : i32
      %add3A_2188 = arith.addi %mul3A_2186, %add3A_2187 : i32
      %swap3A_2189 = arith.constant 22 : i32
      %swap3A_2190 = arith.index_cast %swap3A_2189 : i32 to index
      %swap3A_2191 = arith.index_cast %add3A_2188 : i32 to index
      %swap3A_2192 = tpu.vector_load %arg6[%swap3A_2190, %swap3A_2191] {strides = array<i32>} : memref<32x512xi32, #tpu.memory_space<vmem>>, vector<1x16xi32>,
      %swap3A_2193 = vector.shape_cast %swap3A_2192 : vector<1x16xi32> to vector<16xi32>
      %swap3A_2194 = vector.shape_cast %add3A_2184 : vector<16xi32> to vector<1x16xi32>
      tpu.vector_store %arg6[%swap3A_2190, %swap3A_2191], %swap3A_2194 {strides = array<i32>} : memref<32x512xi32, #tpu.memory_space<vmem>>, vector<1x16xi32>,
      %add3A_2195 = arith.constant 896 : i32
      %add3A_2196 = vector.broadcast %add3A_2195 : i32 to vector<16xi32>
      %add3A_2197 = arith.addi %add3A_2103, %add3A_2196 : vector<16xi32>
      %mul3A_2198 = arith.constant 128 : i32
      %mul3A_2199 = arith.muli %scan3A_25, %mul3A_2198 : i32
      %add3A_2200 = arith.constant 16 : i32
      %add3A_2201 = arith.addi %mul3A_2199, %add3A_2200 : i32
      %swap3A_2202 = arith.constant 23 : i32
      %swap3A_2203 = arith.index_cast %swap3A_2202 : i32 to index
      %swap3A_2204 = arith.index_cast %add3A_2201 : i32 to index
      %swap3A_2205 = tpu.vector_load %arg6[%swap3A_2203, %swap3A_2204] {strides = array<i32>} : memref<32x512xi32, #tpu.memory_space<vmem>>, vector<1x16xi32>,
      %swap3A_2206 = vector.shape_cast %swap3A_2205 : vector<1x16xi32> to vector<16xi32>
      %swap3A_2207 = vector.shape_cast %add3A_2197 : vector<16xi32> to vector<1x16xi32>
      tpu.vector_store %arg6[%swap3A_2203, %swap3A_2204], %swap3A_2207 {strides = array<i32>} : memref<32x512xi32, #tpu.memory_space<vmem>>, vector<1x16xi32>,
      %add3A_2208 = arith.constant 16000000 : i32
      %add3A_2209 = vector.broadcast %add3A_2208 : i32 to vector<16xi32>
      %add3A_2210 = arith.addi %add3A_2103, %add3A_2209 : vector<16xi32>
      %mul3A_2211 = arith.constant 128 : i32
      %mul3A_2212 = arith.muli %scan3A_25, %mul3A_2211 : i32
      %add3A_2213 = arith.constant 16 : i32
      %add3A_2214 = arith.addi %mul3A_2212, %add3A_2213 : i32
      %swap3A_2215 = arith.constant 24 : i32
      %swap3A_2216 = arith.index_cast %swap3A_2215 : i32 to index
      %swap3A_2217 = arith.index_cast %add3A_2214 : i32 to index
      %swap3A_2218 = tpu.vector_load %arg6[%swap3A_2216, %swap3A_2217] {strides = array<i32>} : memref<32x512xi32, #tpu.memory_space<vmem>>, vector<1x16xi32>,
      %swap3A_2219 = vector.shape_cast %swap3A_2218 : vector<1x16xi32> to vector<16xi32>
      %swap3A_2220 = vector.shape_cast %add3A_2210 : vector<16xi32> to vector<1x16xi32>
      tpu.vector_store %arg6[%swap3A_2216, %swap3A_2217], %swap3A_2220 {strides = array<i32>} : memref<32x512xi32, #tpu.memory_space<vmem>>, vector<1x16xi32>,
      %add3A_2221 = arith.constant 16000128 : i32
      %add3A_2222 = vector.broadcast %add3A_2221 : i32 to vector<16xi32>
      %add3A_2223 = arith.addi %add3A_2103, %add3A_2222 : vector<16xi32>
      %mul3A_2224 = arith.constant 128 : i32
      %mul3A_2225 = arith.muli %scan3A_25, %mul3A_2224 : i32
      %add3A_2226 = arith.constant 16 : i32
      %add3A_2227 = arith.addi %mul3A_2225, %add3A_2226 : i32
      %swap3A_2228 = arith.constant 25 : i32
      %swap3A_2229 = arith.index_cast %swap3A_2228 : i32 to index
      %swap3A_2230 = arith.index_cast %add3A_2227 : i32 to index
      %swap3A_2231 = tpu.vector_load %arg6[%swap3A_2229, %swap3A_2230] {strides = array<i32>} : memref<32x512xi32, #tpu.memory_space<vmem>>, vector<1x16xi32>,
      %swap3A_2232 = vector.shape_cast %swap3A_2231 : vector<1x16xi32> to vector<16xi32>
      %swap3A_2233 = vector.shape_cast %add3A_2223 : vector<16xi32> to vector<1x16xi32>
      tpu.vector_store %arg6[%swap3A_2229, %swap3A_2230], %swap3A_2233 {strides = array<i32>} : memref<32x512xi32, #tpu.memory_space<vmem>>, vector<1x16xi32>,
      %add3A_2234 = arith.constant 16000256 : i32
      %add3A_2235 = vector.broadcast %add3A_2234 : i32 to vector<16xi32>
      %add3A_2236 = arith.addi %add3A_2103, %add3A_2235 : vector<16xi32>
      %mul3A_2237 = arith.constant 128 : i32
      %mul3A_2238 = arith.muli %scan3A_25, %mul3A_2237 : i32
      %add3A_2239 = arith.constant 16 : i32
      %add3A_2240 = arith.addi %mul3A_2238, %add3A_2239 : i32
      %swap3A_2241 = arith.constant 26 : i32
      %swap3A_2242 = arith.index_cast %swap3A_2241 : i32 to index
      %swap3A_2243 = arith.index_cast %add3A_2240 : i32 to index
      %swap3A_2244 = tpu.vector_load %arg6[%swap3A_2242, %swap3A_2243] {strides = array<i32>} : memref<32x512xi32, #tpu.memory_space<vmem>>, vector<1x16xi32>,
      %swap3A_2245 = vector.shape_cast %swap3A_2244 : vector<1x16xi32> to vector<16xi32>
      %swap3A_2246 = vector.shape_cast %add3A_2236 : vector<16xi32> to vector<1x16xi32>
      tpu.vector_store %arg6[%swap3A_2242, %swap3A_2243], %swap3A_2246 {strides = array<i32>} : memref<32x512xi32, #tpu.memory_space<vmem>>, vector<1x16xi32>,
      %add3A_2247 = arith.constant 16000384 : i32
      %add3A_2248 = vector.broadcast %add3A_2247 : i32 to vector<16xi32>
      %add3A_2249 = arith.addi %add3A_2103, %add3A_2248 : vector<16xi32>
      %mul3A_2250 = arith.constant 128 : i32
      %mul3A_2251 = arith.muli %scan3A_25, %mul3A_2250 : i32
      %add3A_2252 = arith.constant 16 : i32
      %add3A_2253 = arith.addi %mul3A_2251, %add3A_2252 : i32
      %swap3A_2254 = arith.constant 27 : i32
      %swap3A_2255 = arith.index_cast %swap3A_2254 : i32 to index
      %swap3A_2256 = arith.index_cast %add3A_2253 : i32 to index
      %swap3A_2257 = tpu.vector_load %arg6[%swap3A_2255, %swap3A_2256] {strides = array<i32>} : memref<32x512xi32, #tpu.memory_space<vmem>>, vector<1x16xi32>,
      %swap3A_2258 = vector.shape_cast %swap3A_2257 : vector<1x16xi32> to vector<16xi32>
      %swap3A_2259 = vector.shape_cast %add3A_2249 : vector<16xi32> to vector<1x16xi32>
      tpu.vector_store %arg6[%swap3A_2255, %swap3A_2256], %swap3A_2259 {strides = array<i32>} : memref<32x512xi32, #tpu.memory_space<vmem>>, vector<1x16xi32>,
      %add3A_2260 = arith.constant 16000512 : i32
      %add3A_2261 = vector.broadcast %add3A_2260 : i32 to vector<16xi32>
      %add3A_2262 = arith.addi %add3A_2103, %add3A_2261 : vector<16xi32>
      %mul3A_2263 = arith.constant 128 : i32
      %mul3A_2264 = arith.muli %scan3A_25, %mul3A_2263 : i32
      %add3A_2265 = arith.constant 16 : i32
      %add3A_2266 = arith.addi %mul3A_2264, %add3A_2265 : i32
      %swap3A_2267 = arith.constant 28 : i32
      %swap3A_2268 = arith.index_cast %swap3A_2267 : i32 to index
      %swap3A_2269 = arith.index_cast %add3A_2266 : i32 to index
      %swap3A_2270 = tpu.vector_load %arg6[%swap3A_2268, %swap3A_2269] {strides = array<i32>} : memref<32x512xi32, #tpu.memory_space<vmem>>, vector<1x16xi32>,
      %swap3A_2271 = vector.shape_cast %swap3A_2270 : vector<1x16xi32> to vector<16xi32>
      %swap3A_2272 = vector.shape_cast %add3A_2262 : vector<16xi32> to vector<1x16xi32>
      tpu.vector_store %arg6[%swap3A_2268, %swap3A_2269], %swap3A_2272 {strides = array<i32>} : memref<32x512xi32, #tpu.memory_space<vmem>>, vector<1x16xi32>,
      %add3A_2273 = arith.constant 16000640 : i32
      %add3A_2274 = vector.broadcast %add3A_2273 : i32 to vector<16xi32>
      %add3A_2275 = arith.addi %add3A_2103, %add3A_2274 : vector<16xi32>
      %mul3A_2276 = arith.constant 128 : i32
      %mul3A_2277 = arith.muli %scan3A_25, %mul3A_2276 : i32
      %add3A_2278 = arith.constant 16 : i32
      %add3A_2279 = arith.addi %mul3A_2277, %add3A_2278 : i32
      %swap3A_2280 = arith.constant 29 : i32
      %swap3A_2281 = arith.index_cast %swap3A_2280 : i32 to index
      %swap3A_2282 = arith.index_cast %add3A_2279 : i32 to index
      %swap3A_2283 = tpu.vector_load %arg6[%swap3A_2281, %swap3A_2282] {strides = array<i32>} : memref<32x512xi32, #tpu.memory_space<vmem>>, vector<1x16xi32>,
      %swap3A_2284 = vector.shape_cast %swap3A_2283 : vector<1x16xi32> to vector<16xi32>
      %swap3A_2285 = vector.shape_cast %add3A_2275 : vector<16xi32> to vector<1x16xi32>
      tpu.vector_store %arg6[%swap3A_2281, %swap3A_2282], %swap3A_2285 {strides = array<i32>} : memref<32x512xi32, #tpu.memory_space<vmem>>, vector<1x16xi32>,
      %add3A_2286 = arith.constant 16000768 : i32
      %add3A_2287 = vector.broadcast %add3A_2286 : i32 to vector<16xi32>
      %add3A_2288 = arith.addi %add3A_2103, %add3A_2287 : vector<16xi32>
      %mul3A_2289 = arith.constant 128 : i32
      %mul3A_2290 = arith.muli %scan3A_25, %mul3A_2289 : i32
      %add3A_2291 = arith.constant 16 : i32
      %add3A_2292 = arith.addi %mul3A_2290, %add3A_2291 : i32
      %swap3A_2293 = arith.constant 30 : i32
      %swap3A_2294 = arith.index_cast %swap3A_2293 : i32 to index
      %swap3A_2295 = arith.index_cast %add3A_2292 : i32 to index
      %swap3A_2296 = tpu.vector_load %arg6[%swap3A_2294, %swap3A_2295] {strides = array<i32>} : memref<32x512xi32, #tpu.memory_space<vmem>>, vector<1x16xi32>,
      %swap3A_2297 = vector.shape_cast %swap3A_2296 : vector<1x16xi32> to vector<16xi32>
      %swap3A_2298 = vector.shape_cast %add3A_2288 : vector<16xi32> to vector<1x16xi32>
      tpu.vector_store %arg6[%swap3A_2294, %swap3A_2295], %swap3A_2298 {strides = array<i32>} : memref<32x512xi32, #tpu.memory_space<vmem>>, vector<1x16xi32>,
      %add3A_2299 = arith.constant 16000896 : i32
      %add3A_2300 = vector.broadcast %add3A_2299 : i32 to vector<16xi32>
      %add3A_2301 = arith.addi %add3A_2103, %add3A_2300 : vector<16xi32>
      %mul3A_2302 = arith.constant 128 : i32
      %mul3A_2303 = arith.muli %scan3A_25, %mul3A_2302 : i32
      %add3A_2304 = arith.constant 16 : i32
      %add3A_2305 = arith.addi %mul3A_2303, %add3A_2304 : i32
      %swap3A_2306 = arith.constant 31 : i32
      %swap3A_2307 = arith.index_cast %swap3A_2306 : i32 to index
      %swap3A_2308 = arith.index_cast %add3A_2305 : i32 to index
      %swap3A_2309 = tpu.vector_load %arg6[%swap3A_2307, %swap3A_2308] {strides = array<i32>} : memref<32x512xi32, #tpu.memory_space<vmem>>, vector<1x16xi32>,
      %swap3A_2310 = vector.shape_cast %swap3A_2309 : vector<1x16xi32> to vector<16xi32>
      %swap3A_2311 = vector.shape_cast %add3A_2301 : vector<16xi32> to vector<1x16xi32>
      tpu.vector_store %arg6[%swap3A_2307, %swap3A_2308], %swap3A_2311 {strides = array<i32>} : memref<32x512xi32, #tpu.memory_space<vmem>>, vector<1x16xi32>,
      %mul3A_2312 = arith.constant 2 : i32
      %mul3A_2313 = arith.muli %mul3A_2312, %scan3A_25 : i32
      %add3A_2314 = arith.constant 1 : i32
      %add3A_2315 = arith.addi %mul3A_2313, %add3A_2314 : i32
      %get3A_2316 = arith.index_cast %add3A_2315 : i32 to index
      %get3A_2317 = arith.constant 32 : index
      %get3A_2318 = tpu.vector_load %arg5[%get3A_2316, %get3A_2317] {strides = array<i32>} : memref<8x128xi32, #tpu.memory_space<vmem>>, vector<1x16xi32>,
      %get3A_2319 = vector.shape_cast %get3A_2318 : vector<1x16xi32> to vector<16xi32>
      %add3A_2320 = arith.constant 1000000 : i32
      %add3A_2321 = vector.broadcast %add3A_2320 : i32 to vector<16xi32>
      %add3A_2322 = arith.addi %get3A_2319, %add3A_2321 : vector<16xi32>
      %shift_right_logical3A_2323 = arith.constant 7 : i32
      %shift_right_logical3A_2324 = vector.broadcast %shift_right_logical3A_2323 : i32 to vector<16xi32>
      %shift_right_logical3A_2325 = arith.shrui %add3A_2322, %shift_right_logical3A_2324 : vector<16xi32>
      %mul3A_2326 = arith.constant 1024 : i32
      %mul3A_2327 = vector.broadcast %mul3A_2326 : i32 to vector<16xi32>
      %mul3A_2328 = arith.muli %shift_right_logical3A_2325, %mul3A_2327 : vector<16xi32>
      %and3A_2329 = arith.constant 127 : i32
      %and3A_2330 = vector.broadcast %and3A_2329 : i32 to vector<16xi32>
      %and3A_2331 = arith.andi %add3A_2322, %and3A_2330 : vector<16xi32>
      %add3A_2332 = arith.addi %mul3A_2328, %and3A_2331 : vector<16xi32>
      %add3A_2333 = arith.constant 0 : i32
      %add3A_2334 = vector.broadcast %add3A_2333 : i32 to vector<16xi32>
      %add3A_2335 = arith.addi %add3A_2332, %add3A_2334 : vector<16xi32>
      %mul3A_2336 = arith.constant 128 : i32
      %mul3A_2337 = arith.muli %scan3A_25, %mul3A_2336 : i32
      %add3A_2338 = arith.constant 32 : i32
      %add3A_2339 = arith.addi %mul3A_2337, %add3A_2338 : i32
      %swap3A_2340 = arith.constant 16 : i32
      %swap3A_2341 = arith.index_cast %swap3A_2340 : i32 to index
      %swap3A_2342 = arith.index_cast %add3A_2339 : i32 to index
      %swap3A_2343 = tpu.vector_load %arg6[%swap3A_2341, %swap3A_2342] {strides = array<i32>} : memref<32x512xi32, #tpu.memory_space<vmem>>, vector<1x16xi32>,
      %swap3A_2344 = vector.shape_cast %swap3A_2343 : vector<1x16xi32> to vector<16xi32>
      %swap3A_2345 = vector.shape_cast %add3A_2335 : vector<16xi32> to vector<1x16xi32>
      tpu.vector_store %arg6[%swap3A_2341, %swap3A_2342], %swap3A_2345 {strides = array<i32>} : memref<32x512xi32, #tpu.memory_space<vmem>>, vector<1x16xi32>,
      %add3A_2346 = arith.constant 128 : i32
      %add3A_2347 = vector.broadcast %add3A_2346 : i32 to vector<16xi32>
      %add3A_2348 = arith.addi %add3A_2332, %add3A_2347 : vector<16xi32>
      %mul3A_2349 = arith.constant 128 : i32
      %mul3A_2350 = arith.muli %scan3A_25, %mul3A_2349 : i32
      %add3A_2351 = arith.constant 32 : i32
      %add3A_2352 = arith.addi %mul3A_2350, %add3A_2351 : i32
      %swap3A_2353 = arith.constant 17 : i32
      %swap3A_2354 = arith.index_cast %swap3A_2353 : i32 to index
      %swap3A_2355 = arith.index_cast %add3A_2352 : i32 to index
      %swap3A_2356 = tpu.vector_load %arg6[%swap3A_2354, %swap3A_2355] {strides = array<i32>} : memref<32x512xi32, #tpu.memory_space<vmem>>, vector<1x16xi32>,
      %swap3A_2357 = vector.shape_cast %swap3A_2356 : vector<1x16xi32> to vector<16xi32>
      %swap3A_2358 = vector.shape_cast %add3A_2348 : vector<16xi32> to vector<1x16xi32>
      tpu.vector_store %arg6[%swap3A_2354, %swap3A_2355], %swap3A_2358 {strides = array<i32>} : memref<32x512xi32, #tpu.memory_space<vmem>>, vector<1x16xi32>,
      %add3A_2359 = arith.constant 256 : i32
      %add3A_2360 = vector.broadcast %add3A_2359 : i32 to vector<16xi32>
      %add3A_2361 = arith.addi %add3A_2332, %add3A_2360 : vector<16xi32>
      %mul3A_2362 = arith.constant 128 : i32
      %mul3A_2363 = arith.muli %scan3A_25, %mul3A_2362 : i32
      %add3A_2364 = arith.constant 32 : i32
      %add3A_2365 = arith.addi %mul3A_2363, %add3A_2364 : i32
      %swap3A_2366 = arith.constant 18 : i32
      %swap3A_2367 = arith.index_cast %swap3A_2366 : i32 to index
      %swap3A_2368 = arith.index_cast %add3A_2365 : i32 to index
      %swap3A_2369 = tpu.vector_load %arg6[%swap3A_2367, %swap3A_2368] {strides = array<i32>} : memref<32x512xi32, #tpu.memory_space<vmem>>, vector<1x16xi32>,
      %swap3A_2370 = vector.shape_cast %swap3A_2369 : vector<1x16xi32> to vector<16xi32>
      %swap3A_2371 = vector.shape_cast %add3A_2361 : vector<16xi32> to vector<1x16xi32>
      tpu.vector_store %arg6[%swap3A_2367, %swap3A_2368], %swap3A_2371 {strides = array<i32>} : memref<32x512xi32, #tpu.memory_space<vmem>>, vector<1x16xi32>,
      %add3A_2372 = arith.constant 384 : i32
      %add3A_2373 = vector.broadcast %add3A_2372 : i32 to vector<16xi32>
      %add3A_2374 = arith.addi %add3A_2332, %add3A_2373 : vector<16xi32>
      %mul3A_2375 = arith.constant 128 : i32
      %mul3A_2376 = arith.muli %scan3A_25, %mul3A_2375 : i32
      %add3A_2377 = arith.constant 32 : i32
      %add3A_2378 = arith.addi %mul3A_2376, %add3A_2377 : i32
      %swap3A_2379 = arith.constant 19 : i32
      %swap3A_2380 = arith.index_cast %swap3A_2379 : i32 to index
      %swap3A_2381 = arith.index_cast %add3A_2378 : i32 to index
      %swap3A_2382 = tpu.vector_load %arg6[%swap3A_2380, %swap3A_2381] {strides = array<i32>} : memref<32x512xi32, #tpu.memory_space<vmem>>, vector<1x16xi32>,
      %swap3A_2383 = vector.shape_cast %swap3A_2382 : vector<1x16xi32> to vector<16xi32>
      %swap3A_2384 = vector.shape_cast %add3A_2374 : vector<16xi32> to vector<1x16xi32>
      tpu.vector_store %arg6[%swap3A_2380, %swap3A_2381], %swap3A_2384 {strides = array<i32>} : memref<32x512xi32, #tpu.memory_space<vmem>>, vector<1x16xi32>,
      %add3A_2385 = arith.constant 512 : i32
      %add3A_2386 = vector.broadcast %add3A_2385 : i32 to vector<16xi32>
      %add3A_2387 = arith.addi %add3A_2332, %add3A_2386 : vector<16xi32>
      %mul3A_2388 = arith.constant 128 : i32
      %mul3A_2389 = arith.muli %scan3A_25, %mul3A_2388 : i32
      %add3A_2390 = arith.constant 32 : i32
      %add3A_2391 = arith.addi %mul3A_2389, %add3A_2390 : i32
      %swap3A_2392 = arith.constant 20 : i32
      %swap3A_2393 = arith.index_cast %swap3A_2392 : i32 to index
      %swap3A_2394 = arith.index_cast %add3A_2391 : i32 to index
      %swap3A_2395 = tpu.vector_load %arg6[%swap3A_2393, %swap3A_2394] {strides = array<i32>} : memref<32x512xi32, #tpu.memory_space<vmem>>, vector<1x16xi32>,
      %swap3A_2396 = vector.shape_cast %swap3A_2395 : vector<1x16xi32> to vector<16xi32>
      %swap3A_2397 = vector.shape_cast %add3A_2387 : vector<16xi32> to vector<1x16xi32>
      tpu.vector_store %arg6[%swap3A_2393, %swap3A_2394], %swap3A_2397 {strides = array<i32>} : memref<32x512xi32, #tpu.memory_space<vmem>>, vector<1x16xi32>,
      %add3A_2398 = arith.constant 640 : i32
      %add3A_2399 = vector.broadcast %add3A_2398 : i32 to vector<16xi32>
      %add3A_2400 = arith.addi %add3A_2332, %add3A_2399 : vector<16xi32>
      %mul3A_2401 = arith.constant 128 : i32
      %mul3A_2402 = arith.muli %scan3A_25, %mul3A_2401 : i32
      %add3A_2403 = arith.constant 32 : i32
      %add3A_2404 = arith.addi %mul3A_2402, %add3A_2403 : i32
      %swap3A_2405 = arith.constant 21 : i32
      %swap3A_2406 = arith.index_cast %swap3A_2405 : i32 to index
      %swap3A_2407 = arith.index_cast %add3A_2404 : i32 to index
      %swap3A_2408 = tpu.vector_load %arg6[%swap3A_2406, %swap3A_2407] {strides = array<i32>} : memref<32x512xi32, #tpu.memory_space<vmem>>, vector<1x16xi32>,
      %swap3A_2409 = vector.shape_cast %swap3A_2408 : vector<1x16xi32> to vector<16xi32>
      %swap3A_2410 = vector.shape_cast %add3A_2400 : vector<16xi32> to vector<1x16xi32>
      tpu.vector_store %arg6[%swap3A_2406, %swap3A_2407], %swap3A_2410 {strides = array<i32>} : memref<32x512xi32, #tpu.memory_space<vmem>>, vector<1x16xi32>,
      %add3A_2411 = arith.constant 768 : i32
      %add3A_2412 = vector.broadcast %add3A_2411 : i32 to vector<16xi32>
      %add3A_2413 = arith.addi %add3A_2332, %add3A_2412 : vector<16xi32>
      %mul3A_2414 = arith.constant 128 : i32
      %mul3A_2415 = arith.muli %scan3A_25, %mul3A_2414 : i32
      %add3A_2416 = arith.constant 32 : i32
      %add3A_2417 = arith.addi %mul3A_2415, %add3A_2416 : i32
      %swap3A_2418 = arith.constant 22 : i32
      %swap3A_2419 = arith.index_cast %swap3A_2418 : i32 to index
      %swap3A_2420 = arith.index_cast %add3A_2417 : i32 to index
      %swap3A_2421 = tpu.vector_load %arg6[%swap3A_2419, %swap3A_2420] {strides = array<i32>} : memref<32x512xi32, #tpu.memory_space<vmem>>, vector<1x16xi32>,
      %swap3A_2422 = vector.shape_cast %swap3A_2421 : vector<1x16xi32> to vector<16xi32>
      %swap3A_2423 = vector.shape_cast %add3A_2413 : vector<16xi32> to vector<1x16xi32>
      tpu.vector_store %arg6[%swap3A_2419, %swap3A_2420], %swap3A_2423 {strides = array<i32>} : memref<32x512xi32, #tpu.memory_space<vmem>>, vector<1x16xi32>,
      %add3A_2424 = arith.constant 896 : i32
      %add3A_2425 = vector.broadcast %add3A_2424 : i32 to vector<16xi32>
      %add3A_2426 = arith.addi %add3A_2332, %add3A_2425 : vector<16xi32>
      %mul3A_2427 = arith.constant 128 : i32
      %mul3A_2428 = arith.muli %scan3A_25, %mul3A_2427 : i32
      %add3A_2429 = arith.constant 32 : i32
      %add3A_2430 = arith.addi %mul3A_2428, %add3A_2429 : i32
      %swap3A_2431 = arith.constant 23 : i32
      %swap3A_2432 = arith.index_cast %swap3A_2431 : i32 to index
      %swap3A_2433 = arith.index_cast %add3A_2430 : i32 to index
      %swap3A_2434 = tpu.vector_load %arg6[%swap3A_2432, %swap3A_2433] {strides = array<i32>} : memref<32x512xi32, #tpu.memory_space<vmem>>, vector<1x16xi32>,
      %swap3A_2435 = vector.shape_cast %swap3A_2434 : vector<1x16xi32> to vector<16xi32>
      %swap3A_2436 = vector.shape_cast %add3A_2426 : vector<16xi32> to vector<1x16xi32>
      tpu.vector_store %arg6[%swap3A_2432, %swap3A_2433], %swap3A_2436 {strides = array<i32>} : memref<32x512xi32, #tpu.memory_space<vmem>>, vector<1x16xi32>,
      %add3A_2437 = arith.constant 16000000 : i32
      %add3A_2438 = vector.broadcast %add3A_2437 : i32 to vector<16xi32>
      %add3A_2439 = arith.addi %add3A_2332, %add3A_2438 : vector<16xi32>
      %mul3A_2440 = arith.constant 128 : i32
      %mul3A_2441 = arith.muli %scan3A_25, %mul3A_2440 : i32
      %add3A_2442 = arith.constant 32 : i32
      %add3A_2443 = arith.addi %mul3A_2441, %add3A_2442 : i32
      %swap3A_2444 = arith.constant 24 : i32
      %swap3A_2445 = arith.index_cast %swap3A_2444 : i32 to index
      %swap3A_2446 = arith.index_cast %add3A_2443 : i32 to index
      %swap3A_2447 = tpu.vector_load %arg6[%swap3A_2445, %swap3A_2446] {strides = array<i32>} : memref<32x512xi32, #tpu.memory_space<vmem>>, vector<1x16xi32>,
      %swap3A_2448 = vector.shape_cast %swap3A_2447 : vector<1x16xi32> to vector<16xi32>
      %swap3A_2449 = vector.shape_cast %add3A_2439 : vector<16xi32> to vector<1x16xi32>
      tpu.vector_store %arg6[%swap3A_2445, %swap3A_2446], %swap3A_2449 {strides = array<i32>} : memref<32x512xi32, #tpu.memory_space<vmem>>, vector<1x16xi32>,
      %add3A_2450 = arith.constant 16000128 : i32
      %add3A_2451 = vector.broadcast %add3A_2450 : i32 to vector<16xi32>
      %add3A_2452 = arith.addi %add3A_2332, %add3A_2451 : vector<16xi32>
      %mul3A_2453 = arith.constant 128 : i32
      %mul3A_2454 = arith.muli %scan3A_25, %mul3A_2453 : i32
      %add3A_2455 = arith.constant 32 : i32
      %add3A_2456 = arith.addi %mul3A_2454, %add3A_2455 : i32
      %swap3A_2457 = arith.constant 25 : i32
      %swap3A_2458 = arith.index_cast %swap3A_2457 : i32 to index
      %swap3A_2459 = arith.index_cast %add3A_2456 : i32 to index
      %swap3A_2460 = tpu.vector_load %arg6[%swap3A_2458, %swap3A_2459] {strides = array<i32>} : memref<32x512xi32, #tpu.memory_space<vmem>>, vector<1x16xi32>,
      %swap3A_2461 = vector.shape_cast %swap3A_2460 : vector<1x16xi32> to vector<16xi32>
      %swap3A_2462 = vector.shape_cast %add3A_2452 : vector<16xi32> to vector<1x16xi32>
      tpu.vector_store %arg6[%swap3A_2458, %swap3A_2459], %swap3A_2462 {strides = array<i32>} : memref<32x512xi32, #tpu.memory_space<vmem>>, vector<1x16xi32>,
      %add3A_2463 = arith.constant 16000256 : i32
      %add3A_2464 = vector.broadcast %add3A_2463 : i32 to vector<16xi32>
      %add3A_2465 = arith.addi %add3A_2332, %add3A_2464 : vector<16xi32>
      %mul3A_2466 = arith.constant 128 : i32
      %mul3A_2467 = arith.muli %scan3A_25, %mul3A_2466 : i32
      %add3A_2468 = arith.constant 32 : i32
      %add3A_2469 = arith.addi %mul3A_2467, %add3A_2468 : i32
      %swap3A_2470 = arith.constant 26 : i32
      %swap3A_2471 = arith.index_cast %swap3A_2470 : i32 to index
      %swap3A_2472 = arith.index_cast %add3A_2469 : i32 to index
      %swap3A_2473 = tpu.vector_load %arg6[%swap3A_2471, %swap3A_2472] {strides = array<i32>} : memref<32x512xi32, #tpu.memory_space<vmem>>, vector<1x16xi32>,
      %swap3A_2474 = vector.shape_cast %swap3A_2473 : vector<1x16xi32> to vector<16xi32>
      %swap3A_2475 = vector.shape_cast %add3A_2465 : vector<16xi32> to vector<1x16xi32>
      tpu.vector_store %arg6[%swap3A_2471, %swap3A_2472], %swap3A_2475 {strides = array<i32>} : memref<32x512xi32, #tpu.memory_space<vmem>>, vector<1x16xi32>,
      %add3A_2476 = arith.constant 16000384 : i32
      %add3A_2477 = vector.broadcast %add3A_2476 : i32 to vector<16xi32>
      %add3A_2478 = arith.addi %add3A_2332, %add3A_2477 : vector<16xi32>
      %mul3A_2479 = arith.constant 128 : i32
      %mul3A_2480 = arith.muli %scan3A_25, %mul3A_2479 : i32
      %add3A_2481 = arith.constant 32 : i32
      %add3A_2482 = arith.addi %mul3A_2480, %add3A_2481 : i32
      %swap3A_2483 = arith.constant 27 : i32
      %swap3A_2484 = arith.index_cast %swap3A_2483 : i32 to index
      %swap3A_2485 = arith.index_cast %add3A_2482 : i32 to index
      %swap3A_2486 = tpu.vector_load %arg6[%swap3A_2484, %swap3A_2485] {strides = array<i32>} : memref<32x512xi32, #tpu.memory_space<vmem>>, vector<1x16xi32>,
      %swap3A_2487 = vector.shape_cast %swap3A_2486 : vector<1x16xi32> to vector<16xi32>
      %swap3A_2488 = vector.shape_cast %add3A_2478 : vector<16xi32> to vector<1x16xi32>
      tpu.vector_store %arg6[%swap3A_2484, %swap3A_2485], %swap3A_2488 {strides = array<i32>} : memref<32x512xi32, #tpu.memory_space<vmem>>, vector<1x16xi32>,
      %add3A_2489 = arith.constant 16000512 : i32
      %add3A_2490 = vector.broadcast %add3A_2489 : i32 to vector<16xi32>
      %add3A_2491 = arith.addi %add3A_2332, %add3A_2490 : vector<16xi32>
      %mul3A_2492 = arith.constant 128 : i32
      %mul3A_2493 = arith.muli %scan3A_25, %mul3A_2492 : i32
      %add3A_2494 = arith.constant 32 : i32
      %add3A_2495 = arith.addi %mul3A_2493, %add3A_2494 : i32
      %swap3A_2496 = arith.constant 28 : i32
      %swap3A_2497 = arith.index_cast %swap3A_2496 : i32 to index
      %swap3A_2498 = arith.index_cast %add3A_2495 : i32 to index
      %swap3A_2499 = tpu.vector_load %arg6[%swap3A_2497, %swap3A_2498] {strides = array<i32>} : memref<32x512xi32, #tpu.memory_space<vmem>>, vector<1x16xi32>,
      %swap3A_2500 = vector.shape_cast %swap3A_2499 : vector<1x16xi32> to vector<16xi32>
      %swap3A_2501 = vector.shape_cast %add3A_2491 : vector<16xi32> to vector<1x16xi32>
      tpu.vector_store %arg6[%swap3A_2497, %swap3A_2498], %swap3A_2501 {strides = array<i32>} : memref<32x512xi32, #tpu.memory_space<vmem>>, vector<1x16xi32>,
      %add3A_2502 = arith.constant 16000640 : i32
      %add3A_2503 = vector.broadcast %add3A_2502 : i32 to vector<16xi32>
      %add3A_2504 = arith.addi %add3A_2332, %add3A_2503 : vector<16xi32>
      %mul3A_2505 = arith.constant 128 : i32
      %mul3A_2506 = arith.muli %scan3A_25, %mul3A_2505 : i32
      %add3A_2507 = arith.constant 32 : i32
      %add3A_2508 = arith.addi %mul3A_2506, %add3A_2507 : i32
      %swap3A_2509 = arith.constant 29 : i32
      %swap3A_2510 = arith.index_cast %swap3A_2509 : i32 to index
      %swap3A_2511 = arith.index_cast %add3A_2508 : i32 to index
      %swap3A_2512 = tpu.vector_load %arg6[%swap3A_2510, %swap3A_2511] {strides = array<i32>} : memref<32x512xi32, #tpu.memory_space<vmem>>, vector<1x16xi32>,
      %swap3A_2513 = vector.shape_cast %swap3A_2512 : vector<1x16xi32> to vector<16xi32>
      %swap3A_2514 = vector.shape_cast %add3A_2504 : vector<16xi32> to vector<1x16xi32>
      tpu.vector_store %arg6[%swap3A_2510, %swap3A_2511], %swap3A_2514 {strides = array<i32>} : memref<32x512xi32, #tpu.memory_space<vmem>>, vector<1x16xi32>,
      %add3A_2515 = arith.constant 16000768 : i32
      %add3A_2516 = vector.broadcast %add3A_2515 : i32 to vector<16xi32>
      %add3A_2517 = arith.addi %add3A_2332, %add3A_2516 : vector<16xi32>
      %mul3A_2518 = arith.constant 128 : i32
      %mul3A_2519 = arith.muli %scan3A_25, %mul3A_2518 : i32
      %add3A_2520 = arith.constant 32 : i32
      %add3A_2521 = arith.addi %mul3A_2519, %add3A_2520 : i32
      %swap3A_2522 = arith.constant 30 : i32
      %swap3A_2523 = arith.index_cast %swap3A_2522 : i32 to index
      %swap3A_2524 = arith.index_cast %add3A_2521 : i32 to index
      %swap3A_2525 = tpu.vector_load %arg6[%swap3A_2523, %swap3A_2524] {strides = array<i32>} : memref<32x512xi32, #tpu.memory_space<vmem>>, vector<1x16xi32>,
      %swap3A_2526 = vector.shape_cast %swap3A_2525 : vector<1x16xi32> to vector<16xi32>
      %swap3A_2527 = vector.shape_cast %add3A_2517 : vector<16xi32> to vector<1x16xi32>
      tpu.vector_store %arg6[%swap3A_2523, %swap3A_2524], %swap3A_2527 {strides = array<i32>} : memref<32x512xi32, #tpu.memory_space<vmem>>, vector<1x16xi32>,
      %add3A_2528 = arith.constant 16000896 : i32
      %add3A_2529 = vector.broadcast %add3A_2528 : i32 to vector<16xi32>
      %add3A_2530 = arith.addi %add3A_2332, %add3A_2529 : vector<16xi32>
      %mul3A_2531 = arith.constant 128 : i32
      %mul3A_2532 = arith.muli %scan3A_25, %mul3A_2531 : i32
      %add3A_2533 = arith.constant 32 : i32
      %add3A_2534 = arith.addi %mul3A_2532, %add3A_2533 : i32
      %swap3A_2535 = arith.constant 31 : i32
      %swap3A_2536 = arith.index_cast %swap3A_2535 : i32 to index
      %swap3A_2537 = arith.index_cast %add3A_2534 : i32 to index
      %swap3A_2538 = tpu.vector_load %arg6[%swap3A_2536, %swap3A_2537] {strides = array<i32>} : memref<32x512xi32, #tpu.memory_space<vmem>>, vector<1x16xi32>,
      %swap3A_2539 = vector.shape_cast %swap3A_2538 : vector<1x16xi32> to vector<16xi32>
      %swap3A_2540 = vector.shape_cast %add3A_2530 : vector<16xi32> to vector<1x16xi32>
      tpu.vector_store %arg6[%swap3A_2536, %swap3A_2537], %swap3A_2540 {strides = array<i32>} : memref<32x512xi32, #tpu.memory_space<vmem>>, vector<1x16xi32>,
      %mul3A_2541 = arith.constant 2 : i32
      %mul3A_2542 = arith.muli %mul3A_2541, %scan3A_25 : i32
      %add3A_2543 = arith.constant 1 : i32
      %add3A_2544 = arith.addi %mul3A_2542, %add3A_2543 : i32
      %get3A_2545 = arith.index_cast %add3A_2544 : i32 to index
      %get3A_2546 = arith.constant 48 : index
      %get3A_2547 = tpu.vector_load %arg5[%get3A_2545, %get3A_2546] {strides = array<i32>} : memref<8x128xi32, #tpu.memory_space<vmem>>, vector<1x16xi32>,
      %get3A_2548 = vector.shape_cast %get3A_2547 : vector<1x16xi32> to vector<16xi32>
      %add3A_2549 = arith.constant 1000000 : i32
      %add3A_2550 = vector.broadcast %add3A_2549 : i32 to vector<16xi32>
      %add3A_2551 = arith.addi %get3A_2548, %add3A_2550 : vector<16xi32>
      %shift_right_logical3A_2552 = arith.constant 7 : i32
      %shift_right_logical3A_2553 = vector.broadcast %shift_right_logical3A_2552 : i32 to vector<16xi32>
      %shift_right_logical3A_2554 = arith.shrui %add3A_2551, %shift_right_logical3A_2553 : vector<16xi32>
      %mul3A_2555 = arith.constant 1024 : i32
      %mul3A_2556 = vector.broadcast %mul3A_2555 : i32 to vector<16xi32>
      %mul3A_2557 = arith.muli %shift_right_logical3A_2554, %mul3A_2556 : vector<16xi32>
      %and3A_2558 = arith.constant 127 : i32
      %and3A_2559 = vector.broadcast %and3A_2558 : i32 to vector<16xi32>
      %and3A_2560 = arith.andi %add3A_2551, %and3A_2559 : vector<16xi32>
      %add3A_2561 = arith.addi %mul3A_2557, %and3A_2560 : vector<16xi32>
      %add3A_2562 = arith.constant 0 : i32
      %add3A_2563 = vector.broadcast %add3A_2562 : i32 to vector<16xi32>
      %add3A_2564 = arith.addi %add3A_2561, %add3A_2563 : vector<16xi32>
      %mul3A_2565 = arith.constant 128 : i32
      %mul3A_2566 = arith.muli %scan3A_25, %mul3A_2565 : i32
      %add3A_2567 = arith.constant 48 : i32
      %add3A_2568 = arith.addi %mul3A_2566, %add3A_2567 : i32
      %swap3A_2569 = arith.constant 16 : i32
      %swap3A_2570 = arith.index_cast %swap3A_2569 : i32 to index
      %swap3A_2571 = arith.index_cast %add3A_2568 : i32 to index
      %swap3A_2572 = tpu.vector_load %arg6[%swap3A_2570, %swap3A_2571] {strides = array<i32>} : memref<32x512xi32, #tpu.memory_space<vmem>>, vector<1x16xi32>,
      %swap3A_2573 = vector.shape_cast %swap3A_2572 : vector<1x16xi32> to vector<16xi32>
      %swap3A_2574 = vector.shape_cast %add3A_2564 : vector<16xi32> to vector<1x16xi32>
      tpu.vector_store %arg6[%swap3A_2570, %swap3A_2571], %swap3A_2574 {strides = array<i32>} : memref<32x512xi32, #tpu.memory_space<vmem>>, vector<1x16xi32>,
      %add3A_2575 = arith.constant 128 : i32
      %add3A_2576 = vector.broadcast %add3A_2575 : i32 to vector<16xi32>
      %add3A_2577 = arith.addi %add3A_2561, %add3A_2576 : vector<16xi32>
      %mul3A_2578 = arith.constant 128 : i32
      %mul3A_2579 = arith.muli %scan3A_25, %mul3A_2578 : i32
      %add3A_2580 = arith.constant 48 : i32
      %add3A_2581 = arith.addi %mul3A_2579, %add3A_2580 : i32
      %swap3A_2582 = arith.constant 17 : i32
      %swap3A_2583 = arith.index_cast %swap3A_2582 : i32 to index
      %swap3A_2584 = arith.index_cast %add3A_2581 : i32 to index
      %swap3A_2585 = tpu.vector_load %arg6[%swap3A_2583, %swap3A_2584] {strides = array<i32>} : memref<32x512xi32, #tpu.memory_space<vmem>>, vector<1x16xi32>,
      %swap3A_2586 = vector.shape_cast %swap3A_2585 : vector<1x16xi32> to vector<16xi32>
      %swap3A_2587 = vector.shape_cast %add3A_2577 : vector<16xi32> to vector<1x16xi32>
      tpu.vector_store %arg6[%swap3A_2583, %swap3A_2584], %swap3A_2587 {strides = array<i32>} : memref<32x512xi32, #tpu.memory_space<vmem>>, vector<1x16xi32>,
      %add3A_2588 = arith.constant 256 : i32
      %add3A_2589 = vector.broadcast %add3A_2588 : i32 to vector<16xi32>
      %add3A_2590 = arith.addi %add3A_2561, %add3A_2589 : vector<16xi32>
      %mul3A_2591 = arith.constant 128 : i32
      %mul3A_2592 = arith.muli %scan3A_25, %mul3A_2591 : i32
      %add3A_2593 = arith.constant 48 : i32
      %add3A_2594 = arith.addi %mul3A_2592, %add3A_2593 : i32
      %swap3A_2595 = arith.constant 18 : i32
      %swap3A_2596 = arith.index_cast %swap3A_2595 : i32 to index
      %swap3A_2597 = arith.index_cast %add3A_2594 : i32 to index
      %swap3A_2598 = tpu.vector_load %arg6[%swap3A_2596, %swap3A_2597] {strides = array<i32>} : memref<32x512xi32, #tpu.memory_space<vmem>>, vector<1x16xi32>,
      %swap3A_2599 = vector.shape_cast %swap3A_2598 : vector<1x16xi32> to vector<16xi32>
      %swap3A_2600 = vector.shape_cast %add3A_2590 : vector<16xi32> to vector<1x16xi32>
      tpu.vector_store %arg6[%swap3A_2596, %swap3A_2597], %swap3A_2600 {strides = array<i32>} : memref<32x512xi32, #tpu.memory_space<vmem>>, vector<1x16xi32>,
      %add3A_2601 = arith.constant 384 : i32
      %add3A_2602 = vector.broadcast %add3A_2601 : i32 to vector<16xi32>
      %add3A_2603 = arith.addi %add3A_2561, %add3A_2602 : vector<16xi32>
      %mul3A_2604 = arith.constant 128 : i32
      %mul3A_2605 = arith.muli %scan3A_25, %mul3A_2604 : i32
      %add3A_2606 = arith.constant 48 : i32
      %add3A_2607 = arith.addi %mul3A_2605, %add3A_2606 : i32
      %swap3A_2608 = arith.constant 19 : i32
      %swap3A_2609 = arith.index_cast %swap3A_2608 : i32 to index
      %swap3A_2610 = arith.index_cast %add3A_2607 : i32 to index
      %swap3A_2611 = tpu.vector_load %arg6[%swap3A_2609, %swap3A_2610] {strides = array<i32>} : memref<32x512xi32, #tpu.memory_space<vmem>>, vector<1x16xi32>,
      %swap3A_2612 = vector.shape_cast %swap3A_2611 : vector<1x16xi32> to vector<16xi32>
      %swap3A_2613 = vector.shape_cast %add3A_2603 : vector<16xi32> to vector<1x16xi32>
      tpu.vector_store %arg6[%swap3A_2609, %swap3A_2610], %swap3A_2613 {strides = array<i32>} : memref<32x512xi32, #tpu.memory_space<vmem>>, vector<1x16xi32>,
      %add3A_2614 = arith.constant 512 : i32
      %add3A_2615 = vector.broadcast %add3A_2614 : i32 to vector<16xi32>
      %add3A_2616 = arith.addi %add3A_2561, %add3A_2615 : vector<16xi32>
      %mul3A_2617 = arith.constant 128 : i32
      %mul3A_2618 = arith.muli %scan3A_25, %mul3A_2617 : i32
      %add3A_2619 = arith.constant 48 : i32
      %add3A_2620 = arith.addi %mul3A_2618, %add3A_2619 : i32
      %swap3A_2621 = arith.constant 20 : i32
      %swap3A_2622 = arith.index_cast %swap3A_2621 : i32 to index
      %swap3A_2623 = arith.index_cast %add3A_2620 : i32 to index
      %swap3A_2624 = tpu.vector_load %arg6[%swap3A_2622, %swap3A_2623] {strides = array<i32>} : memref<32x512xi32, #tpu.memory_space<vmem>>, vector<1x16xi32>,
      %swap3A_2625 = vector.shape_cast %swap3A_2624 : vector<1x16xi32> to vector<16xi32>
      %swap3A_2626 = vector.shape_cast %add3A_2616 : vector<16xi32> to vector<1x16xi32>
      tpu.vector_store %arg6[%swap3A_2622, %swap3A_2623], %swap3A_2626 {strides = array<i32>} : memref<32x512xi32, #tpu.memory_space<vmem>>, vector<1x16xi32>,
      %add3A_2627 = arith.constant 640 : i32
      %add3A_2628 = vector.broadcast %add3A_2627 : i32 to vector<16xi32>
      %add3A_2629 = arith.addi %add3A_2561, %add3A_2628 : vector<16xi32>
      %mul3A_2630 = arith.constant 128 : i32
      %mul3A_2631 = arith.muli %scan3A_25, %mul3A_2630 : i32
      %add3A_2632 = arith.constant 48 : i32
      %add3A_2633 = arith.addi %mul3A_2631, %add3A_2632 : i32
      %swap3A_2634 = arith.constant 21 : i32
      %swap3A_2635 = arith.index_cast %swap3A_2634 : i32 to index
      %swap3A_2636 = arith.index_cast %add3A_2633 : i32 to index
      %swap3A_2637 = tpu.vector_load %arg6[%swap3A_2635, %swap3A_2636] {strides = array<i32>} : memref<32x512xi32, #tpu.memory_space<vmem>>, vector<1x16xi32>,
      %swap3A_2638 = vector.shape_cast %swap3A_2637 : vector<1x16xi32> to vector<16xi32>
      %swap3A_2639 = vector.shape_cast %add3A_2629 : vector<16xi32> to vector<1x16xi32>
      tpu.vector_store %arg6[%swap3A_2635, %swap3A_2636], %swap3A_2639 {strides = array<i32>} : memref<32x512xi32, #tpu.memory_space<vmem>>, vector<1x16xi32>,
      %add3A_2640 = arith.constant 768 : i32
      %add3A_2641 = vector.broadcast %add3A_2640 : i32 to vector<16xi32>
      %add3A_2642 = arith.addi %add3A_2561, %add3A_2641 : vector<16xi32>
      %mul3A_2643 = arith.constant 128 : i32
      %mul3A_2644 = arith.muli %scan3A_25, %mul3A_2643 : i32
      %add3A_2645 = arith.constant 48 : i32
      %add3A_2646 = arith.addi %mul3A_2644, %add3A_2645 : i32
      %swap3A_2647 = arith.constant 22 : i32
      %swap3A_2648 = arith.index_cast %swap3A_2647 : i32 to index
      %swap3A_2649 = arith.index_cast %add3A_2646 : i32 to index
      %swap3A_2650 = tpu.vector_load %arg6[%swap3A_2648, %swap3A_2649] {strides = array<i32>} : memref<32x512xi32, #tpu.memory_space<vmem>>, vector<1x16xi32>,
      %swap3A_2651 = vector.shape_cast %swap3A_2650 : vector<1x16xi32> to vector<16xi32>
      %swap3A_2652 = vector.shape_cast %add3A_2642 : vector<16xi32> to vector<1x16xi32>
      tpu.vector_store %arg6[%swap3A_2648, %swap3A_2649], %swap3A_2652 {strides = array<i32>} : memref<32x512xi32, #tpu.memory_space<vmem>>, vector<1x16xi32>,
      %add3A_2653 = arith.constant 896 : i32
      %add3A_2654 = vector.broadcast %add3A_2653 : i32 to vector<16xi32>
      %add3A_2655 = arith.addi %add3A_2561, %add3A_2654 : vector<16xi32>
      %mul3A_2656 = arith.constant 128 : i32
      %mul3A_2657 = arith.muli %scan3A_25, %mul3A_2656 : i32
      %add3A_2658 = arith.constant 48 : i32
      %add3A_2659 = arith.addi %mul3A_2657, %add3A_2658 : i32
      %swap3A_2660 = arith.constant 23 : i32
      %swap3A_2661 = arith.index_cast %swap3A_2660 : i32 to index
      %swap3A_2662 = arith.index_cast %add3A_2659 : i32 to index
      %swap3A_2663 = tpu.vector_load %arg6[%swap3A_2661, %swap3A_2662] {strides = array<i32>} : memref<32x512xi32, #tpu.memory_space<vmem>>, vector<1x16xi32>,
      %swap3A_2664 = vector.shape_cast %swap3A_2663 : vector<1x16xi32> to vector<16xi32>
      %swap3A_2665 = vector.shape_cast %add3A_2655 : vector<16xi32> to vector<1x16xi32>
      tpu.vector_store %arg6[%swap3A_2661, %swap3A_2662], %swap3A_2665 {strides = array<i32>} : memref<32x512xi32, #tpu.memory_space<vmem>>, vector<1x16xi32>,
      %add3A_2666 = arith.constant 16000000 : i32
      %add3A_2667 = vector.broadcast %add3A_2666 : i32 to vector<16xi32>
      %add3A_2668 = arith.addi %add3A_2561, %add3A_2667 : vector<16xi32>
      %mul3A_2669 = arith.constant 128 : i32
      %mul3A_2670 = arith.muli %scan3A_25, %mul3A_2669 : i32
      %add3A_2671 = arith.constant 48 : i32
      %add3A_2672 = arith.addi %mul3A_2670, %add3A_2671 : i32
      %swap3A_2673 = arith.constant 24 : i32
      %swap3A_2674 = arith.index_cast %swap3A_2673 : i32 to index
      %swap3A_2675 = arith.index_cast %add3A_2672 : i32 to index
      %swap3A_2676 = tpu.vector_load %arg6[%swap3A_2674, %swap3A_2675] {strides = array<i32>} : memref<32x512xi32, #tpu.memory_space<vmem>>, vector<1x16xi32>,
      %swap3A_2677 = vector.shape_cast %swap3A_2676 : vector<1x16xi32> to vector<16xi32>
      %swap3A_2678 = vector.shape_cast %add3A_2668 : vector<16xi32> to vector<1x16xi32>
      tpu.vector_store %arg6[%swap3A_2674, %swap3A_2675], %swap3A_2678 {strides = array<i32>} : memref<32x512xi32, #tpu.memory_space<vmem>>, vector<1x16xi32>,
      %add3A_2679 = arith.constant 16000128 : i32
      %add3A_2680 = vector.broadcast %add3A_2679 : i32 to vector<16xi32>
      %add3A_2681 = arith.addi %add3A_2561, %add3A_2680 : vector<16xi32>
      %mul3A_2682 = arith.constant 128 : i32
      %mul3A_2683 = arith.muli %scan3A_25, %mul3A_2682 : i32
      %add3A_2684 = arith.constant 48 : i32
      %add3A_2685 = arith.addi %mul3A_2683, %add3A_2684 : i32
      %swap3A_2686 = arith.constant 25 : i32
      %swap3A_2687 = arith.index_cast %swap3A_2686 : i32 to index
      %swap3A_2688 = arith.index_cast %add3A_2685 : i32 to index
      %swap3A_2689 = tpu.vector_load %arg6[%swap3A_2687, %swap3A_2688] {strides = array<i32>} : memref<32x512xi32, #tpu.memory_space<vmem>>, vector<1x16xi32>,
      %swap3A_2690 = vector.shape_cast %swap3A_2689 : vector<1x16xi32> to vector<16xi32>
      %swap3A_2691 = vector.shape_cast %add3A_2681 : vector<16xi32> to vector<1x16xi32>
      tpu.vector_store %arg6[%swap3A_2687, %swap3A_2688], %swap3A_2691 {strides = array<i32>} : memref<32x512xi32, #tpu.memory_space<vmem>>, vector<1x16xi32>,
      %add3A_2692 = arith.constant 16000256 : i32
      %add3A_2693 = vector.broadcast %add3A_2692 : i32 to vector<16xi32>
      %add3A_2694 = arith.addi %add3A_2561, %add3A_2693 : vector<16xi32>
      %mul3A_2695 = arith.constant 128 : i32
      %mul3A_2696 = arith.muli %scan3A_25, %mul3A_2695 : i32
      %add3A_2697 = arith.constant 48 : i32
      %add3A_2698 = arith.addi %mul3A_2696, %add3A_2697 : i32
      %swap3A_2699 = arith.constant 26 : i32
      %swap3A_2700 = arith.index_cast %swap3A_2699 : i32 to index
      %swap3A_2701 = arith.index_cast %add3A_2698 : i32 to index
      %swap3A_2702 = tpu.vector_load %arg6[%swap3A_2700, %swap3A_2701] {strides = array<i32>} : memref<32x512xi32, #tpu.memory_space<vmem>>, vector<1x16xi32>,
      %swap3A_2703 = vector.shape_cast %swap3A_2702 : vector<1x16xi32> to vector<16xi32>
      %swap3A_2704 = vector.shape_cast %add3A_2694 : vector<16xi32> to vector<1x16xi32>
      tpu.vector_store %arg6[%swap3A_2700, %swap3A_2701], %swap3A_2704 {strides = array<i32>} : memref<32x512xi32, #tpu.memory_space<vmem>>, vector<1x16xi32>,
      %add3A_2705 = arith.constant 16000384 : i32
      %add3A_2706 = vector.broadcast %add3A_2705 : i32 to vector<16xi32>
      %add3A_2707 = arith.addi %add3A_2561, %add3A_2706 : vector<16xi32>
      %mul3A_2708 = arith.constant 128 : i32
      %mul3A_2709 = arith.muli %scan3A_25, %mul3A_2708 : i32
      %add3A_2710 = arith.constant 48 : i32
      %add3A_2711 = arith.addi %mul3A_2709, %add3A_2710 : i32
      %swap3A_2712 = arith.constant 27 : i32
      %swap3A_2713 = arith.index_cast %swap3A_2712 : i32 to index
      %swap3A_2714 = arith.index_cast %add3A_2711 : i32 to index
      %swap3A_2715 = tpu.vector_load %arg6[%swap3A_2713, %swap3A_2714] {strides = array<i32>} : memref<32x512xi32, #tpu.memory_space<vmem>>, vector<1x16xi32>,
      %swap3A_2716 = vector.shape_cast %swap3A_2715 : vector<1x16xi32> to vector<16xi32>
      %swap3A_2717 = vector.shape_cast %add3A_2707 : vector<16xi32> to vector<1x16xi32>
      tpu.vector_store %arg6[%swap3A_2713, %swap3A_2714], %swap3A_2717 {strides = array<i32>} : memref<32x512xi32, #tpu.memory_space<vmem>>, vector<1x16xi32>,
      %add3A_2718 = arith.constant 16000512 : i32
      %add3A_2719 = vector.broadcast %add3A_2718 : i32 to vector<16xi32>
      %add3A_2720 = arith.addi %add3A_2561, %add3A_2719 : vector<16xi32>
      %mul3A_2721 = arith.constant 128 : i32
      %mul3A_2722 = arith.muli %scan3A_25, %mul3A_2721 : i32
      %add3A_2723 = arith.constant 48 : i32
      %add3A_2724 = arith.addi %mul3A_2722, %add3A_2723 : i32
      %swap3A_2725 = arith.constant 28 : i32
      %swap3A_2726 = arith.index_cast %swap3A_2725 : i32 to index
      %swap3A_2727 = arith.index_cast %add3A_2724 : i32 to index
      %swap3A_2728 = tpu.vector_load %arg6[%swap3A_2726, %swap3A_2727] {strides = array<i32>} : memref<32x512xi32, #tpu.memory_space<vmem>>, vector<1x16xi32>,
      %swap3A_2729 = vector.shape_cast %swap3A_2728 : vector<1x16xi32> to vector<16xi32>
      %swap3A_2730 = vector.shape_cast %add3A_2720 : vector<16xi32> to vector<1x16xi32>
      tpu.vector_store %arg6[%swap3A_2726, %swap3A_2727], %swap3A_2730 {strides = array<i32>} : memref<32x512xi32, #tpu.memory_space<vmem>>, vector<1x16xi32>,
      %add3A_2731 = arith.constant 16000640 : i32
      %add3A_2732 = vector.broadcast %add3A_2731 : i32 to vector<16xi32>
      %add3A_2733 = arith.addi %add3A_2561, %add3A_2732 : vector<16xi32>
      %mul3A_2734 = arith.constant 128 : i32
      %mul3A_2735 = arith.muli %scan3A_25, %mul3A_2734 : i32
      %add3A_2736 = arith.constant 48 : i32
      %add3A_2737 = arith.addi %mul3A_2735, %add3A_2736 : i32
      %swap3A_2738 = arith.constant 29 : i32
      %swap3A_2739 = arith.index_cast %swap3A_2738 : i32 to index
      %swap3A_2740 = arith.index_cast %add3A_2737 : i32 to index
      %swap3A_2741 = tpu.vector_load %arg6[%swap3A_2739, %swap3A_2740] {strides = array<i32>} : memref<32x512xi32, #tpu.memory_space<vmem>>, vector<1x16xi32>,
      %swap3A_2742 = vector.shape_cast %swap3A_2741 : vector<1x16xi32> to vector<16xi32>
      %swap3A_2743 = vector.shape_cast %add3A_2733 : vector<16xi32> to vector<1x16xi32>
      tpu.vector_store %arg6[%swap3A_2739, %swap3A_2740], %swap3A_2743 {strides = array<i32>} : memref<32x512xi32, #tpu.memory_space<vmem>>, vector<1x16xi32>,
      %add3A_2744 = arith.constant 16000768 : i32
      %add3A_2745 = vector.broadcast %add3A_2744 : i32 to vector<16xi32>
      %add3A_2746 = arith.addi %add3A_2561, %add3A_2745 : vector<16xi32>
      %mul3A_2747 = arith.constant 128 : i32
      %mul3A_2748 = arith.muli %scan3A_25, %mul3A_2747 : i32
      %add3A_2749 = arith.constant 48 : i32
      %add3A_2750 = arith.addi %mul3A_2748, %add3A_2749 : i32
      %swap3A_2751 = arith.constant 30 : i32
      %swap3A_2752 = arith.index_cast %swap3A_2751 : i32 to index
      %swap3A_2753 = arith.index_cast %add3A_2750 : i32 to index
      %swap3A_2754 = tpu.vector_load %arg6[%swap3A_2752, %swap3A_2753] {strides = array<i32>} : memref<32x512xi32, #tpu.memory_space<vmem>>, vector<1x16xi32>,
      %swap3A_2755 = vector.shape_cast %swap3A_2754 : vector<1x16xi32> to vector<16xi32>
      %swap3A_2756 = vector.shape_cast %add3A_2746 : vector<16xi32> to vector<1x16xi32>
      tpu.vector_store %arg6[%swap3A_2752, %swap3A_2753], %swap3A_2756 {strides = array<i32>} : memref<32x512xi32, #tpu.memory_space<vmem>>, vector<1x16xi32>,
      %add3A_2757 = arith.constant 16000896 : i32
      %add3A_2758 = vector.broadcast %add3A_2757 : i32 to vector<16xi32>
      %add3A_2759 = arith.addi %add3A_2561, %add3A_2758 : vector<16xi32>
      %mul3A_2760 = arith.constant 128 : i32
      %mul3A_2761 = arith.muli %scan3A_25, %mul3A_2760 : i32
      %add3A_2762 = arith.constant 48 : i32
      %add3A_2763 = arith.addi %mul3A_2761, %add3A_2762 : i32
      %swap3A_2764 = arith.constant 31 : i32
      %swap3A_2765 = arith.index_cast %swap3A_2764 : i32 to index
      %swap3A_2766 = arith.index_cast %add3A_2763 : i32 to index
      %swap3A_2767 = tpu.vector_load %arg6[%swap3A_2765, %swap3A_2766] {strides = array<i32>} : memref<32x512xi32, #tpu.memory_space<vmem>>, vector<1x16xi32>,
      %swap3A_2768 = vector.shape_cast %swap3A_2767 : vector<1x16xi32> to vector<16xi32>
      %swap3A_2769 = vector.shape_cast %add3A_2759 : vector<16xi32> to vector<1x16xi32>
      tpu.vector_store %arg6[%swap3A_2765, %swap3A_2766], %swap3A_2769 {strides = array<i32>} : memref<32x512xi32, #tpu.memory_space<vmem>>, vector<1x16xi32>,
      %mul3A_2770 = arith.constant 2 : i32
      %mul3A_2771 = arith.muli %mul3A_2770, %scan3A_25 : i32
      %add3A_2772 = arith.constant 1 : i32
      %add3A_2773 = arith.addi %mul3A_2771, %add3A_2772 : i32
      %get3A_2774 = arith.index_cast %add3A_2773 : i32 to index
      %get3A_2775 = arith.constant 64 : index
      %get3A_2776 = tpu.vector_load %arg5[%get3A_2774, %get3A_2775] {strides = array<i32>} : memref<8x128xi32, #tpu.memory_space<vmem>>, vector<1x16xi32>,
      %get3A_2777 = vector.shape_cast %get3A_2776 : vector<1x16xi32> to vector<16xi32>
      %add3A_2778 = arith.constant 1000000 : i32
      %add3A_2779 = vector.broadcast %add3A_2778 : i32 to vector<16xi32>
      %add3A_2780 = arith.addi %get3A_2777, %add3A_2779 : vector<16xi32>
      %shift_right_logical3A_2781 = arith.constant 7 : i32
      %shift_right_logical3A_2782 = vector.broadcast %shift_right_logical3A_2781 : i32 to vector<16xi32>
      %shift_right_logical3A_2783 = arith.shrui %add3A_2780, %shift_right_logical3A_2782 : vector<16xi32>
      %mul3A_2784 = arith.constant 1024 : i32
      %mul3A_2785 = vector.broadcast %mul3A_2784 : i32 to vector<16xi32>
      %mul3A_2786 = arith.muli %shift_right_logical3A_2783, %mul3A_2785 : vector<16xi32>
      %and3A_2787 = arith.constant 127 : i32
      %and3A_2788 = vector.broadcast %and3A_2787 : i32 to vector<16xi32>
      %and3A_2789 = arith.andi %add3A_2780, %and3A_2788 : vector<16xi32>
      %add3A_2790 = arith.addi %mul3A_2786, %and3A_2789 : vector<16xi32>
      %add3A_2791 = arith.constant 0 : i32
      %add3A_2792 = vector.broadcast %add3A_2791 : i32 to vector<16xi32>
      %add3A_2793 = arith.addi %add3A_2790, %add3A_2792 : vector<16xi32>
      %mul3A_2794 = arith.constant 128 : i32
      %mul3A_2795 = arith.muli %scan3A_25, %mul3A_2794 : i32
      %add3A_2796 = arith.constant 64 : i32
      %add3A_2797 = arith.addi %mul3A_2795, %add3A_2796 : i32
      %swap3A_2798 = arith.constant 16 : i32
      %swap3A_2799 = arith.index_cast %swap3A_2798 : i32 to index
      %swap3A_2800 = arith.index_cast %add3A_2797 : i32 to index
      %swap3A_2801 = tpu.vector_load %arg6[%swap3A_2799, %swap3A_2800] {strides = array<i32>} : memref<32x512xi32, #tpu.memory_space<vmem>>, vector<1x16xi32>,
      %swap3A_2802 = vector.shape_cast %swap3A_2801 : vector<1x16xi32> to vector<16xi32>
      %swap3A_2803 = vector.shape_cast %add3A_2793 : vector<16xi32> to vector<1x16xi32>
      tpu.vector_store %arg6[%swap3A_2799, %swap3A_2800], %swap3A_2803 {strides = array<i32>} : memref<32x512xi32, #tpu.memory_space<vmem>>, vector<1x16xi32>,
      %add3A_2804 = arith.constant 128 : i32
      %add3A_2805 = vector.broadcast %add3A_2804 : i32 to vector<16xi32>
      %add3A_2806 = arith.addi %add3A_2790, %add3A_2805 : vector<16xi32>
      %mul3A_2807 = arith.constant 128 : i32
      %mul3A_2808 = arith.muli %scan3A_25, %mul3A_2807 : i32
      %add3A_2809 = arith.constant 64 : i32
      %add3A_2810 = arith.addi %mul3A_2808, %add3A_2809 : i32
      %swap3A_2811 = arith.constant 17 : i32
      %swap3A_2812 = arith.index_cast %swap3A_2811 : i32 to index
      %swap3A_2813 = arith.index_cast %add3A_2810 : i32 to index
      %swap3A_2814 = tpu.vector_load %arg6[%swap3A_2812, %swap3A_2813] {strides = array<i32>} : memref<32x512xi32, #tpu.memory_space<vmem>>, vector<1x16xi32>,
      %swap3A_2815 = vector.shape_cast %swap3A_2814 : vector<1x16xi32> to vector<16xi32>
      %swap3A_2816 = vector.shape_cast %add3A_2806 : vector<16xi32> to vector<1x16xi32>
      tpu.vector_store %arg6[%swap3A_2812, %swap3A_2813], %swap3A_2816 {strides = array<i32>} : memref<32x512xi32, #tpu.memory_space<vmem>>, vector<1x16xi32>,
      %add3A_2817 = arith.constant 256 : i32
      %add3A_2818 = vector.broadcast %add3A_2817 : i32 to vector<16xi32>
      %add3A_2819 = arith.addi %add3A_2790, %add3A_2818 : vector<16xi32>
      %mul3A_2820 = arith.constant 128 : i32
      %mul3A_2821 = arith.muli %scan3A_25, %mul3A_2820 : i32
      %add3A_2822 = arith.constant 64 : i32
      %add3A_2823 = arith.addi %mul3A_2821, %add3A_2822 : i32
      %swap3A_2824 = arith.constant 18 : i32
      %swap3A_2825 = arith.index_cast %swap3A_2824 : i32 to index
      %swap3A_2826 = arith.index_cast %add3A_2823 : i32 to index
      %swap3A_2827 = tpu.vector_load %arg6[%swap3A_2825, %swap3A_2826] {strides = array<i32>} : memref<32x512xi32, #tpu.memory_space<vmem>>, vector<1x16xi32>,
      %swap3A_2828 = vector.shape_cast %swap3A_2827 : vector<1x16xi32> to vector<16xi32>
      %swap3A_2829 = vector.shape_cast %add3A_2819 : vector<16xi32> to vector<1x16xi32>
      tpu.vector_store %arg6[%swap3A_2825, %swap3A_2826], %swap3A_2829 {strides = array<i32>} : memref<32x512xi32, #tpu.memory_space<vmem>>, vector<1x16xi32>,
      %add3A_2830 = arith.constant 384 : i32
      %add3A_2831 = vector.broadcast %add3A_2830 : i32 to vector<16xi32>
      %add3A_2832 = arith.addi %add3A_2790, %add3A_2831 : vector<16xi32>
      %mul3A_2833 = arith.constant 128 : i32
      %mul3A_2834 = arith.muli %scan3A_25, %mul3A_2833 : i32
      %add3A_2835 = arith.constant 64 : i32
      %add3A_2836 = arith.addi %mul3A_2834, %add3A_2835 : i32
      %swap3A_2837 = arith.constant 19 : i32
      %swap3A_2838 = arith.index_cast %swap3A_2837 : i32 to index
      %swap3A_2839 = arith.index_cast %add3A_2836 : i32 to index
      %swap3A_2840 = tpu.vector_load %arg6[%swap3A_2838, %swap3A_2839] {strides = array<i32>} : memref<32x512xi32, #tpu.memory_space<vmem>>, vector<1x16xi32>,
      %swap3A_2841 = vector.shape_cast %swap3A_2840 : vector<1x16xi32> to vector<16xi32>
      %swap3A_2842 = vector.shape_cast %add3A_2832 : vector<16xi32> to vector<1x16xi32>
      tpu.vector_store %arg6[%swap3A_2838, %swap3A_2839], %swap3A_2842 {strides = array<i32>} : memref<32x512xi32, #tpu.memory_space<vmem>>, vector<1x16xi32>,
      %add3A_2843 = arith.constant 512 : i32
      %add3A_2844 = vector.broadcast %add3A_2843 : i32 to vector<16xi32>
      %add3A_2845 = arith.addi %add3A_2790, %add3A_2844 : vector<16xi32>
      %mul3A_2846 = arith.constant 128 : i32
      %mul3A_2847 = arith.muli %scan3A_25, %mul3A_2846 : i32
      %add3A_2848 = arith.constant 64 : i32
      %add3A_2849 = arith.addi %mul3A_2847, %add3A_2848 : i32
      %swap3A_2850 = arith.constant 20 : i32
      %swap3A_2851 = arith.index_cast %swap3A_2850 : i32 to index
      %swap3A_2852 = arith.index_cast %add3A_2849 : i32 to index
      %swap3A_2853 = tpu.vector_load %arg6[%swap3A_2851, %swap3A_2852] {strides = array<i32>} : memref<32x512xi32, #tpu.memory_space<vmem>>, vector<1x16xi32>,
      %swap3A_2854 = vector.shape_cast %swap3A_2853 : vector<1x16xi32> to vector<16xi32>
      %swap3A_2855 = vector.shape_cast %add3A_2845 : vector<16xi32> to vector<1x16xi32>
      tpu.vector_store %arg6[%swap3A_2851, %swap3A_2852], %swap3A_2855 {strides = array<i32>} : memref<32x512xi32, #tpu.memory_space<vmem>>, vector<1x16xi32>,
      %add3A_2856 = arith.constant 640 : i32
      %add3A_2857 = vector.broadcast %add3A_2856 : i32 to vector<16xi32>
      %add3A_2858 = arith.addi %add3A_2790, %add3A_2857 : vector<16xi32>
      %mul3A_2859 = arith.constant 128 : i32
      %mul3A_2860 = arith.muli %scan3A_25, %mul3A_2859 : i32
      %add3A_2861 = arith.constant 64 : i32
      %add3A_2862 = arith.addi %mul3A_2860, %add3A_2861 : i32
      %swap3A_2863 = arith.constant 21 : i32
      %swap3A_2864 = arith.index_cast %swap3A_2863 : i32 to index
      %swap3A_2865 = arith.index_cast %add3A_2862 : i32 to index
      %swap3A_2866 = tpu.vector_load %arg6[%swap3A_2864, %swap3A_2865] {strides = array<i32>} : memref<32x512xi32, #tpu.memory_space<vmem>>, vector<1x16xi32>,
      %swap3A_2867 = vector.shape_cast %swap3A_2866 : vector<1x16xi32> to vector<16xi32>
      %swap3A_2868 = vector.shape_cast %add3A_2858 : vector<16xi32> to vector<1x16xi32>
      tpu.vector_store %arg6[%swap3A_2864, %swap3A_2865], %swap3A_2868 {strides = array<i32>} : memref<32x512xi32, #tpu.memory_space<vmem>>, vector<1x16xi32>,
      %add3A_2869 = arith.constant 768 : i32
      %add3A_2870 = vector.broadcast %add3A_2869 : i32 to vector<16xi32>
      %add3A_2871 = arith.addi %add3A_2790, %add3A_2870 : vector<16xi32>
      %mul3A_2872 = arith.constant 128 : i32
      %mul3A_2873 = arith.muli %scan3A_25, %mul3A_2872 : i32
      %add3A_2874 = arith.constant 64 : i32
      %add3A_2875 = arith.addi %mul3A_2873, %add3A_2874 : i32
      %swap3A_2876 = arith.constant 22 : i32
      %swap3A_2877 = arith.index_cast %swap3A_2876 : i32 to index
      %swap3A_2878 = arith.index_cast %add3A_2875 : i32 to index
      %swap3A_2879 = tpu.vector_load %arg6[%swap3A_2877, %swap3A_2878] {strides = array<i32>} : memref<32x512xi32, #tpu.memory_space<vmem>>, vector<1x16xi32>,
      %swap3A_2880 = vector.shape_cast %swap3A_2879 : vector<1x16xi32> to vector<16xi32>
      %swap3A_2881 = vector.shape_cast %add3A_2871 : vector<16xi32> to vector<1x16xi32>
      tpu.vector_store %arg6[%swap3A_2877, %swap3A_2878], %swap3A_2881 {strides = array<i32>} : memref<32x512xi32, #tpu.memory_space<vmem>>, vector<1x16xi32>,
      %add3A_2882 = arith.constant 896 : i32
      %add3A_2883 = vector.broadcast %add3A_2882 : i32 to vector<16xi32>
      %add3A_2884 = arith.addi %add3A_2790, %add3A_2883 : vector<16xi32>
      %mul3A_2885 = arith.constant 128 : i32
      %mul3A_2886 = arith.muli %scan3A_25, %mul3A_2885 : i32
      %add3A_2887 = arith.constant 64 : i32
      %add3A_2888 = arith.addi %mul3A_2886, %add3A_2887 : i32
      %swap3A_2889 = arith.constant 23 : i32
      %swap3A_2890 = arith.index_cast %swap3A_2889 : i32 to index
      %swap3A_2891 = arith.index_cast %add3A_2888 : i32 to index
      %swap3A_2892 = tpu.vector_load %arg6[%swap3A_2890, %swap3A_2891] {strides = array<i32>} : memref<32x512xi32, #tpu.memory_space<vmem>>, vector<1x16xi32>,
      %swap3A_2893 = vector.shape_cast %swap3A_2892 : vector<1x16xi32> to vector<16xi32>
      %swap3A_2894 = vector.shape_cast %add3A_2884 : vector<16xi32> to vector<1x16xi32>
      tpu.vector_store %arg6[%swap3A_2890, %swap3A_2891], %swap3A_2894 {strides = array<i32>} : memref<32x512xi32, #tpu.memory_space<vmem>>, vector<1x16xi32>,
      %add3A_2895 = arith.constant 16000000 : i32
      %add3A_2896 = vector.broadcast %add3A_2895 : i32 to vector<16xi32>
      %add3A_2897 = arith.addi %add3A_2790, %add3A_2896 : vector<16xi32>
      %mul3A_2898 = arith.constant 128 : i32
      %mul3A_2899 = arith.muli %scan3A_25, %mul3A_2898 : i32
      %add3A_2900 = arith.constant 64 : i32
      %add3A_2901 = arith.addi %mul3A_2899, %add3A_2900 : i32
      %swap3A_2902 = arith.constant 24 : i32
      %swap3A_2903 = arith.index_cast %swap3A_2902 : i32 to index
      %swap3A_2904 = arith.index_cast %add3A_2901 : i32 to index
      %swap3A_2905 = tpu.vector_load %arg6[%swap3A_2903, %swap3A_2904] {strides = array<i32>} : memref<32x512xi32, #tpu.memory_space<vmem>>, vector<1x16xi32>,
      %swap3A_2906 = vector.shape_cast %swap3A_2905 : vector<1x16xi32> to vector<16xi32>
      %swap3A_2907 = vector.shape_cast %add3A_2897 : vector<16xi32> to vector<1x16xi32>
      tpu.vector_store %arg6[%swap3A_2903, %swap3A_2904], %swap3A_2907 {strides = array<i32>} : memref<32x512xi32, #tpu.memory_space<vmem>>, vector<1x16xi32>,
      %add3A_2908 = arith.constant 16000128 : i32
      %add3A_2909 = vector.broadcast %add3A_2908 : i32 to vector<16xi32>
      %add3A_2910 = arith.addi %add3A_2790, %add3A_2909 : vector<16xi32>
      %mul3A_2911 = arith.constant 128 : i32
      %mul3A_2912 = arith.muli %scan3A_25, %mul3A_2911 : i32
      %add3A_2913 = arith.constant 64 : i32
      %add3A_2914 = arith.addi %mul3A_2912, %add3A_2913 : i32
      %swap3A_2915 = arith.constant 25 : i32
      %swap3A_2916 = arith.index_cast %swap3A_2915 : i32 to index
      %swap3A_2917 = arith.index_cast %add3A_2914 : i32 to index
      %swap3A_2918 = tpu.vector_load %arg6[%swap3A_2916, %swap3A_2917] {strides = array<i32>} : memref<32x512xi32, #tpu.memory_space<vmem>>, vector<1x16xi32>,
      %swap3A_2919 = vector.shape_cast %swap3A_2918 : vector<1x16xi32> to vector<16xi32>
      %swap3A_2920 = vector.shape_cast %add3A_2910 : vector<16xi32> to vector<1x16xi32>
      tpu.vector_store %arg6[%swap3A_2916, %swap3A_2917], %swap3A_2920 {strides = array<i32>} : memref<32x512xi32, #tpu.memory_space<vmem>>, vector<1x16xi32>,
      %add3A_2921 = arith.constant 16000256 : i32
      %add3A_2922 = vector.broadcast %add3A_2921 : i32 to vector<16xi32>
      %add3A_2923 = arith.addi %add3A_2790, %add3A_2922 : vector<16xi32>
      %mul3A_2924 = arith.constant 128 : i32
      %mul3A_2925 = arith.muli %scan3A_25, %mul3A_2924 : i32
      %add3A_2926 = arith.constant 64 : i32
      %add3A_2927 = arith.addi %mul3A_2925, %add3A_2926 : i32
      %swap3A_2928 = arith.constant 26 : i32
      %swap3A_2929 = arith.index_cast %swap3A_2928 : i32 to index
      %swap3A_2930 = arith.index_cast %add3A_2927 : i32 to index
      %swap3A_2931 = tpu.vector_load %arg6[%swap3A_2929, %swap3A_2930] {strides = array<i32>} : memref<32x512xi32, #tpu.memory_space<vmem>>, vector<1x16xi32>,
      %swap3A_2932 = vector.shape_cast %swap3A_2931 : vector<1x16xi32> to vector<16xi32>
      %swap3A_2933 = vector.shape_cast %add3A_2923 : vector<16xi32> to vector<1x16xi32>
      tpu.vector_store %arg6[%swap3A_2929, %swap3A_2930], %swap3A_2933 {strides = array<i32>} : memref<32x512xi32, #tpu.memory_space<vmem>>, vector<1x16xi32>,
      %add3A_2934 = arith.constant 16000384 : i32
      %add3A_2935 = vector.broadcast %add3A_2934 : i32 to vector<16xi32>
      %add3A_2936 = arith.addi %add3A_2790, %add3A_2935 : vector<16xi32>
      %mul3A_2937 = arith.constant 128 : i32
      %mul3A_2938 = arith.muli %scan3A_25, %mul3A_2937 : i32
      %add3A_2939 = arith.constant 64 : i32
      %add3A_2940 = arith.addi %mul3A_2938, %add3A_2939 : i32
      %swap3A_2941 = arith.constant 27 : i32
      %swap3A_2942 = arith.index_cast %swap3A_2941 : i32 to index
      %swap3A_2943 = arith.index_cast %add3A_2940 : i32 to index
      %swap3A_2944 = tpu.vector_load %arg6[%swap3A_2942, %swap3A_2943] {strides = array<i32>} : memref<32x512xi32, #tpu.memory_space<vmem>>, vector<1x16xi32>,
      %swap3A_2945 = vector.shape_cast %swap3A_2944 : vector<1x16xi32> to vector<16xi32>
      %swap3A_2946 = vector.shape_cast %add3A_2936 : vector<16xi32> to vector<1x16xi32>
      tpu.vector_store %arg6[%swap3A_2942, %swap3A_2943], %swap3A_2946 {strides = array<i32>} : memref<32x512xi32, #tpu.memory_space<vmem>>, vector<1x16xi32>,
      %add3A_2947 = arith.constant 16000512 : i32
      %add3A_2948 = vector.broadcast %add3A_2947 : i32 to vector<16xi32>
      %add3A_2949 = arith.addi %add3A_2790, %add3A_2948 : vector<16xi32>
      %mul3A_2950 = arith.constant 128 : i32
      %mul3A_2951 = arith.muli %scan3A_25, %mul3A_2950 : i32
      %add3A_2952 = arith.constant 64 : i32
      %add3A_2953 = arith.addi %mul3A_2951, %add3A_2952 : i32
      %swap3A_2954 = arith.constant 28 : i32
      %swap3A_2955 = arith.index_cast %swap3A_2954 : i32 to index
      %swap3A_2956 = arith.index_cast %add3A_2953 : i32 to index
      %swap3A_2957 = tpu.vector_load %arg6[%swap3A_2955, %swap3A_2956] {strides = array<i32>} : memref<32x512xi32, #tpu.memory_space<vmem>>, vector<1x16xi32>,
      %swap3A_2958 = vector.shape_cast %swap3A_2957 : vector<1x16xi32> to vector<16xi32>
      %swap3A_2959 = vector.shape_cast %add3A_2949 : vector<16xi32> to vector<1x16xi32>
      tpu.vector_store %arg6[%swap3A_2955, %swap3A_2956], %swap3A_2959 {strides = array<i32>} : memref<32x512xi32, #tpu.memory_space<vmem>>, vector<1x16xi32>,
      %add3A_2960 = arith.constant 16000640 : i32
      %add3A_2961 = vector.broadcast %add3A_2960 : i32 to vector<16xi32>
      %add3A_2962 = arith.addi %add3A_2790, %add3A_2961 : vector<16xi32>
      %mul3A_2963 = arith.constant 128 : i32
      %mul3A_2964 = arith.muli %scan3A_25, %mul3A_2963 : i32
      %add3A_2965 = arith.constant 64 : i32
      %add3A_2966 = arith.addi %mul3A_2964, %add3A_2965 : i32
      %swap3A_2967 = arith.constant 29 : i32
      %swap3A_2968 = arith.index_cast %swap3A_2967 : i32 to index
      %swap3A_2969 = arith.index_cast %add3A_2966 : i32 to index
      %swap3A_2970 = tpu.vector_load %arg6[%swap3A_2968, %swap3A_2969] {strides = array<i32>} : memref<32x512xi32, #tpu.memory_space<vmem>>, vector<1x16xi32>,
      %swap3A_2971 = vector.shape_cast %swap3A_2970 : vector<1x16xi32> to vector<16xi32>
      %swap3A_2972 = vector.shape_cast %add3A_2962 : vector<16xi32> to vector<1x16xi32>
      tpu.vector_store %arg6[%swap3A_2968, %swap3A_2969], %swap3A_2972 {strides = array<i32>} : memref<32x512xi32, #tpu.memory_space<vmem>>, vector<1x16xi32>,
      %add3A_2973 = arith.constant 16000768 : i32
      %add3A_2974 = vector.broadcast %add3A_2973 : i32 to vector<16xi32>
      %add3A_2975 = arith.addi %add3A_2790, %add3A_2974 : vector<16xi32>
      %mul3A_2976 = arith.constant 128 : i32
      %mul3A_2977 = arith.muli %scan3A_25, %mul3A_2976 : i32
      %add3A_2978 = arith.constant 64 : i32
      %add3A_2979 = arith.addi %mul3A_2977, %add3A_2978 : i32
      %swap3A_2980 = arith.constant 30 : i32
      %swap3A_2981 = arith.index_cast %swap3A_2980 : i32 to index
      %swap3A_2982 = arith.index_cast %add3A_2979 : i32 to index
      %swap3A_2983 = tpu.vector_load %arg6[%swap3A_2981, %swap3A_2982] {strides = array<i32>} : memref<32x512xi32, #tpu.memory_space<vmem>>, vector<1x16xi32>,
      %swap3A_2984 = vector.shape_cast %swap3A_2983 : vector<1x16xi32> to vector<16xi32>
      %swap3A_2985 = vector.shape_cast %add3A_2975 : vector<16xi32> to vector<1x16xi32>
      tpu.vector_store %arg6[%swap3A_2981, %swap3A_2982], %swap3A_2985 {strides = array<i32>} : memref<32x512xi32, #tpu.memory_space<vmem>>, vector<1x16xi32>,
      %add3A_2986 = arith.constant 16000896 : i32
      %add3A_2987 = vector.broadcast %add3A_2986 : i32 to vector<16xi32>
      %add3A_2988 = arith.addi %add3A_2790, %add3A_2987 : vector<16xi32>
      %mul3A_2989 = arith.constant 128 : i32
      %mul3A_2990 = arith.muli %scan3A_25, %mul3A_2989 : i32
      %add3A_2991 = arith.constant 64 : i32
      %add3A_2992 = arith.addi %mul3A_2990, %add3A_2991 : i32
      %swap3A_2993 = arith.constant 31 : i32
      %swap3A_2994 = arith.index_cast %swap3A_2993 : i32 to index
      %swap3A_2995 = arith.index_cast %add3A_2992 : i32 to index
      %swap3A_2996 = tpu.vector_load %arg6[%swap3A_2994, %swap3A_2995] {strides = array<i32>} : memref<32x512xi32, #tpu.memory_space<vmem>>, vector<1x16xi32>,
      %swap3A_2997 = vector.shape_cast %swap3A_2996 : vector<1x16xi32> to vector<16xi32>
      %swap3A_2998 = vector.shape_cast %add3A_2988 : vector<16xi32> to vector<1x16xi32>
      tpu.vector_store %arg6[%swap3A_2994, %swap3A_2995], %swap3A_2998 {strides = array<i32>} : memref<32x512xi32, #tpu.memory_space<vmem>>, vector<1x16xi32>,
      %mul3A_2999 = arith.constant 2 : i32
      %mul3A_3000 = arith.muli %mul3A_2999, %scan3A_25 : i32
      %add3A_3001 = arith.constant 1 : i32
      %add3A_3002 = arith.addi %mul3A_3000, %add3A_3001 : i32
      %get3A_3003 = arith.index_cast %add3A_3002 : i32 to index
      %get3A_3004 = arith.constant 80 : index
      %get3A_3005 = tpu.vector_load %arg5[%get3A_3003, %get3A_3004] {strides = array<i32>} : memref<8x128xi32, #tpu.memory_space<vmem>>, vector<1x16xi32>,
      %get3A_3006 = vector.shape_cast %get3A_3005 : vector<1x16xi32> to vector<16xi32>
      %add3A_3007 = arith.constant 1000000 : i32
      %add3A_3008 = vector.broadcast %add3A_3007 : i32 to vector<16xi32>
      %add3A_3009 = arith.addi %get3A_3006, %add3A_3008 : vector<16xi32>
      %shift_right_logical3A_3010 = arith.constant 7 : i32
      %shift_right_logical3A_3011 = vector.broadcast %shift_right_logical3A_3010 : i32 to vector<16xi32>
      %shift_right_logical3A_3012 = arith.shrui %add3A_3009, %shift_right_logical3A_3011 : vector<16xi32>
      %mul3A_3013 = arith.constant 1024 : i32
      %mul3A_3014 = vector.broadcast %mul3A_3013 : i32 to vector<16xi32>
      %mul3A_3015 = arith.muli %shift_right_logical3A_3012, %mul3A_3014 : vector<16xi32>
      %and3A_3016 = arith.constant 127 : i32
      %and3A_3017 = vector.broadcast %and3A_3016 : i32 to vector<16xi32>
      %and3A_3018 = arith.andi %add3A_3009, %and3A_3017 : vector<16xi32>
      %add3A_3019 = arith.addi %mul3A_3015, %and3A_3018 : vector<16xi32>
      %add3A_3020 = arith.constant 0 : i32
      %add3A_3021 = vector.broadcast %add3A_3020 : i32 to vector<16xi32>
      %add3A_3022 = arith.addi %add3A_3019, %add3A_3021 : vector<16xi32>
      %mul3A_3023 = arith.constant 128 : i32
      %mul3A_3024 = arith.muli %scan3A_25, %mul3A_3023 : i32
      %add3A_3025 = arith.constant 80 : i32
      %add3A_3026 = arith.addi %mul3A_3024, %add3A_3025 : i32
      %swap3A_3027 = arith.constant 16 : i32
      %swap3A_3028 = arith.index_cast %swap3A_3027 : i32 to index
      %swap3A_3029 = arith.index_cast %add3A_3026 : i32 to index
      %swap3A_3030 = tpu.vector_load %arg6[%swap3A_3028, %swap3A_3029] {strides = array<i32>} : memref<32x512xi32, #tpu.memory_space<vmem>>, vector<1x16xi32>,
      %swap3A_3031 = vector.shape_cast %swap3A_3030 : vector<1x16xi32> to vector<16xi32>
      %swap3A_3032 = vector.shape_cast %add3A_3022 : vector<16xi32> to vector<1x16xi32>
      tpu.vector_store %arg6[%swap3A_3028, %swap3A_3029], %swap3A_3032 {strides = array<i32>} : memref<32x512xi32, #tpu.memory_space<vmem>>, vector<1x16xi32>,
      %add3A_3033 = arith.constant 128 : i32
      %add3A_3034 = vector.broadcast %add3A_3033 : i32 to vector<16xi32>
      %add3A_3035 = arith.addi %add3A_3019, %add3A_3034 : vector<16xi32>
      %mul3A_3036 = arith.constant 128 : i32
      %mul3A_3037 = arith.muli %scan3A_25, %mul3A_3036 : i32
      %add3A_3038 = arith.constant 80 : i32
      %add3A_3039 = arith.addi %mul3A_3037, %add3A_3038 : i32
      %swap3A_3040 = arith.constant 17 : i32
      %swap3A_3041 = arith.index_cast %swap3A_3040 : i32 to index
      %swap3A_3042 = arith.index_cast %add3A_3039 : i32 to index
      %swap3A_3043 = tpu.vector_load %arg6[%swap3A_3041, %swap3A_3042] {strides = array<i32>} : memref<32x512xi32, #tpu.memory_space<vmem>>, vector<1x16xi32>,
      %swap3A_3044 = vector.shape_cast %swap3A_3043 : vector<1x16xi32> to vector<16xi32>
      %swap3A_3045 = vector.shape_cast %add3A_3035 : vector<16xi32> to vector<1x16xi32>
      tpu.vector_store %arg6[%swap3A_3041, %swap3A_3042], %swap3A_3045 {strides = array<i32>} : memref<32x512xi32, #tpu.memory_space<vmem>>, vector<1x16xi32>,
      %add3A_3046 = arith.constant 256 : i32
      %add3A_3047 = vector.broadcast %add3A_3046 : i32 to vector<16xi32>
      %add3A_3048 = arith.addi %add3A_3019, %add3A_3047 : vector<16xi32>
      %mul3A_3049 = arith.constant 128 : i32
      %mul3A_3050 = arith.muli %scan3A_25, %mul3A_3049 : i32
      %add3A_3051 = arith.constant 80 : i32
      %add3A_3052 = arith.addi %mul3A_3050, %add3A_3051 : i32
      %swap3A_3053 = arith.constant 18 : i32
      %swap3A_3054 = arith.index_cast %swap3A_3053 : i32 to index
      %swap3A_3055 = arith.index_cast %add3A_3052 : i32 to index
      %swap3A_3056 = tpu.vector_load %arg6[%swap3A_3054, %swap3A_3055] {strides = array<i32>} : memref<32x512xi32, #tpu.memory_space<vmem>>, vector<1x16xi32>,
      %swap3A_3057 = vector.shape_cast %swap3A_3056 : vector<1x16xi32> to vector<16xi32>
      %swap3A_3058 = vector.shape_cast %add3A_3048 : vector<16xi32> to vector<1x16xi32>
      tpu.vector_store %arg6[%swap3A_3054, %swap3A_3055], %swap3A_3058 {strides = array<i32>} : memref<32x512xi32, #tpu.memory_space<vmem>>, vector<1x16xi32>,
      %add3A_3059 = arith.constant 384 : i32
      %add3A_3060 = vector.broadcast %add3A_3059 : i32 to vector<16xi32>
      %add3A_3061 = arith.addi %add3A_3019, %add3A_3060 : vector<16xi32>
      %mul3A_3062 = arith.constant 128 : i32
      %mul3A_3063 = arith.muli %scan3A_25, %mul3A_3062 : i32
      %add3A_3064 = arith.constant 80 : i32
      %add3A_3065 = arith.addi %mul3A_3063, %add3A_3064 : i32
      %swap3A_3066 = arith.constant 19 : i32
      %swap3A_3067 = arith.index_cast %swap3A_3066 : i32 to index
      %swap3A_3068 = arith.index_cast %add3A_3065 : i32 to index
      %swap3A_3069 = tpu.vector_load %arg6[%swap3A_3067, %swap3A_3068] {strides = array<i32>} : memref<32x512xi32, #tpu.memory_space<vmem>>, vector<1x16xi32>,
      %swap3A_3070 = vector.shape_cast %swap3A_3069 : vector<1x16xi32> to vector<16xi32>
      %swap3A_3071 = vector.shape_cast %add3A_3061 : vector<16xi32> to vector<1x16xi32>
      tpu.vector_store %arg6[%swap3A_3067, %swap3A_3068], %swap3A_3071 {strides = array<i32>} : memref<32x512xi32, #tpu.memory_space<vmem>>, vector<1x16xi32>,
      %add3A_3072 = arith.constant 512 : i32
      %add3A_3073 = vector.broadcast %add3A_3072 : i32 to vector<16xi32>
      %add3A_3074 = arith.addi %add3A_3019, %add3A_3073 : vector<16xi32>
      %mul3A_3075 = arith.constant 128 : i32
      %mul3A_3076 = arith.muli %scan3A_25, %mul3A_3075 : i32
      %add3A_3077 = arith.constant 80 : i32
      %add3A_3078 = arith.addi %mul3A_3076, %add3A_3077 : i32
      %swap3A_3079 = arith.constant 20 : i32
      %swap3A_3080 = arith.index_cast %swap3A_3079 : i32 to index
      %swap3A_3081 = arith.index_cast %add3A_3078 : i32 to index
      %swap3A_3082 = tpu.vector_load %arg6[%swap3A_3080, %swap3A_3081] {strides = array<i32>} : memref<32x512xi32, #tpu.memory_space<vmem>>, vector<1x16xi32>,
      %swap3A_3083 = vector.shape_cast %swap3A_3082 : vector<1x16xi32> to vector<16xi32>
      %swap3A_3084 = vector.shape_cast %add3A_3074 : vector<16xi32> to vector<1x16xi32>
      tpu.vector_store %arg6[%swap3A_3080, %swap3A_3081], %swap3A_3084 {strides = array<i32>} : memref<32x512xi32, #tpu.memory_space<vmem>>, vector<1x16xi32>,
      %add3A_3085 = arith.constant 640 : i32
      %add3A_3086 = vector.broadcast %add3A_3085 : i32 to vector<16xi32>
      %add3A_3087 = arith.addi %add3A_3019, %add3A_3086 : vector<16xi32>
      %mul3A_3088 = arith.constant 128 : i32
      %mul3A_3089 = arith.muli %scan3A_25, %mul3A_3088 : i32
      %add3A_3090 = arith.constant 80 : i32
      %add3A_3091 = arith.addi %mul3A_3089, %add3A_3090 : i32
      %swap3A_3092 = arith.constant 21 : i32
      %swap3A_3093 = arith.index_cast %swap3A_3092 : i32 to index
      %swap3A_3094 = arith.index_cast %add3A_3091 : i32 to index
      %swap3A_3095 = tpu.vector_load %arg6[%swap3A_3093, %swap3A_3094] {strides = array<i32>} : memref<32x512xi32, #tpu.memory_space<vmem>>, vector<1x16xi32>,
      %swap3A_3096 = vector.shape_cast %swap3A_3095 : vector<1x16xi32> to vector<16xi32>
      %swap3A_3097 = vector.shape_cast %add3A_3087 : vector<16xi32> to vector<1x16xi32>
      tpu.vector_store %arg6[%swap3A_3093, %swap3A_3094], %swap3A_3097 {strides = array<i32>} : memref<32x512xi32, #tpu.memory_space<vmem>>, vector<1x16xi32>,
      %add3A_3098 = arith.constant 768 : i32
      %add3A_3099 = vector.broadcast %add3A_3098 : i32 to vector<16xi32>
      %add3A_3100 = arith.addi %add3A_3019, %add3A_3099 : vector<16xi32>
      %mul3A_3101 = arith.constant 128 : i32
      %mul3A_3102 = arith.muli %scan3A_25, %mul3A_3101 : i32
      %add3A_3103 = arith.constant 80 : i32
      %add3A_3104 = arith.addi %mul3A_3102, %add3A_3103 : i32
      %swap3A_3105 = arith.constant 22 : i32
      %swap3A_3106 = arith.index_cast %swap3A_3105 : i32 to index
      %swap3A_3107 = arith.index_cast %add3A_3104 : i32 to index
      %swap3A_3108 = tpu.vector_load %arg6[%swap3A_3106, %swap3A_3107] {strides = array<i32>} : memref<32x512xi32, #tpu.memory_space<vmem>>, vector<1x16xi32>,
      %swap3A_3109 = vector.shape_cast %swap3A_3108 : vector<1x16xi32> to vector<16xi32>
      %swap3A_3110 = vector.shape_cast %add3A_3100 : vector<16xi32> to vector<1x16xi32>
      tpu.vector_store %arg6[%swap3A_3106, %swap3A_3107], %swap3A_3110 {strides = array<i32>} : memref<32x512xi32, #tpu.memory_space<vmem>>, vector<1x16xi32>,
      %add3A_3111 = arith.constant 896 : i32
      %add3A_3112 = vector.broadcast %add3A_3111 : i32 to vector<16xi32>
      %add3A_3113 = arith.addi %add3A_3019, %add3A_3112 : vector<16xi32>
      %mul3A_3114 = arith.constant 128 : i32
      %mul3A_3115 = arith.muli %scan3A_25, %mul3A_3114 : i32
      %add3A_3116 = arith.constant 80 : i32
      %add3A_3117 = arith.addi %mul3A_3115, %add3A_3116 : i32
      %swap3A_3118 = arith.constant 23 : i32
      %swap3A_3119 = arith.index_cast %swap3A_3118 : i32 to index
      %swap3A_3120 = arith.index_cast %add3A_3117 : i32 to index
      %swap3A_3121 = tpu.vector_load %arg6[%swap3A_3119, %swap3A_3120] {strides = array<i32>} : memref<32x512xi32, #tpu.memory_space<vmem>>, vector<1x16xi32>,
      %swap3A_3122 = vector.shape_cast %swap3A_3121 : vector<1x16xi32> to vector<16xi32>
      %swap3A_3123 = vector.shape_cast %add3A_3113 : vector<16xi32> to vector<1x16xi32>
      tpu.vector_store %arg6[%swap3A_3119, %swap3A_3120], %swap3A_3123 {strides = array<i32>} : memref<32x512xi32, #tpu.memory_space<vmem>>, vector<1x16xi32>,
      %add3A_3124 = arith.constant 16000000 : i32
      %add3A_3125 = vector.broadcast %add3A_3124 : i32 to vector<16xi32>
      %add3A_3126 = arith.addi %add3A_3019, %add3A_3125 : vector<16xi32>
      %mul3A_3127 = arith.constant 128 : i32
      %mul3A_3128 = arith.muli %scan3A_25, %mul3A_3127 : i32
      %add3A_3129 = arith.constant 80 : i32
      %add3A_3130 = arith.addi %mul3A_3128, %add3A_3129 : i32
      %swap3A_3131 = arith.constant 24 : i32
      %swap3A_3132 = arith.index_cast %swap3A_3131 : i32 to index
      %swap3A_3133 = arith.index_cast %add3A_3130 : i32 to index
      %swap3A_3134 = tpu.vector_load %arg6[%swap3A_3132, %swap3A_3133] {strides = array<i32>} : memref<32x512xi32, #tpu.memory_space<vmem>>, vector<1x16xi32>,
      %swap3A_3135 = vector.shape_cast %swap3A_3134 : vector<1x16xi32> to vector<16xi32>
      %swap3A_3136 = vector.shape_cast %add3A_3126 : vector<16xi32> to vector<1x16xi32>
      tpu.vector_store %arg6[%swap3A_3132, %swap3A_3133], %swap3A_3136 {strides = array<i32>} : memref<32x512xi32, #tpu.memory_space<vmem>>, vector<1x16xi32>,
      %add3A_3137 = arith.constant 16000128 : i32
      %add3A_3138 = vector.broadcast %add3A_3137 : i32 to vector<16xi32>
      %add3A_3139 = arith.addi %add3A_3019, %add3A_3138 : vector<16xi32>
      %mul3A_3140 = arith.constant 128 : i32
      %mul3A_3141 = arith.muli %scan3A_25, %mul3A_3140 : i32
      %add3A_3142 = arith.constant 80 : i32
      %add3A_3143 = arith.addi %mul3A_3141, %add3A_3142 : i32
      %swap3A_3144 = arith.constant 25 : i32
      %swap3A_3145 = arith.index_cast %swap3A_3144 : i32 to index
      %swap3A_3146 = arith.index_cast %add3A_3143 : i32 to index
      %swap3A_3147 = tpu.vector_load %arg6[%swap3A_3145, %swap3A_3146] {strides = array<i32>} : memref<32x512xi32, #tpu.memory_space<vmem>>, vector<1x16xi32>,
      %swap3A_3148 = vector.shape_cast %swap3A_3147 : vector<1x16xi32> to vector<16xi32>
      %swap3A_3149 = vector.shape_cast %add3A_3139 : vector<16xi32> to vector<1x16xi32>
      tpu.vector_store %arg6[%swap3A_3145, %swap3A_3146], %swap3A_3149 {strides = array<i32>} : memref<32x512xi32, #tpu.memory_space<vmem>>, vector<1x16xi32>,
      %add3A_3150 = arith.constant 16000256 : i32
      %add3A_3151 = vector.broadcast %add3A_3150 : i32 to vector<16xi32>
      %add3A_3152 = arith.addi %add3A_3019, %add3A_3151 : vector<16xi32>
      %mul3A_3153 = arith.constant 128 : i32
      %mul3A_3154 = arith.muli %scan3A_25, %mul3A_3153 : i32
      %add3A_3155 = arith.constant 80 : i32
      %add3A_3156 = arith.addi %mul3A_3154, %add3A_3155 : i32
      %swap3A_3157 = arith.constant 26 : i32
      %swap3A_3158 = arith.index_cast %swap3A_3157 : i32 to index
      %swap3A_3159 = arith.index_cast %add3A_3156 : i32 to index
      %swap3A_3160 = tpu.vector_load %arg6[%swap3A_3158, %swap3A_3159] {strides = array<i32>} : memref<32x512xi32, #tpu.memory_space<vmem>>, vector<1x16xi32>,
      %swap3A_3161 = vector.shape_cast %swap3A_3160 : vector<1x16xi32> to vector<16xi32>
      %swap3A_3162 = vector.shape_cast %add3A_3152 : vector<16xi32> to vector<1x16xi32>
      tpu.vector_store %arg6[%swap3A_3158, %swap3A_3159], %swap3A_3162 {strides = array<i32>} : memref<32x512xi32, #tpu.memory_space<vmem>>, vector<1x16xi32>,
      %add3A_3163 = arith.constant 16000384 : i32
      %add3A_3164 = vector.broadcast %add3A_3163 : i32 to vector<16xi32>
      %add3A_3165 = arith.addi %add3A_3019, %add3A_3164 : vector<16xi32>
      %mul3A_3166 = arith.constant 128 : i32
      %mul3A_3167 = arith.muli %scan3A_25, %mul3A_3166 : i32
      %add3A_3168 = arith.constant 80 : i32
      %add3A_3169 = arith.addi %mul3A_3167, %add3A_3168 : i32
      %swap3A_3170 = arith.constant 27 : i32
      %swap3A_3171 = arith.index_cast %swap3A_3170 : i32 to index
      %swap3A_3172 = arith.index_cast %add3A_3169 : i32 to index
      %swap3A_3173 = tpu.vector_load %arg6[%swap3A_3171, %swap3A_3172] {strides = array<i32>} : memref<32x512xi32, #tpu.memory_space<vmem>>, vector<1x16xi32>,
      %swap3A_3174 = vector.shape_cast %swap3A_3173 : vector<1x16xi32> to vector<16xi32>
      %swap3A_3175 = vector.shape_cast %add3A_3165 : vector<16xi32> to vector<1x16xi32>
      tpu.vector_store %arg6[%swap3A_3171, %swap3A_3172], %swap3A_3175 {strides = array<i32>} : memref<32x512xi32, #tpu.memory_space<vmem>>, vector<1x16xi32>,
      %add3A_3176 = arith.constant 16000512 : i32
      %add3A_3177 = vector.broadcast %add3A_3176 : i32 to vector<16xi32>
      %add3A_3178 = arith.addi %add3A_3019, %add3A_3177 : vector<16xi32>
      %mul3A_3179 = arith.constant 128 : i32
      %mul3A_3180 = arith.muli %scan3A_25, %mul3A_3179 : i32
      %add3A_3181 = arith.constant 80 : i32
      %add3A_3182 = arith.addi %mul3A_3180, %add3A_3181 : i32
      %swap3A_3183 = arith.constant 28 : i32
      %swap3A_3184 = arith.index_cast %swap3A_3183 : i32 to index
      %swap3A_3185 = arith.index_cast %add3A_3182 : i32 to index
      %swap3A_3186 = tpu.vector_load %arg6[%swap3A_3184, %swap3A_3185] {strides = array<i32>} : memref<32x512xi32, #tpu.memory_space<vmem>>, vector<1x16xi32>,
      %swap3A_3187 = vector.shape_cast %swap3A_3186 : vector<1x16xi32> to vector<16xi32>
      %swap3A_3188 = vector.shape_cast %add3A_3178 : vector<16xi32> to vector<1x16xi32>
      tpu.vector_store %arg6[%swap3A_3184, %swap3A_3185], %swap3A_3188 {strides = array<i32>} : memref<32x512xi32, #tpu.memory_space<vmem>>, vector<1x16xi32>,
      %add3A_3189 = arith.constant 16000640 : i32
      %add3A_3190 = vector.broadcast %add3A_3189 : i32 to vector<16xi32>
      %add3A_3191 = arith.addi %add3A_3019, %add3A_3190 : vector<16xi32>
      %mul3A_3192 = arith.constant 128 : i32
      %mul3A_3193 = arith.muli %scan3A_25, %mul3A_3192 : i32
      %add3A_3194 = arith.constant 80 : i32
      %add3A_3195 = arith.addi %mul3A_3193, %add3A_3194 : i32
      %swap3A_3196 = arith.constant 29 : i32
      %swap3A_3197 = arith.index_cast %swap3A_3196 : i32 to index
      %swap3A_3198 = arith.index_cast %add3A_3195 : i32 to index
      %swap3A_3199 = tpu.vector_load %arg6[%swap3A_3197, %swap3A_3198] {strides = array<i32>} : memref<32x512xi32, #tpu.memory_space<vmem>>, vector<1x16xi32>,
      %swap3A_3200 = vector.shape_cast %swap3A_3199 : vector<1x16xi32> to vector<16xi32>
      %swap3A_3201 = vector.shape_cast %add3A_3191 : vector<16xi32> to vector<1x16xi32>
      tpu.vector_store %arg6[%swap3A_3197, %swap3A_3198], %swap3A_3201 {strides = array<i32>} : memref<32x512xi32, #tpu.memory_space<vmem>>, vector<1x16xi32>,
      %add3A_3202 = arith.constant 16000768 : i32
      %add3A_3203 = vector.broadcast %add3A_3202 : i32 to vector<16xi32>
      %add3A_3204 = arith.addi %add3A_3019, %add3A_3203 : vector<16xi32>
      %mul3A_3205 = arith.constant 128 : i32
      %mul3A_3206 = arith.muli %scan3A_25, %mul3A_3205 : i32
      %add3A_3207 = arith.constant 80 : i32
      %add3A_3208 = arith.addi %mul3A_3206, %add3A_3207 : i32
      %swap3A_3209 = arith.constant 30 : i32
      %swap3A_3210 = arith.index_cast %swap3A_3209 : i32 to index
      %swap3A_3211 = arith.index_cast %add3A_3208 : i32 to index
      %swap3A_3212 = tpu.vector_load %arg6[%swap3A_3210, %swap3A_3211] {strides = array<i32>} : memref<32x512xi32, #tpu.memory_space<vmem>>, vector<1x16xi32>,
      %swap3A_3213 = vector.shape_cast %swap3A_3212 : vector<1x16xi32> to vector<16xi32>
      %swap3A_3214 = vector.shape_cast %add3A_3204 : vector<16xi32> to vector<1x16xi32>
      tpu.vector_store %arg6[%swap3A_3210, %swap3A_3211], %swap3A_3214 {strides = array<i32>} : memref<32x512xi32, #tpu.memory_space<vmem>>, vector<1x16xi32>,
      %add3A_3215 = arith.constant 16000896 : i32
      %add3A_3216 = vector.broadcast %add3A_3215 : i32 to vector<16xi32>
      %add3A_3217 = arith.addi %add3A_3019, %add3A_3216 : vector<16xi32>
      %mul3A_3218 = arith.constant 128 : i32
      %mul3A_3219 = arith.muli %scan3A_25, %mul3A_3218 : i32
      %add3A_3220 = arith.constant 80 : i32
      %add3A_3221 = arith.addi %mul3A_3219, %add3A_3220 : i32
      %swap3A_3222 = arith.constant 31 : i32
      %swap3A_3223 = arith.index_cast %swap3A_3222 : i32 to index
      %swap3A_3224 = arith.index_cast %add3A_3221 : i32 to index
      %swap3A_3225 = tpu.vector_load %arg6[%swap3A_3223, %swap3A_3224] {strides = array<i32>} : memref<32x512xi32, #tpu.memory_space<vmem>>, vector<1x16xi32>,
      %swap3A_3226 = vector.shape_cast %swap3A_3225 : vector<1x16xi32> to vector<16xi32>
      %swap3A_3227 = vector.shape_cast %add3A_3217 : vector<16xi32> to vector<1x16xi32>
      tpu.vector_store %arg6[%swap3A_3223, %swap3A_3224], %swap3A_3227 {strides = array<i32>} : memref<32x512xi32, #tpu.memory_space<vmem>>, vector<1x16xi32>,
      %mul3A_3228 = arith.constant 2 : i32
      %mul3A_3229 = arith.muli %mul3A_3228, %scan3A_25 : i32
      %add3A_3230 = arith.constant 1 : i32
      %add3A_3231 = arith.addi %mul3A_3229, %add3A_3230 : i32
      %get3A_3232 = arith.index_cast %add3A_3231 : i32 to index
      %get3A_3233 = arith.constant 96 : index
      %get3A_3234 = tpu.vector_load %arg5[%get3A_3232, %get3A_3233] {strides = array<i32>} : memref<8x128xi32, #tpu.memory_space<vmem>>, vector<1x16xi32>,
      %get3A_3235 = vector.shape_cast %get3A_3234 : vector<1x16xi32> to vector<16xi32>
      %add3A_3236 = arith.constant 1000000 : i32
      %add3A_3237 = vector.broadcast %add3A_3236 : i32 to vector<16xi32>
      %add3A_3238 = arith.addi %get3A_3235, %add3A_3237 : vector<16xi32>
      %shift_right_logical3A_3239 = arith.constant 7 : i32
      %shift_right_logical3A_3240 = vector.broadcast %shift_right_logical3A_3239 : i32 to vector<16xi32>
      %shift_right_logical3A_3241 = arith.shrui %add3A_3238, %shift_right_logical3A_3240 : vector<16xi32>
      %mul3A_3242 = arith.constant 1024 : i32
      %mul3A_3243 = vector.broadcast %mul3A_3242 : i32 to vector<16xi32>
      %mul3A_3244 = arith.muli %shift_right_logical3A_3241, %mul3A_3243 : vector<16xi32>
      %and3A_3245 = arith.constant 127 : i32
      %and3A_3246 = vector.broadcast %and3A_3245 : i32 to vector<16xi32>
      %and3A_3247 = arith.andi %add3A_3238, %and3A_3246 : vector<16xi32>
      %add3A_3248 = arith.addi %mul3A_3244, %and3A_3247 : vector<16xi32>
      %add3A_3249 = arith.constant 0 : i32
      %add3A_3250 = vector.broadcast %add3A_3249 : i32 to vector<16xi32>
      %add3A_3251 = arith.addi %add3A_3248, %add3A_3250 : vector<16xi32>
      %mul3A_3252 = arith.constant 128 : i32
      %mul3A_3253 = arith.muli %scan3A_25, %mul3A_3252 : i32
      %add3A_3254 = arith.constant 96 : i32
      %add3A_3255 = arith.addi %mul3A_3253, %add3A_3254 : i32
      %swap3A_3256 = arith.constant 16 : i32
      %swap3A_3257 = arith.index_cast %swap3A_3256 : i32 to index
      %swap3A_3258 = arith.index_cast %add3A_3255 : i32 to index
      %swap3A_3259 = tpu.vector_load %arg6[%swap3A_3257, %swap3A_3258] {strides = array<i32>} : memref<32x512xi32, #tpu.memory_space<vmem>>, vector<1x16xi32>,
      %swap3A_3260 = vector.shape_cast %swap3A_3259 : vector<1x16xi32> to vector<16xi32>
      %swap3A_3261 = vector.shape_cast %add3A_3251 : vector<16xi32> to vector<1x16xi32>
      tpu.vector_store %arg6[%swap3A_3257, %swap3A_3258], %swap3A_3261 {strides = array<i32>} : memref<32x512xi32, #tpu.memory_space<vmem>>, vector<1x16xi32>,
      %add3A_3262 = arith.constant 128 : i32
      %add3A_3263 = vector.broadcast %add3A_3262 : i32 to vector<16xi32>
      %add3A_3264 = arith.addi %add3A_3248, %add3A_3263 : vector<16xi32>
      %mul3A_3265 = arith.constant 128 : i32
      %mul3A_3266 = arith.muli %scan3A_25, %mul3A_3265 : i32
      %add3A_3267 = arith.constant 96 : i32
      %add3A_3268 = arith.addi %mul3A_3266, %add3A_3267 : i32
      %swap3A_3269 = arith.constant 17 : i32
      %swap3A_3270 = arith.index_cast %swap3A_3269 : i32 to index
      %swap3A_3271 = arith.index_cast %add3A_3268 : i32 to index
      %swap3A_3272 = tpu.vector_load %arg6[%swap3A_3270, %swap3A_3271] {strides = array<i32>} : memref<32x512xi32, #tpu.memory_space<vmem>>, vector<1x16xi32>,
      %swap3A_3273 = vector.shape_cast %swap3A_3272 : vector<1x16xi32> to vector<16xi32>
      %swap3A_3274 = vector.shape_cast %add3A_3264 : vector<16xi32> to vector<1x16xi32>
      tpu.vector_store %arg6[%swap3A_3270, %swap3A_3271], %swap3A_3274 {strides = array<i32>} : memref<32x512xi32, #tpu.memory_space<vmem>>, vector<1x16xi32>,
      %add3A_3275 = arith.constant 256 : i32
      %add3A_3276 = vector.broadcast %add3A_3275 : i32 to vector<16xi32>
      %add3A_3277 = arith.addi %add3A_3248, %add3A_3276 : vector<16xi32>
      %mul3A_3278 = arith.constant 128 : i32
      %mul3A_3279 = arith.muli %scan3A_25, %mul3A_3278 : i32
      %add3A_3280 = arith.constant 96 : i32
      %add3A_3281 = arith.addi %mul3A_3279, %add3A_3280 : i32
      %swap3A_3282 = arith.constant 18 : i32
      %swap3A_3283 = arith.index_cast %swap3A_3282 : i32 to index
      %swap3A_3284 = arith.index_cast %add3A_3281 : i32 to index
      %swap3A_3285 = tpu.vector_load %arg6[%swap3A_3283, %swap3A_3284] {strides = array<i32>} : memref<32x512xi32, #tpu.memory_space<vmem>>, vector<1x16xi32>,
      %swap3A_3286 = vector.shape_cast %swap3A_3285 : vector<1x16xi32> to vector<16xi32>
      %swap3A_3287 = vector.shape_cast %add3A_3277 : vector<16xi32> to vector<1x16xi32>
      tpu.vector_store %arg6[%swap3A_3283, %swap3A_3284], %swap3A_3287 {strides = array<i32>} : memref<32x512xi32, #tpu.memory_space<vmem>>, vector<1x16xi32>,
      %add3A_3288 = arith.constant 384 : i32
      %add3A_3289 = vector.broadcast %add3A_3288 : i32 to vector<16xi32>
      %add3A_3290 = arith.addi %add3A_3248, %add3A_3289 : vector<16xi32>
      %mul3A_3291 = arith.constant 128 : i32
      %mul3A_3292 = arith.muli %scan3A_25, %mul3A_3291 : i32
      %add3A_3293 = arith.constant 96 : i32
      %add3A_3294 = arith.addi %mul3A_3292, %add3A_3293 : i32
      %swap3A_3295 = arith.constant 19 : i32
      %swap3A_3296 = arith.index_cast %swap3A_3295 : i32 to index
      %swap3A_3297 = arith.index_cast %add3A_3294 : i32 to index
      %swap3A_3298 = tpu.vector_load %arg6[%swap3A_3296, %swap3A_3297] {strides = array<i32>} : memref<32x512xi32, #tpu.memory_space<vmem>>, vector<1x16xi32>,
      %swap3A_3299 = vector.shape_cast %swap3A_3298 : vector<1x16xi32> to vector<16xi32>
      %swap3A_3300 = vector.shape_cast %add3A_3290 : vector<16xi32> to vector<1x16xi32>
      tpu.vector_store %arg6[%swap3A_3296, %swap3A_3297], %swap3A_3300 {strides = array<i32>} : memref<32x512xi32, #tpu.memory_space<vmem>>, vector<1x16xi32>,
      %add3A_3301 = arith.constant 512 : i32
      %add3A_3302 = vector.broadcast %add3A_3301 : i32 to vector<16xi32>
      %add3A_3303 = arith.addi %add3A_3248, %add3A_3302 : vector<16xi32>
      %mul3A_3304 = arith.constant 128 : i32
      %mul3A_3305 = arith.muli %scan3A_25, %mul3A_3304 : i32
      %add3A_3306 = arith.constant 96 : i32
      %add3A_3307 = arith.addi %mul3A_3305, %add3A_3306 : i32
      %swap3A_3308 = arith.constant 20 : i32
      %swap3A_3309 = arith.index_cast %swap3A_3308 : i32 to index
      %swap3A_3310 = arith.index_cast %add3A_3307 : i32 to index
      %swap3A_3311 = tpu.vector_load %arg6[%swap3A_3309, %swap3A_3310] {strides = array<i32>} : memref<32x512xi32, #tpu.memory_space<vmem>>, vector<1x16xi32>,
      %swap3A_3312 = vector.shape_cast %swap3A_3311 : vector<1x16xi32> to vector<16xi32>
      %swap3A_3313 = vector.shape_cast %add3A_3303 : vector<16xi32> to vector<1x16xi32>
      tpu.vector_store %arg6[%swap3A_3309, %swap3A_3310], %swap3A_3313 {strides = array<i32>} : memref<32x512xi32, #tpu.memory_space<vmem>>, vector<1x16xi32>,
      %add3A_3314 = arith.constant 640 : i32
      %add3A_3315 = vector.broadcast %add3A_3314 : i32 to vector<16xi32>
      %add3A_3316 = arith.addi %add3A_3248, %add3A_3315 : vector<16xi32>
      %mul3A_3317 = arith.constant 128 : i32
      %mul3A_3318 = arith.muli %scan3A_25, %mul3A_3317 : i32
      %add3A_3319 = arith.constant 96 : i32
      %add3A_3320 = arith.addi %mul3A_3318, %add3A_3319 : i32
      %swap3A_3321 = arith.constant 21 : i32
      %swap3A_3322 = arith.index_cast %swap3A_3321 : i32 to index
      %swap3A_3323 = arith.index_cast %add3A_3320 : i32 to index
      %swap3A_3324 = tpu.vector_load %arg6[%swap3A_3322, %swap3A_3323] {strides = array<i32>} : memref<32x512xi32, #tpu.memory_space<vmem>>, vector<1x16xi32>,
      %swap3A_3325 = vector.shape_cast %swap3A_3324 : vector<1x16xi32> to vector<16xi32>
      %swap3A_3326 = vector.shape_cast %add3A_3316 : vector<16xi32> to vector<1x16xi32>
      tpu.vector_store %arg6[%swap3A_3322, %swap3A_3323], %swap3A_3326 {strides = array<i32>} : memref<32x512xi32, #tpu.memory_space<vmem>>, vector<1x16xi32>,
      %add3A_3327 = arith.constant 768 : i32
      %add3A_3328 = vector.broadcast %add3A_3327 : i32 to vector<16xi32>
      %add3A_3329 = arith.addi %add3A_3248, %add3A_3328 : vector<16xi32>
      %mul3A_3330 = arith.constant 128 : i32
      %mul3A_3331 = arith.muli %scan3A_25, %mul3A_3330 : i32
      %add3A_3332 = arith.constant 96 : i32
      %add3A_3333 = arith.addi %mul3A_3331, %add3A_3332 : i32
      %swap3A_3334 = arith.constant 22 : i32
      %swap3A_3335 = arith.index_cast %swap3A_3334 : i32 to index
      %swap3A_3336 = arith.index_cast %add3A_3333 : i32 to index
      %swap3A_3337 = tpu.vector_load %arg6[%swap3A_3335, %swap3A_3336] {strides = array<i32>} : memref<32x512xi32, #tpu.memory_space<vmem>>, vector<1x16xi32>,
      %swap3A_3338 = vector.shape_cast %swap3A_3337 : vector<1x16xi32> to vector<16xi32>
      %swap3A_3339 = vector.shape_cast %add3A_3329 : vector<16xi32> to vector<1x16xi32>
      tpu.vector_store %arg6[%swap3A_3335, %swap3A_3336], %swap3A_3339 {strides = array<i32>} : memref<32x512xi32, #tpu.memory_space<vmem>>, vector<1x16xi32>,
      %add3A_3340 = arith.constant 896 : i32
      %add3A_3341 = vector.broadcast %add3A_3340 : i32 to vector<16xi32>
      %add3A_3342 = arith.addi %add3A_3248, %add3A_3341 : vector<16xi32>
      %mul3A_3343 = arith.constant 128 : i32
      %mul3A_3344 = arith.muli %scan3A_25, %mul3A_3343 : i32
      %add3A_3345 = arith.constant 96 : i32
      %add3A_3346 = arith.addi %mul3A_3344, %add3A_3345 : i32
      %swap3A_3347 = arith.constant 23 : i32
      %swap3A_3348 = arith.index_cast %swap3A_3347 : i32 to index
      %swap3A_3349 = arith.index_cast %add3A_3346 : i32 to index
      %swap3A_3350 = tpu.vector_load %arg6[%swap3A_3348, %swap3A_3349] {strides = array<i32>} : memref<32x512xi32, #tpu.memory_space<vmem>>, vector<1x16xi32>,
      %swap3A_3351 = vector.shape_cast %swap3A_3350 : vector<1x16xi32> to vector<16xi32>
      %swap3A_3352 = vector.shape_cast %add3A_3342 : vector<16xi32> to vector<1x16xi32>
      tpu.vector_store %arg6[%swap3A_3348, %swap3A_3349], %swap3A_3352 {strides = array<i32>} : memref<32x512xi32, #tpu.memory_space<vmem>>, vector<1x16xi32>,
      %add3A_3353 = arith.constant 16000000 : i32
      %add3A_3354 = vector.broadcast %add3A_3353 : i32 to vector<16xi32>
      %add3A_3355 = arith.addi %add3A_3248, %add3A_3354 : vector<16xi32>
      %mul3A_3356 = arith.constant 128 : i32
      %mul3A_3357 = arith.muli %scan3A_25, %mul3A_3356 : i32
      %add3A_3358 = arith.constant 96 : i32
      %add3A_3359 = arith.addi %mul3A_3357, %add3A_3358 : i32
      %swap3A_3360 = arith.constant 24 : i32
      %swap3A_3361 = arith.index_cast %swap3A_3360 : i32 to index
      %swap3A_3362 = arith.index_cast %add3A_3359 : i32 to index
      %swap3A_3363 = tpu.vector_load %arg6[%swap3A_3361, %swap3A_3362] {strides = array<i32>} : memref<32x512xi32, #tpu.memory_space<vmem>>, vector<1x16xi32>,
      %swap3A_3364 = vector.shape_cast %swap3A_3363 : vector<1x16xi32> to vector<16xi32>
      %swap3A_3365 = vector.shape_cast %add3A_3355 : vector<16xi32> to vector<1x16xi32>
      tpu.vector_store %arg6[%swap3A_3361, %swap3A_3362], %swap3A_3365 {strides = array<i32>} : memref<32x512xi32, #tpu.memory_space<vmem>>, vector<1x16xi32>,
      %add3A_3366 = arith.constant 16000128 : i32
      %add3A_3367 = vector.broadcast %add3A_3366 : i32 to vector<16xi32>
      %add3A_3368 = arith.addi %add3A_3248, %add3A_3367 : vector<16xi32>
      %mul3A_3369 = arith.constant 128 : i32
      %mul3A_3370 = arith.muli %scan3A_25, %mul3A_3369 : i32
      %add3A_3371 = arith.constant 96 : i32
      %add3A_3372 = arith.addi %mul3A_3370, %add3A_3371 : i32
      %swap3A_3373 = arith.constant 25 : i32
      %swap3A_3374 = arith.index_cast %swap3A_3373 : i32 to index
      %swap3A_3375 = arith.index_cast %add3A_3372 : i32 to index
      %swap3A_3376 = tpu.vector_load %arg6[%swap3A_3374, %swap3A_3375] {strides = array<i32>} : memref<32x512xi32, #tpu.memory_space<vmem>>, vector<1x16xi32>,
      %swap3A_3377 = vector.shape_cast %swap3A_3376 : vector<1x16xi32> to vector<16xi32>
      %swap3A_3378 = vector.shape_cast %add3A_3368 : vector<16xi32> to vector<1x16xi32>
      tpu.vector_store %arg6[%swap3A_3374, %swap3A_3375], %swap3A_3378 {strides = array<i32>} : memref<32x512xi32, #tpu.memory_space<vmem>>, vector<1x16xi32>,
      %add3A_3379 = arith.constant 16000256 : i32
      %add3A_3380 = vector.broadcast %add3A_3379 : i32 to vector<16xi32>
      %add3A_3381 = arith.addi %add3A_3248, %add3A_3380 : vector<16xi32>
      %mul3A_3382 = arith.constant 128 : i32
      %mul3A_3383 = arith.muli %scan3A_25, %mul3A_3382 : i32
      %add3A_3384 = arith.constant 96 : i32
      %add3A_3385 = arith.addi %mul3A_3383, %add3A_3384 : i32
      %swap3A_3386 = arith.constant 26 : i32
      %swap3A_3387 = arith.index_cast %swap3A_3386 : i32 to index
      %swap3A_3388 = arith.index_cast %add3A_3385 : i32 to index
      %swap3A_3389 = tpu.vector_load %arg6[%swap3A_3387, %swap3A_3388] {strides = array<i32>} : memref<32x512xi32, #tpu.memory_space<vmem>>, vector<1x16xi32>,
      %swap3A_3390 = vector.shape_cast %swap3A_3389 : vector<1x16xi32> to vector<16xi32>
      %swap3A_3391 = vector.shape_cast %add3A_3381 : vector<16xi32> to vector<1x16xi32>
      tpu.vector_store %arg6[%swap3A_3387, %swap3A_3388], %swap3A_3391 {strides = array<i32>} : memref<32x512xi32, #tpu.memory_space<vmem>>, vector<1x16xi32>,
      %add3A_3392 = arith.constant 16000384 : i32
      %add3A_3393 = vector.broadcast %add3A_3392 : i32 to vector<16xi32>
      %add3A_3394 = arith.addi %add3A_3248, %add3A_3393 : vector<16xi32>
      %mul3A_3395 = arith.constant 128 : i32
      %mul3A_3396 = arith.muli %scan3A_25, %mul3A_3395 : i32
      %add3A_3397 = arith.constant 96 : i32
      %add3A_3398 = arith.addi %mul3A_3396, %add3A_3397 : i32
      %swap3A_3399 = arith.constant 27 : i32
      %swap3A_3400 = arith.index_cast %swap3A_3399 : i32 to index
      %swap3A_3401 = arith.index_cast %add3A_3398 : i32 to index
      %swap3A_3402 = tpu.vector_load %arg6[%swap3A_3400, %swap3A_3401] {strides = array<i32>} : memref<32x512xi32, #tpu.memory_space<vmem>>, vector<1x16xi32>,
      %swap3A_3403 = vector.shape_cast %swap3A_3402 : vector<1x16xi32> to vector<16xi32>
      %swap3A_3404 = vector.shape_cast %add3A_3394 : vector<16xi32> to vector<1x16xi32>
      tpu.vector_store %arg6[%swap3A_3400, %swap3A_3401], %swap3A_3404 {strides = array<i32>} : memref<32x512xi32, #tpu.memory_space<vmem>>, vector<1x16xi32>,
      %add3A_3405 = arith.constant 16000512 : i32
      %add3A_3406 = vector.broadcast %add3A_3405 : i32 to vector<16xi32>
      %add3A_3407 = arith.addi %add3A_3248, %add3A_3406 : vector<16xi32>
      %mul3A_3408 = arith.constant 128 : i32
      %mul3A_3409 = arith.muli %scan3A_25, %mul3A_3408 : i32
      %add3A_3410 = arith.constant 96 : i32
      %add3A_3411 = arith.addi %mul3A_3409, %add3A_3410 : i32
      %swap3A_3412 = arith.constant 28 : i32
      %swap3A_3413 = arith.index_cast %swap3A_3412 : i32 to index
      %swap3A_3414 = arith.index_cast %add3A_3411 : i32 to index
      %swap3A_3415 = tpu.vector_load %arg6[%swap3A_3413, %swap3A_3414] {strides = array<i32>} : memref<32x512xi32, #tpu.memory_space<vmem>>, vector<1x16xi32>,
      %swap3A_3416 = vector.shape_cast %swap3A_3415 : vector<1x16xi32> to vector<16xi32>
      %swap3A_3417 = vector.shape_cast %add3A_3407 : vector<16xi32> to vector<1x16xi32>
      tpu.vector_store %arg6[%swap3A_3413, %swap3A_3414], %swap3A_3417 {strides = array<i32>} : memref<32x512xi32, #tpu.memory_space<vmem>>, vector<1x16xi32>,
      %add3A_3418 = arith.constant 16000640 : i32
      %add3A_3419 = vector.broadcast %add3A_3418 : i32 to vector<16xi32>
      %add3A_3420 = arith.addi %add3A_3248, %add3A_3419 : vector<16xi32>
      %mul3A_3421 = arith.constant 128 : i32
      %mul3A_3422 = arith.muli %scan3A_25, %mul3A_3421 : i32
      %add3A_3423 = arith.constant 96 : i32
      %add3A_3424 = arith.addi %mul3A_3422, %add3A_3423 : i32
      %swap3A_3425 = arith.constant 29 : i32
      %swap3A_3426 = arith.index_cast %swap3A_3425 : i32 to index
      %swap3A_3427 = arith.index_cast %add3A_3424 : i32 to index
      %swap3A_3428 = tpu.vector_load %arg6[%swap3A_3426, %swap3A_3427] {strides = array<i32>} : memref<32x512xi32, #tpu.memory_space<vmem>>, vector<1x16xi32>,
      %swap3A_3429 = vector.shape_cast %swap3A_3428 : vector<1x16xi32> to vector<16xi32>
      %swap3A_3430 = vector.shape_cast %add3A_3420 : vector<16xi32> to vector<1x16xi32>
      tpu.vector_store %arg6[%swap3A_3426, %swap3A_3427], %swap3A_3430 {strides = array<i32>} : memref<32x512xi32, #tpu.memory_space<vmem>>, vector<1x16xi32>,
      %add3A_3431 = arith.constant 16000768 : i32
      %add3A_3432 = vector.broadcast %add3A_3431 : i32 to vector<16xi32>
      %add3A_3433 = arith.addi %add3A_3248, %add3A_3432 : vector<16xi32>
      %mul3A_3434 = arith.constant 128 : i32
      %mul3A_3435 = arith.muli %scan3A_25, %mul3A_3434 : i32
      %add3A_3436 = arith.constant 96 : i32
      %add3A_3437 = arith.addi %mul3A_3435, %add3A_3436 : i32
      %swap3A_3438 = arith.constant 30 : i32
      %swap3A_3439 = arith.index_cast %swap3A_3438 : i32 to index
      %swap3A_3440 = arith.index_cast %add3A_3437 : i32 to index
      %swap3A_3441 = tpu.vector_load %arg6[%swap3A_3439, %swap3A_3440] {strides = array<i32>} : memref<32x512xi32, #tpu.memory_space<vmem>>, vector<1x16xi32>,
      %swap3A_3442 = vector.shape_cast %swap3A_3441 : vector<1x16xi32> to vector<16xi32>
      %swap3A_3443 = vector.shape_cast %add3A_3433 : vector<16xi32> to vector<1x16xi32>
      tpu.vector_store %arg6[%swap3A_3439, %swap3A_3440], %swap3A_3443 {strides = array<i32>} : memref<32x512xi32, #tpu.memory_space<vmem>>, vector<1x16xi32>,
      %add3A_3444 = arith.constant 16000896 : i32
      %add3A_3445 = vector.broadcast %add3A_3444 : i32 to vector<16xi32>
      %add3A_3446 = arith.addi %add3A_3248, %add3A_3445 : vector<16xi32>
      %mul3A_3447 = arith.constant 128 : i32
      %mul3A_3448 = arith.muli %scan3A_25, %mul3A_3447 : i32
      %add3A_3449 = arith.constant 96 : i32
      %add3A_3450 = arith.addi %mul3A_3448, %add3A_3449 : i32
      %swap3A_3451 = arith.constant 31 : i32
      %swap3A_3452 = arith.index_cast %swap3A_3451 : i32 to index
      %swap3A_3453 = arith.index_cast %add3A_3450 : i32 to index
      %swap3A_3454 = tpu.vector_load %arg6[%swap3A_3452, %swap3A_3453] {strides = array<i32>} : memref<32x512xi32, #tpu.memory_space<vmem>>, vector<1x16xi32>,
      %swap3A_3455 = vector.shape_cast %swap3A_3454 : vector<1x16xi32> to vector<16xi32>
      %swap3A_3456 = vector.shape_cast %add3A_3446 : vector<16xi32> to vector<1x16xi32>
      tpu.vector_store %arg6[%swap3A_3452, %swap3A_3453], %swap3A_3456 {strides = array<i32>} : memref<32x512xi32, #tpu.memory_space<vmem>>, vector<1x16xi32>,
      %mul3A_3457 = arith.constant 2 : i32
      %mul3A_3458 = arith.muli %mul3A_3457, %scan3A_25 : i32
      %add3A_3459 = arith.constant 1 : i32
      %add3A_3460 = arith.addi %mul3A_3458, %add3A_3459 : i32
      %get3A_3461 = arith.index_cast %add3A_3460 : i32 to index
      %get3A_3462 = arith.constant 112 : index
      %get3A_3463 = tpu.vector_load %arg5[%get3A_3461, %get3A_3462] {strides = array<i32>} : memref<8x128xi32, #tpu.memory_space<vmem>>, vector<1x16xi32>,
      %get3A_3464 = vector.shape_cast %get3A_3463 : vector<1x16xi32> to vector<16xi32>
      %add3A_3465 = arith.constant 1000000 : i32
      %add3A_3466 = vector.broadcast %add3A_3465 : i32 to vector<16xi32>
      %add3A_3467 = arith.addi %get3A_3464, %add3A_3466 : vector<16xi32>
      %shift_right_logical3A_3468 = arith.constant 7 : i32
      %shift_right_logical3A_3469 = vector.broadcast %shift_right_logical3A_3468 : i32 to vector<16xi32>
      %shift_right_logical3A_3470 = arith.shrui %add3A_3467, %shift_right_logical3A_3469 : vector<16xi32>
      %mul3A_3471 = arith.constant 1024 : i32
      %mul3A_3472 = vector.broadcast %mul3A_3471 : i32 to vector<16xi32>
      %mul3A_3473 = arith.muli %shift_right_logical3A_3470, %mul3A_3472 : vector<16xi32>
      %and3A_3474 = arith.constant 127 : i32
      %and3A_3475 = vector.broadcast %and3A_3474 : i32 to vector<16xi32>
      %and3A_3476 = arith.andi %add3A_3467, %and3A_3475 : vector<16xi32>
      %add3A_3477 = arith.addi %mul3A_3473, %and3A_3476 : vector<16xi32>
      %add3A_3478 = arith.constant 0 : i32
      %add3A_3479 = vector.broadcast %add3A_3478 : i32 to vector<16xi32>
      %add3A_3480 = arith.addi %add3A_3477, %add3A_3479 : vector<16xi32>
      %mul3A_3481 = arith.constant 128 : i32
      %mul3A_3482 = arith.muli %scan3A_25, %mul3A_3481 : i32
      %add3A_3483 = arith.constant 112 : i32
      %add3A_3484 = arith.addi %mul3A_3482, %add3A_3483 : i32
      %swap3A_3485 = arith.constant 16 : i32
      %swap3A_3486 = arith.index_cast %swap3A_3485 : i32 to index
      %swap3A_3487 = arith.index_cast %add3A_3484 : i32 to index
      %swap3A_3488 = tpu.vector_load %arg6[%swap3A_3486, %swap3A_3487] {strides = array<i32>} : memref<32x512xi32, #tpu.memory_space<vmem>>, vector<1x16xi32>,
      %swap3A_3489 = vector.shape_cast %swap3A_3488 : vector<1x16xi32> to vector<16xi32>
      %swap3A_3490 = vector.shape_cast %add3A_3480 : vector<16xi32> to vector<1x16xi32>
      tpu.vector_store %arg6[%swap3A_3486, %swap3A_3487], %swap3A_3490 {strides = array<i32>} : memref<32x512xi32, #tpu.memory_space<vmem>>, vector<1x16xi32>,
      %add3A_3491 = arith.constant 128 : i32
      %add3A_3492 = vector.broadcast %add3A_3491 : i32 to vector<16xi32>
      %add3A_3493 = arith.addi %add3A_3477, %add3A_3492 : vector<16xi32>
      %mul3A_3494 = arith.constant 128 : i32
      %mul3A_3495 = arith.muli %scan3A_25, %mul3A_3494 : i32
      %add3A_3496 = arith.constant 112 : i32
      %add3A_3497 = arith.addi %mul3A_3495, %add3A_3496 : i32
      %swap3A_3498 = arith.constant 17 : i32
      %swap3A_3499 = arith.index_cast %swap3A_3498 : i32 to index
      %swap3A_3500 = arith.index_cast %add3A_3497 : i32 to index
      %swap3A_3501 = tpu.vector_load %arg6[%swap3A_3499, %swap3A_3500] {strides = array<i32>} : memref<32x512xi32, #tpu.memory_space<vmem>>, vector<1x16xi32>,
      %swap3A_3502 = vector.shape_cast %swap3A_3501 : vector<1x16xi32> to vector<16xi32>
      %swap3A_3503 = vector.shape_cast %add3A_3493 : vector<16xi32> to vector<1x16xi32>
      tpu.vector_store %arg6[%swap3A_3499, %swap3A_3500], %swap3A_3503 {strides = array<i32>} : memref<32x512xi32, #tpu.memory_space<vmem>>, vector<1x16xi32>,
      %add3A_3504 = arith.constant 256 : i32
      %add3A_3505 = vector.broadcast %add3A_3504 : i32 to vector<16xi32>
      %add3A_3506 = arith.addi %add3A_3477, %add3A_3505 : vector<16xi32>
      %mul3A_3507 = arith.constant 128 : i32
      %mul3A_3508 = arith.muli %scan3A_25, %mul3A_3507 : i32
      %add3A_3509 = arith.constant 112 : i32
      %add3A_3510 = arith.addi %mul3A_3508, %add3A_3509 : i32
      %swap3A_3511 = arith.constant 18 : i32
      %swap3A_3512 = arith.index_cast %swap3A_3511 : i32 to index
      %swap3A_3513 = arith.index_cast %add3A_3510 : i32 to index
      %swap3A_3514 = tpu.vector_load %arg6[%swap3A_3512, %swap3A_3513] {strides = array<i32>} : memref<32x512xi32, #tpu.memory_space<vmem>>, vector<1x16xi32>,
      %swap3A_3515 = vector.shape_cast %swap3A_3514 : vector<1x16xi32> to vector<16xi32>
      %swap3A_3516 = vector.shape_cast %add3A_3506 : vector<16xi32> to vector<1x16xi32>
      tpu.vector_store %arg6[%swap3A_3512, %swap3A_3513], %swap3A_3516 {strides = array<i32>} : memref<32x512xi32, #tpu.memory_space<vmem>>, vector<1x16xi32>,
      %add3A_3517 = arith.constant 384 : i32
      %add3A_3518 = vector.broadcast %add3A_3517 : i32 to vector<16xi32>
      %add3A_3519 = arith.addi %add3A_3477, %add3A_3518 : vector<16xi32>
      %mul3A_3520 = arith.constant 128 : i32
      %mul3A_3521 = arith.muli %scan3A_25, %mul3A_3520 : i32
      %add3A_3522 = arith.constant 112 : i32
      %add3A_3523 = arith.addi %mul3A_3521, %add3A_3522 : i32
      %swap3A_3524 = arith.constant 19 : i32
      %swap3A_3525 = arith.index_cast %swap3A_3524 : i32 to index
      %swap3A_3526 = arith.index_cast %add3A_3523 : i32 to index
      %swap3A_3527 = tpu.vector_load %arg6[%swap3A_3525, %swap3A_3526] {strides = array<i32>} : memref<32x512xi32, #tpu.memory_space<vmem>>, vector<1x16xi32>,
      %swap3A_3528 = vector.shape_cast %swap3A_3527 : vector<1x16xi32> to vector<16xi32>
      %swap3A_3529 = vector.shape_cast %add3A_3519 : vector<16xi32> to vector<1x16xi32>
      tpu.vector_store %arg6[%swap3A_3525, %swap3A_3526], %swap3A_3529 {strides = array<i32>} : memref<32x512xi32, #tpu.memory_space<vmem>>, vector<1x16xi32>,
      %add3A_3530 = arith.constant 512 : i32
      %add3A_3531 = vector.broadcast %add3A_3530 : i32 to vector<16xi32>
      %add3A_3532 = arith.addi %add3A_3477, %add3A_3531 : vector<16xi32>
      %mul3A_3533 = arith.constant 128 : i32
      %mul3A_3534 = arith.muli %scan3A_25, %mul3A_3533 : i32
      %add3A_3535 = arith.constant 112 : i32
      %add3A_3536 = arith.addi %mul3A_3534, %add3A_3535 : i32
      %swap3A_3537 = arith.constant 20 : i32
      %swap3A_3538 = arith.index_cast %swap3A_3537 : i32 to index
      %swap3A_3539 = arith.index_cast %add3A_3536 : i32 to index
      %swap3A_3540 = tpu.vector_load %arg6[%swap3A_3538, %swap3A_3539] {strides = array<i32>} : memref<32x512xi32, #tpu.memory_space<vmem>>, vector<1x16xi32>,
      %swap3A_3541 = vector.shape_cast %swap3A_3540 : vector<1x16xi32> to vector<16xi32>
      %swap3A_3542 = vector.shape_cast %add3A_3532 : vector<16xi32> to vector<1x16xi32>
      tpu.vector_store %arg6[%swap3A_3538, %swap3A_3539], %swap3A_3542 {strides = array<i32>} : memref<32x512xi32, #tpu.memory_space<vmem>>, vector<1x16xi32>,
      %add3A_3543 = arith.constant 640 : i32
      %add3A_3544 = vector.broadcast %add3A_3543 : i32 to vector<16xi32>
      %add3A_3545 = arith.addi %add3A_3477, %add3A_3544 : vector<16xi32>
      %mul3A_3546 = arith.constant 128 : i32
      %mul3A_3547 = arith.muli %scan3A_25, %mul3A_3546 : i32
      %add3A_3548 = arith.constant 112 : i32
      %add3A_3549 = arith.addi %mul3A_3547, %add3A_3548 : i32
      %swap3A_3550 = arith.constant 21 : i32
      %swap3A_3551 = arith.index_cast %swap3A_3550 : i32 to index
      %swap3A_3552 = arith.index_cast %add3A_3549 : i32 to index
      %swap3A_3553 = tpu.vector_load %arg6[%swap3A_3551, %swap3A_3552] {strides = array<i32>} : memref<32x512xi32, #tpu.memory_space<vmem>>, vector<1x16xi32>,
      %swap3A_3554 = vector.shape_cast %swap3A_3553 : vector<1x16xi32> to vector<16xi32>
      %swap3A_3555 = vector.shape_cast %add3A_3545 : vector<16xi32> to vector<1x16xi32>
      tpu.vector_store %arg6[%swap3A_3551, %swap3A_3552], %swap3A_3555 {strides = array<i32>} : memref<32x512xi32, #tpu.memory_space<vmem>>, vector<1x16xi32>,
      %add3A_3556 = arith.constant 768 : i32
      %add3A_3557 = vector.broadcast %add3A_3556 : i32 to vector<16xi32>
      %add3A_3558 = arith.addi %add3A_3477, %add3A_3557 : vector<16xi32>
      %mul3A_3559 = arith.constant 128 : i32
      %mul3A_3560 = arith.muli %scan3A_25, %mul3A_3559 : i32
      %add3A_3561 = arith.constant 112 : i32
      %add3A_3562 = arith.addi %mul3A_3560, %add3A_3561 : i32
      %swap3A_3563 = arith.constant 22 : i32
      %swap3A_3564 = arith.index_cast %swap3A_3563 : i32 to index
      %swap3A_3565 = arith.index_cast %add3A_3562 : i32 to index
      %swap3A_3566 = tpu.vector_load %arg6[%swap3A_3564, %swap3A_3565] {strides = array<i32>} : memref<32x512xi32, #tpu.memory_space<vmem>>, vector<1x16xi32>,
      %swap3A_3567 = vector.shape_cast %swap3A_3566 : vector<1x16xi32> to vector<16xi32>
      %swap3A_3568 = vector.shape_cast %add3A_3558 : vector<16xi32> to vector<1x16xi32>
      tpu.vector_store %arg6[%swap3A_3564, %swap3A_3565], %swap3A_3568 {strides = array<i32>} : memref<32x512xi32, #tpu.memory_space<vmem>>, vector<1x16xi32>,
      %add3A_3569 = arith.constant 896 : i32
      %add3A_3570 = vector.broadcast %add3A_3569 : i32 to vector<16xi32>
      %add3A_3571 = arith.addi %add3A_3477, %add3A_3570 : vector<16xi32>
      %mul3A_3572 = arith.constant 128 : i32
      %mul3A_3573 = arith.muli %scan3A_25, %mul3A_3572 : i32
      %add3A_3574 = arith.constant 112 : i32
      %add3A_3575 = arith.addi %mul3A_3573, %add3A_3574 : i32
      %swap3A_3576 = arith.constant 23 : i32
      %swap3A_3577 = arith.index_cast %swap3A_3576 : i32 to index
      %swap3A_3578 = arith.index_cast %add3A_3575 : i32 to index
      %swap3A_3579 = tpu.vector_load %arg6[%swap3A_3577, %swap3A_3578] {strides = array<i32>} : memref<32x512xi32, #tpu.memory_space<vmem>>, vector<1x16xi32>,
      %swap3A_3580 = vector.shape_cast %swap3A_3579 : vector<1x16xi32> to vector<16xi32>
      %swap3A_3581 = vector.shape_cast %add3A_3571 : vector<16xi32> to vector<1x16xi32>
      tpu.vector_store %arg6[%swap3A_3577, %swap3A_3578], %swap3A_3581 {strides = array<i32>} : memref<32x512xi32, #tpu.memory_space<vmem>>, vector<1x16xi32>,
      %add3A_3582 = arith.constant 16000000 : i32
      %add3A_3583 = vector.broadcast %add3A_3582 : i32 to vector<16xi32>
      %add3A_3584 = arith.addi %add3A_3477, %add3A_3583 : vector<16xi32>
      %mul3A_3585 = arith.constant 128 : i32
      %mul3A_3586 = arith.muli %scan3A_25, %mul3A_3585 : i32
      %add3A_3587 = arith.constant 112 : i32
      %add3A_3588 = arith.addi %mul3A_3586, %add3A_3587 : i32
      %swap3A_3589 = arith.constant 24 : i32
      %swap3A_3590 = arith.index_cast %swap3A_3589 : i32 to index
      %swap3A_3591 = arith.index_cast %add3A_3588 : i32 to index
      %swap3A_3592 = tpu.vector_load %arg6[%swap3A_3590, %swap3A_3591] {strides = array<i32>} : memref<32x512xi32, #tpu.memory_space<vmem>>, vector<1x16xi32>,
      %swap3A_3593 = vector.shape_cast %swap3A_3592 : vector<1x16xi32> to vector<16xi32>
      %swap3A_3594 = vector.shape_cast %add3A_3584 : vector<16xi32> to vector<1x16xi32>
      tpu.vector_store %arg6[%swap3A_3590, %swap3A_3591], %swap3A_3594 {strides = array<i32>} : memref<32x512xi32, #tpu.memory_space<vmem>>, vector<1x16xi32>,
      %add3A_3595 = arith.constant 16000128 : i32
      %add3A_3596 = vector.broadcast %add3A_3595 : i32 to vector<16xi32>
      %add3A_3597 = arith.addi %add3A_3477, %add3A_3596 : vector<16xi32>
      %mul3A_3598 = arith.constant 128 : i32
      %mul3A_3599 = arith.muli %scan3A_25, %mul3A_3598 : i32
      %add3A_3600 = arith.constant 112 : i32
      %add3A_3601 = arith.addi %mul3A_3599, %add3A_3600 : i32
      %swap3A_3602 = arith.constant 25 : i32
      %swap3A_3603 = arith.index_cast %swap3A_3602 : i32 to index
      %swap3A_3604 = arith.index_cast %add3A_3601 : i32 to index
      %swap3A_3605 = tpu.vector_load %arg6[%swap3A_3603, %swap3A_3604] {strides = array<i32>} : memref<32x512xi32, #tpu.memory_space<vmem>>, vector<1x16xi32>,
      %swap3A_3606 = vector.shape_cast %swap3A_3605 : vector<1x16xi32> to vector<16xi32>
      %swap3A_3607 = vector.shape_cast %add3A_3597 : vector<16xi32> to vector<1x16xi32>
      tpu.vector_store %arg6[%swap3A_3603, %swap3A_3604], %swap3A_3607 {strides = array<i32>} : memref<32x512xi32, #tpu.memory_space<vmem>>, vector<1x16xi32>,
      %add3A_3608 = arith.constant 16000256 : i32
      %add3A_3609 = vector.broadcast %add3A_3608 : i32 to vector<16xi32>
      %add3A_3610 = arith.addi %add3A_3477, %add3A_3609 : vector<16xi32>
      %mul3A_3611 = arith.constant 128 : i32
      %mul3A_3612 = arith.muli %scan3A_25, %mul3A_3611 : i32
      %add3A_3613 = arith.constant 112 : i32
      %add3A_3614 = arith.addi %mul3A_3612, %add3A_3613 : i32
      %swap3A_3615 = arith.constant 26 : i32
      %swap3A_3616 = arith.index_cast %swap3A_3615 : i32 to index
      %swap3A_3617 = arith.index_cast %add3A_3614 : i32 to index
      %swap3A_3618 = tpu.vector_load %arg6[%swap3A_3616, %swap3A_3617] {strides = array<i32>} : memref<32x512xi32, #tpu.memory_space<vmem>>, vector<1x16xi32>,
      %swap3A_3619 = vector.shape_cast %swap3A_3618 : vector<1x16xi32> to vector<16xi32>
      %swap3A_3620 = vector.shape_cast %add3A_3610 : vector<16xi32> to vector<1x16xi32>
      tpu.vector_store %arg6[%swap3A_3616, %swap3A_3617], %swap3A_3620 {strides = array<i32>} : memref<32x512xi32, #tpu.memory_space<vmem>>, vector<1x16xi32>,
      %add3A_3621 = arith.constant 16000384 : i32
      %add3A_3622 = vector.broadcast %add3A_3621 : i32 to vector<16xi32>
      %add3A_3623 = arith.addi %add3A_3477, %add3A_3622 : vector<16xi32>
      %mul3A_3624 = arith.constant 128 : i32
      %mul3A_3625 = arith.muli %scan3A_25, %mul3A_3624 : i32
      %add3A_3626 = arith.constant 112 : i32
      %add3A_3627 = arith.addi %mul3A_3625, %add3A_3626 : i32
      %swap3A_3628 = arith.constant 27 : i32
      %swap3A_3629 = arith.index_cast %swap3A_3628 : i32 to index
      %swap3A_3630 = arith.index_cast %add3A_3627 : i32 to index
      %swap3A_3631 = tpu.vector_load %arg6[%swap3A_3629, %swap3A_3630] {strides = array<i32>} : memref<32x512xi32, #tpu.memory_space<vmem>>, vector<1x16xi32>,
      %swap3A_3632 = vector.shape_cast %swap3A_3631 : vector<1x16xi32> to vector<16xi32>
      %swap3A_3633 = vector.shape_cast %add3A_3623 : vector<16xi32> to vector<1x16xi32>
      tpu.vector_store %arg6[%swap3A_3629, %swap3A_3630], %swap3A_3633 {strides = array<i32>} : memref<32x512xi32, #tpu.memory_space<vmem>>, vector<1x16xi32>,
      %add3A_3634 = arith.constant 16000512 : i32
      %add3A_3635 = vector.broadcast %add3A_3634 : i32 to vector<16xi32>
      %add3A_3636 = arith.addi %add3A_3477, %add3A_3635 : vector<16xi32>
      %mul3A_3637 = arith.constant 128 : i32
      %mul3A_3638 = arith.muli %scan3A_25, %mul3A_3637 : i32
      %add3A_3639 = arith.constant 112 : i32
      %add3A_3640 = arith.addi %mul3A_3638, %add3A_3639 : i32
      %swap3A_3641 = arith.constant 28 : i32
      %swap3A_3642 = arith.index_cast %swap3A_3641 : i32 to index
      %swap3A_3643 = arith.index_cast %add3A_3640 : i32 to index
      %swap3A_3644 = tpu.vector_load %arg6[%swap3A_3642, %swap3A_3643] {strides = array<i32>} : memref<32x512xi32, #tpu.memory_space<vmem>>, vector<1x16xi32>,
      %swap3A_3645 = vector.shape_cast %swap3A_3644 : vector<1x16xi32> to vector<16xi32>
      %swap3A_3646 = vector.shape_cast %add3A_3636 : vector<16xi32> to vector<1x16xi32>
      tpu.vector_store %arg6[%swap3A_3642, %swap3A_3643], %swap3A_3646 {strides = array<i32>} : memref<32x512xi32, #tpu.memory_space<vmem>>, vector<1x16xi32>,
      %add3A_3647 = arith.constant 16000640 : i32
      %add3A_3648 = vector.broadcast %add3A_3647 : i32 to vector<16xi32>
      %add3A_3649 = arith.addi %add3A_3477, %add3A_3648 : vector<16xi32>
      %mul3A_3650 = arith.constant 128 : i32
      %mul3A_3651 = arith.muli %scan3A_25, %mul3A_3650 : i32
      %add3A_3652 = arith.constant 112 : i32
      %add3A_3653 = arith.addi %mul3A_3651, %add3A_3652 : i32
      %swap3A_3654 = arith.constant 29 : i32
      %swap3A_3655 = arith.index_cast %swap3A_3654 : i32 to index
      %swap3A_3656 = arith.index_cast %add3A_3653 : i32 to index
      %swap3A_3657 = tpu.vector_load %arg6[%swap3A_3655, %swap3A_3656] {strides = array<i32>} : memref<32x512xi32, #tpu.memory_space<vmem>>, vector<1x16xi32>,
      %swap3A_3658 = vector.shape_cast %swap3A_3657 : vector<1x16xi32> to vector<16xi32>
      %swap3A_3659 = vector.shape_cast %add3A_3649 : vector<16xi32> to vector<1x16xi32>
      tpu.vector_store %arg6[%swap3A_3655, %swap3A_3656], %swap3A_3659 {strides = array<i32>} : memref<32x512xi32, #tpu.memory_space<vmem>>, vector<1x16xi32>,
      %add3A_3660 = arith.constant 16000768 : i32
      %add3A_3661 = vector.broadcast %add3A_3660 : i32 to vector<16xi32>
      %add3A_3662 = arith.addi %add3A_3477, %add3A_3661 : vector<16xi32>
      %mul3A_3663 = arith.constant 128 : i32
      %mul3A_3664 = arith.muli %scan3A_25, %mul3A_3663 : i32
      %add3A_3665 = arith.constant 112 : i32
      %add3A_3666 = arith.addi %mul3A_3664, %add3A_3665 : i32
      %swap3A_3667 = arith.constant 30 : i32
      %swap3A_3668 = arith.index_cast %swap3A_3667 : i32 to index
      %swap3A_3669 = arith.index_cast %add3A_3666 : i32 to index
      %swap3A_3670 = tpu.vector_load %arg6[%swap3A_3668, %swap3A_3669] {strides = array<i32>} : memref<32x512xi32, #tpu.memory_space<vmem>>, vector<1x16xi32>,
      %swap3A_3671 = vector.shape_cast %swap3A_3670 : vector<1x16xi32> to vector<16xi32>
      %swap3A_3672 = vector.shape_cast %add3A_3662 : vector<16xi32> to vector<1x16xi32>
      tpu.vector_store %arg6[%swap3A_3668, %swap3A_3669], %swap3A_3672 {strides = array<i32>} : memref<32x512xi32, #tpu.memory_space<vmem>>, vector<1x16xi32>,
      %add3A_3673 = arith.constant 16000896 : i32
      %add3A_3674 = vector.broadcast %add3A_3673 : i32 to vector<16xi32>
      %add3A_3675 = arith.addi %add3A_3477, %add3A_3674 : vector<16xi32>
      %mul3A_3676 = arith.constant 128 : i32
      %mul3A_3677 = arith.muli %scan3A_25, %mul3A_3676 : i32
      %add3A_3678 = arith.constant 112 : i32
      %add3A_3679 = arith.addi %mul3A_3677, %add3A_3678 : i32
      %swap3A_3680 = arith.constant 31 : i32
      %swap3A_3681 = arith.index_cast %swap3A_3680 : i32 to index
      %swap3A_3682 = arith.index_cast %add3A_3679 : i32 to index
      %swap3A_3683 = tpu.vector_load %arg6[%swap3A_3681, %swap3A_3682] {strides = array<i32>} : memref<32x512xi32, #tpu.memory_space<vmem>>, vector<1x16xi32>,
      %swap3A_3684 = vector.shape_cast %swap3A_3683 : vector<1x16xi32> to vector<16xi32>
      %swap3A_3685 = vector.shape_cast %add3A_3675 : vector<16xi32> to vector<1x16xi32>
      tpu.vector_store %arg6[%swap3A_3681, %swap3A_3682], %swap3A_3685 {strides = array<i32>} : memref<32x512xi32, #tpu.memory_space<vmem>>, vector<1x16xi32>,
    }
    %scan3A_9 = arith.constant 4 : i32
    %scan3A_10 = arith.constant 0 : i32
    %scan3A_11 = arith.constant 0 : i32
    %scan3A_12 = arith.constant 32 : i32
    %scan3A_13 = arith.addi %scan3A_11, %scan3A_12 : i32
    %scan3A_14 = arith.constant 1 : i32
    scf.for %scan3A_25 = %scan3A_11 to %scan3A_13 step %scan3A_14  : i32 {
      %jit3A = arith.constant 8 : i32
      %div3A = arith.divsi %scan3A_25, %jit3A : i32
      %sign3A = arith.constant 0 : i32
      %sign3A_26 = arith.cmpi sgt, %scan3A_25, %sign3A : i32
      %sign3A_27 = arith.extui %sign3A_26 : i1 to i32
      %sign3A_28 = arith.constant 0 : i32
      %sign3A_29 = arith.cmpi slt, %scan3A_25, %sign3A_28 : i32
      %sign3A_30 = arith.extui %sign3A_29 : i1 to i32
      %sign3A_31 = arith.subi %sign3A_27, %sign3A_30 : i32
      %sign3A_32 = arith.constant 0 : i32
      %sign3A_33 = arith.cmpi sgt, %jit3A, %sign3A_32 : i32
      %sign3A_34 = arith.extui %sign3A_33 : i1 to i32
      %sign3A_35 = arith.constant 0 : i32
      %sign3A_36 = arith.cmpi slt, %jit3A, %sign3A_35 : i32
      %sign3A_37 = arith.extui %sign3A_36 : i1 to i32
      %sign3A_38 = arith.subi %sign3A_34, %sign3A_37 : i32
      %ne3A = arith.cmpi ne, %sign3A_31, %sign3A_38 : i32
      %rem3A = arith.remsi %scan3A_25, %jit3A : i32
      %ne3A_39 = arith.constant 0 : i32
      %ne3A_40 = arith.cmpi ne, %rem3A, %ne3A_39 : i32
      %and3A = arith.andi %ne3A, %ne3A_40 : i1
      %sub3A = arith.constant 1 : i32
      %sub3A_41 = arith.subi %div3A, %sub3A : i32
      %select_n3A = arith.select %and3A, %sub3A_41, %div3A : i32
      %jit3A_42 = arith.constant 8 : i32
      %eq3A = arith.constant 0 : i32
      %eq3A_43 = arith.cmpi eq, %jit3A_42, %eq3A : i32
      %jit3A_44 = arith.constant 1 : i32
      %select_n3A_45 = arith.select %eq3A_43, %jit3A_44, %jit3A_42 : i32
      %rem3A_46 = arith.remsi %scan3A_25, %select_n3A_45 : i32
      %ne3A_47 = arith.constant 0 : i32
      %ne3A_48 = arith.cmpi ne, %rem3A_46, %ne3A_47 : i32
      %lt3A = arith.constant 0 : i32
      %lt3A_49 = arith.cmpi slt, %rem3A_46, %lt3A : i32
      %lt3A_50 = arith.constant 0 : i32
      %lt3A_51 = arith.cmpi slt, %select_n3A_45, %lt3A_50 : i32
      %ne3A_52 = arith.xori %lt3A_49, %lt3A_51 : i1
      %and3A_53 = arith.andi %ne3A_52, %ne3A_48 : i1
      %add3A_54 = arith.addi %rem3A_46, %select_n3A_45 : i32
      %select_n3A_55 = arith.select %and3A_53, %add3A_54, %rem3A_46 : i32
      %dma_start3A = arith.constant 0 : i32
      %dma_start3A_56 = arith.constant 0 : i32
      %dma_start3A_57 = tpu.memref_slice %arg7[%select_n3A, %dma_start3A, %select_n3A_55, %dma_start3A_56] : memref<4x4x8x128xf32, #tpu.memory_space<vmem>> -> memref<1x1x1x128xf32, #tpu.memory_space<vmem>>
      %dma_start3A_58 = tpu.memref_squeeze %dma_start3A_57 : memref<1x1x1x128xf32, #tpu.memory_space<vmem>> -> memref<128xf32, #tpu.memory_space<vmem>>
      %dma_start3A_59 = arith.constant 0 : i32
      %dma_start3A_60 = tpu.memref_slice %arg6[%scan3A_25, %dma_start3A_59] : memref<32x512xi32, #tpu.memory_space<vmem>> -> memref<1x128xi32, #tpu.memory_space<vmem>>
      %dma_start3A_61 = tpu.memref_squeeze %dma_start3A_60 : memref<1x128xi32, #tpu.memory_space<vmem>> -> memref<128xi32, #tpu.memory_space<vmem>>
      %dma_start3A_62 = arith.constant 0 : i32
      %dma_start3A_63 = tpu.memref_slice %arg2[%dma_start3A_62] : memref<32000000xf32, #tpu.memory_space<hbm>> -> memref<32000000xf32, #tpu.memory_space<hbm>>
      tpu.enqueue_indirect_dma source(%dma_start3A_63 : memref<32000000xf32, #tpu.memory_space<hbm>>) target(%dma_start3A_58 : memref<128xf32, #tpu.memory_space<vmem>>) offsets(%dma_start3A_61 : memref<128xi32, #tpu.memory_space<vmem>>) semaphore(%arg8 : memref<!tpu.dma_semaphore, #tpu.memory_space<semaphore_mem>>)
      %jit3A_64 = arith.constant 8 : i32
      %div3A_65 = arith.divsi %scan3A_25, %jit3A_64 : i32
      %sign3A_66 = arith.constant 0 : i32
      %sign3A_67 = arith.cmpi sgt, %scan3A_25, %sign3A_66 : i32
      %sign3A_68 = arith.extui %sign3A_67 : i1 to i32
      %sign3A_69 = arith.constant 0 : i32
      %sign3A_70 = arith.cmpi slt, %scan3A_25, %sign3A_69 : i32
      %sign3A_71 = arith.extui %sign3A_70 : i1 to i32
      %sign3A_72 = arith.subi %sign3A_68, %sign3A_71 : i32
      %sign3A_73 = arith.constant 0 : i32
      %sign3A_74 = arith.cmpi sgt, %jit3A_64, %sign3A_73 : i32
      %sign3A_75 = arith.extui %sign3A_74 : i1 to i32
      %sign3A_76 = arith.constant 0 : i32
      %sign3A_77 = arith.cmpi slt, %jit3A_64, %sign3A_76 : i32
      %sign3A_78 = arith.extui %sign3A_77 : i1 to i32
      %sign3A_79 = arith.subi %sign3A_75, %sign3A_78 : i32
      %ne3A_80 = arith.cmpi ne, %sign3A_72, %sign3A_79 : i32
      %rem3A_81 = arith.remsi %scan3A_25, %jit3A_64 : i32
      %ne3A_82 = arith.constant 0 : i32
      %ne3A_83 = arith.cmpi ne, %rem3A_81, %ne3A_82 : i32
      %and3A_84 = arith.andi %ne3A_80, %ne3A_83 : i1
      %sub3A_85 = arith.constant 1 : i32
      %sub3A_86 = arith.subi %div3A_65, %sub3A_85 : i32
      %select_n3A_87 = arith.select %and3A_84, %sub3A_86, %div3A_65 : i32
      %jit3A_88 = arith.constant 8 : i32
      %eq3A_89 = arith.constant 0 : i32
      %eq3A_90 = arith.cmpi eq, %jit3A_88, %eq3A_89 : i32
      %jit3A_91 = arith.constant 1 : i32
      %select_n3A_92 = arith.select %eq3A_90, %jit3A_91, %jit3A_88 : i32
      %rem3A_93 = arith.remsi %scan3A_25, %select_n3A_92 : i32
      %ne3A_94 = arith.constant 0 : i32
      %ne3A_95 = arith.cmpi ne, %rem3A_93, %ne3A_94 : i32
      %lt3A_96 = arith.constant 0 : i32
      %lt3A_97 = arith.cmpi slt, %rem3A_93, %lt3A_96 : i32
      %lt3A_98 = arith.constant 0 : i32
      %lt3A_99 = arith.cmpi slt, %select_n3A_92, %lt3A_98 : i32
      %ne3A_100 = arith.xori %lt3A_97, %lt3A_99 : i1
      %and3A_101 = arith.andi %ne3A_100, %ne3A_95 : i1
      %add3A_102 = arith.addi %rem3A_93, %select_n3A_92 : i32
      %select_n3A_103 = arith.select %and3A_101, %add3A_102, %rem3A_93 : i32
      %dma_start3A_104 = arith.constant 1 : i32
      %dma_start3A_105 = arith.constant 0 : i32
      %dma_start3A_106 = tpu.memref_slice %arg7[%select_n3A_87, %dma_start3A_104, %select_n3A_103, %dma_start3A_105] : memref<4x4x8x128xf32, #tpu.memory_space<vmem>> -> memref<1x1x1x128xf32, #tpu.memory_space<vmem>>
      %dma_start3A_107 = tpu.memref_squeeze %dma_start3A_106 : memref<1x1x1x128xf32, #tpu.memory_space<vmem>> -> memref<128xf32, #tpu.memory_space<vmem>>
      %dma_start3A_108 = arith.constant 128 : i32
      %dma_start3A_109 = tpu.memref_slice %arg6[%scan3A_25, %dma_start3A_108] : memref<32x512xi32, #tpu.memory_space<vmem>> -> memref<1x128xi32, #tpu.memory_space<vmem>>
      %dma_start3A_110 = tpu.memref_squeeze %dma_start3A_109 : memref<1x128xi32, #tpu.memory_space<vmem>> -> memref<128xi32, #tpu.memory_space<vmem>>
      %dma_start3A_111 = arith.constant 0 : i32
      %dma_start3A_112 = tpu.memref_slice %arg2[%dma_start3A_111] : memref<32000000xf32, #tpu.memory_space<hbm>> -> memref<32000000xf32, #tpu.memory_space<hbm>>
      tpu.enqueue_indirect_dma source(%dma_start3A_112 : memref<32000000xf32, #tpu.memory_space<hbm>>) target(%dma_start3A_107 : memref<128xf32, #tpu.memory_space<vmem>>) offsets(%dma_start3A_110 : memref<128xi32, #tpu.memory_space<vmem>>) semaphore(%arg8 : memref<!tpu.dma_semaphore, #tpu.memory_space<semaphore_mem>>)
      %jit3A_113 = arith.constant 8 : i32
      %div3A_114 = arith.divsi %scan3A_25, %jit3A_113 : i32
      %sign3A_115 = arith.constant 0 : i32
      %sign3A_116 = arith.cmpi sgt, %scan3A_25, %sign3A_115 : i32
      %sign3A_117 = arith.extui %sign3A_116 : i1 to i32
      %sign3A_118 = arith.constant 0 : i32
      %sign3A_119 = arith.cmpi slt, %scan3A_25, %sign3A_118 : i32
      %sign3A_120 = arith.extui %sign3A_119 : i1 to i32
      %sign3A_121 = arith.subi %sign3A_117, %sign3A_120 : i32
      %sign3A_122 = arith.constant 0 : i32
      %sign3A_123 = arith.cmpi sgt, %jit3A_113, %sign3A_122 : i32
      %sign3A_124 = arith.extui %sign3A_123 : i1 to i32
      %sign3A_125 = arith.constant 0 : i32
      %sign3A_126 = arith.cmpi slt, %jit3A_113, %sign3A_125 : i32
      %sign3A_127 = arith.extui %sign3A_126 : i1 to i32
      %sign3A_128 = arith.subi %sign3A_124, %sign3A_127 : i32
      %ne3A_129 = arith.cmpi ne, %sign3A_121, %sign3A_128 : i32
      %rem3A_130 = arith.remsi %scan3A_25, %jit3A_113 : i32
      %ne3A_131 = arith.constant 0 : i32
      %ne3A_132 = arith.cmpi ne, %rem3A_130, %ne3A_131 : i32
      %and3A_133 = arith.andi %ne3A_129, %ne3A_132 : i1
      %sub3A_134 = arith.constant 1 : i32
      %sub3A_135 = arith.subi %div3A_114, %sub3A_134 : i32
      %select_n3A_136 = arith.select %and3A_133, %sub3A_135, %div3A_114 : i32
      %jit3A_137 = arith.constant 8 : i32
      %eq3A_138 = arith.constant 0 : i32
      %eq3A_139 = arith.cmpi eq, %jit3A_137, %eq3A_138 : i32
      %jit3A_140 = arith.constant 1 : i32
      %select_n3A_141 = arith.select %eq3A_139, %jit3A_140, %jit3A_137 : i32
      %rem3A_142 = arith.remsi %scan3A_25, %select_n3A_141 : i32
      %ne3A_143 = arith.constant 0 : i32
      %ne3A_144 = arith.cmpi ne, %rem3A_142, %ne3A_143 : i32
      %lt3A_145 = arith.constant 0 : i32
      %lt3A_146 = arith.cmpi slt, %rem3A_142, %lt3A_145 : i32
      %lt3A_147 = arith.constant 0 : i32
      %lt3A_148 = arith.cmpi slt, %select_n3A_141, %lt3A_147 : i32
      %ne3A_149 = arith.xori %lt3A_146, %lt3A_148 : i1
      %and3A_150 = arith.andi %ne3A_149, %ne3A_144 : i1
      %add3A_151 = arith.addi %rem3A_142, %select_n3A_141 : i32
      %select_n3A_152 = arith.select %and3A_150, %add3A_151, %rem3A_142 : i32
      %dma_start3A_153 = arith.constant 2 : i32
      %dma_start3A_154 = arith.constant 0 : i32
      %dma_start3A_155 = tpu.memref_slice %arg7[%select_n3A_136, %dma_start3A_153, %select_n3A_152, %dma_start3A_154] : memref<4x4x8x128xf32, #tpu.memory_space<vmem>> -> memref<1x1x1x128xf32, #tpu.memory_space<vmem>>
      %dma_start3A_156 = tpu.memref_squeeze %dma_start3A_155 : memref<1x1x1x128xf32, #tpu.memory_space<vmem>> -> memref<128xf32, #tpu.memory_space<vmem>>
      %dma_start3A_157 = arith.constant 256 : i32
      %dma_start3A_158 = tpu.memref_slice %arg6[%scan3A_25, %dma_start3A_157] : memref<32x512xi32, #tpu.memory_space<vmem>> -> memref<1x128xi32, #tpu.memory_space<vmem>>
      %dma_start3A_159 = tpu.memref_squeeze %dma_start3A_158 : memref<1x128xi32, #tpu.memory_space<vmem>> -> memref<128xi32, #tpu.memory_space<vmem>>
      %dma_start3A_160 = arith.constant 0 : i32
      %dma_start3A_161 = tpu.memref_slice %arg2[%dma_start3A_160] : memref<32000000xf32, #tpu.memory_space<hbm>> -> memref<32000000xf32, #tpu.memory_space<hbm>>
      tpu.enqueue_indirect_dma source(%dma_start3A_161 : memref<32000000xf32, #tpu.memory_space<hbm>>) target(%dma_start3A_156 : memref<128xf32, #tpu.memory_space<vmem>>) offsets(%dma_start3A_159 : memref<128xi32, #tpu.memory_space<vmem>>) semaphore(%arg8 : memref<!tpu.dma_semaphore, #tpu.memory_space<semaphore_mem>>)
      %jit3A_162 = arith.constant 8 : i32
      %div3A_163 = arith.divsi %scan3A_25, %jit3A_162 : i32
      %sign3A_164 = arith.constant 0 : i32
      %sign3A_165 = arith.cmpi sgt, %scan3A_25, %sign3A_164 : i32
      %sign3A_166 = arith.extui %sign3A_165 : i1 to i32
      %sign3A_167 = arith.constant 0 : i32
      %sign3A_168 = arith.cmpi slt, %scan3A_25, %sign3A_167 : i32
      %sign3A_169 = arith.extui %sign3A_168 : i1 to i32
      %sign3A_170 = arith.subi %sign3A_166, %sign3A_169 : i32
      %sign3A_171 = arith.constant 0 : i32
      %sign3A_172 = arith.cmpi sgt, %jit3A_162, %sign3A_171 : i32
      %sign3A_173 = arith.extui %sign3A_172 : i1 to i32
      %sign3A_174 = arith.constant 0 : i32
      %sign3A_175 = arith.cmpi slt, %jit3A_162, %sign3A_174 : i32
      %sign3A_176 = arith.extui %sign3A_175 : i1 to i32
      %sign3A_177 = arith.subi %sign3A_173, %sign3A_176 : i32
      %ne3A_178 = arith.cmpi ne, %sign3A_170, %sign3A_177 : i32
      %rem3A_179 = arith.remsi %scan3A_25, %jit3A_162 : i32
      %ne3A_180 = arith.constant 0 : i32
      %ne3A_181 = arith.cmpi ne, %rem3A_179, %ne3A_180 : i32
      %and3A_182 = arith.andi %ne3A_178, %ne3A_181 : i1
      %sub3A_183 = arith.constant 1 : i32
      %sub3A_184 = arith.subi %div3A_163, %sub3A_183 : i32
      %select_n3A_185 = arith.select %and3A_182, %sub3A_184, %div3A_163 : i32
      %jit3A_186 = arith.constant 8 : i32
      %eq3A_187 = arith.constant 0 : i32
      %eq3A_188 = arith.cmpi eq, %jit3A_186, %eq3A_187 : i32
      %jit3A_189 = arith.constant 1 : i32
      %select_n3A_190 = arith.select %eq3A_188, %jit3A_189, %jit3A_186 : i32
      %rem3A_191 = arith.remsi %scan3A_25, %select_n3A_190 : i32
      %ne3A_192 = arith.constant 0 : i32
      %ne3A_193 = arith.cmpi ne, %rem3A_191, %ne3A_192 : i32
      %lt3A_194 = arith.constant 0 : i32
      %lt3A_195 = arith.cmpi slt, %rem3A_191, %lt3A_194 : i32
      %lt3A_196 = arith.constant 0 : i32
      %lt3A_197 = arith.cmpi slt, %select_n3A_190, %lt3A_196 : i32
      %ne3A_198 = arith.xori %lt3A_195, %lt3A_197 : i1
      %and3A_199 = arith.andi %ne3A_198, %ne3A_193 : i1
      %add3A_200 = arith.addi %rem3A_191, %select_n3A_190 : i32
      %select_n3A_201 = arith.select %and3A_199, %add3A_200, %rem3A_191 : i32
      %dma_start3A_202 = arith.constant 3 : i32
      %dma_start3A_203 = arith.constant 0 : i32
      %dma_start3A_204 = tpu.memref_slice %arg7[%select_n3A_185, %dma_start3A_202, %select_n3A_201, %dma_start3A_203] : memref<4x4x8x128xf32, #tpu.memory_space<vmem>> -> memref<1x1x1x128xf32, #tpu.memory_space<vmem>>
      %dma_start3A_205 = tpu.memref_squeeze %dma_start3A_204 : memref<1x1x1x128xf32, #tpu.memory_space<vmem>> -> memref<128xf32, #tpu.memory_space<vmem>>
      %dma_start3A_206 = arith.constant 384 : i32
      %dma_start3A_207 = tpu.memref_slice %arg6[%scan3A_25, %dma_start3A_206] : memref<32x512xi32, #tpu.memory_space<vmem>> -> memref<1x128xi32, #tpu.memory_space<vmem>>
      %dma_start3A_208 = tpu.memref_squeeze %dma_start3A_207 : memref<1x128xi32, #tpu.memory_space<vmem>> -> memref<128xi32, #tpu.memory_space<vmem>>
      %dma_start3A_209 = arith.constant 0 : i32
      %dma_start3A_210 = tpu.memref_slice %arg2[%dma_start3A_209] : memref<32000000xf32, #tpu.memory_space<hbm>> -> memref<32000000xf32, #tpu.memory_space<hbm>>
      tpu.enqueue_indirect_dma source(%dma_start3A_210 : memref<32000000xf32, #tpu.memory_space<hbm>>) target(%dma_start3A_205 : memref<128xf32, #tpu.memory_space<vmem>>) offsets(%dma_start3A_208 : memref<128xi32, #tpu.memory_space<vmem>>) semaphore(%arg8 : memref<!tpu.dma_semaphore, #tpu.memory_space<semaphore_mem>>)
    }
    %scan3A_15 = arith.constant 32 : i32
    %mul3A_16 = arith.constant 4 : i32
    %mul3A_17 = arith.muli %mul3A_16, %add3A : i32
    %dma_wait3A = arith.constant 0 : i32
    %dma_wait3A_18 = arith.constant 0 : i32
    %dma_wait3A_19 = arith.constant 0 : i32
    %dma_wait3A_20 = tpu.memref_slice %arg4[%dma_wait3A, %mul3A_17, %dma_wait3A_18, %dma_wait3A_19] : memref<4x128x8x128xf32, #tpu.memory_space<hbm>> -> memref<4x4x8x128xf32, #tpu.memory_space<hbm>>
    %dma_wait3A_21 = arith.constant 0 : i32
    %dma_wait3A_22 = arith.constant 0 : i32
    %dma_wait3A_23 = arith.constant 0 : i32
    %dma_wait3A_24 = tpu.memref_slice %arg4[%dma_wait3A_21, %mul3A_17, %dma_wait3A_22, %dma_wait3A_23] : memref<4x128x8x128xf32, #tpu.memory_space<hbm>> -> memref<4x4x8x128xf32, #tpu.memory_space<hbm>>
    tpu.wait_dma2 semaphore(%arg8 : memref<!tpu.dma_semaphore, #tpu.memory_space<semaphore_mem>>) src(%dma_wait3A_24 : memref<4x4x8x128xf32, #tpu.memory_space<hbm>>) dst(%arg7 : memref<4x4x8x128xf32, #tpu.memory_space<vmem>>)
    "tpu.region"() ({
      %run_scoped3A = tpu.sem_alloc : memref<!tpu.dma_semaphore, #tpu.memory_space<semaphore_mem>>
      %dma_start3A = arith.constant 0 : i32
      %dma_start3A_25 = arith.constant 0 : i32
      %dma_start3A_26 = arith.constant 0 : i32
      %dma_start3A_27 = tpu.memref_slice %arg4[%dma_start3A, %mul3A_17, %dma_start3A_25, %dma_start3A_26] : memref<4x128x8x128xf32, #tpu.memory_space<hbm>> -> memref<4x4x8x128xf32, #tpu.memory_space<hbm>>
      %dma_start3A_28 = arith.constant 0 : i32
      %dma_start3A_29 = arith.constant 0 : i32
      %dma_start3A_30 = arith.constant 0 : i32
      %dma_start3A_31 = tpu.memref_slice %arg4[%dma_start3A_28, %mul3A_17, %dma_start3A_29, %dma_start3A_30] : memref<4x128x8x128xf32, #tpu.memory_space<hbm>> -> memref<4x4x8x128xf32, #tpu.memory_space<hbm>>
      tpu.enqueue_dma source(%arg7 : memref<4x4x8x128xf32, #tpu.memory_space<vmem>>) target(%dma_start3A_31 : memref<4x4x8x128xf32, #tpu.memory_space<hbm>>) target_semaphore(%run_scoped3A : memref<!tpu.dma_semaphore, #tpu.memory_space<semaphore_mem>>)
      %dma_wait3A_32 = arith.constant 0 : i32
      %dma_wait3A_33 = arith.constant 0 : i32
      %dma_wait3A_34 = arith.constant 0 : i32
      %dma_wait3A_35 = tpu.memref_slice %arg4[%dma_wait3A_32, %mul3A_17, %dma_wait3A_33, %dma_wait3A_34] : memref<4x128x8x128xf32, #tpu.memory_space<hbm>> -> memref<4x4x8x128xf32, #tpu.memory_space<hbm>>
      %dma_wait3A_36 = arith.constant 0 : i32
      %dma_wait3A_37 = arith.constant 0 : i32
      %dma_wait3A_38 = arith.constant 0 : i32
      %dma_wait3A_39 = tpu.memref_slice %arg4[%dma_wait3A_36, %mul3A_17, %dma_wait3A_37, %dma_wait3A_38] : memref<4x128x8x128xf32, #tpu.memory_space<hbm>> -> memref<4x4x8x128xf32, #tpu.memory_space<hbm>>
      tpu.wait_dma2 semaphore(%run_scoped3A : memref<!tpu.dma_semaphore, #tpu.memory_space<semaphore_mem>>) src(%arg7 : memref<4x4x8x128xf32, #tpu.memory_space<vmem>>) dst(%dma_wait3A_39 : memref<4x4x8x128xf32, #tpu.memory_space<hbm>>)
      tpu.yield
    }) : () -> ()
    return
  }
}

module attributes {stable_mosaic.version = 14 : i64} {
  func.func @_mlp_body(%arg0: memref<32x16384xf32, #tpu.memory_space<vmem>>, %arg1: memref<64x32xf32, #tpu.memory_space<vmem>>, %arg2: memref<64xf32, #tpu.memory_space<vmem>>, %arg3: memref<64xf32, #tpu.memory_space<vmem>>, %arg4: memref<64xf32, #tpu.memory_space<vmem>>, %arg5: memref<32x64xf32, #tpu.memory_space<vmem>>, %arg6: memref<32xf32, #tpu.memory_space<vmem>>, %arg7: memref<32xf32, #tpu.memory_space<vmem>>, %arg8: memref<32xf32, #tpu.memory_space<vmem>>, %arg9: memref<16x32xf32, #tpu.memory_space<vmem>>, %arg10: memref<16xf32, #tpu.memory_space<vmem>>, %arg11: memref<16xf32, #tpu.memory_space<vmem>>, %arg12: memref<16xf32, #tpu.memory_space<vmem>>, %arg13: memref<32xf32, #tpu.memory_space<vmem>>, %arg14: memref<1xf32, #tpu.memory_space<vmem>>, %arg15: memref<16384xf32, #tpu.memory_space<vmem>>) attributes {dimension_semantics = [], scalar_prefetch = 0 : i64, scratch_operands = 0 : i64, tpu.core_type = #tpu.core_type<tc>} {
    %get3A = arith.constant 0 : index
    %get3A_0 = arith.constant 0 : index
    %get3A_1 = vector.load %arg0[%get3A, %get3A_0] : memref<32x16384xf32, #tpu.memory_space<vmem>>, vector<32x16384xf32>
    %get3A_2 = arith.constant 0 : index
    %get3A_3 = arith.constant 0 : index
    %get3A_4 = vector.load %arg1[%get3A_2, %get3A_3] : memref<64x32xf32, #tpu.memory_space<vmem>>, vector<64x32xf32>
    %dot_general3A = arith.constant dense<0.000000e+00> : vector<64x16384xf32>
    %dot_general3A_5 = tpu.matmul %get3A_4, %get3A_1, %dot_general3A {dimension_numbers = #tpu.dot_dimension_numbers<[1], [0], [0], [1], [0, 0, 1, 1], [], []>, transpose_lhs_hint = false} : vector<64x32xf32>, vector<32x16384xf32>, vector<64x16384xf32> -> vector<64x16384xf32>
    %get3A_6 = arith.constant 0 : index
    %get3A_7 = vector.load %arg2[%get3A_6] : memref<64xf32, #tpu.memory_space<vmem>>, vector<64xf32>
    %broadcast_in_dim3A = vector.shape_cast %get3A_7 : vector<64xf32> to vector<64x1xf32>
    %add3A = vector.broadcast %broadcast_in_dim3A : vector<64x1xf32> to vector<64x16384xf32>
    %add3A_8 = arith.addf %dot_general3A_5, %add3A : vector<64x16384xf32>
    %get3A_9 = arith.constant 0 : index
    %get3A_10 = vector.load %arg3[%get3A_9] : memref<64xf32, #tpu.memory_space<vmem>>, vector<64xf32>
    %get3A_11 = arith.constant 0 : index
    %get3A_12 = vector.load %arg4[%get3A_11] : memref<64xf32, #tpu.memory_space<vmem>>, vector<64xf32>
    %reduce_sum3A = arith.constant dense<0.000000e+00> : vector<64xf32>
    %reduce_sum3A_13 = vector.multi_reduction <add>, %add3A_8, %reduce_sum3A [1] : vector<64x16384xf32> to vector<64xf32>
    %broadcast_in_dim3A_14 = vector.shape_cast %reduce_sum3A_13 : vector<64xf32> to vector<64x1xf32>
    %div3A = arith.constant 1.638400e+04 : f32
    %div3A_15 = vector.broadcast %div3A : f32 to vector<64x1xf32>
    %div3A_16 = arith.divf %broadcast_in_dim3A_14, %div3A_15 : vector<64x1xf32>
    %sub3A = vector.broadcast %div3A_16 : vector<64x1xf32> to vector<64x16384xf32>
    %sub3A_17 = arith.subf %add3A_8, %sub3A : vector<64x16384xf32>
    %integer_pow3A = arith.mulf %sub3A_17, %sub3A_17 : vector<64x16384xf32>
    %reduce_sum3A_18 = arith.constant dense<0.000000e+00> : vector<64xf32>
    %reduce_sum3A_19 = vector.multi_reduction <add>, %integer_pow3A, %reduce_sum3A_18 [1] : vector<64x16384xf32> to vector<64xf32>
    %broadcast_in_dim3A_20 = vector.shape_cast %reduce_sum3A_19 : vector<64xf32> to vector<64x1xf32>
    %div3A_21 = arith.constant 1.638400e+04 : f32
    %div3A_22 = vector.broadcast %div3A_21 : f32 to vector<64x1xf32>
    %div3A_23 = arith.divf %broadcast_in_dim3A_20, %div3A_22 : vector<64x1xf32>
    %sub3A_24 = vector.broadcast %div3A_16 : vector<64x1xf32> to vector<64x16384xf32>
    %sub3A_25 = arith.subf %add3A_8, %sub3A_24 : vector<64x16384xf32>
    %add3A_26 = arith.constant 9.99999974E-6 : f32
    %add3A_27 = vector.broadcast %add3A_26 : f32 to vector<64x1xf32>
    %add3A_28 = arith.addf %div3A_23, %add3A_27 : vector<64x1xf32>
    %rsqrt3A = math.rsqrt %add3A_28 : vector<64x1xf32>
    %mul3A = vector.broadcast %rsqrt3A : vector<64x1xf32> to vector<64x16384xf32>
    %mul3A_29 = arith.mulf %sub3A_25, %mul3A : vector<64x16384xf32>
    %broadcast_in_dim3A_30 = vector.shape_cast %get3A_10 : vector<64xf32> to vector<64x1xf32>
    %mul3A_31 = vector.broadcast %broadcast_in_dim3A_30 : vector<64x1xf32> to vector<64x16384xf32>
    %mul3A_32 = arith.mulf %mul3A_29, %mul3A_31 : vector<64x16384xf32>
    %broadcast_in_dim3A_33 = vector.shape_cast %get3A_12 : vector<64xf32> to vector<64x1xf32>
    %add3A_34 = vector.broadcast %broadcast_in_dim3A_33 : vector<64x1xf32> to vector<64x16384xf32>
    %add3A_35 = arith.addf %mul3A_32, %add3A_34 : vector<64x16384xf32>
    %max3A = arith.constant 0.000000e+00 : f32
    %max3A_36 = vector.broadcast %max3A : f32 to vector<64x16384xf32>
    %max3A_37 = arith.maximumf %add3A_35, %max3A_36 : vector<64x16384xf32>
    %get3A_38 = arith.constant 0 : index
    %get3A_39 = arith.constant 0 : index
    %get3A_40 = vector.load %arg5[%get3A_38, %get3A_39] : memref<32x64xf32, #tpu.memory_space<vmem>>, vector<32x64xf32>
    %dot_general3A_41 = arith.constant dense<0.000000e+00> : vector<32x16384xf32>
    %dot_general3A_42 = tpu.matmul %get3A_40, %max3A_37, %dot_general3A_41 {dimension_numbers = #tpu.dot_dimension_numbers<[1], [0], [0], [1], [0, 0, 1, 1], [], []>, transpose_lhs_hint = false} : vector<32x64xf32>, vector<64x16384xf32>, vector<32x16384xf32> -> vector<32x16384xf32>
    %get3A_43 = arith.constant 0 : index
    %get3A_44 = vector.load %arg6[%get3A_43] : memref<32xf32, #tpu.memory_space<vmem>>, vector<32xf32>
    %broadcast_in_dim3A_45 = vector.shape_cast %get3A_44 : vector<32xf32> to vector<32x1xf32>
    %add3A_46 = vector.broadcast %broadcast_in_dim3A_45 : vector<32x1xf32> to vector<32x16384xf32>
    %add3A_47 = arith.addf %dot_general3A_42, %add3A_46 : vector<32x16384xf32>
    %get3A_48 = arith.constant 0 : index
    %get3A_49 = vector.load %arg7[%get3A_48] : memref<32xf32, #tpu.memory_space<vmem>>, vector<32xf32>
    %get3A_50 = arith.constant 0 : index
    %get3A_51 = vector.load %arg8[%get3A_50] : memref<32xf32, #tpu.memory_space<vmem>>, vector<32xf32>
    %reduce_sum3A_52 = arith.constant dense<0.000000e+00> : vector<32xf32>
    %reduce_sum3A_53 = vector.multi_reduction <add>, %add3A_47, %reduce_sum3A_52 [1] : vector<32x16384xf32> to vector<32xf32>
    %broadcast_in_dim3A_54 = vector.shape_cast %reduce_sum3A_53 : vector<32xf32> to vector<32x1xf32>
    %div3A_55 = arith.constant 1.638400e+04 : f32
    %div3A_56 = vector.broadcast %div3A_55 : f32 to vector<32x1xf32>
    %div3A_57 = arith.divf %broadcast_in_dim3A_54, %div3A_56 : vector<32x1xf32>
    %sub3A_58 = vector.broadcast %div3A_57 : vector<32x1xf32> to vector<32x16384xf32>
    %sub3A_59 = arith.subf %add3A_47, %sub3A_58 : vector<32x16384xf32>
    %integer_pow3A_60 = arith.mulf %sub3A_59, %sub3A_59 : vector<32x16384xf32>
    %reduce_sum3A_61 = arith.constant dense<0.000000e+00> : vector<32xf32>
    %reduce_sum3A_62 = vector.multi_reduction <add>, %integer_pow3A_60, %reduce_sum3A_61 [1] : vector<32x16384xf32> to vector<32xf32>
    %broadcast_in_dim3A_63 = vector.shape_cast %reduce_sum3A_62 : vector<32xf32> to vector<32x1xf32>
    %div3A_64 = arith.constant 1.638400e+04 : f32
    %div3A_65 = vector.broadcast %div3A_64 : f32 to vector<32x1xf32>
    %div3A_66 = arith.divf %broadcast_in_dim3A_63, %div3A_65 : vector<32x1xf32>
    %sub3A_67 = vector.broadcast %div3A_57 : vector<32x1xf32> to vector<32x16384xf32>
    %sub3A_68 = arith.subf %add3A_47, %sub3A_67 : vector<32x16384xf32>
    %add3A_69 = arith.constant 9.99999974E-6 : f32
    %add3A_70 = vector.broadcast %add3A_69 : f32 to vector<32x1xf32>
    %add3A_71 = arith.addf %div3A_66, %add3A_70 : vector<32x1xf32>
    %rsqrt3A_72 = math.rsqrt %add3A_71 : vector<32x1xf32>
    %mul3A_73 = vector.broadcast %rsqrt3A_72 : vector<32x1xf32> to vector<32x16384xf32>
    %mul3A_74 = arith.mulf %sub3A_68, %mul3A_73 : vector<32x16384xf32>
    %broadcast_in_dim3A_75 = vector.shape_cast %get3A_49 : vector<32xf32> to vector<32x1xf32>
    %mul3A_76 = vector.broadcast %broadcast_in_dim3A_75 : vector<32x1xf32> to vector<32x16384xf32>
    %mul3A_77 = arith.mulf %mul3A_74, %mul3A_76 : vector<32x16384xf32>
    %broadcast_in_dim3A_78 = vector.shape_cast %get3A_51 : vector<32xf32> to vector<32x1xf32>
    %add3A_79 = vector.broadcast %broadcast_in_dim3A_78 : vector<32x1xf32> to vector<32x16384xf32>
    %add3A_80 = arith.addf %mul3A_77, %add3A_79 : vector<32x16384xf32>
    %max3A_81 = arith.constant 0.000000e+00 : f32
    %max3A_82 = vector.broadcast %max3A_81 : f32 to vector<32x16384xf32>
    %max3A_83 = arith.maximumf %add3A_80, %max3A_82 : vector<32x16384xf32>
    %get3A_84 = arith.constant 0 : index
    %get3A_85 = arith.constant 0 : index
    %get3A_86 = vector.load %arg9[%get3A_84, %get3A_85] : memref<16x32xf32, #tpu.memory_space<vmem>>, vector<16x32xf32>
    %dot_general3A_87 = arith.constant dense<0.000000e+00> : vector<16x16384xf32>
    %dot_general3A_88 = tpu.matmul %get3A_86, %max3A_83, %dot_general3A_87 {dimension_numbers = #tpu.dot_dimension_numbers<[1], [0], [0], [1], [0, 0, 1, 1], [], []>, transpose_lhs_hint = false} : vector<16x32xf32>, vector<32x16384xf32>, vector<16x16384xf32> -> vector<16x16384xf32>
    %get3A_89 = arith.constant 0 : index
    %get3A_90 = vector.load %arg10[%get3A_89] : memref<16xf32, #tpu.memory_space<vmem>>, vector<16xf32>
    %broadcast_in_dim3A_91 = vector.shape_cast %get3A_90 : vector<16xf32> to vector<16x1xf32>
    %add3A_92 = vector.broadcast %broadcast_in_dim3A_91 : vector<16x1xf32> to vector<16x16384xf32>
    %add3A_93 = arith.addf %dot_general3A_88, %add3A_92 : vector<16x16384xf32>
    %get3A_94 = arith.constant 0 : index
    %get3A_95 = vector.load %arg11[%get3A_94] : memref<16xf32, #tpu.memory_space<vmem>>, vector<16xf32>
    %get3A_96 = arith.constant 0 : index
    %get3A_97 = vector.load %arg12[%get3A_96] : memref<16xf32, #tpu.memory_space<vmem>>, vector<16xf32>
    %reduce_sum3A_98 = arith.constant dense<0.000000e+00> : vector<16xf32>
    %reduce_sum3A_99 = vector.multi_reduction <add>, %add3A_93, %reduce_sum3A_98 [1] : vector<16x16384xf32> to vector<16xf32>
    %broadcast_in_dim3A_100 = vector.shape_cast %reduce_sum3A_99 : vector<16xf32> to vector<16x1xf32>
    %div3A_101 = arith.constant 1.638400e+04 : f32
    %div3A_102 = vector.broadcast %div3A_101 : f32 to vector<16x1xf32>
    %div3A_103 = arith.divf %broadcast_in_dim3A_100, %div3A_102 : vector<16x1xf32>
    %sub3A_104 = vector.broadcast %div3A_103 : vector<16x1xf32> to vector<16x16384xf32>
    %sub3A_105 = arith.subf %add3A_93, %sub3A_104 : vector<16x16384xf32>
    %integer_pow3A_106 = arith.mulf %sub3A_105, %sub3A_105 : vector<16x16384xf32>
    %reduce_sum3A_107 = arith.constant dense<0.000000e+00> : vector<16xf32>
    %reduce_sum3A_108 = vector.multi_reduction <add>, %integer_pow3A_106, %reduce_sum3A_107 [1] : vector<16x16384xf32> to vector<16xf32>
    %broadcast_in_dim3A_109 = vector.shape_cast %reduce_sum3A_108 : vector<16xf32> to vector<16x1xf32>
    %div3A_110 = arith.constant 1.638400e+04 : f32
    %div3A_111 = vector.broadcast %div3A_110 : f32 to vector<16x1xf32>
    %div3A_112 = arith.divf %broadcast_in_dim3A_109, %div3A_111 : vector<16x1xf32>
    %sub3A_113 = vector.broadcast %div3A_103 : vector<16x1xf32> to vector<16x16384xf32>
    %sub3A_114 = arith.subf %add3A_93, %sub3A_113 : vector<16x16384xf32>
    %add3A_115 = arith.constant 9.99999974E-6 : f32
    %add3A_116 = vector.broadcast %add3A_115 : f32 to vector<16x1xf32>
    %add3A_117 = arith.addf %div3A_112, %add3A_116 : vector<16x1xf32>
    %rsqrt3A_118 = math.rsqrt %add3A_117 : vector<16x1xf32>
    %mul3A_119 = vector.broadcast %rsqrt3A_118 : vector<16x1xf32> to vector<16x16384xf32>
    %mul3A_120 = arith.mulf %sub3A_114, %mul3A_119 : vector<16x16384xf32>
    %broadcast_in_dim3A_121 = vector.shape_cast %get3A_95 : vector<16xf32> to vector<16x1xf32>
    %mul3A_122 = vector.broadcast %broadcast_in_dim3A_121 : vector<16x1xf32> to vector<16x16384xf32>
    %mul3A_123 = arith.mulf %mul3A_120, %mul3A_122 : vector<16x16384xf32>
    %broadcast_in_dim3A_124 = vector.shape_cast %get3A_97 : vector<16xf32> to vector<16x1xf32>
    %add3A_125 = vector.broadcast %broadcast_in_dim3A_124 : vector<16x1xf32> to vector<16x16384xf32>
    %add3A_126 = arith.addf %mul3A_123, %add3A_125 : vector<16x16384xf32>
    %max3A_127 = arith.constant 0.000000e+00 : f32
    %max3A_128 = vector.broadcast %max3A_127 : f32 to vector<16x16384xf32>
    %max3A_129 = arith.maximumf %add3A_126, %max3A_128 : vector<16x16384xf32>
    %slice3A = vector.extract_strided_slice %get3A_1 {offsets = [0, 0], sizes = [16, 16384], strides = [1, 1]} : vector<32x16384xf32> to vector<16x16384xf32>
    %slice3A_130 = vector.extract_strided_slice %get3A_1 {offsets = [16, 0], sizes = [16, 16384], strides = [1, 1]} : vector<32x16384xf32> to vector<16x16384xf32>
    %mul3A_131 = arith.mulf %slice3A, %slice3A_130 : vector<16x16384xf32>
    %concatenate3A = tpu.concatenate %mul3A_131, %max3A_129 in 0 : vector<16x16384xf32>, vector<16x16384xf32> -> vector<32x16384xf32>
    %get3A_132 = arith.constant 0 : index
    %get3A_133 = vector.load %arg13[%get3A_132] : memref<32xf32, #tpu.memory_space<vmem>>, vector<32xf32>
    %broadcast_in_dim3A_134 = vector.shape_cast %get3A_133 : vector<32xf32> to vector<32x1xf32>
    %mul3A_135 = vector.broadcast %broadcast_in_dim3A_134 : vector<32x1xf32> to vector<32x16384xf32>
    %mul3A_136 = arith.mulf %concatenate3A, %mul3A_135 : vector<32x16384xf32>
    %reduce_sum3A_137 = arith.constant dense<0.000000e+00> : vector<16384xf32>
    %reduce_sum3A_138 = vector.multi_reduction <add>, %mul3A_136, %reduce_sum3A_137 [0] : vector<32x16384xf32> to vector<16384xf32>
    %get3A_139 = arith.constant 0 : index
    %get3A_140 = vector.load %arg14[%get3A_139] : memref<1xf32, #tpu.memory_space<vmem>>, vector<1xf32>
    %get3A_141 = vector.extract %get3A_140[0] : f32 from vector<1xf32>
    %add3A_142 = vector.broadcast %get3A_141 : f32 to vector<16384xf32>
    %add3A_143 = arith.addf %reduce_sum3A_138, %add3A_142 : vector<16384xf32>
    %swap3A = arith.constant 0 : index
    %swap3A_144 = vector.load %arg15[%swap3A] : memref<16384xf32, #tpu.memory_space<vmem>>, vector<16384xf32>
    tpu.vector_store %arg15[%swap3A], %add3A_143 {strides = array<i32>} : memref<16384xf32, #tpu.memory_space<vmem>>, vector<16384xf32>,
    return
  }
}

</mosaic_0001>

<sc_bundles>
// kernel: kernel.4.cloned.1.call-start
scs
__scs_entry_jumppad:
0x0: {  	(pc) =	sbr.rel $0x88, $3  }
0x1: {  	(tag) =	ssettag $0x0;
	lr =	simm.s32 $0x1  }
0x2: {  	[smem:$0x3F91] =	sst lr;
	_ =	strace $0xD0000000  }
0x3: {  	_ = 	snop  }
0x4: {  	_ = 	snop  }
0x5: {  	_ = 	snop  }
0x6: {  	_ = 	snop  }
0x7: {  	_ = 	snop  }
__scs_overlays_trampoline_lowered:
0x8: {  	[smem:$0x3FA0] =	sst s0  }
0x9: {  	[smem:$0x3FA1] =	sst s1  }
0xa: {  	[smem:$0x3FA2] =	sst s2  }
0xb: {  	[smem:$0x3FA3] =	sst s3  }
0xc: {  	[smem:$0x3FA4] =	sst s4  }
0xd: {  	[smem:$0x3FA5] =	sst s5  }
0xe: {  	[smem:$0x3FA6] =	sst s6  }
0xf: {  	[smem:$0x3FA7] =	sst s7  }
0x10: {  	[smem:$0x3FA8] =	sst s8  }
0x11: {  	[smem:$0x3FA9] =	sst s9;
	s0 =	simm.s32 @!p0 $0x0  }
0x12: {  	s1 =	sld [smem:$0x3F8F];
	s0 =	simm.s32 @p0 $0x1  }
0x13: {  	[smem:$0x3FAA] =	sst s0;
	s0 =	simm.s32 @!p1 $0x0  }
0x14: {  	s2 =	sld [smem:$0x3F8E];
	s0 =	simm.s32 @p1 $0x1  }
0x15: {  	[smem:$0x3FAB] =	sst s0;
	s0 =	simm.s32 @!p2 $0x0  }
0x16: {  	s3 =	sld [smem:$0x3FDB];
	s0 =	simm.s32 @p2 $0x1  }
0x17: {  	s4 =	simm.s32 $0x1BF5;
	[smem:$0x3FAD] =	sst s0  }
0x18: {  	s0 =	sld [smem:$0x3F90];
	_ =	swait.ge [sflag:s4], $0x0  }
0x19: {  	s7 =	sld [smem:$0x3F91]  }
0x1a: {  	s8 =	sadd.s32 $0xFFFFE003, lr  }
0x1b: {  	s9 =	sadd.s32 $0xFFFFFEF7, lr;
	s5 =	simm.s32 $0xFFFFFFFF;
	p2 =	slt.u32 s8, $0xFFFFF086  }
0x1c: {  	p1 =	slt.u32 s9, $0xF7A;
	s5 =	simm.s32 @!p2 $0x0  }
0x1d: {  	s5 =	simm.s32 @p1 $0x1;
	p0 =	seq.s32 s7, s2  }
0x1e: {  	s7 =	smul.u32 @!p0 $0xF7A, s2;
	p2 =	seq.s32 @!p0 s5, $0x0  }
0x1f: {  	s9 =	smul.u32 $0xF7A, s1;
	s8 =	simm.s32 @!p0 $0x1BF5;
	p2 =	por !p2, p0  }
0x20: {  	[sflag:s8] =	ssyncset.s32 @!p0 $0xFFFFF086;
	s6 =	sadd.s32 @!p0 s3, s7;
	s7 =	simm.s32 @!p0 $0x108  }
0x21: {  	s3 =	sadd.s32 s3, s9;
	s6 =	sadd.s32 @!p0 $0x88, s6;
	s7 =	simm.s32 @p2 $0x1082  }
0x22: {  	[simem:s7], [sflag:s8] =	dma.local @!p0 [hbm:s6], $0xF7A  }
0x23: {  	s9 =	sor.u32 $0xD0000000, s2;
	s6 =	simm.s32 $0x108;
	_ =	swait.ge @!p0 [sflag:s8], $0x0  }
0x24: {  	s3 =	sadd.s32 $0x88, s3;
	s6 =	simm.s32 @!p1 $0x1082;
	[sflag:s4] =	ssyncset.s32 $0xFFFFF086  }
0x25: {  	[simem:s6], [sflag:s4] =	dma.local [hbm:s3], $0xF7A  }
0x26: {  	[smem:$0x3F91] =	sst s1;
	(tag) =	ssettag s2;
	_ =	strace s9  }
0x27: {  	s1 =	sld [smem:$0x3FA1]  }
0x28: {  	s2 =	sld [smem:$0x3FA2]  }
0x29: {  	s4 =	sld [smem:$0x3FA4]  }
0x2a: {  	p0 =	seq.s32 s5, $0x0;
	s5 =	sld [smem:$0x3FA5]  }
0x2b: {  	s6 =	sld [smem:$0x3FA6]  }
0x2c: {  	s7 =	sld [smem:$0x3FA7]  }
0x2d: {  	s3 =	simm.s32 $0x108;
	s8 =	sld [smem:$0x3FA8]  }
0x2e: {  	s3 =	simm.s32 @!p0 $0x1082;
	s9 =	sld [smem:$0x3FA9]  }
0x2f: {  	lr =	sadd.s32 s0, s3;
	s0 =	sld [smem:$0x3FA0]  }
0x30: {  	s3 =	sld [smem:$0x3FA3]  }
0x31: {  	[smem:$0x3FAC] =	sst s10  }
0x32: {  	s10 =	sld [smem:$0x3FAA];
	_ =	sdelay $0x3  }
0x33: {  	p0 =	seq.s32 s10, $0x1;
	s10 =	sld [smem:$0x3FAC];
	_ =	sdelay $0x3  }
0x34: {  	[smem:$0x3FAC] =	sst s10  }
0x35: {  	s10 =	sld [smem:$0x3FAB];
	_ =	sdelay $0x3  }
0x36: {  	p1 =	seq.s32 s10, $0x1;
	s10 =	sld [smem:$0x3FAC];
	_ =	sdelay $0x3  }
0x37: {  	[smem:$0x3FAC] =	sst s10  }
0x38: {  	s10 =	sld [smem:$0x3FAD]  }
0x39: {  	_ = 	snop;
	(pc) =	sbr.ind lr, $3  }
0x3a: {  	_ = 	snop  }
0x3b: {  	_ = 	snop  }
0x3c: {  	p2 =	seq.s32 s10, $0x1;
	s10 =	sld [smem:$0x3FAC]  }
0x3d: {  	_ =	shalt  }
0x3e: {  	_ =	shalt  }
0x3f: {  	_ =	shalt  }
0x40: {  	_ =	shalt  }
0x41: {  	_ =	shalt  }
0x42: {  	_ =	shalt  }
0x43: {  	_ =	shalt  }
0x44: {  	_ =	shalt  }
0x45: {  	_ =	shalt  }
0x46: {  	_ =	shalt  }
0x47: {  	_ =	shalt  }
0x48: {  	_ =	shalt  }
0x49: {  	_ =	shalt  }
0x4a: {  	_ =	shalt  }
0x4b: {  	_ =	shalt  }
0x4c: {  	_ =	shalt  }
0x4d: {  	_ =	shalt  }
0x4e: {  	_ =	shalt  }
0x4f: {  	_ =	shalt  }
0x50: {  	_ =	shalt  }
0x51: {  	_ =	shalt  }
0x52: {  	_ =	shalt  }
0x53: {  	_ =	shalt  }
0x54: {  	_ =	shalt  }
0x55: {  	_ =	shalt  }
0x56: {  	_ =	shalt  }
0x57: {  	_ =	shalt  }
0x58: {  	_ =	shalt  }
0x59: {  	_ =	shalt  }
0x5a: {  	_ =	shalt  }
0x5b: {  	_ =	shalt  }
0x5c: {  	_ =	shalt  }
0x5d: {  	_ =	shalt  }
0x5e: {  	_ =	shalt  }
0x5f: {  	_ =	shalt  }
0x60: {  	_ =	shalt  }
0x61: {  	_ =	shalt  }
0x62: {  	_ =	shalt  }
0x63: {  	_ =	shalt  }
0x64: {  	_ =	shalt  }
0x65: {  	_ =	shalt  }
0x66: {  	_ =	shalt  }
0x67: {  	_ =	shalt  }
0x68: {  	_ =	shalt  }
0x69: {  	_ =	shalt  }
0x6a: {  	_ =	shalt  }
0x6b: {  	_ =	shalt  }
0x6c: {  	_ =	shalt  }
0x6d: {  	_ =	shalt  }
0x6e: {  	_ =	shalt  }
0x6f: {  	_ =	shalt  }
0x70: {  	_ =	shalt  }
0x71: {  	_ =	shalt  }
0x72: {  	_ =	shalt  }
0x73: {  	_ =	shalt  }
0x74: {  	_ =	shalt  }
0x75: {  	_ =	shalt  }
0x76: {  	_ =	shalt  }
0x77: {  	_ =	shalt  }
0x78: {  	_ =	shalt  }
0x79: {  	_ =	shalt  }
0x7a: {  	_ =	shalt  }
0x7b: {  	_ =	shalt  }
0x7c: {  	_ =	shalt  }
0x7d: {  	_ =	shalt  }
0x7e: {  	_ =	shalt  }
0x7f: {  	_ =	shalt  }
0x80: {  	_ =	shalt  }
0x81: {  	_ =	shalt  }
0x82: {  	_ =	shalt  }
0x83: {  	_ =	shalt  }
0x84: {  	_ =	shalt  }
0x85: {  	_ =	shalt  }
0x86: {  	_ =	shalt  }
0x87: {  	_ =	shalt  }
.Lfunc_end0:
.L_simem_size_0:
called_computation_lowered:
.L_overlay_start_0:
0x88: {  	s2 =	sld [smem:$0x3FD9]  }
0x89: {  	s3 =	sld [smem:$0x3FFE];
	_ =	sdelay $0x1  }
0x8a: {  	s1 =	srdreg.scid  }
0x8b: {  	s0 =	sand.u32 $0x1, s1  }
0x8c: {  	s17 =	sshll.u32 s0, $0xA;
	s2 =	sadd.s32 s3, s2  }
0x8d: {  	s2 =	sadd.s32 s2, s17  }
0x8e: {  	[smem:$0x3FB8] =	sst s2  }
0x8f: {  	_ = 	snop  }
0x90: {  	s2 =	sld [smem:$0x3FC9]  }
0x91: {  	s18 =	sld [smem:$0x3FC8];
	(tm) =	ssettm $0x1  }
0x92: {  	s4 =	sld [smem:$0x3FFB];
	_ =	sdelay $0x3  }
0x93: {  	_ =	strace s4  }
0x94: {  	s4 =	sld [smem:$0x3FFC];
	_ =	sdelay $0x3  }
0x95: {  	_ =	strace s4  }
0x96: {  	s4 =	sld [smem:$0x3FFD];
	_ =	sdelay $0x3  }
0x97: {  	_ =	strace s4  }
0x98: {  	_ =	strace $0x8FFFFFFF  }
0x99: {  	s19 =	sld [smem:$0x3FDB];
	_ =	sdelay $0x1  }
0x9a: {  	s5 =	simm.s32 $_scs_section_size  }
0x9b: {  	s6 =	simm.s32 $_size__tile_overlayer_lowered;
	s7 =	simm.s32 $_tile_overlayer_lowered  }
0x9c: {  	s22 =	simm.s32 $0x1BFF;
	s21 =	sshll.u32 s7, $0x1;
	s4 =	sadd.s32 s5, s19  }
0x9d: {  	s8 =	simm.s32 $0x0;
	s20 =	sshll.u32 s6, $0x1;
	s6 =	sadd.s32 s21, s4  }
0x9e: {  	[timem:s8], [sflag:s22] =	dma.local [hbm:s6], s20  }
0x9f: {  	_ =	swait.ge [sflag:s22], s20  }
0xa0: {  	s5 =	ssub.s32 $0x0, s20;
	[sflag:s22] =	ssyncset.done $0x0  }
0xa1: {  	[sflag:s22] =	ssyncadd.s32 s5;
	_ =	sdelay $0x1  }
0xa2: {  	s23 =	simm.s32 $0x1B8B  }
0xa3: {  	_ =	swait.ge [sflag:s23], $0x1  }
0xa4: {  	[sflag:s23] =	ssyncset.done $0x0  }
0xa5: {  	s25 =	simm.s32 $0x1B8E;
	s24 =	sld [smem:$0x3FFE];
	[sflag:s23] =	ssyncadd.s32 $0xFFFFFFFF  }
0xa6: {  	s26 =	simm.s32 $execute0_lowered;
	[smem:$0x3FD2] =	sst s25  }
0xa7: {  	s6 =	sshll.u32 s26, $0x1;
	_ =	strace $0x80000046;
	[dreg:$0x1] =	wrdreg $0xFFFFFFFF  }
0xa8: {  	s28 =	simm.s32 $_size_execute0_lowered;
	s4 =	sadd.s32 s4, s6;
	[dreg:$0x0] =	wrdreg $0x0  }
0xa9: {  	s6 =	sshll.u32 s28, $0x1;
	[dreg:$0x2] =	wrdreg s4  }
0xaa: {  	[dreg:$0x3] =	wrdreg s6  }
0xab: {  	[dreg:$0x4] =	wrdreg $0xC0  }
0xac: {  	_ =	task [dreg:s8], $0x5FFFF  }
0xad: {  	[dreg:$0x1] =	wrdreg $0xFFFFFFFF  }
0xae: {  	[dreg:$0x0] =	wrdreg $0x60  }
0xaf: {  	[dreg:$0x2] =	wrdreg s18  }
0xb0: {  	[dreg:$0x3] =	wrdreg s2  }
0xb1: {  	[dreg:$0x4] =	wrdreg s24  }
0xb2: {  	[dreg:$0x5] =	wrdreg $0x9  }
0xb3: {  	_ =	task.clear_ibuf [dreg:s8], $0x6FFFF;
	_ =	strace $0x90000046  }
0xb4: {  	s29 =	simm.s32 $0x9;
	_ =	strace $0x80000048  }
0xb5: {  	_ =	swait.ge [sflag:s29], $0x1  }
0xb6: {  	[sflag:s29] =	ssyncadd.s32 $0xFFFFFFFF  }
0xb7: {  	_ =	strace $0x90000048  }
0xb8: {  	_ =	sfence  }
0xb9: {  	s30 =	sld [smem:$0x0];
	_ =	sdelay $0x2  }
0xba: {  	s31 =	sshll.u32 s1, $0xD;
	s1 =	sshrl.u32 s1, $0x2  }
0xbb: {  	s3 =	sand.u32 $0x4000, s31;
	s1 =	sadd.s32 s1, s30  }
0xbc: {  	s0 =	sor.u32 s3, s0;
	s1 =	sshll.u32 s1, $0x11  }
0xbd: {  	s0 =	sor.u32 s1, s0  }
0xbe: {  	s0 =	sadd.s32 $0x8F2B, s0  }
0xbf: {  	[sflag:s0] =	ssyncadd.remote.s32 $0x1  }
0xc0: {  	_ =	sfence.sel $0xFFFF  }
0xc1: {  	[dreg:$0x0] =	wrdreg $0xFFFFFFFF;
	(pc) =	sbr.abs _section_cstart, $3  }
0xc2: {  	[dreg:$0x1] =	wrdreg $0xFFFFFFFF  }
0xc3: {  	_ =	task.clear_ibuf [dreg:s8], $0x2FFFF;
	_ =	strace $0x9FFFFFFF  }
0xc4: {  	(tm) =	ssettm $0x7FFFFFFF  }
0xc5: {  	_ =	shalt  }
tec
execute0_lowered:
.L_overlay_start_1:
0x0: {  	(tag) =	ssettag $0x1  }
0x1: {  	s1 =	rddreg [dreg:$0x0]  }
0x2: {  	s4 =	rddreg [dreg:$0x1]  }
0x3: {  	s5 =	rddreg [dreg:$0x2]  }
0x4: {  	s0 =	rddreg [dreg:$0x3]  }
0x5: {  	s3 =	simm.s32 $0x0;
	s6 =	srdreg.scid;
	s2 =	stileid.u32  }
0x6: {  	s10 =	simm.s32 $0x1000;
	s11 =	simm.s32 $0x20000;
	s12 =	simm.s32 $0x4400  }
0x7: {  	s13 =	simm.s32 $0x0;
	s6 =	sand.u32 $0x1, s6;
	s7 =	sshll.u32 s2, $0x1  }
0x8: {  	[smem:$0x7FF] =	sst s3;
	s7 =	sor.u32 s6, s7;
	s6 =	ssub.s32 $0x2, s6  }
0x9: {  	_ =	strace $0x80000047;
	s8 =	sshll.u32 s7, $0x9;
	s9 =	sshrl.u32 s6, $0x1  }
0xa: {  	s7 =	sshll.u32 s7, $0x7;
	s5 =	sadd.s32 s8, s5;
	s6 =	ssub.s32 s6, s9  }
0xb: {  	s4 =	sadd.s32 s4, s7;
	s7 =	simm.s32 $0x2;
	s8 =	simm.s32 $0x80  }
0xc: {  	s9 =	simm.s32 $0x1;
	s5 =	sadd.s32 $0x2000, s5;
	s6 =	smax.u32 s6, $0x1  }
.LBB2_1:
0xd: {  	[tilespmem:s3], [sflag:$0x2] =	stream.linear.gather [hbm4b:s4+s3], $0x400, $0x38;
	[tilespmem:$0x8400] =	vst v63  }
0xe: {  	_ =	swait.ge [sflag:s7], $0x400  }
0xf: {  	[sflag:s7] =	ssyncset.done $0x0  }
0x10: {  	s14 =	simm.s32 $0x0;
	[sflag:s7] =	ssyncadd.s32 $0xFFFFFC00  }
.LBB2_2:
0x11: {  	s15 =	sshll.u32 s14, $0x8  }
0x12: {  	s16 =	sand.u32 $0x3FFFFF00, s15  }
0x13: {  	v0 =	vld [tilespmem:s16+$0x0];
	_ =	sdelay $0x4  }
0x14: {  	v1 =	vshll.u32 v0, $0x3  }
0x15: {  	s31 =	sshll.u32 s14, $0x7;
	v0 =	vand.u32 $0x7F, v0;
	v1 =	vand.u32 $0xFFFFFC00, v1  }
0x16: {  	s15 =	sand.u32 $0x3FFFFF80, s31;
	v0 =	vor.u32 v0, v1  }
0x17: {  	[tilespmem:s15+$0x400] =	vst v0;
	v1 =	vor.u32 $0x80, v0  }
0x18: {  	v21 =	vor.u32 $0x100, v0;
	[tilespmem:s15+$0x600] =	vst v1  }
0x19: {  	v22 =	vor.u32 $0x180, v0;
	[tilespmem:s15+$0x800] =	vst v21  }
0x1a: {  	v23 =	vor.u32 $0x200, v0;
	[tilespmem:s15+$0xA00] =	vst v22  }
0x1b: {  	v24 =	vor.u32 $0x280, v0;
	[tilespmem:s15+$0xC00] =	vst v23  }
0x1c: {  	v25 =	vor.u32 $0x300, v0;
	[tilespmem:s15+$0xE00] =	vst v24  }
0x1d: {  	v26 =	vor.u32 $0x380, v0;
	[tilespmem:s15+$0x1000] =	vst v25  }
0x1e: {  	v27 =	vadd.s32 $0xF42400, v0;
	[tilespmem:s15+$0x1200] =	vst v26  }
0x1f: {  	v28 =	vadd.s32 $0xF42480, v0;
	[tilespmem:s15+$0x1400] =	vst v27  }
0x20: {  	v29 =	vadd.s32 $0xF42500, v0;
	[tilespmem:s15+$0x1600] =	vst v28  }
0x21: {  	v30 =	vadd.s32 $0xF42580, v0;
	[tilespmem:s15+$0x1800] =	vst v29  }
0x22: {  	v31 =	vadd.s32 $0xF42600, v0;
	[tilespmem:s15+$0x1A00] =	vst v30  }
0x23: {  	v32 =	vadd.s32 $0xF42680, v0;
	[tilespmem:s15+$0x1C00] =	vst v31  }
0x24: {  	v33 =	vadd.s32 $0xF42700, v0;
	[tilespmem:s15+$0x1E00] =	vst v32  }
0x25: {  	v0 =	vadd.s32 $0xF42780, v0;
	[tilespmem:s15+$0x2000] =	vst v33  }
0x26: {  	[tilespmem:s15+$0x2200] =	vst v0  }
0x27: {  	v0 =	vld [tilespmem:s16+$0x10];
	_ =	sdelay $0x4  }
0x28: {  	v34 =	vshll.u32 v0, $0x3  }
0x29: {  	v0 =	vand.u32 $0x7F, v0;
	v1 =	vand.u32 $0xFFFFFC00, v34  }
0x2a: {  	v0 =	vor.u32 v0, v1  }
0x2b: {  	[tilespmem:s15+$0x410] =	vst v0;
	v1 =	vor.u32 $0x80, v0  }
0x2c: {  	v35 =	vor.u32 $0x100, v0;
	[tilespmem:s15+$0x610] =	vst v1  }
0x2d: {  	v36 =	vor.u32 $0x180, v0;
	[tilespmem:s15+$0x810] =	vst v35  }
0x2e: {  	v37 =	vor.u32 $0x200, v0;
	[tilespmem:s15+$0xA10] =	vst v36  }
0x2f: {  	v38 =	vor.u32 $0x280, v0;
	[tilespmem:s15+$0xC10] =	vst v37  }
0x30: {  	v39 =	vor.u32 $0x300, v0;
	[tilespmem:s15+$0xE10] =	vst v38  }
0x31: {  	v40 =	vor.u32 $0x380, v0;
	[tilespmem:s15+$0x1010] =	vst v39  }
0x32: {  	v41 =	vadd.s32 $0xF42400, v0;
	[tilespmem:s15+$0x1210] =	vst v40  }
0x33: {  	v42 =	vadd.s32 $0xF42480, v0;
	[tilespmem:s15+$0x1410] =	vst v41  }
0x34: {  	v43 =	vadd.s32 $0xF42500, v0;
	[tilespmem:s15+$0x1610] =	vst v42  }
0x35: {  	v44 =	vadd.s32 $0xF42580, v0;
	[tilespmem:s15+$0x1810] =	vst v43  }
0x36: {  	v45 =	vadd.s32 $0xF42600, v0;
	[tilespmem:s15+$0x1A10] =	vst v44  }
0x37: {  	v46 =	vadd.s32 $0xF42680, v0;
	[tilespmem:s15+$0x1C10] =	vst v45  }
0x38: {  	v47 =	vadd.s32 $0xF42700, v0;
	[tilespmem:s15+$0x1E10] =	vst v46  }
0x39: {  	v0 =	vadd.s32 $0xF42780, v0;
	[tilespmem:s15+$0x2010] =	vst v47  }
0x3a: {  	[tilespmem:s15+$0x2210] =	vst v0  }
0x3b: {  	v0 =	vld [tilespmem:s16+$0x20];
	_ =	sdelay $0x4  }
0x3c: {  	v48 =	vshll.u32 v0, $0x3  }
0x3d: {  	v0 =	vand.u32 $0x7F, v0;
	v1 =	vand.u32 $0xFFFFFC00, v48  }
0x3e: {  	v0 =	vor.u32 v0, v1  }
0x3f: {  	[tilespmem:s15+$0x420] =	vst v0;
	v1 =	vor.u32 $0x80, v0  }
0x40: {  	v49 =	vor.u32 $0x100, v0;
	[tilespmem:s15+$0x620] =	vst v1  }
0x41: {  	v50 =	vor.u32 $0x180, v0;
	[tilespmem:s15+$0x820] =	vst v49  }
0x42: {  	v51 =	vor.u32 $0x200, v0;
	[tilespmem:s15+$0xA20] =	vst v50  }
0x43: {  	v52 =	vor.u32 $0x280, v0;
	[tilespmem:s15+$0xC20] =	vst v51  }
0x44: {  	v53 =	vor.u32 $0x300, v0;
	[tilespmem:s15+$0xE20] =	vst v52  }
0x45: {  	v54 =	vor.u32 $0x380, v0;
	[tilespmem:s15+$0x1020] =	vst v53  }
0x46: {  	v55 =	vadd.s32 $0xF42400, v0;
	[tilespmem:s15+$0x1220] =	vst v54  }
0x47: {  	v56 =	vadd.s32 $0xF42480, v0;
	[tilespmem:s15+$0x1420] =	vst v55  }
0x48: {  	v57 =	vadd.s32 $0xF42500, v0;
	[tilespmem:s15+$0x1620] =	vst v56  }
0x49: {  	v58 =	vadd.s32 $0xF42580, v0;
	[tilespmem:s15+$0x1820] =	vst v57  }
0x4a: {  	v59 =	vadd.s32 $0xF42600, v0;
	[tilespmem:s15+$0x1A20] =	vst v58  }
0x4b: {  	v60 =	vadd.s32 $0xF42680, v0;
	[tilespmem:s15+$0x1C20] =	vst v59  }
0x4c: {  	v61 =	vadd.s32 $0xF42700, v0;
	[tilespmem:s15+$0x1E20] =	vst v60  }
0x4d: {  	v0 =	vadd.s32 $0xF42780, v0;
	[tilespmem:s15+$0x2020] =	vst v61  }
0x4e: {  	[tilespmem:s15+$0x2220] =	vst v0  }
0x4f: {  	v0 =	vld [tilespmem:s16+$0x30];
	_ =	sdelay $0x4  }
0x50: {  	v62 =	vshll.u32 v0, $0x3  }
0x51: {  	v0 =	vand.u32 $0x7F, v0;
	v1 =	vand.u32 $0xFFFFFC00, v62  }
0x52: {  	v0 =	vor.u32 v0, v1  }
0x53: {  	[tilespmem:s15+$0x430] =	vst v0;
	v1 =	vor.u32 $0x80, v0  }
0x54: {  	v63 =	vor.u32 $0x100, v0;
	[tilespmem:s15+$0x630] =	vst v1  }
0x55: {  	v4 =	vor.u32 $0x180, v0;
	[tilespmem:s15+$0x830] =	vst v63  }
0x56: {  	v5 =	vor.u32 $0x200, v0;
	[tilespmem:s15+$0xA30] =	vst v4  }
0x57: {  	v6 =	vor.u32 $0x280, v0;
	[tilespmem:s15+$0xC30] =	vst v5  }
0x58: {  	v7 =	vor.u32 $0x300, v0;
	[tilespmem:s15+$0xE30] =	vst v6  }
0x59: {  	v8 =	vor.u32 $0x380, v0;
	[tilespmem:s15+$0x1030] =	vst v7  }
0x5a: {  	v9 =	vadd.s32 $0xF42400, v0;
	[tilespmem:s15+$0x1230] =	vst v8  }
0x5b: {  	v10 =	vadd.s32 $0xF42480, v0;
	[tilespmem:s15+$0x1430] =	vst v9  }
0x5c: {  	v11 =	vadd.s32 $0xF42500, v0;
	[tilespmem:s15+$0x1630] =	vst v10  }
0x5d: {  	v12 =	vadd.s32 $0xF42580, v0;
	[tilespmem:s15+$0x1830] =	vst v11  }
0x5e: {  	v13 =	vadd.s32 $0xF42600, v0;
	[tilespmem:s15+$0x1A30] =	vst v12  }
0x5f: {  	v14 =	vadd.s32 $0xF42680, v0;
	[tilespmem:s15+$0x1C30] =	vst v13  }
0x60: {  	v15 =	vadd.s32 $0xF42700, v0;
	[tilespmem:s15+$0x1E30] =	vst v14  }
0x61: {  	v0 =	vadd.s32 $0xF42780, v0;
	[tilespmem:s15+$0x2030] =	vst v15  }
0x62: {  	[tilespmem:s15+$0x2230] =	vst v0  }
0x63: {  	v0 =	vld [tilespmem:s16+$0x40];
	_ =	sdelay $0x4  }
0x64: {  	v16 =	vshll.u32 v0, $0x3  }
0x65: {  	v0 =	vand.u32 $0x7F, v0;
	v1 =	vand.u32 $0xFFFFFC00, v16  }
0x66: {  	v0 =	vor.u32 v0, v1  }
0x67: {  	[tilespmem:s15+$0x440] =	vst v0;
	v1 =	vor.u32 $0x80, v0  }
0x68: {  	v17 =	vor.u32 $0x100, v0;
	[tilespmem:s15+$0x640] =	vst v1  }
0x69: {  	v18 =	vor.u32 $0x180, v0;
	[tilespmem:s15+$0x840] =	vst v17  }
0x6a: {  	v19 =	vor.u32 $0x200, v0;
	[tilespmem:s15+$0xA40] =	vst v18  }
0x6b: {  	v20 =	vor.u32 $0x280, v0;
	[tilespmem:s15+$0xC40] =	vst v19  }
0x6c: {  	v21 =	vor.u32 $0x300, v0;
	[tilespmem:s15+$0xE40] =	vst v20  }
0x6d: {  	v22 =	vor.u32 $0x380, v0;
	[tilespmem:s15+$0x1040] =	vst v21  }
0x6e: {  	v23 =	vadd.s32 $0xF42400, v0;
	[tilespmem:s15+$0x1240] =	vst v22  }
0x6f: {  	v24 =	vadd.s32 $0xF42480, v0;
	[tilespmem:s15+$0x1440] =	vst v23  }
0x70: {  	v25 =	vadd.s32 $0xF42500, v0;
	[tilespmem:s15+$0x1640] =	vst v24  }
0x71: {  	v26 =	vadd.s32 $0xF42580, v0;
	[tilespmem:s15+$0x1840] =	vst v25  }
0x72: {  	v27 =	vadd.s32 $0xF42600, v0;
	[tilespmem:s15+$0x1A40] =	vst v26  }
0x73: {  	v28 =	vadd.s32 $0xF42680, v0;
	[tilespmem:s15+$0x1C40] =	vst v27  }
0x74: {  	v29 =	vadd.s32 $0xF42700, v0;
	[tilespmem:s15+$0x1E40] =	vst v28  }
0x75: {  	v0 =	vadd.s32 $0xF42780, v0;
	[tilespmem:s15+$0x2040] =	vst v29  }
0x76: {  	[tilespmem:s15+$0x2240] =	vst v0  }
0x77: {  	v0 =	vld [tilespmem:s16+$0x50];
	_ =	sdelay $0x4  }
0x78: {  	v30 =	vshll.u32 v0, $0x3  }
0x79: {  	v0 =	vand.u32 $0x7F, v0;
	v1 =	vand.u32 $0xFFFFFC00, v30  }
0x7a: {  	v0 =	vor.u32 v0, v1  }
0x7b: {  	[tilespmem:s15+$0x450] =	vst v0;
	v1 =	vor.u32 $0x80, v0  }
0x7c: {  	v31 =	vor.u32 $0x100, v0;
	[tilespmem:s15+$0x650] =	vst v1  }
0x7d: {  	v32 =	vor.u32 $0x180, v0;
	[tilespmem:s15+$0x850] =	vst v31  }
0x7e: {  	v33 =	vor.u32 $0x200, v0;
	[tilespmem:s15+$0xA50] =	vst v32  }
0x7f: {  	v34 =	vor.u32 $0x280, v0;
	[tilespmem:s15+$0xC50] =	vst v33  }
0x80: {  	v35 =	vor.u32 $0x300, v0;
	[tilespmem:s15+$0xE50] =	vst v34  }
0x81: {  	v36 =	vor.u32 $0x380, v0;
	[tilespmem:s15+$0x1050] =	vst v35  }
0x82: {  	v37 =	vadd.s32 $0xF42400, v0;
	[tilespmem:s15+$0x1250] =	vst v36  }
0x83: {  	v38 =	vadd.s32 $0xF42480, v0;
	[tilespmem:s15+$0x1450] =	vst v37  }
0x84: {  	v39 =	vadd.s32 $0xF42500, v0;
	[tilespmem:s15+$0x1650] =	vst v38  }
0x85: {  	v40 =	vadd.s32 $0xF42580, v0;
	[tilespmem:s15+$0x1850] =	vst v39  }
0x86: {  	v41 =	vadd.s32 $0xF42600, v0;
	[tilespmem:s15+$0x1A50] =	vst v40  }
0x87: {  	v42 =	vadd.s32 $0xF42680, v0;
	[tilespmem:s15+$0x1C50] =	vst v41  }
0x88: {  	v43 =	vadd.s32 $0xF42700, v0;
	[tilespmem:s15+$0x1E50] =	vst v42  }
0x89: {  	v0 =	vadd.s32 $0xF42780, v0;
	[tilespmem:s15+$0x2050] =	vst v43  }
0x8a: {  	[tilespmem:s15+$0x2250] =	vst v0  }
0x8b: {  	v0 =	vld [tilespmem:s16+$0x60];
	_ =	sdelay $0x4  }
0x8c: {  	v44 =	vshll.u32 v0, $0x3  }
0x8d: {  	v0 =	vand.u32 $0x7F, v0;
	v1 =	vand.u32 $0xFFFFFC00, v44  }
0x8e: {  	v0 =	vor.u32 v0, v1  }
0x8f: {  	[tilespmem:s15+$0x460] =	vst v0;
	v1 =	vor.u32 $0x80, v0  }
0x90: {  	v45 =	vor.u32 $0x100, v0;
	[tilespmem:s15+$0x660] =	vst v1  }
0x91: {  	v46 =	vor.u32 $0x180, v0;
	[tilespmem:s15+$0x860] =	vst v45  }
0x92: {  	v47 =	vor.u32 $0x200, v0;
	[tilespmem:s15+$0xA60] =	vst v46  }
0x93: {  	v48 =	vor.u32 $0x280, v0;
	[tilespmem:s15+$0xC60] =	vst v47  }
0x94: {  	v49 =	vor.u32 $0x300, v0;
	[tilespmem:s15+$0xE60] =	vst v48  }
0x95: {  	v50 =	vor.u32 $0x380, v0;
	[tilespmem:s15+$0x1060] =	vst v49  }
0x96: {  	v51 =	vadd.s32 $0xF42400, v0;
	[tilespmem:s15+$0x1260] =	vst v50  }
0x97: {  	v52 =	vadd.s32 $0xF42480, v0;
	[tilespmem:s15+$0x1460] =	vst v51  }
0x98: {  	v53 =	vadd.s32 $0xF42500, v0;
	[tilespmem:s15+$0x1660] =	vst v52  }
0x99: {  	v54 =	vadd.s32 $0xF42580, v0;
	[tilespmem:s15+$0x1860] =	vst v53  }
0x9a: {  	v55 =	vadd.s32 $0xF42600, v0;
	[tilespmem:s15+$0x1A60] =	vst v54  }
0x9b: {  	v56 =	vadd.s32 $0xF42680, v0;
	[tilespmem:s15+$0x1C60] =	vst v55  }
0x9c: {  	v57 =	vadd.s32 $0xF42700, v0;
	[tilespmem:s15+$0x1E60] =	vst v56  }
0x9d: {  	v0 =	vadd.s32 $0xF42780, v0;
	[tilespmem:s15+$0x2060] =	vst v57  }
0x9e: {  	[tilespmem:s15+$0x2260] =	vst v0  }
0x9f: {  	v0 =	vld [tilespmem:s16+$0x70];
	_ =	sdelay $0x4  }
0xa0: {  	v58 =	vshll.u32 v0, $0x3  }
0xa1: {  	v0 =	vand.u32 $0x7F, v0;
	v1 =	vand.u32 $0xFFFFFC00, v58  }
0xa2: {  	v0 =	vor.u32 v0, v1  }
0xa3: {  	[tilespmem:s15+$0x470] =	vst v0;
	v1 =	vor.u32 $0x80, v0  }
0xa4: {  	v59 =	vor.u32 $0x100, v0;
	[tilespmem:s15+$0x670] =	vst v1  }
0xa5: {  	v60 =	vor.u32 $0x180, v0;
	[tilespmem:s15+$0x870] =	vst v59  }
0xa6: {  	v61 =	vor.u32 $0x200, v0;
	[tilespmem:s15+$0xA70] =	vst v60  }
0xa7: {  	v62 =	vor.u32 $0x280, v0;
	[tilespmem:s15+$0xC70] =	vst v61  }
0xa8: {  	v63 =	vor.u32 $0x300, v0;
	[tilespmem:s15+$0xE70] =	vst v62  }
0xa9: {  	v4 =	vor.u32 $0x380, v0;
	[tilespmem:s15+$0x1070] =	vst v63  }
0xaa: {  	v5 =	vadd.s32 $0xF42400, v0;
	[tilespmem:s15+$0x1270] =	vst v4  }
0xab: {  	v6 =	vadd.s32 $0xF42480, v0;
	[tilespmem:s15+$0x1470] =	vst v5  }
0xac: {  	v7 =	vadd.s32 $0xF42500, v0;
	[tilespmem:s15+$0x1670] =	vst v6  }
0xad: {  	v8 =	vadd.s32 $0xF42580, v0;
	[tilespmem:s15+$0x1870] =	vst v7  }
0xae: {  	v9 =	vadd.s32 $0xF42600, v0;
	[tilespmem:s15+$0x1A70] =	vst v8  }
0xaf: {  	v10 =	vadd.s32 $0xF42680, v0;
	[tilespmem:s15+$0x1C70] =	vst v9  }
0xb0: {  	v11 =	vadd.s32 $0xF42700, v0;
	[tilespmem:s15+$0x1E70] =	vst v10  }
0xb1: {  	v0 =	vadd.s32 $0xF42780, v0;
	[tilespmem:s15+$0x2070] =	vst v11  }
0xb2: {  	[tilespmem:s15+$0x2270] =	vst v0  }
0xb3: {  	v0 =	vld [tilespmem:s16+$0x80];
	_ =	sdelay $0x4  }
0xb4: {  	v0 =	vadd.s32 $0xF4240, v0  }
0xb5: {  	v12 =	vshll.u32 v0, $0x3  }
0xb6: {  	v0 =	vand.u32 $0x7F, v0;
	v1 =	vand.u32 $0xFFFFFC00, v12  }
0xb7: {  	v0 =	vor.u32 v0, v1  }
0xb8: {  	[tilespmem:s15+$0x2400] =	vst v0;
	v1 =	vor.u32 $0x80, v0  }
0xb9: {  	v13 =	vor.u32 $0x100, v0;
	[tilespmem:s15+$0x2600] =	vst v1  }
0xba: {  	v14 =	vor.u32 $0x180, v0;
	[tilespmem:s15+$0x2800] =	vst v13  }
0xbb: {  	v15 =	vor.u32 $0x200, v0;
	[tilespmem:s15+$0x2A00] =	vst v14  }
0xbc: {  	v16 =	vor.u32 $0x280, v0;
	[tilespmem:s15+$0x2C00] =	vst v15  }
0xbd: {  	v17 =	vor.u32 $0x300, v0;
	[tilespmem:s15+$0x2E00] =	vst v16  }
0xbe: {  	v18 =	vor.u32 $0x380, v0;
	[tilespmem:s15+$0x3000] =	vst v17  }
0xbf: {  	v19 =	vadd.s32 $0xF42400, v0;
	[tilespmem:s15+$0x3200] =	vst v18  }
0xc0: {  	v20 =	vadd.s32 $0xF42480, v0;
	[tilespmem:s15+$0x3400] =	vst v19  }
0xc1: {  	v21 =	vadd.s32 $0xF42500, v0;
	[tilespmem:s15+$0x3600] =	vst v20  }
0xc2: {  	v22 =	vadd.s32 $0xF42580, v0;
	[tilespmem:s15+$0x3800] =	vst v21  }
0xc3: {  	v23 =	vadd.s32 $0xF42600, v0;
	[tilespmem:s15+$0x3A00] =	vst v22  }
0xc4: {  	v24 =	vadd.s32 $0xF42680, v0;
	[tilespmem:s15+$0x3C00] =	vst v23  }
0xc5: {  	v25 =	vadd.s32 $0xF42700, v0;
	[tilespmem:s15+$0x3E00] =	vst v24  }
0xc6: {  	v0 =	vadd.s32 $0xF42780, v0;
	[tilespmem:s15+$0x4000] =	vst v25  }
0xc7: {  	[tilespmem:s15+$0x4200] =	vst v0  }
0xc8: {  	v0 =	vld [tilespmem:s16+$0x90];
	_ =	sdelay $0x4  }
0xc9: {  	v0 =	vadd.s32 $0xF4240, v0  }
0xca: {  	v26 =	vshll.u32 v0, $0x3  }
0xcb: {  	v0 =	vand.u32 $0x7F, v0;
	v1 =	vand.u32 $0xFFFFFC00, v26  }
0xcc: {  	v0 =	vor.u32 v0, v1  }
0xcd: {  	[tilespmem:s15+$0x2410] =	vst v0;
	v1 =	vor.u32 $0x80, v0  }
0xce: {  	v27 =	vor.u32 $0x100, v0;
	[tilespmem:s15+$0x2610] =	vst v1  }
0xcf: {  	v28 =	vor.u32 $0x180, v0;
	[tilespmem:s15+$0x2810] =	vst v27  }
0xd0: {  	v29 =	vor.u32 $0x200, v0;
	[tilespmem:s15+$0x2A10] =	vst v28  }
0xd1: {  	v30 =	vor.u32 $0x280, v0;
	[tilespmem:s15+$0x2C10] =	vst v29  }
0xd2: {  	v31 =	vor.u32 $0x300, v0;
	[tilespmem:s15+$0x2E10] =	vst v30  }
0xd3: {  	v32 =	vor.u32 $0x380, v0;
	[tilespmem:s15+$0x3010] =	vst v31  }
0xd4: {  	v33 =	vadd.s32 $0xF42400, v0;
	[tilespmem:s15+$0x3210] =	vst v32  }
0xd5: {  	v34 =	vadd.s32 $0xF42480, v0;
	[tilespmem:s15+$0x3410] =	vst v33  }
0xd6: {  	v35 =	vadd.s32 $0xF42500, v0;
	[tilespmem:s15+$0x3610] =	vst v34  }
0xd7: {  	v36 =	vadd.s32 $0xF42580, v0;
	[tilespmem:s15+$0x3810] =	vst v35  }
0xd8: {  	v37 =	vadd.s32 $0xF42600, v0;
	[tilespmem:s15+$0x3A10] =	vst v36  }
0xd9: {  	v38 =	vadd.s32 $0xF42680, v0;
	[tilespmem:s15+$0x3C10] =	vst v37  }
0xda: {  	v39 =	vadd.s32 $0xF42700, v0;
	[tilespmem:s15+$0x3E10] =	vst v38  }
0xdb: {  	v0 =	vadd.s32 $0xF42780, v0;
	[tilespmem:s15+$0x4010] =	vst v39  }
0xdc: {  	[tilespmem:s15+$0x4210] =	vst v0  }
0xdd: {  	v0 =	vld [tilespmem:s16+$0xA0];
	_ =	sdelay $0x4  }
0xde: {  	v0 =	vadd.s32 $0xF4240, v0  }
0xdf: {  	v40 =	vshll.u32 v0, $0x3  }
0xe0: {  	v0 =	vand.u32 $0x7F, v0;
	v1 =	vand.u32 $0xFFFFFC00, v40  }
0xe1: {  	v0 =	vor.u32 v0, v1  }
0xe2: {  	[tilespmem:s15+$0x2420] =	vst v0;
	v1 =	vor.u32 $0x80, v0  }
0xe3: {  	v41 =	vor.u32 $0x100, v0;
	[tilespmem:s15+$0x2620] =	vst v1  }
0xe4: {  	v42 =	vor.u32 $0x180, v0;
	[tilespmem:s15+$0x2820] =	vst v41  }
0xe5: {  	v43 =	vor.u32 $0x200, v0;
	[tilespmem:s15+$0x2A20] =	vst v42  }
0xe6: {  	v44 =	vor.u32 $0x280, v0;
	[tilespmem:s15+$0x2C20] =	vst v43  }
0xe7: {  	v45 =	vor.u32 $0x300, v0;
	[tilespmem:s15+$0x2E20] =	vst v44  }
0xe8: {  	v46 =	vor.u32 $0x380, v0;
	[tilespmem:s15+$0x3020] =	vst v45  }
0xe9: {  	v47 =	vadd.s32 $0xF42400, v0;
	[tilespmem:s15+$0x3220] =	vst v46  }
0xea: {  	v48 =	vadd.s32 $0xF42480, v0;
	[tilespmem:s15+$0x3420] =	vst v47  }
0xeb: {  	v49 =	vadd.s32 $0xF42500, v0;
	[tilespmem:s15+$0x3620] =	vst v48  }
0xec: {  	v50 =	vadd.s32 $0xF42580, v0;
	[tilespmem:s15+$0x3820] =	vst v49  }
0xed: {  	v51 =	vadd.s32 $0xF42600, v0;
	[tilespmem:s15+$0x3A20] =	vst v50  }
0xee: {  	v52 =	vadd.s32 $0xF42680, v0;
	[tilespmem:s15+$0x3C20] =	vst v51  }
0xef: {  	v53 =	vadd.s32 $0xF42700, v0;
	[tilespmem:s15+$0x3E20] =	vst v52  }
0xf0: {  	v0 =	vadd.s32 $0xF42780, v0;
	[tilespmem:s15+$0x4020] =	vst v53  }
0xf1: {  	[tilespmem:s15+$0x4220] =	vst v0  }
0xf2: {  	v0 =	vld [tilespmem:s16+$0xB0];
	_ =	sdelay $0x4  }
0xf3: {  	v0 =	vadd.s32 $0xF4240, v0  }
0xf4: {  	v54 =	vshll.u32 v0, $0x3  }
0xf5: {  	v0 =	vand.u32 $0x7F, v0;
	v1 =	vand.u32 $0xFFFFFC00, v54  }
0xf6: {  	v0 =	vor.u32 v0, v1  }
0xf7: {  	[tilespmem:s15+$0x2430] =	vst v0;
	v1 =	vor.u32 $0x80, v0  }
0xf8: {  	v55 =	vor.u32 $0x100, v0;
	[tilespmem:s15+$0x2630] =	vst v1  }
0xf9: {  	v56 =	vor.u32 $0x180, v0;
	[tilespmem:s15+$0x2830] =	vst v55  }
0xfa: {  	v57 =	vor.u32 $0x200, v0;
	[tilespmem:s15+$0x2A30] =	vst v56  }
0xfb: {  	v58 =	vor.u32 $0x280, v0;
	[tilespmem:s15+$0x2C30] =	vst v57  }
0xfc: {  	v59 =	vor.u32 $0x300, v0;
	[tilespmem:s15+$0x2E30] =	vst v58  }
0xfd: {  	v60 =	vor.u32 $0x380, v0;
	[tilespmem:s15+$0x3030] =	vst v59  }
0xfe: {  	v61 =	vadd.s32 $0xF42400, v0;
	[tilespmem:s15+$0x3230] =	vst v60  }
0xff: {  	v62 =	vadd.s32 $0xF42480, v0;
	[tilespmem:s15+$0x3430] =	vst v61  }
0x100: {  	v63 =	vadd.s32 $0xF42500, v0;
	[tilespmem:s15+$0x3630] =	vst v62  }
0x101: {  	v4 =	vadd.s32 $0xF42580, v0;
	[tilespmem:s15+$0x3830] =	vst v63  }
0x102: {  	v5 =	vadd.s32 $0xF42600, v0;
	[tilespmem:s15+$0x3A30] =	vst v4  }
0x103: {  	v6 =	vadd.s32 $0xF42680, v0;
	[tilespmem:s15+$0x3C30] =	vst v5  }
0x104: {  	v7 =	vadd.s32 $0xF42700, v0;
	[tilespmem:s15+$0x3E30] =	vst v6  }
0x105: {  	v0 =	vadd.s32 $0xF42780, v0;
	[tilespmem:s15+$0x4030] =	vst v7  }
0x106: {  	[tilespmem:s15+$0x4230] =	vst v0  }
0x107: {  	v0 =	vld [tilespmem:s16+$0xC0];
	_ =	sdelay $0x4  }
0x108: {  	v0 =	vadd.s32 $0xF4240, v0  }
0x109: {  	v8 =	vshll.u32 v0, $0x3  }
0x10a: {  	v0 =	vand.u32 $0x7F, v0;
	v1 =	vand.u32 $0xFFFFFC00, v8  }
0x10b: {  	v0 =	vor.u32 v0, v1  }
0x10c: {  	[tilespmem:s15+$0x2440] =	vst v0;
	v1 =	vor.u32 $0x80, v0  }
0x10d: {  	v9 =	vor.u32 $0x100, v0;
	[tilespmem:s15+$0x2640] =	vst v1  }
0x10e: {  	v10 =	vor.u32 $0x180, v0;
	[tilespmem:s15+$0x2840] =	vst v9  }
0x10f: {  	v11 =	vor.u32 $0x200, v0;
	[tilespmem:s15+$0x2A40] =	vst v10  }
0x110: {  	v12 =	vor.u32 $0x280, v0;
	[tilespmem:s15+$0x2C40] =	vst v11  }
0x111: {  	v13 =	vor.u32 $0x300, v0;
	[tilespmem:s15+$0x2E40] =	vst v12  }
0x112: {  	v14 =	vor.u32 $0x380, v0;
	[tilespmem:s15+$0x3040] =	vst v13  }
0x113: {  	v15 =	vadd.s32 $0xF42400, v0;
	[tilespmem:s15+$0x3240] =	vst v14  }
0x114: {  	v16 =	vadd.s32 $0xF42480, v0;
	[tilespmem:s15+$0x3440] =	vst v15  }
0x115: {  	v17 =	vadd.s32 $0xF42500, v0;
	[tilespmem:s15+$0x3640] =	vst v16  }
0x116: {  	v18 =	vadd.s32 $0xF42580, v0;
	[tilespmem:s15+$0x3840] =	vst v17  }
0x117: {  	v19 =	vadd.s32 $0xF42600, v0;
	[tilespmem:s15+$0x3A40] =	vst v18  }
0x118: {  	v20 =	vadd.s32 $0xF42680, v0;
	[tilespmem:s15+$0x3C40] =	vst v19  }
0x119: {  	v21 =	vadd.s32 $0xF42700, v0;
	[tilespmem:s15+$0x3E40] =	vst v20  }
0x11a: {  	v0 =	vadd.s32 $0xF42780, v0;
	[tilespmem:s15+$0x4040] =	vst v21  }
0x11b: {  	[tilespmem:s15+$0x4240] =	vst v0  }
0x11c: {  	v0 =	vld [tilespmem:s16+$0xD0];
	_ =	sdelay $0x4  }
0x11d: {  	v0 =	vadd.s32 $0xF4240, v0  }
0x11e: {  	v22 =	vshll.u32 v0, $0x3  }
0x11f: {  	v0 =	vand.u32 $0x7F, v0;
	v1 =	vand.u32 $0xFFFFFC00, v22  }
0x120: {  	v0 =	vor.u32 v0, v1  }
0x121: {  	[tilespmem:s15+$0x2450] =	vst v0;
	v1 =	vor.u32 $0x80, v0  }
0x122: {  	v23 =	vor.u32 $0x100, v0;
	[tilespmem:s15+$0x2650] =	vst v1  }
0x123: {  	v24 =	vor.u32 $0x180, v0;
	[tilespmem:s15+$0x2850] =	vst v23  }
0x124: {  	v25 =	vor.u32 $0x200, v0;
	[tilespmem:s15+$0x2A50] =	vst v24  }
0x125: {  	v26 =	vor.u32 $0x280, v0;
	[tilespmem:s15+$0x2C50] =	vst v25  }
0x126: {  	v27 =	vor.u32 $0x300, v0;
	[tilespmem:s15+$0x2E50] =	vst v26  }
0x127: {  	v28 =	vor.u32 $0x380, v0;
	[tilespmem:s15+$0x3050] =	vst v27  }
0x128: {  	v29 =	vadd.s32 $0xF42400, v0;
	[tilespmem:s15+$0x3250] =	vst v28  }
0x129: {  	v30 =	vadd.s32 $0xF42480, v0;
	[tilespmem:s15+$0x3450] =	vst v29  }
0x12a: {  	v31 =	vadd.s32 $0xF42500, v0;
	[tilespmem:s15+$0x3650] =	vst v30  }
0x12b: {  	v32 =	vadd.s32 $0xF42580, v0;
	[tilespmem:s15+$0x3850] =	vst v31  }
0x12c: {  	v33 =	vadd.s32 $0xF42600, v0;
	[tilespmem:s15+$0x3A50] =	vst v32  }
0x12d: {  	v34 =	vadd.s32 $0xF42680, v0;
	[tilespmem:s15+$0x3C50] =	vst v33  }
0x12e: {  	v35 =	vadd.s32 $0xF42700, v0;
	[tilespmem:s15+$0x3E50] =	vst v34  }
0x12f: {  	v0 =	vadd.s32 $0xF42780, v0;
	[tilespmem:s15+$0x4050] =	vst v35  }
0x130: {  	[tilespmem:s15+$0x4250] =	vst v0  }
0x131: {  	v0 =	vld [tilespmem:s16+$0xE0];
	_ =	sdelay $0x4  }
0x132: {  	v0 =	vadd.s32 $0xF4240, v0  }
0x133: {  	v36 =	vshll.u32 v0, $0x3  }
0x134: {  	v0 =	vand.u32 $0x7F, v0;
	v1 =	vand.u32 $0xFFFFFC00, v36  }
0x135: {  	v0 =	vor.u32 v0, v1  }
0x136: {  	[tilespmem:s15+$0x2460] =	vst v0;
	v1 =	vor.u32 $0x80, v0  }
0x137: {  	v37 =	vor.u32 $0x100, v0;
	[tilespmem:s15+$0x2660] =	vst v1  }
0x138: {  	v38 =	vor.u32 $0x180, v0;
	[tilespmem:s15+$0x2860] =	vst v37  }
0x139: {  	v39 =	vor.u32 $0x200, v0;
	[tilespmem:s15+$0x2A60] =	vst v38  }
0x13a: {  	v40 =	vor.u32 $0x280, v0;
	[tilespmem:s15+$0x2C60] =	vst v39  }
0x13b: {  	v41 =	vor.u32 $0x300, v0;
	[tilespmem:s15+$0x2E60] =	vst v40  }
0x13c: {  	v42 =	vor.u32 $0x380, v0;
	[tilespmem:s15+$0x3060] =	vst v41  }
0x13d: {  	v43 =	vadd.s32 $0xF42400, v0;
	[tilespmem:s15+$0x3260] =	vst v42  }
0x13e: {  	v44 =	vadd.s32 $0xF42480, v0;
	[tilespmem:s15+$0x3460] =	vst v43  }
0x13f: {  	v45 =	vadd.s32 $0xF42500, v0;
	[tilespmem:s15+$0x3660] =	vst v44  }
0x140: {  	v46 =	vadd.s32 $0xF42580, v0;
	[tilespmem:s15+$0x3860] =	vst v45  }
0x141: {  	v47 =	vadd.s32 $0xF42600, v0;
	[tilespmem:s15+$0x3A60] =	vst v46  }
0x142: {  	v48 =	vadd.s32 $0xF42680, v0;
	[tilespmem:s15+$0x3C60] =	vst v47  }
0x143: {  	v49 =	vadd.s32 $0xF42700, v0;
	[tilespmem:s15+$0x3E60] =	vst v48  }
0x144: {  	v0 =	vadd.s32 $0xF42780, v0;
	[tilespmem:s15+$0x4060] =	vst v49  }
0x145: {  	[tilespmem:s15+$0x4260] =	vst v0  }
0x146: {  	v0 =	vld [tilespmem:s16+$0xF0];
	_ =	sdelay $0x4  }
0x147: {  	v0 =	vadd.s32 $0xF4240, v0  }
0x148: {  	v50 =	vshll.u32 v0, $0x3  }
0x149: {  	v0 =	vand.u32 $0x7F, v0;
	v1 =	vand.u32 $0xFFFFFC00, v50  }
0x14a: {  	v0 =	vor.u32 v0, v1  }
0x14b: {  	[tilespmem:s15+$0x2470] =	vst v0;
	v1 =	vor.u32 $0x80, v0  }
0x14c: {  	v51 =	vor.u32 $0x100, v0;
	[tilespmem:s15+$0x2670] =	vst v1  }
0x14d: {  	v52 =	vor.u32 $0x180, v0;
	[tilespmem:s15+$0x2870] =	vst v51  }
0x14e: {  	v53 =	vor.u32 $0x200, v0;
	[tilespmem:s15+$0x2A70] =	vst v52  }
0x14f: {  	v54 =	vor.u32 $0x280, v0;
	[tilespmem:s15+$0x2C70] =	vst v53  }
0x150: {  	v55 =	vor.u32 $0x300, v0;
	[tilespmem:s15+$0x2E70] =	vst v54  }
0x151: {  	v56 =	vor.u32 $0x380, v0;
	[tilespmem:s15+$0x3070] =	vst v55  }
0x152: {  	v57 =	vadd.s32 $0xF42400, v0;
	[tilespmem:s15+$0x3270] =	vst v56  }
0x153: {  	v58 =	vadd.s32 $0xF42480, v0;
	[tilespmem:s15+$0x3470] =	vst v57  }
0x154: {  	v59 =	vadd.s32 $0xF42500, v0;
	[tilespmem:s15+$0x3670] =	vst v58  }
0x155: {  	p0 =	sne.s32 s14, $0x3;
	v60 =	vadd.s32 $0xF42580, v0;
	[tilespmem:s15+$0x3870] =	vst v59  }
.Ltmp0:
0x156: {  	v61 =	vadd.s32 $0xF42600, v0;
	[tilespmem:s15+$0x3A70] =	vst v60;
	(pc) =	sbr.rel @p0 .LBB2_2-.Ltmp0, $4  }
0x157: {  	v62 =	vadd.s32 $0xF42680, v0;
	[tilespmem:s15+$0x3C70] =	vst v61  }
0x158: {  	v63 =	vadd.s32 $0xF42700, v0;
	[tilespmem:s15+$0x3E70] =	vst v62  }
0x159: {  	v0 =	vadd.s32 $0xF42780, v0;
	[tilespmem:s15+$0x4070] =	vst v63  }
0x15a: {  	s14 =	sadd.s32 $0x1, s14;
	[tilespmem:s15+$0x4270] =	vst v0  }
0x15b: {  	s16 =	simm.s32 $0x0  }
0x15c: {  	s15 =	sand.u32 $0x3000, s16;
	s17 =	sand.u32 $0x380, s16  }
0x15d: {  	s14 =	simm.s32 $0x580;
	s15 =	sor.u32 s17, s15;
	s17 =	simm.s32 $0x80  }
.LBB2_4:
0x15e: {  	p0 =	sne.s32 s17, $0xF80;
	s18 =	sor.u32 $0x4400, s15;
	s19 =	sadd.s32 $0xFFFFFE80, s14  }
0x15f: {  	[tilespmem:s18], [sflag:$0x1] =	stream.indirect.gather [hbm4b:s1+s8], $0x1, s19, s8, $0xb8;
	[tilespmem:$0x8400] =	vst v63  }
0x160: {  	s16 =	sadd.s32 $0x200, s16;
	s18 =	sor.u32 $0x4800, s15;
	s19 =	sadd.s32 $0xFFFFFF00, s14  }
0x161: {  	[tilespmem:s18], [sflag:$0x1] =	stream.indirect.gather [hbm4b:s1+s8], $0x1, s19, s8, $0xb8;
	[tilespmem:$0x8400] =	vst v63  }
.Ltmp1:
0x162: {  	s18 =	sor.u32 $0x4C00, s15;
	s19 =	sadd.s32 $0xFFFFFF80, s14;
	(pc) =	sbr.rel @p0 .LBB2_4-.Ltmp1, $4  }
0x163: {  	[tilespmem:s18], [sflag:$0x1] =	stream.indirect.gather [hbm4b:s1+s8], $0x1, s19, s8, $0xb8;
	[tilespmem:$0x8400] =	vst v63  }
0x164: {  	s15 =	sadd.s32 $0x5000, s15;
	s18 =	sand.u32 $0x3000, s16;
	s19 =	sand.u32 $0x380, s17  }
0x165: {  	[tilespmem:s15], [sflag:$0x1] =	stream.indirect.gather [hbm4b:s1+s8], $0x1, s14, s8, $0xb8;
	[tilespmem:$0x8400] =	vst v63  }
0x166: {  	s17 =	sadd.s32 $0x80, s17;
	s15 =	sor.u32 s19, s18;
	s14 =	sadd.s32 $0x200, s14  }
0x167: {  	s16 =	sor.u32 $0x4400, s15;
	s17 =	sadd.s32 $0xFFFFFE80, s14  }
0x168: {  	[tilespmem:s16], [sflag:$0x1] =	stream.indirect.gather [hbm4b:s1+s8], $0x1, s17, s8, $0xb8;
	[tilespmem:$0x8400] =	vst v63  }
0x169: {  	s26 =	sor.u32 $0x4800, s15;
	s28 =	sadd.s32 $0xFFFFFF00, s14  }
0x16a: {  	[tilespmem:s26], [sflag:$0x1] =	stream.indirect.gather [hbm4b:s1+s8], $0x1, s28, s8, $0xb8;
	[tilespmem:$0x8400] =	vst v63  }
0x16b: {  	s29 =	sor.u32 $0x4C00, s15;
	s30 =	sadd.s32 $0xFFFFFF80, s14  }
0x16c: {  	[tilespmem:s29], [sflag:$0x1] =	stream.indirect.gather [hbm4b:s1+s8], $0x1, s30, s8, $0xb8;
	[tilespmem:$0x8400] =	vst v63  }
0x16d: {  	s31 =	sadd.s32 $0x5000, s15  }
0x16e: {  	[tilespmem:s31], [sflag:$0x1] =	stream.indirect.gather [hbm4b:s1+s8], $0x1, s14, s8, $0xb8;
	[tilespmem:$0x8400] =	vst v63  }
0x16f: {  	s13 =	sadd.s32 $0x1, s13;
	_ =	swait.ge [sflag:s9], $0x4000  }
0x170: {  	p0 =	sne.s32 s13, s6;
	[sflag:s9] =	ssyncset.done $0x0  }
.Ltmp2:
0x171: {  	[sflag:s9] =	ssyncadd.s32 $0xFFFFC000;
	(pc) =	sbr.rel @p0 .LBB2_1-.Ltmp2, $4  }
0x172: {  	[hbm4b:s5+s10] =	stream.strided.scatter [tilespmem:s12], [sflag:$0x2], $0x4000, s11, s10, $0x38;
	[tilespmem:$0x8400] =	vst v63  }
0x173: {  	_ =	swait.ge [sflag:s7], $0x4000  }
0x174: {  	[sflag:s7] =	ssyncset.done $0x0  }
0x175: {  	[sflag:s7] =	ssyncadd.s32 $0xFFFFC000  }
0x176: {  	_ =	sfence.sel $0x180000  }
0x177: {  	[bflag:$0x0] =	sbarrier.arrive $0xFFFF  }
0x178: {  	p0 =	sne.s32 s2, $0x0;
	_ =	strace $0x90000047  }
0x179: {  	s0 =	sadd.s32 @!p0 $0x100000, s0;
	[bflag:$0x2] =	sbarrier.arrive $0xFFFF  }
0x17a: {  	[sflag:s0] =	ssyncadd.tile.s32 @!p0 $0x1;
	_ =	shalt  }
.Lfunc_end2:
_tile_overlayer_lowered:
.L_overlay_start_2:
0x17b: {  	(tag) =	ssettag $0x2  }
0x17c: {  	s0 =	rddreg [dreg:$0x0];
	s2 =	stileid.u32  }
0x17d: {  	s1 =	rddreg [dreg:$0x1];
	p0 =	sne.s32 s2, $0x0  }
0x17e: {  	s3 =	rddreg [dreg:$0x2];
	[bflag:$0x3] =	sbarrier.arrive $0xFFFF;
	s2 =	simm.s32 @!p0 $0x1C02  }
0x17f: {  	[timem:s3], [sflag:s2] =	dma.local @!p0 [hbm:s0], s1  }
0x180: {  	s0 =	simm.s32 @!p0 $0x2  }
0x181: {  	_ =	swait.ge @!p0 [sflag:s0], s1  }
0x182: {  	s1 =	ssub.s32 @!p0 $0x0, s1;
	[sflag:s0] =	ssyncset.done @!p0 $0x0  }
0x183: {  	[sflag:s0] =	ssyncadd.s32 @!p0 s1  }
0x184: {  	[bflag:$0x3] =	sbarrier.arrive $0xFFFF  }
0x185: {  	_ =	shalt  }

</sc_bundles>
